<compile_context>
chip_gen: v7x
topology: tpu7x:2x2x1
jax: 0.10.2.dev20260603
libtpu: 0.0.44.dev20260713+nightly
codegen_flags: <defaults>
</compile_context>

<pallas_src>
import jax
import jax.numpy as jnp
from jax import lax
from jax.experimental import pallas as pl
from jax.experimental.pallas import tpu as pltpu
from jax.experimental.pallas import tpu_sc as plsc

N = 10000
IN_SIZE = 128
HID_SIZE = 128
OUT_SIZE = 64
HALF = 64

NC = 2
NS = 16
NW = NC * NS
CH = 128
L = 16

_E_REAL = 320000
E_PAD = ((_E_REAL + N + NW * CH - 1) // (NW * CH)) * (NW * CH)
C_TILE = E_PAD // (NW * CH)
NP = ((N + CH - 1) // CH) * CH
DEG_ROWS = NP // CH
ROWS_TILE = NP // NS
DUMP = 80
DUMP_CHUNKS = (80, 80, 80, 80, 80, 80, 80, 72)

_MAGIC = 0x5F3759DF


def _fill_zero_2d(ref, rows, cols):
    z = jnp.zeros((L,), jnp.float32)

    def body(k, _):
        r = k // (cols // L)
        j = k % (cols // L)
        ref[r, pl.ds(j * L, L)] = z
        return 0

    lax.fori_loop(0, rows * (cols // L), body, 0)


def _zero_acc(acc_sh, stage_v, row0):
    r = row0
    for nchunk in DUMP_CHUNKS:
        pltpu.sync_copy(stage_v.at[pl.ds(0, nchunk)],
                        acc_sh.at[pl.ds(r, nchunk)])
        r += nchunk


def _scatter_pass(h_half, src_v, dst_v, norm_v, rows_v, acc_sh, sem, width):

    def chunk_body(c, _):
        pltpu.async_copy(h_half.at[src_v.at[c]], rows_v, sem).wait()

        def scale_body(j, _2):
            nvv = plsc.load_gather(
                norm_v, [jnp.full((L,), c, jnp.int32),
                         jnp.full((L,), j, jnp.int32)])
            for f in range(width // L):
                sl = pl.ds(f * L, L)
                rows_v[j, sl] = rows_v[j, sl] * nvv
            return 0

        lax.fori_loop(0, CH, scale_body, 0)
        pltpu.sync_copy(rows_v, acc_sh.at[dst_v.at[c]], add=True)
        return 0

    lax.fori_loop(0, C_TILE, chunk_body, 0)


def _dump_acc(acc_sh, stage_v, out_hbm, row0):
    r = row0
    for nchunk in DUMP_CHUNKS:
        pltpu.sync_copy(acc_sh.at[pl.ds(r, nchunk)],
                        stage_v.at[pl.ds(0, nchunk)])
        pltpu.sync_copy(stage_v.at[pl.ds(0, nchunk)],
                        out_hbm.at[pl.ds(r, nchunk)])
        r += nchunk


def _sc_layer1_body(h1a, h1b, src_h, dst_h, ew_h, rowids_h, rowids2_h,
                    p_out, norm_out,
                    src_v, dst_v, ew_v, norm_v, deg64_v, deg1_v, dinv_v,
                    rows_v, stage_v, rowids_v, rowids2_v, acc_sh, sem):
    cid = lax.axis_index("c")
    sid = lax.axis_index("s")
    wid = sid * NC + cid
    row0 = sid * ROWS_TILE

    _fill_zero_2d(stage_v, DUMP, HALF)
    _fill_zero_2d(deg64_v, NP // HALF, HALF)
    z16 = jnp.zeros((L,), jnp.float32)

    def zdeg_body(k, _):
        deg1_v[pl.ds(k * L, L)] = z16
        return 0

    lax.fori_loop(0, NP // L, zdeg_body, 0)

    _zero_acc(acc_sh, stage_v, row0)
    pltpu.sync_copy(rowids_h, rowids_v)
    pltpu.sync_copy(rowids2_h, rowids2_v)
    plsc.subcore_barrier()

    for b in range(2):
        blk = sid * 2 + b
        pltpu.sync_copy(dst_h.at[blk], dst_v)
        pltpu.sync_copy(ew_h.at[blk], ew_v)

        def deg_body(k, _):
            c = k // (CH // L)
            j = k % (CH // L)
            d16 = dst_v[c, pl.ds(j * L, L)]
            w16 = ew_v[c, pl.ds(j * L, L)]
            plsc.addupdate_scatter(deg1_v, [d16], w16)
            return 0

        lax.fori_loop(0, C_TILE * (CH // L), deg_body, 0)

    def pack_body(k, _):
        r = k // (HALF // L)
        j = k % (HALF // L)
        deg64_v[r, pl.ds(j * L, L)] = deg1_v[pl.ds(k * L, L)]
        return 0

    lax.fori_loop(0, NP // L, pack_body, 0)
    pltpu.sync_copy(deg64_v.at[pl.ds(0, CH)],
                    acc_sh.at[rowids_v.at[0]], add=True)
    pltpu.sync_copy(deg64_v.at[pl.ds(CH, NP // HALF - CH)],
                    acc_sh.at[rowids2_v], add=True)
    plsc.subcore_barrier()

    pltpu.sync_copy(acc_sh.at[pl.ds(0, NP // HALF)],
                    deg64_v.at[pl.ds(0, NP // HALF)])
    half = jnp.float32(0.5)
    three_half = jnp.float32(1.5)

    def dinv_body(k, _):
        r = k // (HALF // L)
        j = k % (HALF // L)
        d = deg64_v[r, pl.ds(j * L, L)]
        i = lax.shift_right_logical(plsc.bitcast(d, jnp.int32), 1)
        y = plsc.bitcast(jnp.int32(_MAGIC) - i, jnp.float32)
        hd = half * d
        for _ in range(3):
            y = y * (three_half - hd * y * y)
        dinv_v[pl.ds(k * L, L)] = y
        return 0

    lax.fori_loop(0, NP // L, dinv_body, 0)

    pltpu.sync_copy(src_h.at[wid], src_v)
    pltpu.sync_copy(dst_h.at[wid], dst_v)
    pltpu.sync_copy(ew_h.at[wid], ew_v)

    def norm_body(k, _):
        c = k // (CH // L)
        j = k % (CH // L)
        s16 = src_v[c, pl.ds(j * L, L)]
        d16 = dst_v[c, pl.ds(j * L, L)]
        w16 = ew_v[c, pl.ds(j * L, L)]
        a = plsc.load_gather(dinv_v, [s16])
        b2 = plsc.load_gather(dinv_v, [d16])
        norm_v[c, pl.ds(j * L, L)] = a * w16 * b2
        return 0

    lax.fori_loop(0, C_TILE * (CH // L), norm_body, 0)
    pltpu.sync_copy(norm_v, norm_out.at[wid])

    _zero_acc(acc_sh, stage_v, row0)
    plsc.subcore_barrier()
    for hf, h_half in enumerate((h1a, h1b)):
        _scatter_pass(h_half, src_v, dst_v, norm_v, rows_v, acc_sh, sem, HALF)
        plsc.subcore_barrier()
        _dump_acc(acc_sh, stage_v, p_out.at[hf, cid], row0)
        plsc.subcore_barrier()
        if hf == 0:
            _fill_zero_2d(stage_v, DUMP, HALF)
            _zero_acc(acc_sh, stage_v, row0)
            plsc.subcore_barrier()


def _sc_layer2_body(h2, src_h, dst_h, norm_h,
                    q_out,
                    src_v, dst_v, norm_v, rows_v, stage_v, acc_sh, sem):
    cid = lax.axis_index("c")
    sid = lax.axis_index("s")
    wid = sid * NC + cid
    row0 = sid * ROWS_TILE

    _fill_zero_2d(stage_v, DUMP, OUT_SIZE)
    _zero_acc(acc_sh, stage_v, row0)
    plsc.subcore_barrier()

    pltpu.sync_copy(src_h.at[wid], src_v)
    pltpu.sync_copy(dst_h.at[wid], dst_v)
    pltpu.sync_copy(norm_h.at[wid], norm_v)

    _scatter_pass(h2, src_v, dst_v, norm_v, rows_v, acc_sh, sem, OUT_SIZE)
    plsc.subcore_barrier()
    _dump_acc(acc_sh, stage_v, q_out.at[cid], row0)


def _make_sc_layer1():
    mesh = plsc.VectorSubcoreMesh(core_axis_name="c", subcore_axis_name="s")
    return pl.kernel(
        _sc_layer1_body,
        out_type=[
            jax.ShapeDtypeStruct((2, NC, NP, HALF), jnp.float32),
            jax.ShapeDtypeStruct((NW, C_TILE, CH), jnp.float32),
        ],
        mesh=mesh,
        scratch_types=[
            pltpu.VMEM((C_TILE, CH), jnp.int32),
            pltpu.VMEM((C_TILE, CH), jnp.int32),
            pltpu.VMEM((C_TILE, CH), jnp.float32),
            pltpu.VMEM((C_TILE, CH), jnp.float32),
            pltpu.VMEM((NP // HALF, HALF), jnp.float32),
            pltpu.VMEM((NP,), jnp.float32),
            pltpu.VMEM((NP,), jnp.float32),
            pltpu.VMEM((CH, HALF), jnp.float32),
            pltpu.VMEM((DUMP, HALF), jnp.float32),
            pltpu.VMEM((2, CH), jnp.int32),
            pltpu.VMEM((NP // HALF - CH,), jnp.int32),
            pltpu.VMEM_SHARED((NP, HALF), jnp.float32),
            pltpu.SemaphoreType.DMA,
        ],
        compiler_params=pltpu.CompilerParams(needs_layout_passes=False, use_tc_tiling_on_sc=False),
        name="gcn_sc_layer1",
    )


def _make_sc_layer2():
    mesh = plsc.VectorSubcoreMesh(core_axis_name="c", subcore_axis_name="s")
    return pl.kernel(
        _sc_layer2_body,
        out_type=[jax.ShapeDtypeStruct((NC, NP, OUT_SIZE), jnp.float32)],
        mesh=mesh,
        scratch_types=[
            pltpu.VMEM((C_TILE, CH), jnp.int32),
            pltpu.VMEM((C_TILE, CH), jnp.int32),
            pltpu.VMEM((C_TILE, CH), jnp.float32),
            pltpu.VMEM((CH, OUT_SIZE), jnp.float32),
            pltpu.VMEM((DUMP, OUT_SIZE), jnp.float32),
            pltpu.VMEM_SHARED((NP, OUT_SIZE), jnp.float32),
            pltpu.SemaphoreType.DMA,
        ],
        compiler_params=pltpu.CompilerParams(needs_layout_passes=False, use_tc_tiling_on_sc=False),
        name="gcn_sc_layer2",
    )



_BLK = 1000


def _mm_body(x_ref, w_ref, o_ref):
    o_ref[...] = jnp.dot(x_ref[...], w_ref[...],
                         preferred_element_type=jnp.float32)


def _tc_matmul(x, w):
    m, k = x.shape
    n = w.shape[1]
    return pl.pallas_call(
        _mm_body,
        grid=(m // _BLK,),
        in_specs=[
            pl.BlockSpec((_BLK, k), lambda i: (i, 0)),
            pl.BlockSpec((k, n), lambda i: (0, 0)),
        ],
        out_specs=pl.BlockSpec((_BLK, n), lambda i: (i, 0)),
        out_shape=jax.ShapeDtypeStruct((m, n), jnp.float32),
    )(x, w)


def _mid_body(pa0_ref, pa1_ref, pb0_ref, pb1_ref, b1_ref, w2_ref,
              xe_ref, h2_ref):
    xe = jnp.concatenate(
        [pa0_ref[...] + pa1_ref[...], pb0_ref[...] + pb1_ref[...]],
        axis=1) + b1_ref[...]
    xe_ref[...] = xe
    h2_ref[...] = jnp.dot(jnp.maximum(xe, 0.0), w2_ref[...],
                          preferred_element_type=jnp.float32)


def _tc_mid(pa0, pa1, pb0, pb1, b1, w2):
    return pl.pallas_call(
        _mid_body,
        grid=(N // _BLK,),
        in_specs=[
            pl.BlockSpec((_BLK, HALF), lambda i: (i, 0)),
            pl.BlockSpec((_BLK, HALF), lambda i: (i, 0)),
            pl.BlockSpec((_BLK, HALF), lambda i: (i, 0)),
            pl.BlockSpec((_BLK, HALF), lambda i: (i, 0)),
            pl.BlockSpec((1, HID_SIZE), lambda i: (0, 0)),
            pl.BlockSpec((HID_SIZE, OUT_SIZE), lambda i: (0, 0)),
        ],
        out_specs=[
            pl.BlockSpec((_BLK, HID_SIZE), lambda i: (i, 0)),
            pl.BlockSpec((_BLK, OUT_SIZE), lambda i: (i, 0)),
        ],
        out_shape=[
            jax.ShapeDtypeStruct((N, HID_SIZE), jnp.float32),
            jax.ShapeDtypeStruct((N, OUT_SIZE), jnp.float32),
        ],
    )(pa0, pa1, pb0, pb1, b1, w2)


def _out_body(q0_ref, q1_ref, b2_ref, o_ref):
    o_ref[...] = q0_ref[...] + q1_ref[...] + b2_ref[...]


def _tc_out(q0, q1, b2):
    return pl.pallas_call(
        _out_body,
        grid=(N // _BLK,),
        in_specs=[
            pl.BlockSpec((_BLK, OUT_SIZE), lambda i: (i, 0)),
            pl.BlockSpec((_BLK, OUT_SIZE), lambda i: (i, 0)),
            pl.BlockSpec((1, OUT_SIZE), lambda i: (0, 0)),
        ],
        out_specs=pl.BlockSpec((_BLK, OUT_SIZE), lambda i: (i, 0)),
        out_shape=jax.ShapeDtypeStruct((N, OUT_SIZE), jnp.float32),
    )(q0, q1, b2)


@jax.jit
def kernel(x, edge_index, edge_attr, W1, b1, W2, b2):
    e = edge_index.shape[1]
    n = x.shape[0]
    pad = E_PAD - e - n
    loop = jnp.arange(n, dtype=edge_index.dtype)
    zpad_i = jnp.zeros((pad,), edge_index.dtype)
    src_f = jnp.concatenate([edge_index[0], loop, zpad_i]).reshape(NW, C_TILE, CH)
    dst_f = jnp.concatenate([edge_index[1], loop, zpad_i]).reshape(NW, C_TILE, CH)
    ew_f = jnp.concatenate([
        edge_attr, jnp.ones((n,), edge_attr.dtype),
        jnp.zeros((pad,), edge_attr.dtype)]).reshape(NW, C_TILE, CH)
    row_ids = jnp.arange(2 * CH, dtype=jnp.int32).reshape(2, CH)
    row_ids2 = jnp.arange(CH, NP // HALF, dtype=jnp.int32)

    h1 = _tc_matmul(x, W1)
    h1a = h1[:, :HALF]
    h1b = h1[:, HALF:]
    p, norm = _make_sc_layer1()(h1a, h1b, src_f, dst_f, ew_f, row_ids, row_ids2)
    x_emb, h2 = _tc_mid(p[0, 0, :N], p[0, 1, :N], p[1, 0, :N], p[1, 1, :N],
                        b1.reshape(1, HID_SIZE), W2)
    (q,) = _make_sc_layer2()(h2, src_f, dst_f, norm)
    out = _tc_out(q[0, :N], q[1, :N], b2.reshape(1, OUT_SIZE))
    return (out, x_emb)

# --- scband reference (transcript-rebuilt; emitter-appended) ---
"""Pipeline reference for scband-supreme-41016937677281 (READ-ONLY COPY).

The authoritative reference and input builder live on the scoring server;
editing this copy changes nothing except your own understanding.
"""

import jax, jax.numpy as jnp
import numpy as np

N = 10000
E = 320000
IN_SIZE = 128
HID_SIZE = 128
OUT_SIZE = 64


def setup_inputs(seed: int = 0) -> dict:
    key = jax.random.key(seed)
    ks = jax.random.split(key, 8)
    x = jax.random.normal(ks[0], (N, IN_SIZE), dtype=jnp.float32)
    edge_index = jax.random.randint(ks[1], (2, E), 0, N, dtype=jnp.int32)
    edge_attr = jax.random.uniform(ks[2], (E,), dtype=jnp.float32)
    # GCNConv parameters (glorot-ish init)
    W1 = jax.random.normal(ks[3], (IN_SIZE, HID_SIZE), dtype=jnp.float32) * (1.0 / np.sqrt(IN_SIZE))
    b1 = jnp.zeros((HID_SIZE,), dtype=jnp.float32)
    W2 = jax.random.normal(ks[4], (HID_SIZE, OUT_SIZE), dtype=jnp.float32) * (1.0 / np.sqrt(HID_SIZE))
    b2 = jnp.zeros((OUT_SIZE,), dtype=jnp.float32)
    return {"x": x, "edge_index": edge_index, "edge_attr": edge_attr,
            "W1": W1, "b1": b1, "W2": W2, "b2": b2}


def _gcn_conv(x, edge_index, edge_weight, W, b):
    """PyG GCNConv with edge weights: add self loops (weight 1), symmetric norm,
    linear transform, scatter-add aggregation at destination, plus bias."""
    n = x.shape[0]
    src = edge_index[0]
    dst = edge_index[1]
    loop = jnp.arange(n, dtype=src.dtype)
    src_f = jnp.concatenate([src, loop])
    dst_f = jnp.concatenate([dst, loop])
    ew_f = jnp.concatenate([edge_weight, jnp.ones((n,), dtype=edge_weight.dtype)])
    deg = jnp.zeros((n,), dtype=x.dtype).at[dst_f].add(ew_f)
    dinv = jnp.where(deg > 0, jax.lax.rsqrt(jnp.maximum(deg, 1e-12)), 0.0)
    norm = dinv[src_f] * ew_f * dinv[dst_f]
    h = x @ W
    msg = h[src_f] * norm[:, None]
    out = jnp.zeros((n, W.shape[1]), dtype=x.dtype).at[dst_f].add(msg)
    return out + b


def reference(x, edge_index, edge_attr, W1, b1, W2, b2):
    # SUPREME.forward (eval mode: dropout is identity)
    x_emb = _gcn_conv(x, edge_index, edge_attr, W1, b1)
    h = jax.nn.relu(x_emb)
    out = _gcn_conv(h, edge_index, edge_attr, W2, b2)
    return (out, x_emb)

if __name__ == "__main__":
    import jax
    _d = setup_inputs()
    print(jax.jit(kernel)(*tuple(_d.values())))

</pallas_src>

<mosaic_0001>
#map = affine_map<(d0, d1) -> (0, 0)>
#map1 = affine_map<(d0, d1) -> (0, 0, 0)>
module attributes {stable_mosaic.version = 14 : i64} {
  func.func @gcn_sc_layer2(%arg0: i32, %arg1: i32, %arg2: memref<10000x64xf32, #tpu.memory_space<hbm>>, %arg3: memref<32x81x128xi32, #tpu.memory_space<hbm>>, %arg4: memref<32x81x128xi32, #tpu.memory_space<hbm>>, %arg5: memref<32x81x128xf32, #tpu.memory_space<hbm>>, %arg6: memref<2x10112x64xf32, #tpu.memory_space<hbm>>, %arg7: memref<81x128xi32, #tpu.memory_space<vmem>>, %arg8: memref<81x128xi32, #tpu.memory_space<vmem>>, %arg9: memref<81x128xf32, #tpu.memory_space<vmem>>, %arg10: memref<128x64xf32, #tpu.memory_space<vmem>>, %arg11: memref<80x64xf32, #tpu.memory_space<vmem>>, %arg12: memref<10112x64xf32, #tpu.memory_space<vmem_shared>>, %arg13: memref<!tpu.dma_semaphore, #tpu.memory_space<semaphore_mem>>) attributes {dimension_semantics = [#tpu.dimension_semantics<core_parallel>, #tpu.dimension_semantics<subcore_parallel>], iteration_bounds = array<i64: 2, 16>, scalar_prefetch = 0 : i64, scratch_operands = 7 : i64, tpu.core_type = #tpu.core_type<sc_vector_subcore>, window_params = [{transform_indices = #map}, {transform_indices = #map1}, {transform_indices = #map1}, {transform_indices = #map1}, {transform_indices = #map1}]} {
    %mul3A = arith.constant 2 : i32
    %mul3A_0 = arith.muli %arg1, %mul3A : i32
    %add3A = arith.addi %mul3A_0, %arg0 : i32
    %mul3A_1 = arith.constant 632 : i32
    %mul3A_2 = arith.muli %arg1, %mul3A_1 : i32
    %broadcast_in_dim3A = arith.constant 0.000000e+00 : f32
    %broadcast_in_dim3A_3 = vector.broadcast %broadcast_in_dim3A : f32 to vector<16xf32>
    %scan3A = arith.constant 0 : i32
    %scan3A_4 = arith.constant 0 : i32
    %scan3A_5 = arith.constant 320 : i32
    %scan3A_6 = arith.addi %scan3A_4, %scan3A_5 : i32
    %scan3A_7 = arith.constant 1 : i32
    %scan3A_8 = scf.for %scan3A_50 = %scan3A_4 to %scan3A_6 step %scan3A_7 iter_args(%scan3A_51 = %scan3A) -> (i32)  : i32 {
      %jit3A = arith.constant 4 : i32
      %div3A = arith.divsi %scan3A_50, %jit3A : i32
      %sign3A = arith.constant 0 : i32
      %sign3A_52 = arith.cmpi sgt, %scan3A_50, %sign3A : i32
      %sign3A_53 = arith.extui %sign3A_52 : i1 to i32
      %sign3A_54 = arith.constant 0 : i32
      %sign3A_55 = arith.cmpi slt, %scan3A_50, %sign3A_54 : i32
      %sign3A_56 = arith.extui %sign3A_55 : i1 to i32
      %sign3A_57 = arith.subi %sign3A_53, %sign3A_56 : i32
      %sign3A_58 = arith.constant 0 : i32
      %sign3A_59 = arith.cmpi sgt, %jit3A, %sign3A_58 : i32
      %sign3A_60 = arith.extui %sign3A_59 : i1 to i32
      %sign3A_61 = arith.constant 0 : i32
      %sign3A_62 = arith.cmpi slt, %jit3A, %sign3A_61 : i32
      %sign3A_63 = arith.extui %sign3A_62 : i1 to i32
      %sign3A_64 = arith.subi %sign3A_60, %sign3A_63 : i32
      %ne3A = arith.cmpi ne, %sign3A_57, %sign3A_64 : i32
      %rem3A = arith.remsi %scan3A_50, %jit3A : i32
      %ne3A_65 = arith.constant 0 : i32
      %ne3A_66 = arith.cmpi ne, %rem3A, %ne3A_65 : i32
      %and3A = arith.andi %ne3A, %ne3A_66 : i1
      %sub3A = arith.constant 1 : i32
      %sub3A_67 = arith.subi %div3A, %sub3A : i32
      %select_n3A = arith.select %and3A, %sub3A_67, %div3A : i32
      %jit3A_68 = arith.constant 4 : i32
      %eq3A = arith.constant 0 : i32
      %eq3A_69 = arith.cmpi eq, %jit3A_68, %eq3A : i32
      %jit3A_70 = arith.constant 1 : i32
      %select_n3A_71 = arith.select %eq3A_69, %jit3A_70, %jit3A_68 : i32
      %rem3A_72 = arith.remsi %scan3A_50, %select_n3A_71 : i32
      %ne3A_73 = arith.constant 0 : i32
      %ne3A_74 = arith.cmpi ne, %rem3A_72, %ne3A_73 : i32
      %lt3A = arith.constant 0 : i32
      %lt3A_75 = arith.cmpi slt, %rem3A_72, %lt3A : i32
      %lt3A_76 = arith.constant 0 : i32
      %lt3A_77 = arith.cmpi slt, %select_n3A_71, %lt3A_76 : i32
      %ne3A_78 = arith.xori %lt3A_75, %lt3A_77 : i1
      %and3A_79 = arith.andi %ne3A_78, %ne3A_74 : i1
      %add3A_80 = arith.addi %rem3A_72, %select_n3A_71 : i32
      %select_n3A_81 = arith.select %and3A_79, %add3A_80, %rem3A_72 : i32
      %mul3A_82 = arith.constant 16 : i32
      %mul3A_83 = arith.muli %select_n3A_81, %mul3A_82 : i32
      %swap3A = arith.index_cast %select_n3A : i32 to index
      %swap3A_84 = arith.index_cast %mul3A_83 : i32 to index
      %swap3A_85 = tpu.vector_load %arg11[%swap3A, %swap3A_84] {strides = array<i32>} : memref<80x64xf32, #tpu.memory_space<vmem>>, vector<16xf32>,
      tpu.vector_store %arg11[%swap3A, %swap3A_84], %broadcast_in_dim3A_3 {strides = array<i32>} : memref<80x64xf32, #tpu.memory_space<vmem>>, vector<16xf32>,
      %scan3A_86 = arith.constant 0 : i32
      scf.yield %scan3A_86 : i32
    }
    %scan3A_9 = arith.constant 320 : i32
    "tpu.region"() ({
      %run_scoped3A = tpu.sem_alloc : memref<!tpu.dma_semaphore, #tpu.memory_space<semaphore_mem>>
      %dma_start3A = arith.constant 0 : i32
      %dma_start3A_50 = arith.constant 0 : i32
      %dma_start3A_51 = tpu.memref_slice %arg11[%dma_start3A, %dma_start3A_50] : memref<80x64xf32, #tpu.memory_space<vmem>> -> memref<80x64xf32, #tpu.memory_space<vmem>>
      %dma_start3A_52 = arith.constant 0 : i32
      %dma_start3A_53 = tpu.memref_slice %arg12[%mul3A_2, %dma_start3A_52] : memref<10112x64xf32, #tpu.memory_space<vmem_shared>> -> memref<80x64xf32, #tpu.memory_space<vmem_shared>>
      %dma_start3A_54 = arith.constant 0 : i32
      %dma_start3A_55 = tpu.memref_slice %arg12[%mul3A_2, %dma_start3A_54] : memref<10112x64xf32, #tpu.memory_space<vmem_shared>> -> memref<80x64xf32, #tpu.memory_space<vmem_shared>>
      %dma_start3A_56 = arith.constant 0 : i32
      %dma_start3A_57 = arith.constant 0 : i32
      %dma_start3A_58 = tpu.memref_slice %arg11[%dma_start3A_56, %dma_start3A_57] : memref<80x64xf32, #tpu.memory_space<vmem>> -> memref<80x64xf32, #tpu.memory_space<vmem>>
      tpu.enqueue_dma source(%dma_start3A_58 : memref<80x64xf32, #tpu.memory_space<vmem>>) target(%dma_start3A_55 : memref<80x64xf32, #tpu.memory_space<vmem_shared>>) target_semaphore(%run_scoped3A : memref<!tpu.dma_semaphore, #tpu.memory_space<semaphore_mem>>)
      %dma_wait3A = arith.constant 0 : i32
      %dma_wait3A_59 = arith.constant 0 : i32
      %dma_wait3A_60 = tpu.memref_slice %arg11[%dma_wait3A, %dma_wait3A_59] : memref<80x64xf32, #tpu.memory_space<vmem>> -> memref<80x64xf32, #tpu.memory_space<vmem>>
      %dma_wait3A_61 = arith.constant 0 : i32
      %dma_wait3A_62 = tpu.memref_slice %arg12[%mul3A_2, %dma_wait3A_61] : memref<10112x64xf32, #tpu.memory_space<vmem_shared>> -> memref<80x64xf32, #tpu.memory_space<vmem_shared>>
      %dma_wait3A_63 = arith.constant 0 : i32
      %dma_wait3A_64 = tpu.memref_slice %arg12[%mul3A_2, %dma_wait3A_63] : memref<10112x64xf32, #tpu.memory_space<vmem_shared>> -> memref<80x64xf32, #tpu.memory_space<vmem_shared>>
      %dma_wait3A_65 = arith.constant 0 : i32
      %dma_wait3A_66 = arith.constant 0 : i32
      %dma_wait3A_67 = tpu.memref_slice %arg11[%dma_wait3A_65, %dma_wait3A_66] : memref<80x64xf32, #tpu.memory_space<vmem>> -> memref<80x64xf32, #tpu.memory_space<vmem>>
      tpu.wait_dma2 semaphore(%run_scoped3A : memref<!tpu.dma_semaphore, #tpu.memory_space<semaphore_mem>>) src(%dma_wait3A_67 : memref<80x64xf32, #tpu.memory_space<vmem>>) dst(%dma_wait3A_64 : memref<80x64xf32, #tpu.memory_space<vmem_shared>>)
      tpu.yield
    }) : () -> ()
    %add3A_10 = arith.constant 80 : i32
    %add3A_11 = arith.addi %mul3A_2, %add3A_10 : i32
    "tpu.region"() ({
      %run_scoped3A = tpu.sem_alloc : memref<!tpu.dma_semaphore, #tpu.memory_space<semaphore_mem>>
      %dma_start3A = arith.constant 0 : i32
      %dma_start3A_50 = arith.constant 0 : i32
      %dma_start3A_51 = tpu.memref_slice %arg11[%dma_start3A, %dma_start3A_50] : memref<80x64xf32, #tpu.memory_space<vmem>> -> memref<80x64xf32, #tpu.memory_space<vmem>>
      %dma_start3A_52 = arith.constant 0 : i32
      %dma_start3A_53 = tpu.memref_slice %arg12[%add3A_11, %dma_start3A_52] : memref<10112x64xf32, #tpu.memory_space<vmem_shared>> -> memref<80x64xf32, #tpu.memory_space<vmem_shared>>
      %dma_start3A_54 = arith.constant 0 : i32
      %dma_start3A_55 = tpu.memref_slice %arg12[%add3A_11, %dma_start3A_54] : memref<10112x64xf32, #tpu.memory_space<vmem_shared>> -> memref<80x64xf32, #tpu.memory_space<vmem_shared>>
      %dma_start3A_56 = arith.constant 0 : i32
      %dma_start3A_57 = arith.constant 0 : i32
      %dma_start3A_58 = tpu.memref_slice %arg11[%dma_start3A_56, %dma_start3A_57] : memref<80x64xf32, #tpu.memory_space<vmem>> -> memref<80x64xf32, #tpu.memory_space<vmem>>
      tpu.enqueue_dma source(%dma_start3A_58 : memref<80x64xf32, #tpu.memory_space<vmem>>) target(%dma_start3A_55 : memref<80x64xf32, #tpu.memory_space<vmem_shared>>) target_semaphore(%run_scoped3A : memref<!tpu.dma_semaphore, #tpu.memory_space<semaphore_mem>>)
      %dma_wait3A = arith.constant 0 : i32
      %dma_wait3A_59 = arith.constant 0 : i32
      %dma_wait3A_60 = tpu.memref_slice %arg11[%dma_wait3A, %dma_wait3A_59] : memref<80x64xf32, #tpu.memory_space<vmem>> -> memref<80x64xf32, #tpu.memory_space<vmem>>
      %dma_wait3A_61 = arith.constant 0 : i32
      %dma_wait3A_62 = tpu.memref_slice %arg12[%add3A_11, %dma_wait3A_61] : memref<10112x64xf32, #tpu.memory_space<vmem_shared>> -> memref<80x64xf32, #tpu.memory_space<vmem_shared>>
      %dma_wait3A_63 = arith.constant 0 : i32
      %dma_wait3A_64 = tpu.memref_slice %arg12[%add3A_11, %dma_wait3A_63] : memref<10112x64xf32, #tpu.memory_space<vmem_shared>> -> memref<80x64xf32, #tpu.memory_space<vmem_shared>>
      %dma_wait3A_65 = arith.constant 0 : i32
      %dma_wait3A_66 = arith.constant 0 : i32
      %dma_wait3A_67 = tpu.memref_slice %arg11[%dma_wait3A_65, %dma_wait3A_66] : memref<80x64xf32, #tpu.memory_space<vmem>> -> memref<80x64xf32, #tpu.memory_space<vmem>>
      tpu.wait_dma2 semaphore(%run_scoped3A : memref<!tpu.dma_semaphore, #tpu.memory_space<semaphore_mem>>) src(%dma_wait3A_67 : memref<80x64xf32, #tpu.memory_space<vmem>>) dst(%dma_wait3A_64 : memref<80x64xf32, #tpu.memory_space<vmem_shared>>)
      tpu.yield
    }) : () -> ()
    %add3A_12 = arith.constant 80 : i32
    %add3A_13 = arith.addi %add3A_11, %add3A_12 : i32
    "tpu.region"() ({
      %run_scoped3A = tpu.sem_alloc : memref<!tpu.dma_semaphore, #tpu.memory_space<semaphore_mem>>
      %dma_start3A = arith.constant 0 : i32
      %dma_start3A_50 = arith.constant 0 : i32
      %dma_start3A_51 = tpu.memref_slice %arg11[%dma_start3A, %dma_start3A_50] : memref<80x64xf32, #tpu.memory_space<vmem>> -> memref<80x64xf32, #tpu.memory_space<vmem>>
      %dma_start3A_52 = arith.constant 0 : i32
      %dma_start3A_53 = tpu.memref_slice %arg12[%add3A_13, %dma_start3A_52] : memref<10112x64xf32, #tpu.memory_space<vmem_shared>> -> memref<80x64xf32, #tpu.memory_space<vmem_shared>>
      %dma_start3A_54 = arith.constant 0 : i32
      %dma_start3A_55 = tpu.memref_slice %arg12[%add3A_13, %dma_start3A_54] : memref<10112x64xf32, #tpu.memory_space<vmem_shared>> -> memref<80x64xf32, #tpu.memory_space<vmem_shared>>
      %dma_start3A_56 = arith.constant 0 : i32
      %dma_start3A_57 = arith.constant 0 : i32
      %dma_start3A_58 = tpu.memref_slice %arg11[%dma_start3A_56, %dma_start3A_57] : memref<80x64xf32, #tpu.memory_space<vmem>> -> memref<80x64xf32, #tpu.memory_space<vmem>>
      tpu.enqueue_dma source(%dma_start3A_58 : memref<80x64xf32, #tpu.memory_space<vmem>>) target(%dma_start3A_55 : memref<80x64xf32, #tpu.memory_space<vmem_shared>>) target_semaphore(%run_scoped3A : memref<!tpu.dma_semaphore, #tpu.memory_space<semaphore_mem>>)
      %dma_wait3A = arith.constant 0 : i32
      %dma_wait3A_59 = arith.constant 0 : i32
      %dma_wait3A_60 = tpu.memref_slice %arg11[%dma_wait3A, %dma_wait3A_59] : memref<80x64xf32, #tpu.memory_space<vmem>> -> memref<80x64xf32, #tpu.memory_space<vmem>>
      %dma_wait3A_61 = arith.constant 0 : i32
      %dma_wait3A_62 = tpu.memref_slice %arg12[%add3A_13, %dma_wait3A_61] : memref<10112x64xf32, #tpu.memory_space<vmem_shared>> -> memref<80x64xf32, #tpu.memory_space<vmem_shared>>
      %dma_wait3A_63 = arith.constant 0 : i32
      %dma_wait3A_64 = tpu.memref_slice %arg12[%add3A_13, %dma_wait3A_63] : memref<10112x64xf32, #tpu.memory_space<vmem_shared>> -> memref<80x64xf32, #tpu.memory_space<vmem_shared>>
      %dma_wait3A_65 = arith.constant 0 : i32
      %dma_wait3A_66 = arith.constant 0 : i32
      %dma_wait3A_67 = tpu.memref_slice %arg11[%dma_wait3A_65, %dma_wait3A_66] : memref<80x64xf32, #tpu.memory_space<vmem>> -> memref<80x64xf32, #tpu.memory_space<vmem>>
      tpu.wait_dma2 semaphore(%run_scoped3A : memref<!tpu.dma_semaphore, #tpu.memory_space<semaphore_mem>>) src(%dma_wait3A_67 : memref<80x64xf32, #tpu.memory_space<vmem>>) dst(%dma_wait3A_64 : memref<80x64xf32, #tpu.memory_space<vmem_shared>>)
      tpu.yield
    }) : () -> ()
    %add3A_14 = arith.constant 80 : i32
    %add3A_15 = arith.addi %add3A_13, %add3A_14 : i32
    "tpu.region"() ({
      %run_scoped3A = tpu.sem_alloc : memref<!tpu.dma_semaphore, #tpu.memory_space<semaphore_mem>>
      %dma_start3A = arith.constant 0 : i32
      %dma_start3A_50 = arith.constant 0 : i32
      %dma_start3A_51 = tpu.memref_slice %arg11[%dma_start3A, %dma_start3A_50] : memref<80x64xf32, #tpu.memory_space<vmem>> -> memref<80x64xf32, #tpu.memory_space<vmem>>
      %dma_start3A_52 = arith.constant 0 : i32
      %dma_start3A_53 = tpu.memref_slice %arg12[%add3A_15, %dma_start3A_52] : memref<10112x64xf32, #tpu.memory_space<vmem_shared>> -> memref<80x64xf32, #tpu.memory_space<vmem_shared>>
      %dma_start3A_54 = arith.constant 0 : i32
      %dma_start3A_55 = tpu.memref_slice %arg12[%add3A_15, %dma_start3A_54] : memref<10112x64xf32, #tpu.memory_space<vmem_shared>> -> memref<80x64xf32, #tpu.memory_space<vmem_shared>>
      %dma_start3A_56 = arith.constant 0 : i32
      %dma_start3A_57 = arith.constant 0 : i32
      %dma_start3A_58 = tpu.memref_slice %arg11[%dma_start3A_56, %dma_start3A_57] : memref<80x64xf32, #tpu.memory_space<vmem>> -> memref<80x64xf32, #tpu.memory_space<vmem>>
      tpu.enqueue_dma source(%dma_start3A_58 : memref<80x64xf32, #tpu.memory_space<vmem>>) target(%dma_start3A_55 : memref<80x64xf32, #tpu.memory_space<vmem_shared>>) target_semaphore(%run_scoped3A : memref<!tpu.dma_semaphore, #tpu.memory_space<semaphore_mem>>)
      %dma_wait3A = arith.constant 0 : i32
      %dma_wait3A_59 = arith.constant 0 : i32
      %dma_wait3A_60 = tpu.memref_slice %arg11[%dma_wait3A, %dma_wait3A_59] : memref<80x64xf32, #tpu.memory_space<vmem>> -> memref<80x64xf32, #tpu.memory_space<vmem>>
      %dma_wait3A_61 = arith.constant 0 : i32
      %dma_wait3A_62 = tpu.memref_slice %arg12[%add3A_15, %dma_wait3A_61] : memref<10112x64xf32, #tpu.memory_space<vmem_shared>> -> memref<80x64xf32, #tpu.memory_space<vmem_shared>>
      %dma_wait3A_63 = arith.constant 0 : i32
      %dma_wait3A_64 = tpu.memref_slice %arg12[%add3A_15, %dma_wait3A_63] : memref<10112x64xf32, #tpu.memory_space<vmem_shared>> -> memref<80x64xf32, #tpu.memory_space<vmem_shared>>
      %dma_wait3A_65 = arith.constant 0 : i32
      %dma_wait3A_66 = arith.constant 0 : i32
      %dma_wait3A_67 = tpu.memref_slice %arg11[%dma_wait3A_65, %dma_wait3A_66] : memref<80x64xf32, #tpu.memory_space<vmem>> -> memref<80x64xf32, #tpu.memory_space<vmem>>
      tpu.wait_dma2 semaphore(%run_scoped3A : memref<!tpu.dma_semaphore, #tpu.memory_space<semaphore_mem>>) src(%dma_wait3A_67 : memref<80x64xf32, #tpu.memory_space<vmem>>) dst(%dma_wait3A_64 : memref<80x64xf32, #tpu.memory_space<vmem_shared>>)
      tpu.yield
    }) : () -> ()
    %add3A_16 = arith.constant 80 : i32
    %add3A_17 = arith.addi %add3A_15, %add3A_16 : i32
    "tpu.region"() ({
      %run_scoped3A = tpu.sem_alloc : memref<!tpu.dma_semaphore, #tpu.memory_space<semaphore_mem>>
      %dma_start3A = arith.constant 0 : i32
      %dma_start3A_50 = arith.constant 0 : i32
      %dma_start3A_51 = tpu.memref_slice %arg11[%dma_start3A, %dma_start3A_50] : memref<80x64xf32, #tpu.memory_space<vmem>> -> memref<80x64xf32, #tpu.memory_space<vmem>>
      %dma_start3A_52 = arith.constant 0 : i32
      %dma_start3A_53 = tpu.memref_slice %arg12[%add3A_17, %dma_start3A_52] : memref<10112x64xf32, #tpu.memory_space<vmem_shared>> -> memref<80x64xf32, #tpu.memory_space<vmem_shared>>
      %dma_start3A_54 = arith.constant 0 : i32
      %dma_start3A_55 = tpu.memref_slice %arg12[%add3A_17, %dma_start3A_54] : memref<10112x64xf32, #tpu.memory_space<vmem_shared>> -> memref<80x64xf32, #tpu.memory_space<vmem_shared>>
      %dma_start3A_56 = arith.constant 0 : i32
      %dma_start3A_57 = arith.constant 0 : i32
      %dma_start3A_58 = tpu.memref_slice %arg11[%dma_start3A_56, %dma_start3A_57] : memref<80x64xf32, #tpu.memory_space<vmem>> -> memref<80x64xf32, #tpu.memory_space<vmem>>
      tpu.enqueue_dma source(%dma_start3A_58 : memref<80x64xf32, #tpu.memory_space<vmem>>) target(%dma_start3A_55 : memref<80x64xf32, #tpu.memory_space<vmem_shared>>) target_semaphore(%run_scoped3A : memref<!tpu.dma_semaphore, #tpu.memory_space<semaphore_mem>>)
      %dma_wait3A = arith.constant 0 : i32
      %dma_wait3A_59 = arith.constant 0 : i32
      %dma_wait3A_60 = tpu.memref_slice %arg11[%dma_wait3A, %dma_wait3A_59] : memref<80x64xf32, #tpu.memory_space<vmem>> -> memref<80x64xf32, #tpu.memory_space<vmem>>
      %dma_wait3A_61 = arith.constant 0 : i32
      %dma_wait3A_62 = tpu.memref_slice %arg12[%add3A_17, %dma_wait3A_61] : memref<10112x64xf32, #tpu.memory_space<vmem_shared>> -> memref<80x64xf32, #tpu.memory_space<vmem_shared>>
      %dma_wait3A_63 = arith.constant 0 : i32
      %dma_wait3A_64 = tpu.memref_slice %arg12[%add3A_17, %dma_wait3A_63] : memref<10112x64xf32, #tpu.memory_space<vmem_shared>> -> memref<80x64xf32, #tpu.memory_space<vmem_shared>>
      %dma_wait3A_65 = arith.constant 0 : i32
      %dma_wait3A_66 = arith.constant 0 : i32
      %dma_wait3A_67 = tpu.memref_slice %arg11[%dma_wait3A_65, %dma_wait3A_66] : memref<80x64xf32, #tpu.memory_space<vmem>> -> memref<80x64xf32, #tpu.memory_space<vmem>>
      tpu.wait_dma2 semaphore(%run_scoped3A : memref<!tpu.dma_semaphore, #tpu.memory_space<semaphore_mem>>) src(%dma_wait3A_67 : memref<80x64xf32, #tpu.memory_space<vmem>>) dst(%dma_wait3A_64 : memref<80x64xf32, #tpu.memory_space<vmem_shared>>)
      tpu.yield
    }) : () -> ()
    %add3A_18 = arith.constant 80 : i32
    %add3A_19 = arith.addi %add3A_17, %add3A_18 : i32
    "tpu.region"() ({
      %run_scoped3A = tpu.sem_alloc : memref<!tpu.dma_semaphore, #tpu.memory_space<semaphore_mem>>
      %dma_start3A = arith.constant 0 : i32
      %dma_start3A_50 = arith.constant 0 : i32
      %dma_start3A_51 = tpu.memref_slice %arg11[%dma_start3A, %dma_start3A_50] : memref<80x64xf32, #tpu.memory_space<vmem>> -> memref<80x64xf32, #tpu.memory_space<vmem>>
      %dma_start3A_52 = arith.constant 0 : i32
      %dma_start3A_53 = tpu.memref_slice %arg12[%add3A_19, %dma_start3A_52] : memref<10112x64xf32, #tpu.memory_space<vmem_shared>> -> memref<80x64xf32, #tpu.memory_space<vmem_shared>>
      %dma_start3A_54 = arith.constant 0 : i32
      %dma_start3A_55 = tpu.memref_slice %arg12[%add3A_19, %dma_start3A_54] : memref<10112x64xf32, #tpu.memory_space<vmem_shared>> -> memref<80x64xf32, #tpu.memory_space<vmem_shared>>
      %dma_start3A_56 = arith.constant 0 : i32
      %dma_start3A_57 = arith.constant 0 : i32
      %dma_start3A_58 = tpu.memref_slice %arg11[%dma_start3A_56, %dma_start3A_57] : memref<80x64xf32, #tpu.memory_space<vmem>> -> memref<80x64xf32, #tpu.memory_space<vmem>>
      tpu.enqueue_dma source(%dma_start3A_58 : memref<80x64xf32, #tpu.memory_space<vmem>>) target(%dma_start3A_55 : memref<80x64xf32, #tpu.memory_space<vmem_shared>>) target_semaphore(%run_scoped3A : memref<!tpu.dma_semaphore, #tpu.memory_space<semaphore_mem>>)
      %dma_wait3A = arith.constant 0 : i32
      %dma_wait3A_59 = arith.constant 0 : i32
      %dma_wait3A_60 = tpu.memref_slice %arg11[%dma_wait3A, %dma_wait3A_59] : memref<80x64xf32, #tpu.memory_space<vmem>> -> memref<80x64xf32, #tpu.memory_space<vmem>>
      %dma_wait3A_61 = arith.constant 0 : i32
      %dma_wait3A_62 = tpu.memref_slice %arg12[%add3A_19, %dma_wait3A_61] : memref<10112x64xf32, #tpu.memory_space<vmem_shared>> -> memref<80x64xf32, #tpu.memory_space<vmem_shared>>
      %dma_wait3A_63 = arith.constant 0 : i32
      %dma_wait3A_64 = tpu.memref_slice %arg12[%add3A_19, %dma_wait3A_63] : memref<10112x64xf32, #tpu.memory_space<vmem_shared>> -> memref<80x64xf32, #tpu.memory_space<vmem_shared>>
      %dma_wait3A_65 = arith.constant 0 : i32
      %dma_wait3A_66 = arith.constant 0 : i32
      %dma_wait3A_67 = tpu.memref_slice %arg11[%dma_wait3A_65, %dma_wait3A_66] : memref<80x64xf32, #tpu.memory_space<vmem>> -> memref<80x64xf32, #tpu.memory_space<vmem>>
      tpu.wait_dma2 semaphore(%run_scoped3A : memref<!tpu.dma_semaphore, #tpu.memory_space<semaphore_mem>>) src(%dma_wait3A_67 : memref<80x64xf32, #tpu.memory_space<vmem>>) dst(%dma_wait3A_64 : memref<80x64xf32, #tpu.memory_space<vmem_shared>>)
      tpu.yield
    }) : () -> ()
    %add3A_20 = arith.constant 80 : i32
    %add3A_21 = arith.addi %add3A_19, %add3A_20 : i32
    "tpu.region"() ({
      %run_scoped3A = tpu.sem_alloc : memref<!tpu.dma_semaphore, #tpu.memory_space<semaphore_mem>>
      %dma_start3A = arith.constant 0 : i32
      %dma_start3A_50 = arith.constant 0 : i32
      %dma_start3A_51 = tpu.memref_slice %arg11[%dma_start3A, %dma_start3A_50] : memref<80x64xf32, #tpu.memory_space<vmem>> -> memref<80x64xf32, #tpu.memory_space<vmem>>
      %dma_start3A_52 = arith.constant 0 : i32
      %dma_start3A_53 = tpu.memref_slice %arg12[%add3A_21, %dma_start3A_52] : memref<10112x64xf32, #tpu.memory_space<vmem_shared>> -> memref<80x64xf32, #tpu.memory_space<vmem_shared>>
      %dma_start3A_54 = arith.constant 0 : i32
      %dma_start3A_55 = tpu.memref_slice %arg12[%add3A_21, %dma_start3A_54] : memref<10112x64xf32, #tpu.memory_space<vmem_shared>> -> memref<80x64xf32, #tpu.memory_space<vmem_shared>>
      %dma_start3A_56 = arith.constant 0 : i32
      %dma_start3A_57 = arith.constant 0 : i32
      %dma_start3A_58 = tpu.memref_slice %arg11[%dma_start3A_56, %dma_start3A_57] : memref<80x64xf32, #tpu.memory_space<vmem>> -> memref<80x64xf32, #tpu.memory_space<vmem>>
      tpu.enqueue_dma source(%dma_start3A_58 : memref<80x64xf32, #tpu.memory_space<vmem>>) target(%dma_start3A_55 : memref<80x64xf32, #tpu.memory_space<vmem_shared>>) target_semaphore(%run_scoped3A : memref<!tpu.dma_semaphore, #tpu.memory_space<semaphore_mem>>)
      %dma_wait3A = arith.constant 0 : i32
      %dma_wait3A_59 = arith.constant 0 : i32
      %dma_wait3A_60 = tpu.memref_slice %arg11[%dma_wait3A, %dma_wait3A_59] : memref<80x64xf32, #tpu.memory_space<vmem>> -> memref<80x64xf32, #tpu.memory_space<vmem>>
      %dma_wait3A_61 = arith.constant 0 : i32
      %dma_wait3A_62 = tpu.memref_slice %arg12[%add3A_21, %dma_wait3A_61] : memref<10112x64xf32, #tpu.memory_space<vmem_shared>> -> memref<80x64xf32, #tpu.memory_space<vmem_shared>>
      %dma_wait3A_63 = arith.constant 0 : i32
      %dma_wait3A_64 = tpu.memref_slice %arg12[%add3A_21, %dma_wait3A_63] : memref<10112x64xf32, #tpu.memory_space<vmem_shared>> -> memref<80x64xf32, #tpu.memory_space<vmem_shared>>
      %dma_wait3A_65 = arith.constant 0 : i32
      %dma_wait3A_66 = arith.constant 0 : i32
      %dma_wait3A_67 = tpu.memref_slice %arg11[%dma_wait3A_65, %dma_wait3A_66] : memref<80x64xf32, #tpu.memory_space<vmem>> -> memref<80x64xf32, #tpu.memory_space<vmem>>
      tpu.wait_dma2 semaphore(%run_scoped3A : memref<!tpu.dma_semaphore, #tpu.memory_space<semaphore_mem>>) src(%dma_wait3A_67 : memref<80x64xf32, #tpu.memory_space<vmem>>) dst(%dma_wait3A_64 : memref<80x64xf32, #tpu.memory_space<vmem_shared>>)
      tpu.yield
    }) : () -> ()
    %add3A_22 = arith.constant 80 : i32
    %add3A_23 = arith.addi %add3A_21, %add3A_22 : i32
    "tpu.region"() ({
      %run_scoped3A = tpu.sem_alloc : memref<!tpu.dma_semaphore, #tpu.memory_space<semaphore_mem>>
      %dma_start3A = arith.constant 0 : i32
      %dma_start3A_50 = arith.constant 0 : i32
      %dma_start3A_51 = tpu.memref_slice %arg11[%dma_start3A, %dma_start3A_50] : memref<80x64xf32, #tpu.memory_space<vmem>> -> memref<72x64xf32, #tpu.memory_space<vmem>>
      %dma_start3A_52 = arith.constant 0 : i32
      %dma_start3A_53 = tpu.memref_slice %arg12[%add3A_23, %dma_start3A_52] : memref<10112x64xf32, #tpu.memory_space<vmem_shared>> -> memref<72x64xf32, #tpu.memory_space<vmem_shared>>
      %dma_start3A_54 = arith.constant 0 : i32
      %dma_start3A_55 = tpu.memref_slice %arg12[%add3A_23, %dma_start3A_54] : memref<10112x64xf32, #tpu.memory_space<vmem_shared>> -> memref<72x64xf32, #tpu.memory_space<vmem_shared>>
      %dma_start3A_56 = arith.constant 0 : i32
      %dma_start3A_57 = arith.constant 0 : i32
      %dma_start3A_58 = tpu.memref_slice %arg11[%dma_start3A_56, %dma_start3A_57] : memref<80x64xf32, #tpu.memory_space<vmem>> -> memref<72x64xf32, #tpu.memory_space<vmem>>
      tpu.enqueue_dma source(%dma_start3A_58 : memref<72x64xf32, #tpu.memory_space<vmem>>) target(%dma_start3A_55 : memref<72x64xf32, #tpu.memory_space<vmem_shared>>) target_semaphore(%run_scoped3A : memref<!tpu.dma_semaphore, #tpu.memory_space<semaphore_mem>>)
      %dma_wait3A = arith.constant 0 : i32
      %dma_wait3A_59 = arith.constant 0 : i32
      %dma_wait3A_60 = tpu.memref_slice %arg11[%dma_wait3A, %dma_wait3A_59] : memref<80x64xf32, #tpu.memory_space<vmem>> -> memref<72x64xf32, #tpu.memory_space<vmem>>
      %dma_wait3A_61 = arith.constant 0 : i32
      %dma_wait3A_62 = tpu.memref_slice %arg12[%add3A_23, %dma_wait3A_61] : memref<10112x64xf32, #tpu.memory_space<vmem_shared>> -> memref<72x64xf32, #tpu.memory_space<vmem_shared>>
      %dma_wait3A_63 = arith.constant 0 : i32
      %dma_wait3A_64 = tpu.memref_slice %arg12[%add3A_23, %dma_wait3A_63] : memref<10112x64xf32, #tpu.memory_space<vmem_shared>> -> memref<72x64xf32, #tpu.memory_space<vmem_shared>>
      %dma_wait3A_65 = arith.constant 0 : i32
      %dma_wait3A_66 = arith.constant 0 : i32
      %dma_wait3A_67 = tpu.memref_slice %arg11[%dma_wait3A_65, %dma_wait3A_66] : memref<80x64xf32, #tpu.memory_space<vmem>> -> memref<72x64xf32, #tpu.memory_space<vmem>>
      tpu.wait_dma2 semaphore(%run_scoped3A : memref<!tpu.dma_semaphore, #tpu.memory_space<semaphore_mem>>) src(%dma_wait3A_67 : memref<72x64xf32, #tpu.memory_space<vmem>>) dst(%dma_wait3A_64 : memref<72x64xf32, #tpu.memory_space<vmem_shared>>)
      tpu.yield
    }) : () -> ()
    %add3A_24 = arith.constant 72 : i32
    %add3A_25 = arith.addi %add3A_23, %add3A_24 : i32
    %barrier3A = arith.constant 0 : index
    tpu.barrier barrier_id(%barrier3A)
    "tpu.region"() ({
      %run_scoped3A = tpu.sem_alloc : memref<!tpu.dma_semaphore, #tpu.memory_space<semaphore_mem>>
      %dma_start3A = arith.constant 0 : i32
      %dma_start3A_50 = arith.constant 0 : i32
      %dma_start3A_51 = tpu.memref_slice %arg3[%add3A, %dma_start3A, %dma_start3A_50] : memref<32x81x128xi32, #tpu.memory_space<hbm>> -> memref<1x81x128xi32, #tpu.memory_space<hbm>>
      %dma_start3A_52 = tpu.memref_squeeze %dma_start3A_51 : memref<1x81x128xi32, #tpu.memory_space<hbm>> -> memref<81x128xi32, #tpu.memory_space<hbm>>
      %dma_start3A_53 = arith.constant 0 : i32
      %dma_start3A_54 = arith.constant 0 : i32
      %dma_start3A_55 = tpu.memref_slice %arg3[%add3A, %dma_start3A_53, %dma_start3A_54] : memref<32x81x128xi32, #tpu.memory_space<hbm>> -> memref<1x81x128xi32, #tpu.memory_space<hbm>>
      %dma_start3A_56 = tpu.memref_squeeze %dma_start3A_55 : memref<1x81x128xi32, #tpu.memory_space<hbm>> -> memref<81x128xi32, #tpu.memory_space<hbm>>
      tpu.enqueue_dma source(%dma_start3A_56 : memref<81x128xi32, #tpu.memory_space<hbm>>) target(%arg7 : memref<81x128xi32, #tpu.memory_space<vmem>>) target_semaphore(%run_scoped3A : memref<!tpu.dma_semaphore, #tpu.memory_space<semaphore_mem>>)
      %dma_wait3A = arith.constant 0 : i32
      %dma_wait3A_57 = arith.constant 0 : i32
      %dma_wait3A_58 = tpu.memref_slice %arg3[%add3A, %dma_wait3A, %dma_wait3A_57] : memref<32x81x128xi32, #tpu.memory_space<hbm>> -> memref<1x81x128xi32, #tpu.memory_space<hbm>>
      %dma_wait3A_59 = tpu.memref_squeeze %dma_wait3A_58 : memref<1x81x128xi32, #tpu.memory_space<hbm>> -> memref<81x128xi32, #tpu.memory_space<hbm>>
      %dma_wait3A_60 = arith.constant 0 : i32
      %dma_wait3A_61 = arith.constant 0 : i32
      %dma_wait3A_62 = tpu.memref_slice %arg3[%add3A, %dma_wait3A_60, %dma_wait3A_61] : memref<32x81x128xi32, #tpu.memory_space<hbm>> -> memref<1x81x128xi32, #tpu.memory_space<hbm>>
      %dma_wait3A_63 = tpu.memref_squeeze %dma_wait3A_62 : memref<1x81x128xi32, #tpu.memory_space<hbm>> -> memref<81x128xi32, #tpu.memory_space<hbm>>
      tpu.wait_dma2 semaphore(%run_scoped3A : memref<!tpu.dma_semaphore, #tpu.memory_space<semaphore_mem>>) src(%dma_wait3A_63 : memref<81x128xi32, #tpu.memory_space<hbm>>) dst(%arg7 : memref<81x128xi32, #tpu.memory_space<vmem>>)
      tpu.yield
    }) : () -> ()
    "tpu.region"() ({
      %run_scoped3A = tpu.sem_alloc : memref<!tpu.dma_semaphore, #tpu.memory_space<semaphore_mem>>
      %dma_start3A = arith.constant 0 : i32
      %dma_start3A_50 = arith.constant 0 : i32
      %dma_start3A_51 = tpu.memref_slice %arg4[%add3A, %dma_start3A, %dma_start3A_50] : memref<32x81x128xi32, #tpu.memory_space<hbm>> -> memref<1x81x128xi32, #tpu.memory_space<hbm>>
      %dma_start3A_52 = tpu.memref_squeeze %dma_start3A_51 : memref<1x81x128xi32, #tpu.memory_space<hbm>> -> memref<81x128xi32, #tpu.memory_space<hbm>>
      %dma_start3A_53 = arith.constant 0 : i32
      %dma_start3A_54 = arith.constant 0 : i32
      %dma_start3A_55 = tpu.memref_slice %arg4[%add3A, %dma_start3A_53, %dma_start3A_54] : memref<32x81x128xi32, #tpu.memory_space<hbm>> -> memref<1x81x128xi32, #tpu.memory_space<hbm>>
      %dma_start3A_56 = tpu.memref_squeeze %dma_start3A_55 : memref<1x81x128xi32, #tpu.memory_space<hbm>> -> memref<81x128xi32, #tpu.memory_space<hbm>>
      tpu.enqueue_dma source(%dma_start3A_56 : memref<81x128xi32, #tpu.memory_space<hbm>>) target(%arg8 : memref<81x128xi32, #tpu.memory_space<vmem>>) target_semaphore(%run_scoped3A : memref<!tpu.dma_semaphore, #tpu.memory_space<semaphore_mem>>)
      %dma_wait3A = arith.constant 0 : i32
      %dma_wait3A_57 = arith.constant 0 : i32
      %dma_wait3A_58 = tpu.memref_slice %arg4[%add3A, %dma_wait3A, %dma_wait3A_57] : memref<32x81x128xi32, #tpu.memory_space<hbm>> -> memref<1x81x128xi32, #tpu.memory_space<hbm>>
      %dma_wait3A_59 = tpu.memref_squeeze %dma_wait3A_58 : memref<1x81x128xi32, #tpu.memory_space<hbm>> -> memref<81x128xi32, #tpu.memory_space<hbm>>
      %dma_wait3A_60 = arith.constant 0 : i32
      %dma_wait3A_61 = arith.constant 0 : i32
      %dma_wait3A_62 = tpu.memref_slice %arg4[%add3A, %dma_wait3A_60, %dma_wait3A_61] : memref<32x81x128xi32, #tpu.memory_space<hbm>> -> memref<1x81x128xi32, #tpu.memory_space<hbm>>
      %dma_wait3A_63 = tpu.memref_squeeze %dma_wait3A_62 : memref<1x81x128xi32, #tpu.memory_space<hbm>> -> memref<81x128xi32, #tpu.memory_space<hbm>>
      tpu.wait_dma2 semaphore(%run_scoped3A : memref<!tpu.dma_semaphore, #tpu.memory_space<semaphore_mem>>) src(%dma_wait3A_63 : memref<81x128xi32, #tpu.memory_space<hbm>>) dst(%arg8 : memref<81x128xi32, #tpu.memory_space<vmem>>)
      tpu.yield
    }) : () -> ()
    "tpu.region"() ({
      %run_scoped3A = tpu.sem_alloc : memref<!tpu.dma_semaphore, #tpu.memory_space<semaphore_mem>>
      %dma_start3A = arith.constant 0 : i32
      %dma_start3A_50 = arith.constant 0 : i32
      %dma_start3A_51 = tpu.memref_slice %arg5[%add3A, %dma_start3A, %dma_start3A_50] : memref<32x81x128xf32, #tpu.memory_space<hbm>> -> memref<1x81x128xf32, #tpu.memory_space<hbm>>
      %dma_start3A_52 = tpu.memref_squeeze %dma_start3A_51 : memref<1x81x128xf32, #tpu.memory_space<hbm>> -> memref<81x128xf32, #tpu.memory_space<hbm>>
      %dma_start3A_53 = arith.constant 0 : i32
      %dma_start3A_54 = arith.constant 0 : i32
      %dma_start3A_55 = tpu.memref_slice %arg5[%add3A, %dma_start3A_53, %dma_start3A_54] : memref<32x81x128xf32, #tpu.memory_space<hbm>> -> memref<1x81x128xf32, #tpu.memory_space<hbm>>
      %dma_start3A_56 = tpu.memref_squeeze %dma_start3A_55 : memref<1x81x128xf32, #tpu.memory_space<hbm>> -> memref<81x128xf32, #tpu.memory_space<hbm>>
      tpu.enqueue_dma source(%dma_start3A_56 : memref<81x128xf32, #tpu.memory_space<hbm>>) target(%arg9 : memref<81x128xf32, #tpu.memory_space<vmem>>) target_semaphore(%run_scoped3A : memref<!tpu.dma_semaphore, #tpu.memory_space<semaphore_mem>>)
      %dma_wait3A = arith.constant 0 : i32
      %dma_wait3A_57 = arith.constant 0 : i32
      %dma_wait3A_58 = tpu.memref_slice %arg5[%add3A, %dma_wait3A, %dma_wait3A_57] : memref<32x81x128xf32, #tpu.memory_space<hbm>> -> memref<1x81x128xf32, #tpu.memory_space<hbm>>
      %dma_wait3A_59 = tpu.memref_squeeze %dma_wait3A_58 : memref<1x81x128xf32, #tpu.memory_space<hbm>> -> memref<81x128xf32, #tpu.memory_space<hbm>>
      %dma_wait3A_60 = arith.constant 0 : i32
      %dma_wait3A_61 = arith.constant 0 : i32
      %dma_wait3A_62 = tpu.memref_slice %arg5[%add3A, %dma_wait3A_60, %dma_wait3A_61] : memref<32x81x128xf32, #tpu.memory_space<hbm>> -> memref<1x81x128xf32, #tpu.memory_space<hbm>>
      %dma_wait3A_63 = tpu.memref_squeeze %dma_wait3A_62 : memref<1x81x128xf32, #tpu.memory_space<hbm>> -> memref<81x128xf32, #tpu.memory_space<hbm>>
      tpu.wait_dma2 semaphore(%run_scoped3A : memref<!tpu.dma_semaphore, #tpu.memory_space<semaphore_mem>>) src(%dma_wait3A_63 : memref<81x128xf32, #tpu.memory_space<hbm>>) dst(%arg9 : memref<81x128xf32, #tpu.memory_space<vmem>>)
      tpu.yield
    }) : () -> ()
    %scan3A_26 = arith.constant 0 : i32
    %scan3A_27 = arith.constant 0 : i32
    %scan3A_28 = arith.constant 81 : i32
    %scan3A_29 = arith.addi %scan3A_27, %scan3A_28 : i32
    %scan3A_30 = arith.constant 1 : i32
    %scan3A_31 = scf.for %scan3A_50 = %scan3A_27 to %scan3A_29 step %scan3A_30 iter_args(%scan3A_51 = %scan3A_26) -> (i32)  : i32 {
      %dma_start3A = arith.constant 0 : i32
      %dma_start3A_52 = tpu.memref_slice %arg7[%scan3A_50, %dma_start3A] : memref<81x128xi32, #tpu.memory_space<vmem>> -> memref<1x128xi32, #tpu.memory_space<vmem>>
      %dma_start3A_53 = tpu.memref_squeeze %dma_start3A_52 : memref<1x128xi32, #tpu.memory_space<vmem>> -> memref<128xi32, #tpu.memory_space<vmem>>
      %dma_start3A_54 = arith.constant 0 : i32
      %dma_start3A_55 = arith.constant 0 : i32
      %dma_start3A_56 = tpu.memref_slice %arg2[%dma_start3A_54, %dma_start3A_55] : memref<10000x64xf32, #tpu.memory_space<hbm>> -> memref<10000x64xf32, #tpu.memory_space<hbm>>
      tpu.enqueue_indirect_dma source(%dma_start3A_56 : memref<10000x64xf32, #tpu.memory_space<hbm>>) target(%arg10 : memref<128x64xf32, #tpu.memory_space<vmem>>) offsets(%dma_start3A_53 : memref<128xi32, #tpu.memory_space<vmem>>) semaphore(%arg13 : memref<!tpu.dma_semaphore, #tpu.memory_space<semaphore_mem>>)
      %dma_wait3A = arith.constant 0 : i32
      %dma_wait3A_57 = tpu.memref_slice %arg7[%scan3A_50, %dma_wait3A] : memref<81x128xi32, #tpu.memory_space<vmem>> -> memref<1x128xi32, #tpu.memory_space<vmem>>
      %dma_wait3A_58 = tpu.memref_squeeze %dma_wait3A_57 : memref<1x128xi32, #tpu.memory_space<vmem>> -> memref<128xi32, #tpu.memory_space<vmem>>
      %dma_wait3A_59 = arith.constant 0 : i32
      %dma_wait3A_60 = arith.constant 0 : i32
      %dma_wait3A_61 = tpu.memref_slice %arg2[%dma_wait3A_59, %dma_wait3A_60] : memref<10000x64xf32, #tpu.memory_space<hbm>> -> memref<10000x64xf32, #tpu.memory_space<hbm>>
      tpu.wait_indirect_dma semaphore(%arg13 : memref<!tpu.dma_semaphore, #tpu.memory_space<semaphore_mem>>) src(%dma_wait3A_61 : memref<10000x64xf32, #tpu.memory_space<hbm>>) dst(%arg10 : memref<128x64xf32, #tpu.memory_space<vmem>>)
      %scan3A_62 = arith.constant 0 : i32
      %scan3A_63 = arith.constant 0 : i32
      %scan3A_64 = arith.constant 128 : i32
      %scan3A_65 = arith.addi %scan3A_63, %scan3A_64 : i32
      %scan3A_66 = arith.constant 1 : i32
      %scan3A_67 = scf.for %scan3A_70 = %scan3A_63 to %scan3A_65 step %scan3A_66 iter_args(%scan3A_71 = %scan3A_62) -> (i32)  : i32 {
        %broadcast_in_dim3A_72 = vector.broadcast %scan3A_50 : i32 to vector<16xi32>
        %broadcast_in_dim3A_73 = vector.broadcast %scan3A_70 : i32 to vector<16xi32>
        %gather3A = tpu.vector_load_idx %arg9[%broadcast_in_dim3A_72, %broadcast_in_dim3A_73] : memref<81x128xf32, #tpu.memory_space<vmem>>[vector<16xi32>, vector<16xi32>], vector<16xf32>,
        %get3A = arith.index_cast %scan3A_70 : i32 to index
        %get3A_74 = arith.constant 0 : index
        %get3A_75 = tpu.vector_load %arg10[%get3A, %get3A_74] {strides = array<i32>} : memref<128x64xf32, #tpu.memory_space<vmem>>, vector<16xf32>,
        %mul3A_76 = arith.mulf %get3A_75, %gather3A : vector<16xf32>
        %swap3A = arith.index_cast %scan3A_70 : i32 to index
        %swap3A_77 = arith.constant 0 : index
        %swap3A_78 = tpu.vector_load %arg10[%swap3A, %swap3A_77] {strides = array<i32>} : memref<128x64xf32, #tpu.memory_space<vmem>>, vector<16xf32>,
        tpu.vector_store %arg10[%swap3A, %swap3A_77], %mul3A_76 {strides = array<i32>} : memref<128x64xf32, #tpu.memory_space<vmem>>, vector<16xf32>,
        %get3A_79 = arith.index_cast %scan3A_70 : i32 to index
        %get3A_80 = arith.constant 16 : index
        %get3A_81 = tpu.vector_load %arg10[%get3A_79, %get3A_80] {strides = array<i32>} : memref<128x64xf32, #tpu.memory_space<vmem>>, vector<16xf32>,
        %mul3A_82 = arith.mulf %get3A_81, %gather3A : vector<16xf32>
        %swap3A_83 = arith.index_cast %scan3A_70 : i32 to index
        %swap3A_84 = arith.constant 16 : index
        %swap3A_85 = tpu.vector_load %arg10[%swap3A_83, %swap3A_84] {strides = array<i32>} : memref<128x64xf32, #tpu.memory_space<vmem>>, vector<16xf32>,
        tpu.vector_store %arg10[%swap3A_83, %swap3A_84], %mul3A_82 {strides = array<i32>} : memref<128x64xf32, #tpu.memory_space<vmem>>, vector<16xf32>,
        %get3A_86 = arith.index_cast %scan3A_70 : i32 to index
        %get3A_87 = arith.constant 32 : index
        %get3A_88 = tpu.vector_load %arg10[%get3A_86, %get3A_87] {strides = array<i32>} : memref<128x64xf32, #tpu.memory_space<vmem>>, vector<16xf32>,
        %mul3A_89 = arith.mulf %get3A_88, %gather3A : vector<16xf32>
        %swap3A_90 = arith.index_cast %scan3A_70 : i32 to index
        %swap3A_91 = arith.constant 32 : index
        %swap3A_92 = tpu.vector_load %arg10[%swap3A_90, %swap3A_91] {strides = array<i32>} : memref<128x64xf32, #tpu.memory_space<vmem>>, vector<16xf32>,
        tpu.vector_store %arg10[%swap3A_90, %swap3A_91], %mul3A_89 {strides = array<i32>} : memref<128x64xf32, #tpu.memory_space<vmem>>, vector<16xf32>,
        %get3A_93 = arith.index_cast %scan3A_70 : i32 to index
        %get3A_94 = arith.constant 48 : index
        %get3A_95 = tpu.vector_load %arg10[%get3A_93, %get3A_94] {strides = array<i32>} : memref<128x64xf32, #tpu.memory_space<vmem>>, vector<16xf32>,
        %mul3A_96 = arith.mulf %get3A_95, %gather3A : vector<16xf32>
        %swap3A_97 = arith.index_cast %scan3A_70 : i32 to index
        %swap3A_98 = arith.constant 48 : index
        %swap3A_99 = tpu.vector_load %arg10[%swap3A_97, %swap3A_98] {strides = array<i32>} : memref<128x64xf32, #tpu.memory_space<vmem>>, vector<16xf32>,
        tpu.vector_store %arg10[%swap3A_97, %swap3A_98], %mul3A_96 {strides = array<i32>} : memref<128x64xf32, #tpu.memory_space<vmem>>, vector<16xf32>,
        %scan3A_100 = arith.constant 0 : i32
        scf.yield %scan3A_100 : i32
      }
      %scan3A_68 = arith.constant 128 : i32
      "tpu.region"() ({
        %run_scoped3A = tpu.sem_alloc : memref<!tpu.dma_semaphore, #tpu.memory_space<semaphore_mem>>
        %dma_start3A_70 = arith.constant 0 : i32
        %dma_start3A_71 = tpu.memref_slice %arg8[%scan3A_50, %dma_start3A_70] : memref<81x128xi32, #tpu.memory_space<vmem>> -> memref<1x128xi32, #tpu.memory_space<vmem>>
        %dma_start3A_72 = tpu.memref_squeeze %dma_start3A_71 : memref<1x128xi32, #tpu.memory_space<vmem>> -> memref<128xi32, #tpu.memory_space<vmem>>
        %dma_start3A_73 = arith.constant 0 : i32
        %dma_start3A_74 = arith.constant 0 : i32
        %dma_start3A_75 = tpu.memref_slice %arg12[%dma_start3A_73, %dma_start3A_74] : memref<10112x64xf32, #tpu.memory_space<vmem_shared>> -> memref<10112x64xf32, #tpu.memory_space<vmem_shared>>
        tpu.enqueue_indirect_dma source(%arg10 : memref<128x64xf32, #tpu.memory_space<vmem>>) target(%dma_start3A_75 : memref<10112x64xf32, #tpu.memory_space<vmem_shared>>) offsets(%dma_start3A_72 : memref<128xi32, #tpu.memory_space<vmem>>) semaphore(%run_scoped3A : memref<!tpu.dma_semaphore, #tpu.memory_space<semaphore_mem>>) {add = true}
        %dma_wait3A_76 = arith.constant 0 : i32
        %dma_wait3A_77 = tpu.memref_slice %arg8[%scan3A_50, %dma_wait3A_76] : memref<81x128xi32, #tpu.memory_space<vmem>> -> memref<1x128xi32, #tpu.memory_space<vmem>>
        %dma_wait3A_78 = tpu.memref_squeeze %dma_wait3A_77 : memref<1x128xi32, #tpu.memory_space<vmem>> -> memref<128xi32, #tpu.memory_space<vmem>>
        %dma_wait3A_79 = arith.constant 0 : i32
        %dma_wait3A_80 = arith.constant 0 : i32
        %dma_wait3A_81 = tpu.memref_slice %arg12[%dma_wait3A_79, %dma_wait3A_80] : memref<10112x64xf32, #tpu.memory_space<vmem_shared>> -> memref<10112x64xf32, #tpu.memory_space<vmem_shared>>
        tpu.wait_indirect_dma semaphore(%run_scoped3A : memref<!tpu.dma_semaphore, #tpu.memory_space<semaphore_mem>>) src(%arg10 : memref<128x64xf32, #tpu.memory_space<vmem>>) dst(%dma_wait3A_81 : memref<10112x64xf32, #tpu.memory_space<vmem_shared>>)
        tpu.yield
      }) : () -> ()
      %scan3A_69 = arith.constant 0 : i32
      scf.yield %scan3A_69 : i32
    }
    %scan3A_32 = arith.constant 81 : i32
    %barrier3A_33 = arith.constant 0 : index
    tpu.barrier barrier_id(%barrier3A_33)
    "tpu.region"() ({
      %run_scoped3A = tpu.sem_alloc : memref<!tpu.dma_semaphore, #tpu.memory_space<semaphore_mem>>
      %dma_start3A = arith.constant 0 : i32
      %dma_start3A_50 = arith.constant 0 : i32
      %dma_start3A_51 = tpu.memref_slice %arg11[%dma_start3A, %dma_start3A_50] : memref<80x64xf32, #tpu.memory_space<vmem>> -> memref<80x64xf32, #tpu.memory_space<vmem>>
      %dma_start3A_52 = arith.constant 0 : i32
      %dma_start3A_53 = tpu.memref_slice %arg12[%mul3A_2, %dma_start3A_52] : memref<10112x64xf32, #tpu.memory_space<vmem_shared>> -> memref<80x64xf32, #tpu.memory_space<vmem_shared>>
      %dma_start3A_54 = arith.constant 0 : i32
      %dma_start3A_55 = arith.constant 0 : i32
      %dma_start3A_56 = tpu.memref_slice %arg11[%dma_start3A_54, %dma_start3A_55] : memref<80x64xf32, #tpu.memory_space<vmem>> -> memref<80x64xf32, #tpu.memory_space<vmem>>
      %dma_start3A_57 = arith.constant 0 : i32
      %dma_start3A_58 = tpu.memref_slice %arg12[%mul3A_2, %dma_start3A_57] : memref<10112x64xf32, #tpu.memory_space<vmem_shared>> -> memref<80x64xf32, #tpu.memory_space<vmem_shared>>
      tpu.enqueue_dma source(%dma_start3A_58 : memref<80x64xf32, #tpu.memory_space<vmem_shared>>) target(%dma_start3A_56 : memref<80x64xf32, #tpu.memory_space<vmem>>) target_semaphore(%run_scoped3A : memref<!tpu.dma_semaphore, #tpu.memory_space<semaphore_mem>>)
      %dma_wait3A = arith.constant 0 : i32
      %dma_wait3A_59 = arith.constant 0 : i32
      %dma_wait3A_60 = tpu.memref_slice %arg11[%dma_wait3A, %dma_wait3A_59] : memref<80x64xf32, #tpu.memory_space<vmem>> -> memref<80x64xf32, #tpu.memory_space<vmem>>
      %dma_wait3A_61 = arith.constant 0 : i32
      %dma_wait3A_62 = tpu.memref_slice %arg12[%mul3A_2, %dma_wait3A_61] : memref<10112x64xf32, #tpu.memory_space<vmem_shared>> -> memref<80x64xf32, #tpu.memory_space<vmem_shared>>
      %dma_wait3A_63 = arith.constant 0 : i32
      %dma_wait3A_64 = arith.constant 0 : i32
      %dma_wait3A_65 = tpu.memref_slice %arg11[%dma_wait3A_63, %dma_wait3A_64] : memref<80x64xf32, #tpu.memory_space<vmem>> -> memref<80x64xf32, #tpu.memory_space<vmem>>
      %dma_wait3A_66 = arith.constant 0 : i32
      %dma_wait3A_67 = tpu.memref_slice %arg12[%mul3A_2, %dma_wait3A_66] : memref<10112x64xf32, #tpu.memory_space<vmem_shared>> -> memref<80x64xf32, #tpu.memory_space<vmem_shared>>
      tpu.wait_dma2 semaphore(%run_scoped3A : memref<!tpu.dma_semaphore, #tpu.memory_space<semaphore_mem>>) src(%dma_wait3A_67 : memref<80x64xf32, #tpu.memory_space<vmem_shared>>) dst(%dma_wait3A_65 : memref<80x64xf32, #tpu.memory_space<vmem>>)
      tpu.yield
    }) : () -> ()
    "tpu.region"() ({
      %run_scoped3A = tpu.sem_alloc : memref<!tpu.dma_semaphore, #tpu.memory_space<semaphore_mem>>
      %dma_start3A = arith.constant 0 : i32
      %dma_start3A_50 = arith.constant 0 : i32
      %dma_start3A_51 = tpu.memref_slice %arg11[%dma_start3A, %dma_start3A_50] : memref<80x64xf32, #tpu.memory_space<vmem>> -> memref<80x64xf32, #tpu.memory_space<vmem>>
      %dma_start3A_52 = arith.constant 0 : i32
      %dma_start3A_53 = arith.constant 0 : i32
      %dma_start3A_54 = tpu.memref_slice %arg6[%arg0, %dma_start3A_52, %dma_start3A_53] : memref<2x10112x64xf32, #tpu.memory_space<hbm>> -> memref<1x10112x64xf32, #tpu.memory_space<hbm>>
      %dma_start3A_55 = tpu.memref_squeeze %dma_start3A_54 : memref<1x10112x64xf32, #tpu.memory_space<hbm>> -> memref<10112x64xf32, #tpu.memory_space<hbm>>
      %dma_start3A_56 = arith.constant 0 : i32
      %dma_start3A_57 = tpu.memref_slice %dma_start3A_55[%mul3A_2, %dma_start3A_56] : memref<10112x64xf32, #tpu.memory_space<hbm>> -> memref<80x64xf32, #tpu.memory_space<hbm>>
      %dma_start3A_58 = arith.constant 0 : i32
      %dma_start3A_59 = arith.constant 0 : i32
      %dma_start3A_60 = tpu.memref_slice %arg6[%arg0, %dma_start3A_58, %dma_start3A_59] : memref<2x10112x64xf32, #tpu.memory_space<hbm>> -> memref<1x10112x64xf32, #tpu.memory_space<hbm>>
      %dma_start3A_61 = tpu.memref_squeeze %dma_start3A_60 : memref<1x10112x64xf32, #tpu.memory_space<hbm>> -> memref<10112x64xf32, #tpu.memory_space<hbm>>
      %dma_start3A_62 = arith.constant 0 : i32
      %dma_start3A_63 = tpu.memref_slice %dma_start3A_61[%mul3A_2, %dma_start3A_62] : memref<10112x64xf32, #tpu.memory_space<hbm>> -> memref<80x64xf32, #tpu.memory_space<hbm>>
      %dma_start3A_64 = arith.constant 0 : i32
      %dma_start3A_65 = arith.constant 0 : i32
      %dma_start3A_66 = tpu.memref_slice %arg11[%dma_start3A_64, %dma_start3A_65] : memref<80x64xf32, #tpu.memory_space<vmem>> -> memref<80x64xf32, #tpu.memory_space<vmem>>
      tpu.enqueue_dma source(%dma_start3A_66 : memref<80x64xf32, #tpu.memory_space<vmem>>) target(%dma_start3A_63 : memref<80x64xf32, #tpu.memory_space<hbm>>) target_semaphore(%run_scoped3A : memref<!tpu.dma_semaphore, #tpu.memory_space<semaphore_mem>>)
      %dma_wait3A = arith.constant 0 : i32
      %dma_wait3A_67 = arith.constant 0 : i32
      %dma_wait3A_68 = tpu.memref_slice %arg11[%dma_wait3A, %dma_wait3A_67] : memref<80x64xf32, #tpu.memory_space<vmem>> -> memref<80x64xf32, #tpu.memory_space<vmem>>
      %dma_wait3A_69 = arith.constant 0 : i32
      %dma_wait3A_70 = arith.constant 0 : i32
      %dma_wait3A_71 = tpu.memref_slice %arg6[%arg0, %dma_wait3A_69, %dma_wait3A_70] : memref<2x10112x64xf32, #tpu.memory_space<hbm>> -> memref<1x10112x64xf32, #tpu.memory_space<hbm>>
      %dma_wait3A_72 = tpu.memref_squeeze %dma_wait3A_71 : memref<1x10112x64xf32, #tpu.memory_space<hbm>> -> memref<10112x64xf32, #tpu.memory_space<hbm>>
      %dma_wait3A_73 = arith.constant 0 : i32
      %dma_wait3A_74 = tpu.memref_slice %dma_wait3A_72[%mul3A_2, %dma_wait3A_73] : memref<10112x64xf32, #tpu.memory_space<hbm>> -> memref<80x64xf32, #tpu.memory_space<hbm>>
      %dma_wait3A_75 = arith.constant 0 : i32
      %dma_wait3A_76 = arith.constant 0 : i32
      %dma_wait3A_77 = tpu.memref_slice %arg6[%arg0, %dma_wait3A_75, %dma_wait3A_76] : memref<2x10112x64xf32, #tpu.memory_space<hbm>> -> memref<1x10112x64xf32, #tpu.memory_space<hbm>>
      %dma_wait3A_78 = tpu.memref_squeeze %dma_wait3A_77 : memref<1x10112x64xf32, #tpu.memory_space<hbm>> -> memref<10112x64xf32, #tpu.memory_space<hbm>>
      %dma_wait3A_79 = arith.constant 0 : i32
      %dma_wait3A_80 = tpu.memref_slice %dma_wait3A_78[%mul3A_2, %dma_wait3A_79] : memref<10112x64xf32, #tpu.memory_space<hbm>> -> memref<80x64xf32, #tpu.memory_space<hbm>>
      %dma_wait3A_81 = arith.constant 0 : i32
      %dma_wait3A_82 = arith.constant 0 : i32
      %dma_wait3A_83 = tpu.memref_slice %arg11[%dma_wait3A_81, %dma_wait3A_82] : memref<80x64xf32, #tpu.memory_space<vmem>> -> memref<80x64xf32, #tpu.memory_space<vmem>>
      tpu.wait_dma2 semaphore(%run_scoped3A : memref<!tpu.dma_semaphore, #tpu.memory_space<semaphore_mem>>) src(%dma_wait3A_83 : memref<80x64xf32, #tpu.memory_space<vmem>>) dst(%dma_wait3A_80 : memref<80x64xf32, #tpu.memory_space<hbm>>)
      tpu.yield
    }) : () -> ()
    %add3A_34 = arith.constant 80 : i32
    %add3A_35 = arith.addi %mul3A_2, %add3A_34 : i32
    "tpu.region"() ({
      %run_scoped3A = tpu.sem_alloc : memref<!tpu.dma_semaphore, #tpu.memory_space<semaphore_mem>>
      %dma_start3A = arith.constant 0 : i32
      %dma_start3A_50 = arith.constant 0 : i32
      %dma_start3A_51 = tpu.memref_slice %arg11[%dma_start3A, %dma_start3A_50] : memref<80x64xf32, #tpu.memory_space<vmem>> -> memref<80x64xf32, #tpu.memory_space<vmem>>
      %dma_start3A_52 = arith.constant 0 : i32
      %dma_start3A_53 = tpu.memref_slice %arg12[%add3A_35, %dma_start3A_52] : memref<10112x64xf32, #tpu.memory_space<vmem_shared>> -> memref<80x64xf32, #tpu.memory_space<vmem_shared>>
      %dma_start3A_54 = arith.constant 0 : i32
      %dma_start3A_55 = arith.constant 0 : i32
      %dma_start3A_56 = tpu.memref_slice %arg11[%dma_start3A_54, %dma_start3A_55] : memref<80x64xf32, #tpu.memory_space<vmem>> -> memref<80x64xf32, #tpu.memory_space<vmem>>
      %dma_start3A_57 = arith.constant 0 : i32
      %dma_start3A_58 = tpu.memref_slice %arg12[%add3A_35, %dma_start3A_57] : memref<10112x64xf32, #tpu.memory_space<vmem_shared>> -> memref<80x64xf32, #tpu.memory_space<vmem_shared>>
      tpu.enqueue_dma source(%dma_start3A_58 : memref<80x64xf32, #tpu.memory_space<vmem_shared>>) target(%dma_start3A_56 : memref<80x64xf32, #tpu.memory_space<vmem>>) target_semaphore(%run_scoped3A : memref<!tpu.dma_semaphore, #tpu.memory_space<semaphore_mem>>)
      %dma_wait3A = arith.constant 0 : i32
      %dma_wait3A_59 = arith.constant 0 : i32
      %dma_wait3A_60 = tpu.memref_slice %arg11[%dma_wait3A, %dma_wait3A_59] : memref<80x64xf32, #tpu.memory_space<vmem>> -> memref<80x64xf32, #tpu.memory_space<vmem>>
      %dma_wait3A_61 = arith.constant 0 : i32
      %dma_wait3A_62 = tpu.memref_slice %arg12[%add3A_35, %dma_wait3A_61] : memref<10112x64xf32, #tpu.memory_space<vmem_shared>> -> memref<80x64xf32, #tpu.memory_space<vmem_shared>>
      %dma_wait3A_63 = arith.constant 0 : i32
      %dma_wait3A_64 = arith.constant 0 : i32
      %dma_wait3A_65 = tpu.memref_slice %arg11[%dma_wait3A_63, %dma_wait3A_64] : memref<80x64xf32, #tpu.memory_space<vmem>> -> memref<80x64xf32, #tpu.memory_space<vmem>>
      %dma_wait3A_66 = arith.constant 0 : i32
      %dma_wait3A_67 = tpu.memref_slice %arg12[%add3A_35, %dma_wait3A_66] : memref<10112x64xf32, #tpu.memory_space<vmem_shared>> -> memref<80x64xf32, #tpu.memory_space<vmem_shared>>
      tpu.wait_dma2 semaphore(%run_scoped3A : memref<!tpu.dma_semaphore, #tpu.memory_space<semaphore_mem>>) src(%dma_wait3A_67 : memref<80x64xf32, #tpu.memory_space<vmem_shared>>) dst(%dma_wait3A_65 : memref<80x64xf32, #tpu.memory_space<vmem>>)
      tpu.yield
    }) : () -> ()
    "tpu.region"() ({
      %run_scoped3A = tpu.sem_alloc : memref<!tpu.dma_semaphore, #tpu.memory_space<semaphore_mem>>
      %dma_start3A = arith.constant 0 : i32
      %dma_start3A_50 = arith.constant 0 : i32
      %dma_start3A_51 = tpu.memref_slice %arg11[%dma_start3A, %dma_start3A_50] : memref<80x64xf32, #tpu.memory_space<vmem>> -> memref<80x64xf32, #tpu.memory_space<vmem>>
      %dma_start3A_52 = arith.constant 0 : i32
      %dma_start3A_53 = arith.constant 0 : i32
      %dma_start3A_54 = tpu.memref_slice %arg6[%arg0, %dma_start3A_52, %dma_start3A_53] : memref<2x10112x64xf32, #tpu.memory_space<hbm>> -> memref<1x10112x64xf32, #tpu.memory_space<hbm>>
      %dma_start3A_55 = tpu.memref_squeeze %dma_start3A_54 : memref<1x10112x64xf32, #tpu.memory_space<hbm>> -> memref<10112x64xf32, #tpu.memory_space<hbm>>
      %dma_start3A_56 = arith.constant 0 : i32
      %dma_start3A_57 = tpu.memref_slice %dma_start3A_55[%add3A_35, %dma_start3A_56] : memref<10112x64xf32, #tpu.memory_space<hbm>> -> memref<80x64xf32, #tpu.memory_space<hbm>>
      %dma_start3A_58 = arith.constant 0 : i32
      %dma_start3A_59 = arith.constant 0 : i32
      %dma_start3A_60 = tpu.memref_slice %arg6[%arg0, %dma_start3A_58, %dma_start3A_59] : memref<2x10112x64xf32, #tpu.memory_space<hbm>> -> memref<1x10112x64xf32, #tpu.memory_space<hbm>>
      %dma_start3A_61 = tpu.memref_squeeze %dma_start3A_60 : memref<1x10112x64xf32, #tpu.memory_space<hbm>> -> memref<10112x64xf32, #tpu.memory_space<hbm>>
      %dma_start3A_62 = arith.constant 0 : i32
      %dma_start3A_63 = tpu.memref_slice %dma_start3A_61[%add3A_35, %dma_start3A_62] : memref<10112x64xf32, #tpu.memory_space<hbm>> -> memref<80x64xf32, #tpu.memory_space<hbm>>
      %dma_start3A_64 = arith.constant 0 : i32
      %dma_start3A_65 = arith.constant 0 : i32
      %dma_start3A_66 = tpu.memref_slice %arg11[%dma_start3A_64, %dma_start3A_65] : memref<80x64xf32, #tpu.memory_space<vmem>> -> memref<80x64xf32, #tpu.memory_space<vmem>>
      tpu.enqueue_dma source(%dma_start3A_66 : memref<80x64xf32, #tpu.memory_space<vmem>>) target(%dma_start3A_63 : memref<80x64xf32, #tpu.memory_space<hbm>>) target_semaphore(%run_scoped3A : memref<!tpu.dma_semaphore, #tpu.memory_space<semaphore_mem>>)
      %dma_wait3A = arith.constant 0 : i32
      %dma_wait3A_67 = arith.constant 0 : i32
      %dma_wait3A_68 = tpu.memref_slice %arg11[%dma_wait3A, %dma_wait3A_67] : memref<80x64xf32, #tpu.memory_space<vmem>> -> memref<80x64xf32, #tpu.memory_space<vmem>>
      %dma_wait3A_69 = arith.constant 0 : i32
      %dma_wait3A_70 = arith.constant 0 : i32
      %dma_wait3A_71 = tpu.memref_slice %arg6[%arg0, %dma_wait3A_69, %dma_wait3A_70] : memref<2x10112x64xf32, #tpu.memory_space<hbm>> -> memref<1x10112x64xf32, #tpu.memory_space<hbm>>
      %dma_wait3A_72 = tpu.memref_squeeze %dma_wait3A_71 : memref<1x10112x64xf32, #tpu.memory_space<hbm>> -> memref<10112x64xf32, #tpu.memory_space<hbm>>
      %dma_wait3A_73 = arith.constant 0 : i32
      %dma_wait3A_74 = tpu.memref_slice %dma_wait3A_72[%add3A_35, %dma_wait3A_73] : memref<10112x64xf32, #tpu.memory_space<hbm>> -> memref<80x64xf32, #tpu.memory_space<hbm>>
      %dma_wait3A_75 = arith.constant 0 : i32
      %dma_wait3A_76 = arith.constant 0 : i32
      %dma_wait3A_77 = tpu.memref_slice %arg6[%arg0, %dma_wait3A_75, %dma_wait3A_76] : memref<2x10112x64xf32, #tpu.memory_space<hbm>> -> memref<1x10112x64xf32, #tpu.memory_space<hbm>>
      %dma_wait3A_78 = tpu.memref_squeeze %dma_wait3A_77 : memref<1x10112x64xf32, #tpu.memory_space<hbm>> -> memref<10112x64xf32, #tpu.memory_space<hbm>>
      %dma_wait3A_79 = arith.constant 0 : i32
      %dma_wait3A_80 = tpu.memref_slice %dma_wait3A_78[%add3A_35, %dma_wait3A_79] : memref<10112x64xf32, #tpu.memory_space<hbm>> -> memref<80x64xf32, #tpu.memory_space<hbm>>
      %dma_wait3A_81 = arith.constant 0 : i32
      %dma_wait3A_82 = arith.constant 0 : i32
      %dma_wait3A_83 = tpu.memref_slice %arg11[%dma_wait3A_81, %dma_wait3A_82] : memref<80x64xf32, #tpu.memory_space<vmem>> -> memref<80x64xf32, #tpu.memory_space<vmem>>
      tpu.wait_dma2 semaphore(%run_scoped3A : memref<!tpu.dma_semaphore, #tpu.memory_space<semaphore_mem>>) src(%dma_wait3A_83 : memref<80x64xf32, #tpu.memory_space<vmem>>) dst(%dma_wait3A_80 : memref<80x64xf32, #tpu.memory_space<hbm>>)
      tpu.yield
    }) : () -> ()
    %add3A_36 = arith.constant 80 : i32
    %add3A_37 = arith.addi %add3A_35, %add3A_36 : i32
    "tpu.region"() ({
      %run_scoped3A = tpu.sem_alloc : memref<!tpu.dma_semaphore, #tpu.memory_space<semaphore_mem>>
      %dma_start3A = arith.constant 0 : i32
      %dma_start3A_50 = arith.constant 0 : i32
      %dma_start3A_51 = tpu.memref_slice %arg11[%dma_start3A, %dma_start3A_50] : memref<80x64xf32, #tpu.memory_space<vmem>> -> memref<80x64xf32, #tpu.memory_space<vmem>>
      %dma_start3A_52 = arith.constant 0 : i32
      %dma_start3A_53 = tpu.memref_slice %arg12[%add3A_37, %dma_start3A_52] : memref<10112x64xf32, #tpu.memory_space<vmem_shared>> -> memref<80x64xf32, #tpu.memory_space<vmem_shared>>
      %dma_start3A_54 = arith.constant 0 : i32
      %dma_start3A_55 = arith.constant 0 : i32
      %dma_start3A_56 = tpu.memref_slice %arg11[%dma_start3A_54, %dma_start3A_55] : memref<80x64xf32, #tpu.memory_space<vmem>> -> memref<80x64xf32, #tpu.memory_space<vmem>>
      %dma_start3A_57 = arith.constant 0 : i32
      %dma_start3A_58 = tpu.memref_slice %arg12[%add3A_37, %dma_start3A_57] : memref<10112x64xf32, #tpu.memory_space<vmem_shared>> -> memref<80x64xf32, #tpu.memory_space<vmem_shared>>
      tpu.enqueue_dma source(%dma_start3A_58 : memref<80x64xf32, #tpu.memory_space<vmem_shared>>) target(%dma_start3A_56 : memref<80x64xf32, #tpu.memory_space<vmem>>) target_semaphore(%run_scoped3A : memref<!tpu.dma_semaphore, #tpu.memory_space<semaphore_mem>>)
      %dma_wait3A = arith.constant 0 : i32
      %dma_wait3A_59 = arith.constant 0 : i32
      %dma_wait3A_60 = tpu.memref_slice %arg11[%dma_wait3A, %dma_wait3A_59] : memref<80x64xf32, #tpu.memory_space<vmem>> -> memref<80x64xf32, #tpu.memory_space<vmem>>
      %dma_wait3A_61 = arith.constant 0 : i32
      %dma_wait3A_62 = tpu.memref_slice %arg12[%add3A_37, %dma_wait3A_61] : memref<10112x64xf32, #tpu.memory_space<vmem_shared>> -> memref<80x64xf32, #tpu.memory_space<vmem_shared>>
      %dma_wait3A_63 = arith.constant 0 : i32
      %dma_wait3A_64 = arith.constant 0 : i32
      %dma_wait3A_65 = tpu.memref_slice %arg11[%dma_wait3A_63, %dma_wait3A_64] : memref<80x64xf32, #tpu.memory_space<vmem>> -> memref<80x64xf32, #tpu.memory_space<vmem>>
      %dma_wait3A_66 = arith.constant 0 : i32
      %dma_wait3A_67 = tpu.memref_slice %arg12[%add3A_37, %dma_wait3A_66] : memref<10112x64xf32, #tpu.memory_space<vmem_shared>> -> memref<80x64xf32, #tpu.memory_space<vmem_shared>>
      tpu.wait_dma2 semaphore(%run_scoped3A : memref<!tpu.dma_semaphore, #tpu.memory_space<semaphore_mem>>) src(%dma_wait3A_67 : memref<80x64xf32, #tpu.memory_space<vmem_shared>>) dst(%dma_wait3A_65 : memref<80x64xf32, #tpu.memory_space<vmem>>)
      tpu.yield
    }) : () -> ()
    "tpu.region"() ({
      %run_scoped3A = tpu.sem_alloc : memref<!tpu.dma_semaphore, #tpu.memory_space<semaphore_mem>>
      %dma_start3A = arith.constant 0 : i32
      %dma_start3A_50 = arith.constant 0 : i32
      %dma_start3A_51 = tpu.memref_slice %arg11[%dma_start3A, %dma_start3A_50] : memref<80x64xf32, #tpu.memory_space<vmem>> -> memref<80x64xf32, #tpu.memory_space<vmem>>
      %dma_start3A_52 = arith.constant 0 : i32
      %dma_start3A_53 = arith.constant 0 : i32
      %dma_start3A_54 = tpu.memref_slice %arg6[%arg0, %dma_start3A_52, %dma_start3A_53] : memref<2x10112x64xf32, #tpu.memory_space<hbm>> -> memref<1x10112x64xf32, #tpu.memory_space<hbm>>
      %dma_start3A_55 = tpu.memref_squeeze %dma_start3A_54 : memref<1x10112x64xf32, #tpu.memory_space<hbm>> -> memref<10112x64xf32, #tpu.memory_space<hbm>>
      %dma_start3A_56 = arith.constant 0 : i32
      %dma_start3A_57 = tpu.memref_slice %dma_start3A_55[%add3A_37, %dma_start3A_56] : memref<10112x64xf32, #tpu.memory_space<hbm>> -> memref<80x64xf32, #tpu.memory_space<hbm>>
      %dma_start3A_58 = arith.constant 0 : i32
      %dma_start3A_59 = arith.constant 0 : i32
      %dma_start3A_60 = tpu.memref_slice %arg6[%arg0, %dma_start3A_58, %dma_start3A_59] : memref<2x10112x64xf32, #tpu.memory_space<hbm>> -> memref<1x10112x64xf32, #tpu.memory_space<hbm>>
      %dma_start3A_61 = tpu.memref_squeeze %dma_start3A_60 : memref<1x10112x64xf32, #tpu.memory_space<hbm>> -> memref<10112x64xf32, #tpu.memory_space<hbm>>
      %dma_start3A_62 = arith.constant 0 : i32
      %dma_start3A_63 = tpu.memref_slice %dma_start3A_61[%add3A_37, %dma_start3A_62] : memref<10112x64xf32, #tpu.memory_space<hbm>> -> memref<80x64xf32, #tpu.memory_space<hbm>>
      %dma_start3A_64 = arith.constant 0 : i32
      %dma_start3A_65 = arith.constant 0 : i32
      %dma_start3A_66 = tpu.memref_slice %arg11[%dma_start3A_64, %dma_start3A_65] : memref<80x64xf32, #tpu.memory_space<vmem>> -> memref<80x64xf32, #tpu.memory_space<vmem>>
      tpu.enqueue_dma source(%dma_start3A_66 : memref<80x64xf32, #tpu.memory_space<vmem>>) target(%dma_start3A_63 : memref<80x64xf32, #tpu.memory_space<hbm>>) target_semaphore(%run_scoped3A : memref<!tpu.dma_semaphore, #tpu.memory_space<semaphore_mem>>)
      %dma_wait3A = arith.constant 0 : i32
      %dma_wait3A_67 = arith.constant 0 : i32
      %dma_wait3A_68 = tpu.memref_slice %arg11[%dma_wait3A, %dma_wait3A_67] : memref<80x64xf32, #tpu.memory_space<vmem>> -> memref<80x64xf32, #tpu.memory_space<vmem>>
      %dma_wait3A_69 = arith.constant 0 : i32
      %dma_wait3A_70 = arith.constant 0 : i32
      %dma_wait3A_71 = tpu.memref_slice %arg6[%arg0, %dma_wait3A_69, %dma_wait3A_70] : memref<2x10112x64xf32, #tpu.memory_space<hbm>> -> memref<1x10112x64xf32, #tpu.memory_space<hbm>>
      %dma_wait3A_72 = tpu.memref_squeeze %dma_wait3A_71 : memref<1x10112x64xf32, #tpu.memory_space<hbm>> -> memref<10112x64xf32, #tpu.memory_space<hbm>>
      %dma_wait3A_73 = arith.constant 0 : i32
      %dma_wait3A_74 = tpu.memref_slice %dma_wait3A_72[%add3A_37, %dma_wait3A_73] : memref<10112x64xf32, #tpu.memory_space<hbm>> -> memref<80x64xf32, #tpu.memory_space<hbm>>
      %dma_wait3A_75 = arith.constant 0 : i32
      %dma_wait3A_76 = arith.constant 0 : i32
      %dma_wait3A_77 = tpu.memref_slice %arg6[%arg0, %dma_wait3A_75, %dma_wait3A_76] : memref<2x10112x64xf32, #tpu.memory_space<hbm>> -> memref<1x10112x64xf32, #tpu.memory_space<hbm>>
      %dma_wait3A_78 = tpu.memref_squeeze %dma_wait3A_77 : memref<1x10112x64xf32, #tpu.memory_space<hbm>> -> memref<10112x64xf32, #tpu.memory_space<hbm>>
      %dma_wait3A_79 = arith.constant 0 : i32
      %dma_wait3A_80 = tpu.memref_slice %dma_wait3A_78[%add3A_37, %dma_wait3A_79] : memref<10112x64xf32, #tpu.memory_space<hbm>> -> memref<80x64xf32, #tpu.memory_space<hbm>>
      %dma_wait3A_81 = arith.constant 0 : i32
      %dma_wait3A_82 = arith.constant 0 : i32
      %dma_wait3A_83 = tpu.memref_slice %arg11[%dma_wait3A_81, %dma_wait3A_82] : memref<80x64xf32, #tpu.memory_space<vmem>> -> memref<80x64xf32, #tpu.memory_space<vmem>>
      tpu.wait_dma2 semaphore(%run_scoped3A : memref<!tpu.dma_semaphore, #tpu.memory_space<semaphore_mem>>) src(%dma_wait3A_83 : memref<80x64xf32, #tpu.memory_space<vmem>>) dst(%dma_wait3A_80 : memref<80x64xf32, #tpu.memory_space<hbm>>)
      tpu.yield
    }) : () -> ()
    %add3A_38 = arith.constant 80 : i32
    %add3A_39 = arith.addi %add3A_37, %add3A_38 : i32
    "tpu.region"() ({
      %run_scoped3A = tpu.sem_alloc : memref<!tpu.dma_semaphore, #tpu.memory_space<semaphore_mem>>
      %dma_start3A = arith.constant 0 : i32
      %dma_start3A_50 = arith.constant 0 : i32
      %dma_start3A_51 = tpu.memref_slice %arg11[%dma_start3A, %dma_start3A_50] : memref<80x64xf32, #tpu.memory_space<vmem>> -> memref<80x64xf32, #tpu.memory_space<vmem>>
      %dma_start3A_52 = arith.constant 0 : i32
      %dma_start3A_53 = tpu.memref_slice %arg12[%add3A_39, %dma_start3A_52] : memref<10112x64xf32, #tpu.memory_space<vmem_shared>> -> memref<80x64xf32, #tpu.memory_space<vmem_shared>>
      %dma_start3A_54 = arith.constant 0 : i32
      %dma_start3A_55 = arith.constant 0 : i32
      %dma_start3A_56 = tpu.memref_slice %arg11[%dma_start3A_54, %dma_start3A_55] : memref<80x64xf32, #tpu.memory_space<vmem>> -> memref<80x64xf32, #tpu.memory_space<vmem>>
      %dma_start3A_57 = arith.constant 0 : i32
      %dma_start3A_58 = tpu.memref_slice %arg12[%add3A_39, %dma_start3A_57] : memref<10112x64xf32, #tpu.memory_space<vmem_shared>> -> memref<80x64xf32, #tpu.memory_space<vmem_shared>>
      tpu.enqueue_dma source(%dma_start3A_58 : memref<80x64xf32, #tpu.memory_space<vmem_shared>>) target(%dma_start3A_56 : memref<80x64xf32, #tpu.memory_space<vmem>>) target_semaphore(%run_scoped3A : memref<!tpu.dma_semaphore, #tpu.memory_space<semaphore_mem>>)
      %dma_wait3A = arith.constant 0 : i32
      %dma_wait3A_59 = arith.constant 0 : i32
      %dma_wait3A_60 = tpu.memref_slice %arg11[%dma_wait3A, %dma_wait3A_59] : memref<80x64xf32, #tpu.memory_space<vmem>> -> memref<80x64xf32, #tpu.memory_space<vmem>>
      %dma_wait3A_61 = arith.constant 0 : i32
      %dma_wait3A_62 = tpu.memref_slice %arg12[%add3A_39, %dma_wait3A_61] : memref<10112x64xf32, #tpu.memory_space<vmem_shared>> -> memref<80x64xf32, #tpu.memory_space<vmem_shared>>
      %dma_wait3A_63 = arith.constant 0 : i32
      %dma_wait3A_64 = arith.constant 0 : i32
      %dma_wait3A_65 = tpu.memref_slice %arg11[%dma_wait3A_63, %dma_wait3A_64] : memref<80x64xf32, #tpu.memory_space<vmem>> -> memref<80x64xf32, #tpu.memory_space<vmem>>
      %dma_wait3A_66 = arith.constant 0 : i32
      %dma_wait3A_67 = tpu.memref_slice %arg12[%add3A_39, %dma_wait3A_66] : memref<10112x64xf32, #tpu.memory_space<vmem_shared>> -> memref<80x64xf32, #tpu.memory_space<vmem_shared>>
      tpu.wait_dma2 semaphore(%run_scoped3A : memref<!tpu.dma_semaphore, #tpu.memory_space<semaphore_mem>>) src(%dma_wait3A_67 : memref<80x64xf32, #tpu.memory_space<vmem_shared>>) dst(%dma_wait3A_65 : memref<80x64xf32, #tpu.memory_space<vmem>>)
      tpu.yield
    }) : () -> ()
    "tpu.region"() ({
      %run_scoped3A = tpu.sem_alloc : memref<!tpu.dma_semaphore, #tpu.memory_space<semaphore_mem>>
      %dma_start3A = arith.constant 0 : i32
      %dma_start3A_50 = arith.constant 0 : i32
      %dma_start3A_51 = tpu.memref_slice %arg11[%dma_start3A, %dma_start3A_50] : memref<80x64xf32, #tpu.memory_space<vmem>> -> memref<80x64xf32, #tpu.memory_space<vmem>>
      %dma_start3A_52 = arith.constant 0 : i32
      %dma_start3A_53 = arith.constant 0 : i32
      %dma_start3A_54 = tpu.memref_slice %arg6[%arg0, %dma_start3A_52, %dma_start3A_53] : memref<2x10112x64xf32, #tpu.memory_space<hbm>> -> memref<1x10112x64xf32, #tpu.memory_space<hbm>>
      %dma_start3A_55 = tpu.memref_squeeze %dma_start3A_54 : memref<1x10112x64xf32, #tpu.memory_space<hbm>> -> memref<10112x64xf32, #tpu.memory_space<hbm>>
      %dma_start3A_56 = arith.constant 0 : i32
      %dma_start3A_57 = tpu.memref_slice %dma_start3A_55[%add3A_39, %dma_start3A_56] : memref<10112x64xf32, #tpu.memory_space<hbm>> -> memref<80x64xf32, #tpu.memory_space<hbm>>
      %dma_start3A_58 = arith.constant 0 : i32
      %dma_start3A_59 = arith.constant 0 : i32
      %dma_start3A_60 = tpu.memref_slice %arg6[%arg0, %dma_start3A_58, %dma_start3A_59] : memref<2x10112x64xf32, #tpu.memory_space<hbm>> -> memref<1x10112x64xf32, #tpu.memory_space<hbm>>
      %dma_start3A_61 = tpu.memref_squeeze %dma_start3A_60 : memref<1x10112x64xf32, #tpu.memory_space<hbm>> -> memref<10112x64xf32, #tpu.memory_space<hbm>>
      %dma_start3A_62 = arith.constant 0 : i32
      %dma_start3A_63 = tpu.memref_slice %dma_start3A_61[%add3A_39, %dma_start3A_62] : memref<10112x64xf32, #tpu.memory_space<hbm>> -> memref<80x64xf32, #tpu.memory_space<hbm>>
      %dma_start3A_64 = arith.constant 0 : i32
      %dma_start3A_65 = arith.constant 0 : i32
      %dma_start3A_66 = tpu.memref_slice %arg11[%dma_start3A_64, %dma_start3A_65] : memref<80x64xf32, #tpu.memory_space<vmem>> -> memref<80x64xf32, #tpu.memory_space<vmem>>
      tpu.enqueue_dma source(%dma_start3A_66 : memref<80x64xf32, #tpu.memory_space<vmem>>) target(%dma_start3A_63 : memref<80x64xf32, #tpu.memory_space<hbm>>) target_semaphore(%run_scoped3A : memref<!tpu.dma_semaphore, #tpu.memory_space<semaphore_mem>>)
      %dma_wait3A = arith.constant 0 : i32
      %dma_wait3A_67 = arith.constant 0 : i32
      %dma_wait3A_68 = tpu.memref_slice %arg11[%dma_wait3A, %dma_wait3A_67] : memref<80x64xf32, #tpu.memory_space<vmem>> -> memref<80x64xf32, #tpu.memory_space<vmem>>
      %dma_wait3A_69 = arith.constant 0 : i32
      %dma_wait3A_70 = arith.constant 0 : i32
      %dma_wait3A_71 = tpu.memref_slice %arg6[%arg0, %dma_wait3A_69, %dma_wait3A_70] : memref<2x10112x64xf32, #tpu.memory_space<hbm>> -> memref<1x10112x64xf32, #tpu.memory_space<hbm>>
      %dma_wait3A_72 = tpu.memref_squeeze %dma_wait3A_71 : memref<1x10112x64xf32, #tpu.memory_space<hbm>> -> memref<10112x64xf32, #tpu.memory_space<hbm>>
      %dma_wait3A_73 = arith.constant 0 : i32
      %dma_wait3A_74 = tpu.memref_slice %dma_wait3A_72[%add3A_39, %dma_wait3A_73] : memref<10112x64xf32, #tpu.memory_space<hbm>> -> memref<80x64xf32, #tpu.memory_space<hbm>>
      %dma_wait3A_75 = arith.constant 0 : i32
      %dma_wait3A_76 = arith.constant 0 : i32
      %dma_wait3A_77 = tpu.memref_slice %arg6[%arg0, %dma_wait3A_75, %dma_wait3A_76] : memref<2x10112x64xf32, #tpu.memory_space<hbm>> -> memref<1x10112x64xf32, #tpu.memory_space<hbm>>
      %dma_wait3A_78 = tpu.memref_squeeze %dma_wait3A_77 : memref<1x10112x64xf32, #tpu.memory_space<hbm>> -> memref<10112x64xf32, #tpu.memory_space<hbm>>
      %dma_wait3A_79 = arith.constant 0 : i32
      %dma_wait3A_80 = tpu.memref_slice %dma_wait3A_78[%add3A_39, %dma_wait3A_79] : memref<10112x64xf32, #tpu.memory_space<hbm>> -> memref<80x64xf32, #tpu.memory_space<hbm>>
      %dma_wait3A_81 = arith.constant 0 : i32
      %dma_wait3A_82 = arith.constant 0 : i32
      %dma_wait3A_83 = tpu.memref_slice %arg11[%dma_wait3A_81, %dma_wait3A_82] : memref<80x64xf32, #tpu.memory_space<vmem>> -> memref<80x64xf32, #tpu.memory_space<vmem>>
      tpu.wait_dma2 semaphore(%run_scoped3A : memref<!tpu.dma_semaphore, #tpu.memory_space<semaphore_mem>>) src(%dma_wait3A_83 : memref<80x64xf32, #tpu.memory_space<vmem>>) dst(%dma_wait3A_80 : memref<80x64xf32, #tpu.memory_space<hbm>>)
      tpu.yield
    }) : () -> ()
    %add3A_40 = arith.constant 80 : i32
    %add3A_41 = arith.addi %add3A_39, %add3A_40 : i32
    "tpu.region"() ({
      %run_scoped3A = tpu.sem_alloc : memref<!tpu.dma_semaphore, #tpu.memory_space<semaphore_mem>>
      %dma_start3A = arith.constant 0 : i32
      %dma_start3A_50 = arith.constant 0 : i32
      %dma_start3A_51 = tpu.memref_slice %arg11[%dma_start3A, %dma_start3A_50] : memref<80x64xf32, #tpu.memory_space<vmem>> -> memref<80x64xf32, #tpu.memory_space<vmem>>
      %dma_start3A_52 = arith.constant 0 : i32
      %dma_start3A_53 = tpu.memref_slice %arg12[%add3A_41, %dma_start3A_52] : memref<10112x64xf32, #tpu.memory_space<vmem_shared>> -> memref<80x64xf32, #tpu.memory_space<vmem_shared>>
      %dma_start3A_54 = arith.constant 0 : i32
      %dma_start3A_55 = arith.constant 0 : i32
      %dma_start3A_56 = tpu.memref_slice %arg11[%dma_start3A_54, %dma_start3A_55] : memref<80x64xf32, #tpu.memory_space<vmem>> -> memref<80x64xf32, #tpu.memory_space<vmem>>
      %dma_start3A_57 = arith.constant 0 : i32
      %dma_start3A_58 = tpu.memref_slice %arg12[%add3A_41, %dma_start3A_57] : memref<10112x64xf32, #tpu.memory_space<vmem_shared>> -> memref<80x64xf32, #tpu.memory_space<vmem_shared>>
      tpu.enqueue_dma source(%dma_start3A_58 : memref<80x64xf32, #tpu.memory_space<vmem_shared>>) target(%dma_start3A_56 : memref<80x64xf32, #tpu.memory_space<vmem>>) target_semaphore(%run_scoped3A : memref<!tpu.dma_semaphore, #tpu.memory_space<semaphore_mem>>)
      %dma_wait3A = arith.constant 0 : i32
      %dma_wait3A_59 = arith.constant 0 : i32
      %dma_wait3A_60 = tpu.memref_slice %arg11[%dma_wait3A, %dma_wait3A_59] : memref<80x64xf32, #tpu.memory_space<vmem>> -> memref<80x64xf32, #tpu.memory_space<vmem>>
      %dma_wait3A_61 = arith.constant 0 : i32
      %dma_wait3A_62 = tpu.memref_slice %arg12[%add3A_41, %dma_wait3A_61] : memref<10112x64xf32, #tpu.memory_space<vmem_shared>> -> memref<80x64xf32, #tpu.memory_space<vmem_shared>>
      %dma_wait3A_63 = arith.constant 0 : i32
      %dma_wait3A_64 = arith.constant 0 : i32
      %dma_wait3A_65 = tpu.memref_slice %arg11[%dma_wait3A_63, %dma_wait3A_64] : memref<80x64xf32, #tpu.memory_space<vmem>> -> memref<80x64xf32, #tpu.memory_space<vmem>>
      %dma_wait3A_66 = arith.constant 0 : i32
      %dma_wait3A_67 = tpu.memref_slice %arg12[%add3A_41, %dma_wait3A_66] : memref<10112x64xf32, #tpu.memory_space<vmem_shared>> -> memref<80x64xf32, #tpu.memory_space<vmem_shared>>
      tpu.wait_dma2 semaphore(%run_scoped3A : memref<!tpu.dma_semaphore, #tpu.memory_space<semaphore_mem>>) src(%dma_wait3A_67 : memref<80x64xf32, #tpu.memory_space<vmem_shared>>) dst(%dma_wait3A_65 : memref<80x64xf32, #tpu.memory_space<vmem>>)
      tpu.yield
    }) : () -> ()
    "tpu.region"() ({
      %run_scoped3A = tpu.sem_alloc : memref<!tpu.dma_semaphore, #tpu.memory_space<semaphore_mem>>
      %dma_start3A = arith.constant 0 : i32
      %dma_start3A_50 = arith.constant 0 : i32
      %dma_start3A_51 = tpu.memref_slice %arg11[%dma_start3A, %dma_start3A_50] : memref<80x64xf32, #tpu.memory_space<vmem>> -> memref<80x64xf32, #tpu.memory_space<vmem>>
      %dma_start3A_52 = arith.constant 0 : i32
      %dma_start3A_53 = arith.constant 0 : i32
      %dma_start3A_54 = tpu.memref_slice %arg6[%arg0, %dma_start3A_52, %dma_start3A_53] : memref<2x10112x64xf32, #tpu.memory_space<hbm>> -> memref<1x10112x64xf32, #tpu.memory_space<hbm>>
      %dma_start3A_55 = tpu.memref_squeeze %dma_start3A_54 : memref<1x10112x64xf32, #tpu.memory_space<hbm>> -> memref<10112x64xf32, #tpu.memory_space<hbm>>
      %dma_start3A_56 = arith.constant 0 : i32
      %dma_start3A_57 = tpu.memref_slice %dma_start3A_55[%add3A_41, %dma_start3A_56] : memref<10112x64xf32, #tpu.memory_space<hbm>> -> memref<80x64xf32, #tpu.memory_space<hbm>>
      %dma_start3A_58 = arith.constant 0 : i32
      %dma_start3A_59 = arith.constant 0 : i32
      %dma_start3A_60 = tpu.memref_slice %arg6[%arg0, %dma_start3A_58, %dma_start3A_59] : memref<2x10112x64xf32, #tpu.memory_space<hbm>> -> memref<1x10112x64xf32, #tpu.memory_space<hbm>>
      %dma_start3A_61 = tpu.memref_squeeze %dma_start3A_60 : memref<1x10112x64xf32, #tpu.memory_space<hbm>> -> memref<10112x64xf32, #tpu.memory_space<hbm>>
      %dma_start3A_62 = arith.constant 0 : i32
      %dma_start3A_63 = tpu.memref_slice %dma_start3A_61[%add3A_41, %dma_start3A_62] : memref<10112x64xf32, #tpu.memory_space<hbm>> -> memref<80x64xf32, #tpu.memory_space<hbm>>
      %dma_start3A_64 = arith.constant 0 : i32
      %dma_start3A_65 = arith.constant 0 : i32
      %dma_start3A_66 = tpu.memref_slice %arg11[%dma_start3A_64, %dma_start3A_65] : memref<80x64xf32, #tpu.memory_space<vmem>> -> memref<80x64xf32, #tpu.memory_space<vmem>>
      tpu.enqueue_dma source(%dma_start3A_66 : memref<80x64xf32, #tpu.memory_space<vmem>>) target(%dma_start3A_63 : memref<80x64xf32, #tpu.memory_space<hbm>>) target_semaphore(%run_scoped3A : memref<!tpu.dma_semaphore, #tpu.memory_space<semaphore_mem>>)
      %dma_wait3A = arith.constant 0 : i32
      %dma_wait3A_67 = arith.constant 0 : i32
      %dma_wait3A_68 = tpu.memref_slice %arg11[%dma_wait3A, %dma_wait3A_67] : memref<80x64xf32, #tpu.memory_space<vmem>> -> memref<80x64xf32, #tpu.memory_space<vmem>>
      %dma_wait3A_69 = arith.constant 0 : i32
      %dma_wait3A_70 = arith.constant 0 : i32
      %dma_wait3A_71 = tpu.memref_slice %arg6[%arg0, %dma_wait3A_69, %dma_wait3A_70] : memref<2x10112x64xf32, #tpu.memory_space<hbm>> -> memref<1x10112x64xf32, #tpu.memory_space<hbm>>
      %dma_wait3A_72 = tpu.memref_squeeze %dma_wait3A_71 : memref<1x10112x64xf32, #tpu.memory_space<hbm>> -> memref<10112x64xf32, #tpu.memory_space<hbm>>
      %dma_wait3A_73 = arith.constant 0 : i32
      %dma_wait3A_74 = tpu.memref_slice %dma_wait3A_72[%add3A_41, %dma_wait3A_73] : memref<10112x64xf32, #tpu.memory_space<hbm>> -> memref<80x64xf32, #tpu.memory_space<hbm>>
      %dma_wait3A_75 = arith.constant 0 : i32
      %dma_wait3A_76 = arith.constant 0 : i32
      %dma_wait3A_77 = tpu.memref_slice %arg6[%arg0, %dma_wait3A_75, %dma_wait3A_76] : memref<2x10112x64xf32, #tpu.memory_space<hbm>> -> memref<1x10112x64xf32, #tpu.memory_space<hbm>>
      %dma_wait3A_78 = tpu.memref_squeeze %dma_wait3A_77 : memref<1x10112x64xf32, #tpu.memory_space<hbm>> -> memref<10112x64xf32, #tpu.memory_space<hbm>>
      %dma_wait3A_79 = arith.constant 0 : i32
      %dma_wait3A_80 = tpu.memref_slice %dma_wait3A_78[%add3A_41, %dma_wait3A_79] : memref<10112x64xf32, #tpu.memory_space<hbm>> -> memref<80x64xf32, #tpu.memory_space<hbm>>
      %dma_wait3A_81 = arith.constant 0 : i32
      %dma_wait3A_82 = arith.constant 0 : i32
      %dma_wait3A_83 = tpu.memref_slice %arg11[%dma_wait3A_81, %dma_wait3A_82] : memref<80x64xf32, #tpu.memory_space<vmem>> -> memref<80x64xf32, #tpu.memory_space<vmem>>
      tpu.wait_dma2 semaphore(%run_scoped3A : memref<!tpu.dma_semaphore, #tpu.memory_space<semaphore_mem>>) src(%dma_wait3A_83 : memref<80x64xf32, #tpu.memory_space<vmem>>) dst(%dma_wait3A_80 : memref<80x64xf32, #tpu.memory_space<hbm>>)
      tpu.yield
    }) : () -> ()
    %add3A_42 = arith.constant 80 : i32
    %add3A_43 = arith.addi %add3A_41, %add3A_42 : i32
    "tpu.region"() ({
      %run_scoped3A = tpu.sem_alloc : memref<!tpu.dma_semaphore, #tpu.memory_space<semaphore_mem>>
      %dma_start3A = arith.constant 0 : i32
      %dma_start3A_50 = arith.constant 0 : i32
      %dma_start3A_51 = tpu.memref_slice %arg11[%dma_start3A, %dma_start3A_50] : memref<80x64xf32, #tpu.memory_space<vmem>> -> memref<80x64xf32, #tpu.memory_space<vmem>>
      %dma_start3A_52 = arith.constant 0 : i32
      %dma_start3A_53 = tpu.memref_slice %arg12[%add3A_43, %dma_start3A_52] : memref<10112x64xf32, #tpu.memory_space<vmem_shared>> -> memref<80x64xf32, #tpu.memory_space<vmem_shared>>
      %dma_start3A_54 = arith.constant 0 : i32
      %dma_start3A_55 = arith.constant 0 : i32
      %dma_start3A_56 = tpu.memref_slice %arg11[%dma_start3A_54, %dma_start3A_55] : memref<80x64xf32, #tpu.memory_space<vmem>> -> memref<80x64xf32, #tpu.memory_space<vmem>>
      %dma_start3A_57 = arith.constant 0 : i32
      %dma_start3A_58 = tpu.memref_slice %arg12[%add3A_43, %dma_start3A_57] : memref<10112x64xf32, #tpu.memory_space<vmem_shared>> -> memref<80x64xf32, #tpu.memory_space<vmem_shared>>
      tpu.enqueue_dma source(%dma_start3A_58 : memref<80x64xf32, #tpu.memory_space<vmem_shared>>) target(%dma_start3A_56 : memref<80x64xf32, #tpu.memory_space<vmem>>) target_semaphore(%run_scoped3A : memref<!tpu.dma_semaphore, #tpu.memory_space<semaphore_mem>>)
      %dma_wait3A = arith.constant 0 : i32
      %dma_wait3A_59 = arith.constant 0 : i32
      %dma_wait3A_60 = tpu.memref_slice %arg11[%dma_wait3A, %dma_wait3A_59] : memref<80x64xf32, #tpu.memory_space<vmem>> -> memref<80x64xf32, #tpu.memory_space<vmem>>
      %dma_wait3A_61 = arith.constant 0 : i32
      %dma_wait3A_62 = tpu.memref_slice %arg12[%add3A_43, %dma_wait3A_61] : memref<10112x64xf32, #tpu.memory_space<vmem_shared>> -> memref<80x64xf32, #tpu.memory_space<vmem_shared>>
      %dma_wait3A_63 = arith.constant 0 : i32
      %dma_wait3A_64 = arith.constant 0 : i32
      %dma_wait3A_65 = tpu.memref_slice %arg11[%dma_wait3A_63, %dma_wait3A_64] : memref<80x64xf32, #tpu.memory_space<vmem>> -> memref<80x64xf32, #tpu.memory_space<vmem>>
      %dma_wait3A_66 = arith.constant 0 : i32
      %dma_wait3A_67 = tpu.memref_slice %arg12[%add3A_43, %dma_wait3A_66] : memref<10112x64xf32, #tpu.memory_space<vmem_shared>> -> memref<80x64xf32, #tpu.memory_space<vmem_shared>>
      tpu.wait_dma2 semaphore(%run_scoped3A : memref<!tpu.dma_semaphore, #tpu.memory_space<semaphore_mem>>) src(%dma_wait3A_67 : memref<80x64xf32, #tpu.memory_space<vmem_shared>>) dst(%dma_wait3A_65 : memref<80x64xf32, #tpu.memory_space<vmem>>)
      tpu.yield
    }) : () -> ()
    "tpu.region"() ({
      %run_scoped3A = tpu.sem_alloc : memref<!tpu.dma_semaphore, #tpu.memory_space<semaphore_mem>>
      %dma_start3A = arith.constant 0 : i32
      %dma_start3A_50 = arith.constant 0 : i32
      %dma_start3A_51 = tpu.memref_slice %arg11[%dma_start3A, %dma_start3A_50] : memref<80x64xf32, #tpu.memory_space<vmem>> -> memref<80x64xf32, #tpu.memory_space<vmem>>
      %dma_start3A_52 = arith.constant 0 : i32
      %dma_start3A_53 = arith.constant 0 : i32
      %dma_start3A_54 = tpu.memref_slice %arg6[%arg0, %dma_start3A_52, %dma_start3A_53] : memref<2x10112x64xf32, #tpu.memory_space<hbm>> -> memref<1x10112x64xf32, #tpu.memory_space<hbm>>
      %dma_start3A_55 = tpu.memref_squeeze %dma_start3A_54 : memref<1x10112x64xf32, #tpu.memory_space<hbm>> -> memref<10112x64xf32, #tpu.memory_space<hbm>>
      %dma_start3A_56 = arith.constant 0 : i32
      %dma_start3A_57 = tpu.memref_slice %dma_start3A_55[%add3A_43, %dma_start3A_56] : memref<10112x64xf32, #tpu.memory_space<hbm>> -> memref<80x64xf32, #tpu.memory_space<hbm>>
      %dma_start3A_58 = arith.constant 0 : i32
      %dma_start3A_59 = arith.constant 0 : i32
      %dma_start3A_60 = tpu.memref_slice %arg6[%arg0, %dma_start3A_58, %dma_start3A_59] : memref<2x10112x64xf32, #tpu.memory_space<hbm>> -> memref<1x10112x64xf32, #tpu.memory_space<hbm>>
      %dma_start3A_61 = tpu.memref_squeeze %dma_start3A_60 : memref<1x10112x64xf32, #tpu.memory_space<hbm>> -> memref<10112x64xf32, #tpu.memory_space<hbm>>
      %dma_start3A_62 = arith.constant 0 : i32
      %dma_start3A_63 = tpu.memref_slice %dma_start3A_61[%add3A_43, %dma_start3A_62] : memref<10112x64xf32, #tpu.memory_space<hbm>> -> memref<80x64xf32, #tpu.memory_space<hbm>>
      %dma_start3A_64 = arith.constant 0 : i32
      %dma_start3A_65 = arith.constant 0 : i32
      %dma_start3A_66 = tpu.memref_slice %arg11[%dma_start3A_64, %dma_start3A_65] : memref<80x64xf32, #tpu.memory_space<vmem>> -> memref<80x64xf32, #tpu.memory_space<vmem>>
      tpu.enqueue_dma source(%dma_start3A_66 : memref<80x64xf32, #tpu.memory_space<vmem>>) target(%dma_start3A_63 : memref<80x64xf32, #tpu.memory_space<hbm>>) target_semaphore(%run_scoped3A : memref<!tpu.dma_semaphore, #tpu.memory_space<semaphore_mem>>)
      %dma_wait3A = arith.constant 0 : i32
      %dma_wait3A_67 = arith.constant 0 : i32
      %dma_wait3A_68 = tpu.memref_slice %arg11[%dma_wait3A, %dma_wait3A_67] : memref<80x64xf32, #tpu.memory_space<vmem>> -> memref<80x64xf32, #tpu.memory_space<vmem>>
      %dma_wait3A_69 = arith.constant 0 : i32
      %dma_wait3A_70 = arith.constant 0 : i32
      %dma_wait3A_71 = tpu.memref_slice %arg6[%arg0, %dma_wait3A_69, %dma_wait3A_70] : memref<2x10112x64xf32, #tpu.memory_space<hbm>> -> memref<1x10112x64xf32, #tpu.memory_space<hbm>>
      %dma_wait3A_72 = tpu.memref_squeeze %dma_wait3A_71 : memref<1x10112x64xf32, #tpu.memory_space<hbm>> -> memref<10112x64xf32, #tpu.memory_space<hbm>>
      %dma_wait3A_73 = arith.constant 0 : i32
      %dma_wait3A_74 = tpu.memref_slice %dma_wait3A_72[%add3A_43, %dma_wait3A_73] : memref<10112x64xf32, #tpu.memory_space<hbm>> -> memref<80x64xf32, #tpu.memory_space<hbm>>
      %dma_wait3A_75 = arith.constant 0 : i32
      %dma_wait3A_76 = arith.constant 0 : i32
      %dma_wait3A_77 = tpu.memref_slice %arg6[%arg0, %dma_wait3A_75, %dma_wait3A_76] : memref<2x10112x64xf32, #tpu.memory_space<hbm>> -> memref<1x10112x64xf32, #tpu.memory_space<hbm>>
      %dma_wait3A_78 = tpu.memref_squeeze %dma_wait3A_77 : memref<1x10112x64xf32, #tpu.memory_space<hbm>> -> memref<10112x64xf32, #tpu.memory_space<hbm>>
      %dma_wait3A_79 = arith.constant 0 : i32
      %dma_wait3A_80 = tpu.memref_slice %dma_wait3A_78[%add3A_43, %dma_wait3A_79] : memref<10112x64xf32, #tpu.memory_space<hbm>> -> memref<80x64xf32, #tpu.memory_space<hbm>>
      %dma_wait3A_81 = arith.constant 0 : i32
      %dma_wait3A_82 = arith.constant 0 : i32
      %dma_wait3A_83 = tpu.memref_slice %arg11[%dma_wait3A_81, %dma_wait3A_82] : memref<80x64xf32, #tpu.memory_space<vmem>> -> memref<80x64xf32, #tpu.memory_space<vmem>>
      tpu.wait_dma2 semaphore(%run_scoped3A : memref<!tpu.dma_semaphore, #tpu.memory_space<semaphore_mem>>) src(%dma_wait3A_83 : memref<80x64xf32, #tpu.memory_space<vmem>>) dst(%dma_wait3A_80 : memref<80x64xf32, #tpu.memory_space<hbm>>)
      tpu.yield
    }) : () -> ()
    %add3A_44 = arith.constant 80 : i32
    %add3A_45 = arith.addi %add3A_43, %add3A_44 : i32
    "tpu.region"() ({
      %run_scoped3A = tpu.sem_alloc : memref<!tpu.dma_semaphore, #tpu.memory_space<semaphore_mem>>
      %dma_start3A = arith.constant 0 : i32
      %dma_start3A_50 = arith.constant 0 : i32
      %dma_start3A_51 = tpu.memref_slice %arg11[%dma_start3A, %dma_start3A_50] : memref<80x64xf32, #tpu.memory_space<vmem>> -> memref<80x64xf32, #tpu.memory_space<vmem>>
      %dma_start3A_52 = arith.constant 0 : i32
      %dma_start3A_53 = tpu.memref_slice %arg12[%add3A_45, %dma_start3A_52] : memref<10112x64xf32, #tpu.memory_space<vmem_shared>> -> memref<80x64xf32, #tpu.memory_space<vmem_shared>>
      %dma_start3A_54 = arith.constant 0 : i32
      %dma_start3A_55 = arith.constant 0 : i32
      %dma_start3A_56 = tpu.memref_slice %arg11[%dma_start3A_54, %dma_start3A_55] : memref<80x64xf32, #tpu.memory_space<vmem>> -> memref<80x64xf32, #tpu.memory_space<vmem>>
      %dma_start3A_57 = arith.constant 0 : i32
      %dma_start3A_58 = tpu.memref_slice %arg12[%add3A_45, %dma_start3A_57] : memref<10112x64xf32, #tpu.memory_space<vmem_shared>> -> memref<80x64xf32, #tpu.memory_space<vmem_shared>>
      tpu.enqueue_dma source(%dma_start3A_58 : memref<80x64xf32, #tpu.memory_space<vmem_shared>>) target(%dma_start3A_56 : memref<80x64xf32, #tpu.memory_space<vmem>>) target_semaphore(%run_scoped3A : memref<!tpu.dma_semaphore, #tpu.memory_space<semaphore_mem>>)
      %dma_wait3A = arith.constant 0 : i32
      %dma_wait3A_59 = arith.constant 0 : i32
      %dma_wait3A_60 = tpu.memref_slice %arg11[%dma_wait3A, %dma_wait3A_59] : memref<80x64xf32, #tpu.memory_space<vmem>> -> memref<80x64xf32, #tpu.memory_space<vmem>>
      %dma_wait3A_61 = arith.constant 0 : i32
      %dma_wait3A_62 = tpu.memref_slice %arg12[%add3A_45, %dma_wait3A_61] : memref<10112x64xf32, #tpu.memory_space<vmem_shared>> -> memref<80x64xf32, #tpu.memory_space<vmem_shared>>
      %dma_wait3A_63 = arith.constant 0 : i32
      %dma_wait3A_64 = arith.constant 0 : i32
      %dma_wait3A_65 = tpu.memref_slice %arg11[%dma_wait3A_63, %dma_wait3A_64] : memref<80x64xf32, #tpu.memory_space<vmem>> -> memref<80x64xf32, #tpu.memory_space<vmem>>
      %dma_wait3A_66 = arith.constant 0 : i32
      %dma_wait3A_67 = tpu.memref_slice %arg12[%add3A_45, %dma_wait3A_66] : memref<10112x64xf32, #tpu.memory_space<vmem_shared>> -> memref<80x64xf32, #tpu.memory_space<vmem_shared>>
      tpu.wait_dma2 semaphore(%run_scoped3A : memref<!tpu.dma_semaphore, #tpu.memory_space<semaphore_mem>>) src(%dma_wait3A_67 : memref<80x64xf32, #tpu.memory_space<vmem_shared>>) dst(%dma_wait3A_65 : memref<80x64xf32, #tpu.memory_space<vmem>>)
      tpu.yield
    }) : () -> ()
    "tpu.region"() ({
      %run_scoped3A = tpu.sem_alloc : memref<!tpu.dma_semaphore, #tpu.memory_space<semaphore_mem>>
      %dma_start3A = arith.constant 0 : i32
      %dma_start3A_50 = arith.constant 0 : i32
      %dma_start3A_51 = tpu.memref_slice %arg11[%dma_start3A, %dma_start3A_50] : memref<80x64xf32, #tpu.memory_space<vmem>> -> memref<80x64xf32, #tpu.memory_space<vmem>>
      %dma_start3A_52 = arith.constant 0 : i32
      %dma_start3A_53 = arith.constant 0 : i32
      %dma_start3A_54 = tpu.memref_slice %arg6[%arg0, %dma_start3A_52, %dma_start3A_53] : memref<2x10112x64xf32, #tpu.memory_space<hbm>> -> memref<1x10112x64xf32, #tpu.memory_space<hbm>>
      %dma_start3A_55 = tpu.memref_squeeze %dma_start3A_54 : memref<1x10112x64xf32, #tpu.memory_space<hbm>> -> memref<10112x64xf32, #tpu.memory_space<hbm>>
      %dma_start3A_56 = arith.constant 0 : i32
      %dma_start3A_57 = tpu.memref_slice %dma_start3A_55[%add3A_45, %dma_start3A_56] : memref<10112x64xf32, #tpu.memory_space<hbm>> -> memref<80x64xf32, #tpu.memory_space<hbm>>
      %dma_start3A_58 = arith.constant 0 : i32
      %dma_start3A_59 = arith.constant 0 : i32
      %dma_start3A_60 = tpu.memref_slice %arg6[%arg0, %dma_start3A_58, %dma_start3A_59] : memref<2x10112x64xf32, #tpu.memory_space<hbm>> -> memref<1x10112x64xf32, #tpu.memory_space<hbm>>
      %dma_start3A_61 = tpu.memref_squeeze %dma_start3A_60 : memref<1x10112x64xf32, #tpu.memory_space<hbm>> -> memref<10112x64xf32, #tpu.memory_space<hbm>>
      %dma_start3A_62 = arith.constant 0 : i32
      %dma_start3A_63 = tpu.memref_slice %dma_start3A_61[%add3A_45, %dma_start3A_62] : memref<10112x64xf32, #tpu.memory_space<hbm>> -> memref<80x64xf32, #tpu.memory_space<hbm>>
      %dma_start3A_64 = arith.constant 0 : i32
      %dma_start3A_65 = arith.constant 0 : i32
      %dma_start3A_66 = tpu.memref_slice %arg11[%dma_start3A_64, %dma_start3A_65] : memref<80x64xf32, #tpu.memory_space<vmem>> -> memref<80x64xf32, #tpu.memory_space<vmem>>
      tpu.enqueue_dma source(%dma_start3A_66 : memref<80x64xf32, #tpu.memory_space<vmem>>) target(%dma_start3A_63 : memref<80x64xf32, #tpu.memory_space<hbm>>) target_semaphore(%run_scoped3A : memref<!tpu.dma_semaphore, #tpu.memory_space<semaphore_mem>>)
      %dma_wait3A = arith.constant 0 : i32
      %dma_wait3A_67 = arith.constant 0 : i32
      %dma_wait3A_68 = tpu.memref_slice %arg11[%dma_wait3A, %dma_wait3A_67] : memref<80x64xf32, #tpu.memory_space<vmem>> -> memref<80x64xf32, #tpu.memory_space<vmem>>
      %dma_wait3A_69 = arith.constant 0 : i32
      %dma_wait3A_70 = arith.constant 0 : i32
      %dma_wait3A_71 = tpu.memref_slice %arg6[%arg0, %dma_wait3A_69, %dma_wait3A_70] : memref<2x10112x64xf32, #tpu.memory_space<hbm>> -> memref<1x10112x64xf32, #tpu.memory_space<hbm>>
      %dma_wait3A_72 = tpu.memref_squeeze %dma_wait3A_71 : memref<1x10112x64xf32, #tpu.memory_space<hbm>> -> memref<10112x64xf32, #tpu.memory_space<hbm>>
      %dma_wait3A_73 = arith.constant 0 : i32
      %dma_wait3A_74 = tpu.memref_slice %dma_wait3A_72[%add3A_45, %dma_wait3A_73] : memref<10112x64xf32, #tpu.memory_space<hbm>> -> memref<80x64xf32, #tpu.memory_space<hbm>>
      %dma_wait3A_75 = arith.constant 0 : i32
      %dma_wait3A_76 = arith.constant 0 : i32
      %dma_wait3A_77 = tpu.memref_slice %arg6[%arg0, %dma_wait3A_75, %dma_wait3A_76] : memref<2x10112x64xf32, #tpu.memory_space<hbm>> -> memref<1x10112x64xf32, #tpu.memory_space<hbm>>
      %dma_wait3A_78 = tpu.memref_squeeze %dma_wait3A_77 : memref<1x10112x64xf32, #tpu.memory_space<hbm>> -> memref<10112x64xf32, #tpu.memory_space<hbm>>
      %dma_wait3A_79 = arith.constant 0 : i32
      %dma_wait3A_80 = tpu.memref_slice %dma_wait3A_78[%add3A_45, %dma_wait3A_79] : memref<10112x64xf32, #tpu.memory_space<hbm>> -> memref<80x64xf32, #tpu.memory_space<hbm>>
      %dma_wait3A_81 = arith.constant 0 : i32
      %dma_wait3A_82 = arith.constant 0 : i32
      %dma_wait3A_83 = tpu.memref_slice %arg11[%dma_wait3A_81, %dma_wait3A_82] : memref<80x64xf32, #tpu.memory_space<vmem>> -> memref<80x64xf32, #tpu.memory_space<vmem>>
      tpu.wait_dma2 semaphore(%run_scoped3A : memref<!tpu.dma_semaphore, #tpu.memory_space<semaphore_mem>>) src(%dma_wait3A_83 : memref<80x64xf32, #tpu.memory_space<vmem>>) dst(%dma_wait3A_80 : memref<80x64xf32, #tpu.memory_space<hbm>>)
      tpu.yield
    }) : () -> ()
    %add3A_46 = arith.constant 80 : i32
    %add3A_47 = arith.addi %add3A_45, %add3A_46 : i32
    "tpu.region"() ({
      %run_scoped3A = tpu.sem_alloc : memref<!tpu.dma_semaphore, #tpu.memory_space<semaphore_mem>>
      %dma_start3A = arith.constant 0 : i32
      %dma_start3A_50 = arith.constant 0 : i32
      %dma_start3A_51 = tpu.memref_slice %arg11[%dma_start3A, %dma_start3A_50] : memref<80x64xf32, #tpu.memory_space<vmem>> -> memref<72x64xf32, #tpu.memory_space<vmem>>
      %dma_start3A_52 = arith.constant 0 : i32
      %dma_start3A_53 = tpu.memref_slice %arg12[%add3A_47, %dma_start3A_52] : memref<10112x64xf32, #tpu.memory_space<vmem_shared>> -> memref<72x64xf32, #tpu.memory_space<vmem_shared>>
      %dma_start3A_54 = arith.constant 0 : i32
      %dma_start3A_55 = arith.constant 0 : i32
      %dma_start3A_56 = tpu.memref_slice %arg11[%dma_start3A_54, %dma_start3A_55] : memref<80x64xf32, #tpu.memory_space<vmem>> -> memref<72x64xf32, #tpu.memory_space<vmem>>
      %dma_start3A_57 = arith.constant 0 : i32
      %dma_start3A_58 = tpu.memref_slice %arg12[%add3A_47, %dma_start3A_57] : memref<10112x64xf32, #tpu.memory_space<vmem_shared>> -> memref<72x64xf32, #tpu.memory_space<vmem_shared>>
      tpu.enqueue_dma source(%dma_start3A_58 : memref<72x64xf32, #tpu.memory_space<vmem_shared>>) target(%dma_start3A_56 : memref<72x64xf32, #tpu.memory_space<vmem>>) target_semaphore(%run_scoped3A : memref<!tpu.dma_semaphore, #tpu.memory_space<semaphore_mem>>)
      %dma_wait3A = arith.constant 0 : i32
      %dma_wait3A_59 = arith.constant 0 : i32
      %dma_wait3A_60 = tpu.memref_slice %arg11[%dma_wait3A, %dma_wait3A_59] : memref<80x64xf32, #tpu.memory_space<vmem>> -> memref<72x64xf32, #tpu.memory_space<vmem>>
      %dma_wait3A_61 = arith.constant 0 : i32
      %dma_wait3A_62 = tpu.memref_slice %arg12[%add3A_47, %dma_wait3A_61] : memref<10112x64xf32, #tpu.memory_space<vmem_shared>> -> memref<72x64xf32, #tpu.memory_space<vmem_shared>>
      %dma_wait3A_63 = arith.constant 0 : i32
      %dma_wait3A_64 = arith.constant 0 : i32
      %dma_wait3A_65 = tpu.memref_slice %arg11[%dma_wait3A_63, %dma_wait3A_64] : memref<80x64xf32, #tpu.memory_space<vmem>> -> memref<72x64xf32, #tpu.memory_space<vmem>>
      %dma_wait3A_66 = arith.constant 0 : i32
      %dma_wait3A_67 = tpu.memref_slice %arg12[%add3A_47, %dma_wait3A_66] : memref<10112x64xf32, #tpu.memory_space<vmem_shared>> -> memref<72x64xf32, #tpu.memory_space<vmem_shared>>
      tpu.wait_dma2 semaphore(%run_scoped3A : memref<!tpu.dma_semaphore, #tpu.memory_space<semaphore_mem>>) src(%dma_wait3A_67 : memref<72x64xf32, #tpu.memory_space<vmem_shared>>) dst(%dma_wait3A_65 : memref<72x64xf32, #tpu.memory_space<vmem>>)
      tpu.yield
    }) : () -> ()
    "tpu.region"() ({
      %run_scoped3A = tpu.sem_alloc : memref<!tpu.dma_semaphore, #tpu.memory_space<semaphore_mem>>
      %dma_start3A = arith.constant 0 : i32
      %dma_start3A_50 = arith.constant 0 : i32
      %dma_start3A_51 = tpu.memref_slice %arg11[%dma_start3A, %dma_start3A_50] : memref<80x64xf32, #tpu.memory_space<vmem>> -> memref<72x64xf32, #tpu.memory_space<vmem>>
      %dma_start3A_52 = arith.constant 0 : i32
      %dma_start3A_53 = arith.constant 0 : i32
      %dma_start3A_54 = tpu.memref_slice %arg6[%arg0, %dma_start3A_52, %dma_start3A_53] : memref<2x10112x64xf32, #tpu.memory_space<hbm>> -> memref<1x10112x64xf32, #tpu.memory_space<hbm>>
      %dma_start3A_55 = tpu.memref_squeeze %dma_start3A_54 : memref<1x10112x64xf32, #tpu.memory_space<hbm>> -> memref<10112x64xf32, #tpu.memory_space<hbm>>
      %dma_start3A_56 = arith.constant 0 : i32
      %dma_start3A_57 = tpu.memref_slice %dma_start3A_55[%add3A_47, %dma_start3A_56] : memref<10112x64xf32, #tpu.memory_space<hbm>> -> memref<72x64xf32, #tpu.memory_space<hbm>>
      %dma_start3A_58 = arith.constant 0 : i32
      %dma_start3A_59 = arith.constant 0 : i32
      %dma_start3A_60 = tpu.memref_slice %arg6[%arg0, %dma_start3A_58, %dma_start3A_59] : memref<2x10112x64xf32, #tpu.memory_space<hbm>> -> memref<1x10112x64xf32, #tpu.memory_space<hbm>>
      %dma_start3A_61 = tpu.memref_squeeze %dma_start3A_60 : memref<1x10112x64xf32, #tpu.memory_space<hbm>> -> memref<10112x64xf32, #tpu.memory_space<hbm>>
      %dma_start3A_62 = arith.constant 0 : i32
      %dma_start3A_63 = tpu.memref_slice %dma_start3A_61[%add3A_47, %dma_start3A_62] : memref<10112x64xf32, #tpu.memory_space<hbm>> -> memref<72x64xf32, #tpu.memory_space<hbm>>
      %dma_start3A_64 = arith.constant 0 : i32
      %dma_start3A_65 = arith.constant 0 : i32
      %dma_start3A_66 = tpu.memref_slice %arg11[%dma_start3A_64, %dma_start3A_65] : memref<80x64xf32, #tpu.memory_space<vmem>> -> memref<72x64xf32, #tpu.memory_space<vmem>>
      tpu.enqueue_dma source(%dma_start3A_66 : memref<72x64xf32, #tpu.memory_space<vmem>>) target(%dma_start3A_63 : memref<72x64xf32, #tpu.memory_space<hbm>>) target_semaphore(%run_scoped3A : memref<!tpu.dma_semaphore, #tpu.memory_space<semaphore_mem>>)
      %dma_wait3A = arith.constant 0 : i32
      %dma_wait3A_67 = arith.constant 0 : i32
      %dma_wait3A_68 = tpu.memref_slice %arg11[%dma_wait3A, %dma_wait3A_67] : memref<80x64xf32, #tpu.memory_space<vmem>> -> memref<72x64xf32, #tpu.memory_space<vmem>>
      %dma_wait3A_69 = arith.constant 0 : i32
      %dma_wait3A_70 = arith.constant 0 : i32
      %dma_wait3A_71 = tpu.memref_slice %arg6[%arg0, %dma_wait3A_69, %dma_wait3A_70] : memref<2x10112x64xf32, #tpu.memory_space<hbm>> -> memref<1x10112x64xf32, #tpu.memory_space<hbm>>
      %dma_wait3A_72 = tpu.memref_squeeze %dma_wait3A_71 : memref<1x10112x64xf32, #tpu.memory_space<hbm>> -> memref<10112x64xf32, #tpu.memory_space<hbm>>
      %dma_wait3A_73 = arith.constant 0 : i32
      %dma_wait3A_74 = tpu.memref_slice %dma_wait3A_72[%add3A_47, %dma_wait3A_73] : memref<10112x64xf32, #tpu.memory_space<hbm>> -> memref<72x64xf32, #tpu.memory_space<hbm>>
      %dma_wait3A_75 = arith.constant 0 : i32
      %dma_wait3A_76 = arith.constant 0 : i32
      %dma_wait3A_77 = tpu.memref_slice %arg6[%arg0, %dma_wait3A_75, %dma_wait3A_76] : memref<2x10112x64xf32, #tpu.memory_space<hbm>> -> memref<1x10112x64xf32, #tpu.memory_space<hbm>>
      %dma_wait3A_78 = tpu.memref_squeeze %dma_wait3A_77 : memref<1x10112x64xf32, #tpu.memory_space<hbm>> -> memref<10112x64xf32, #tpu.memory_space<hbm>>
      %dma_wait3A_79 = arith.constant 0 : i32
      %dma_wait3A_80 = tpu.memref_slice %dma_wait3A_78[%add3A_47, %dma_wait3A_79] : memref<10112x64xf32, #tpu.memory_space<hbm>> -> memref<72x64xf32, #tpu.memory_space<hbm>>
      %dma_wait3A_81 = arith.constant 0 : i32
      %dma_wait3A_82 = arith.constant 0 : i32
      %dma_wait3A_83 = tpu.memref_slice %arg11[%dma_wait3A_81, %dma_wait3A_82] : memref<80x64xf32, #tpu.memory_space<vmem>> -> memref<72x64xf32, #tpu.memory_space<vmem>>
      tpu.wait_dma2 semaphore(%run_scoped3A : memref<!tpu.dma_semaphore, #tpu.memory_space<semaphore_mem>>) src(%dma_wait3A_83 : memref<72x64xf32, #tpu.memory_space<vmem>>) dst(%dma_wait3A_80 : memref<72x64xf32, #tpu.memory_space<hbm>>)
      tpu.yield
    }) : () -> ()
    %add3A_48 = arith.constant 72 : i32
    %add3A_49 = arith.addi %add3A_47, %add3A_48 : i32
    return
  }
}

#map = affine_map<(d0, d1) -> (0, 0)>
#map1 = affine_map<(d0, d1) -> (0, 0, 0)>
#map2 = affine_map<(d0, d1) -> (0)>
#map3 = affine_map<(d0, d1) -> (0, 0, 0, 0)>
module attributes {stable_mosaic.version = 14 : i64} {
  func.func @gcn_sc_layer1(%arg0: i32, %arg1: i32, %arg2: memref<10000x64xf32, #tpu.memory_space<hbm>>, %arg3: memref<10000x64xf32, #tpu.memory_space<hbm>>, %arg4: memref<32x81x128xi32, #tpu.memory_space<hbm>>, %arg5: memref<32x81x128xi32, #tpu.memory_space<hbm>>, %arg6: memref<32x81x128xf32, #tpu.memory_space<hbm>>, %arg7: memref<2x128xi32, #tpu.memory_space<hbm>>, %arg8: memref<30xi32, #tpu.memory_space<hbm>>, %arg9: memref<2x2x10112x64xf32, #tpu.memory_space<hbm>>, %arg10: memref<32x81x128xf32, #tpu.memory_space<hbm>>, %arg11: memref<81x128xi32, #tpu.memory_space<vmem>>, %arg12: memref<81x128xi32, #tpu.memory_space<vmem>>, %arg13: memref<81x128xf32, #tpu.memory_space<vmem>>, %arg14: memref<81x128xf32, #tpu.memory_space<vmem>>, %arg15: memref<158x64xf32, #tpu.memory_space<vmem>>, %arg16: memref<10112xf32, #tpu.memory_space<vmem>>, %arg17: memref<10112xf32, #tpu.memory_space<vmem>>, %arg18: memref<128x64xf32, #tpu.memory_space<vmem>>, %arg19: memref<80x64xf32, #tpu.memory_space<vmem>>, %arg20: memref<2x128xi32, #tpu.memory_space<vmem>>, %arg21: memref<30xi32, #tpu.memory_space<vmem>>, %arg22: memref<10112x64xf32, #tpu.memory_space<vmem_shared>>, %arg23: memref<!tpu.dma_semaphore, #tpu.memory_space<semaphore_mem>>) attributes {dimension_semantics = [#tpu.dimension_semantics<core_parallel>, #tpu.dimension_semantics<subcore_parallel>], iteration_bounds = array<i64: 2, 16>, scalar_prefetch = 0 : i64, scratch_operands = 13 : i64, tpu.core_type = #tpu.core_type<sc_vector_subcore>, window_params = [{transform_indices = #map}, {transform_indices = #map}, {transform_indices = #map1}, {transform_indices = #map1}, {transform_indices = #map1}, {transform_indices = #map}, {transform_indices = #map2}, {transform_indices = #map3}, {transform_indices = #map1}]} {
    %mul3A = arith.constant 2 : i32
    %mul3A_0 = arith.muli %arg1, %mul3A : i32
    %add3A = arith.addi %mul3A_0, %arg0 : i32
    %mul3A_1 = arith.constant 632 : i32
    %mul3A_2 = arith.muli %arg1, %mul3A_1 : i32
    %broadcast_in_dim3A = arith.constant 0.000000e+00 : f32
    %broadcast_in_dim3A_3 = vector.broadcast %broadcast_in_dim3A : f32 to vector<16xf32>
    %scan3A = arith.constant 0 : i32
    %scan3A_4 = arith.constant 0 : i32
    %scan3A_5 = arith.constant 320 : i32
    %scan3A_6 = arith.addi %scan3A_4, %scan3A_5 : i32
    %scan3A_7 = arith.constant 1 : i32
    %scan3A_8 = scf.for %scan3A_199 = %scan3A_4 to %scan3A_6 step %scan3A_7 iter_args(%scan3A_200 = %scan3A) -> (i32)  : i32 {
      %jit3A = arith.constant 4 : i32
      %div3A = arith.divsi %scan3A_199, %jit3A : i32
      %sign3A = arith.constant 0 : i32
      %sign3A_201 = arith.cmpi sgt, %scan3A_199, %sign3A : i32
      %sign3A_202 = arith.extui %sign3A_201 : i1 to i32
      %sign3A_203 = arith.constant 0 : i32
      %sign3A_204 = arith.cmpi slt, %scan3A_199, %sign3A_203 : i32
      %sign3A_205 = arith.extui %sign3A_204 : i1 to i32
      %sign3A_206 = arith.subi %sign3A_202, %sign3A_205 : i32
      %sign3A_207 = arith.constant 0 : i32
      %sign3A_208 = arith.cmpi sgt, %jit3A, %sign3A_207 : i32
      %sign3A_209 = arith.extui %sign3A_208 : i1 to i32
      %sign3A_210 = arith.constant 0 : i32
      %sign3A_211 = arith.cmpi slt, %jit3A, %sign3A_210 : i32
      %sign3A_212 = arith.extui %sign3A_211 : i1 to i32
      %sign3A_213 = arith.subi %sign3A_209, %sign3A_212 : i32
      %ne3A = arith.cmpi ne, %sign3A_206, %sign3A_213 : i32
      %rem3A = arith.remsi %scan3A_199, %jit3A : i32
      %ne3A_214 = arith.constant 0 : i32
      %ne3A_215 = arith.cmpi ne, %rem3A, %ne3A_214 : i32
      %and3A = arith.andi %ne3A, %ne3A_215 : i1
      %sub3A = arith.constant 1 : i32
      %sub3A_216 = arith.subi %div3A, %sub3A : i32
      %select_n3A = arith.select %and3A, %sub3A_216, %div3A : i32
      %jit3A_217 = arith.constant 4 : i32
      %eq3A = arith.constant 0 : i32
      %eq3A_218 = arith.cmpi eq, %jit3A_217, %eq3A : i32
      %jit3A_219 = arith.constant 1 : i32
      %select_n3A_220 = arith.select %eq3A_218, %jit3A_219, %jit3A_217 : i32
      %rem3A_221 = arith.remsi %scan3A_199, %select_n3A_220 : i32
      %ne3A_222 = arith.constant 0 : i32
      %ne3A_223 = arith.cmpi ne, %rem3A_221, %ne3A_222 : i32
      %lt3A = arith.constant 0 : i32
      %lt3A_224 = arith.cmpi slt, %rem3A_221, %lt3A : i32
      %lt3A_225 = arith.constant 0 : i32
      %lt3A_226 = arith.cmpi slt, %select_n3A_220, %lt3A_225 : i32
      %ne3A_227 = arith.xori %lt3A_224, %lt3A_226 : i1
      %and3A_228 = arith.andi %ne3A_227, %ne3A_223 : i1
      %add3A_229 = arith.addi %rem3A_221, %select_n3A_220 : i32
      %select_n3A_230 = arith.select %and3A_228, %add3A_229, %rem3A_221 : i32
      %mul3A_231 = arith.constant 16 : i32
      %mul3A_232 = arith.muli %select_n3A_230, %mul3A_231 : i32
      %swap3A = arith.index_cast %select_n3A : i32 to index
      %swap3A_233 = arith.index_cast %mul3A_232 : i32 to index
      %swap3A_234 = tpu.vector_load %arg19[%swap3A, %swap3A_233] {strides = array<i32>} : memref<80x64xf32, #tpu.memory_space<vmem>>, vector<16xf32>,
      tpu.vector_store %arg19[%swap3A, %swap3A_233], %broadcast_in_dim3A_3 {strides = array<i32>} : memref<80x64xf32, #tpu.memory_space<vmem>>, vector<16xf32>,
      %scan3A_235 = arith.constant 0 : i32
      scf.yield %scan3A_235 : i32
    }
    %scan3A_9 = arith.constant 320 : i32
    %broadcast_in_dim3A_10 = arith.constant 0.000000e+00 : f32
    %broadcast_in_dim3A_11 = vector.broadcast %broadcast_in_dim3A_10 : f32 to vector<16xf32>
    %scan3A_12 = arith.constant 0 : i32
    %scan3A_13 = arith.constant 0 : i32
    %scan3A_14 = arith.constant 632 : i32
    %scan3A_15 = arith.addi %scan3A_13, %scan3A_14 : i32
    %scan3A_16 = arith.constant 1 : i32
    %scan3A_17 = scf.for %scan3A_199 = %scan3A_13 to %scan3A_15 step %scan3A_16 iter_args(%scan3A_200 = %scan3A_12) -> (i32)  : i32 {
      %jit3A = arith.constant 4 : i32
      %div3A = arith.divsi %scan3A_199, %jit3A : i32
      %sign3A = arith.constant 0 : i32
      %sign3A_201 = arith.cmpi sgt, %scan3A_199, %sign3A : i32
      %sign3A_202 = arith.extui %sign3A_201 : i1 to i32
      %sign3A_203 = arith.constant 0 : i32
      %sign3A_204 = arith.cmpi slt, %scan3A_199, %sign3A_203 : i32
      %sign3A_205 = arith.extui %sign3A_204 : i1 to i32
      %sign3A_206 = arith.subi %sign3A_202, %sign3A_205 : i32
      %sign3A_207 = arith.constant 0 : i32
      %sign3A_208 = arith.cmpi sgt, %jit3A, %sign3A_207 : i32
      %sign3A_209 = arith.extui %sign3A_208 : i1 to i32
      %sign3A_210 = arith.constant 0 : i32
      %sign3A_211 = arith.cmpi slt, %jit3A, %sign3A_210 : i32
      %sign3A_212 = arith.extui %sign3A_211 : i1 to i32
      %sign3A_213 = arith.subi %sign3A_209, %sign3A_212 : i32
      %ne3A = arith.cmpi ne, %sign3A_206, %sign3A_213 : i32
      %rem3A = arith.remsi %scan3A_199, %jit3A : i32
      %ne3A_214 = arith.constant 0 : i32
      %ne3A_215 = arith.cmpi ne, %rem3A, %ne3A_214 : i32
      %and3A = arith.andi %ne3A, %ne3A_215 : i1
      %sub3A = arith.constant 1 : i32
      %sub3A_216 = arith.subi %div3A, %sub3A : i32
      %select_n3A = arith.select %and3A, %sub3A_216, %div3A : i32
      %jit3A_217 = arith.constant 4 : i32
      %eq3A = arith.constant 0 : i32
      %eq3A_218 = arith.cmpi eq, %jit3A_217, %eq3A : i32
      %jit3A_219 = arith.constant 1 : i32
      %select_n3A_220 = arith.select %eq3A_218, %jit3A_219, %jit3A_217 : i32
      %rem3A_221 = arith.remsi %scan3A_199, %select_n3A_220 : i32
      %ne3A_222 = arith.constant 0 : i32
      %ne3A_223 = arith.cmpi ne, %rem3A_221, %ne3A_222 : i32
      %lt3A = arith.constant 0 : i32
      %lt3A_224 = arith.cmpi slt, %rem3A_221, %lt3A : i32
      %lt3A_225 = arith.constant 0 : i32
      %lt3A_226 = arith.cmpi slt, %select_n3A_220, %lt3A_225 : i32
      %ne3A_227 = arith.xori %lt3A_224, %lt3A_226 : i1
      %and3A_228 = arith.andi %ne3A_227, %ne3A_223 : i1
      %add3A_229 = arith.addi %rem3A_221, %select_n3A_220 : i32
      %select_n3A_230 = arith.select %and3A_228, %add3A_229, %rem3A_221 : i32
      %mul3A_231 = arith.constant 16 : i32
      %mul3A_232 = arith.muli %select_n3A_230, %mul3A_231 : i32
      %swap3A = arith.index_cast %select_n3A : i32 to index
      %swap3A_233 = arith.index_cast %mul3A_232 : i32 to index
      %swap3A_234 = tpu.vector_load %arg15[%swap3A, %swap3A_233] {strides = array<i32>} : memref<158x64xf32, #tpu.memory_space<vmem>>, vector<16xf32>,
      tpu.vector_store %arg15[%swap3A, %swap3A_233], %broadcast_in_dim3A_11 {strides = array<i32>} : memref<158x64xf32, #tpu.memory_space<vmem>>, vector<16xf32>,
      %scan3A_235 = arith.constant 0 : i32
      scf.yield %scan3A_235 : i32
    }
    %scan3A_18 = arith.constant 632 : i32
    %broadcast_in_dim3A_19 = arith.constant 0.000000e+00 : f32
    %broadcast_in_dim3A_20 = vector.broadcast %broadcast_in_dim3A_19 : f32 to vector<16xf32>
    %scan3A_21 = arith.constant 0 : i32
    %scan3A_22 = arith.constant 0 : i32
    %scan3A_23 = arith.constant 632 : i32
    %scan3A_24 = arith.addi %scan3A_22, %scan3A_23 : i32
    %scan3A_25 = arith.constant 1 : i32
    %scan3A_26 = scf.for %scan3A_199 = %scan3A_22 to %scan3A_24 step %scan3A_25 iter_args(%scan3A_200 = %scan3A_21) -> (i32)  : i32 {
      %mul3A_201 = arith.constant 16 : i32
      %mul3A_202 = arith.muli %scan3A_199, %mul3A_201 : i32
      %swap3A = arith.index_cast %mul3A_202 : i32 to index
      %swap3A_203 = tpu.vector_load %arg16[%swap3A] {strides = array<i32>} : memref<10112xf32, #tpu.memory_space<vmem>>, vector<16xf32>,
      tpu.vector_store %arg16[%swap3A], %broadcast_in_dim3A_20 {strides = array<i32>} : memref<10112xf32, #tpu.memory_space<vmem>>, vector<16xf32>,
      %scan3A_204 = arith.constant 0 : i32
      scf.yield %scan3A_204 : i32
    }
    %scan3A_27 = arith.constant 632 : i32
    "tpu.region"() ({
      %run_scoped3A_199 = tpu.sem_alloc : memref<!tpu.dma_semaphore, #tpu.memory_space<semaphore_mem>>
      %dma_start3A = arith.constant 0 : i32
      %dma_start3A_200 = arith.constant 0 : i32
      %dma_start3A_201 = tpu.memref_slice %arg19[%dma_start3A, %dma_start3A_200] : memref<80x64xf32, #tpu.memory_space<vmem>> -> memref<80x64xf32, #tpu.memory_space<vmem>>
      %dma_start3A_202 = arith.constant 0 : i32
      %dma_start3A_203 = tpu.memref_slice %arg22[%mul3A_2, %dma_start3A_202] : memref<10112x64xf32, #tpu.memory_space<vmem_shared>> -> memref<80x64xf32, #tpu.memory_space<vmem_shared>>
      %dma_start3A_204 = arith.constant 0 : i32
      %dma_start3A_205 = tpu.memref_slice %arg22[%mul3A_2, %dma_start3A_204] : memref<10112x64xf32, #tpu.memory_space<vmem_shared>> -> memref<80x64xf32, #tpu.memory_space<vmem_shared>>
      %dma_start3A_206 = arith.constant 0 : i32
      %dma_start3A_207 = arith.constant 0 : i32
      %dma_start3A_208 = tpu.memref_slice %arg19[%dma_start3A_206, %dma_start3A_207] : memref<80x64xf32, #tpu.memory_space<vmem>> -> memref<80x64xf32, #tpu.memory_space<vmem>>
      tpu.enqueue_dma source(%dma_start3A_208 : memref<80x64xf32, #tpu.memory_space<vmem>>) target(%dma_start3A_205 : memref<80x64xf32, #tpu.memory_space<vmem_shared>>) target_semaphore(%run_scoped3A_199 : memref<!tpu.dma_semaphore, #tpu.memory_space<semaphore_mem>>)
      %dma_wait3A = arith.constant 0 : i32
      %dma_wait3A_209 = arith.constant 0 : i32
      %dma_wait3A_210 = tpu.memref_slice %arg19[%dma_wait3A, %dma_wait3A_209] : memref<80x64xf32, #tpu.memory_space<vmem>> -> memref<80x64xf32, #tpu.memory_space<vmem>>
      %dma_wait3A_211 = arith.constant 0 : i32
      %dma_wait3A_212 = tpu.memref_slice %arg22[%mul3A_2, %dma_wait3A_211] : memref<10112x64xf32, #tpu.memory_space<vmem_shared>> -> memref<80x64xf32, #tpu.memory_space<vmem_shared>>
      %dma_wait3A_213 = arith.constant 0 : i32
      %dma_wait3A_214 = tpu.memref_slice %arg22[%mul3A_2, %dma_wait3A_213] : memref<10112x64xf32, #tpu.memory_space<vmem_shared>> -> memref<80x64xf32, #tpu.memory_space<vmem_shared>>
      %dma_wait3A_215 = arith.constant 0 : i32
      %dma_wait3A_216 = arith.constant 0 : i32
      %dma_wait3A_217 = tpu.memref_slice %arg19[%dma_wait3A_215, %dma_wait3A_216] : memref<80x64xf32, #tpu.memory_space<vmem>> -> memref<80x64xf32, #tpu.memory_space<vmem>>
      tpu.wait_dma2 semaphore(%run_scoped3A_199 : memref<!tpu.dma_semaphore, #tpu.memory_space<semaphore_mem>>) src(%dma_wait3A_217 : memref<80x64xf32, #tpu.memory_space<vmem>>) dst(%dma_wait3A_214 : memref<80x64xf32, #tpu.memory_space<vmem_shared>>)
      tpu.yield
    }) : () -> ()
    %add3A_28 = arith.constant 80 : i32
    %add3A_29 = arith.addi %mul3A_2, %add3A_28 : i32
    "tpu.region"() ({
      %run_scoped3A_199 = tpu.sem_alloc : memref<!tpu.dma_semaphore, #tpu.memory_space<semaphore_mem>>
      %dma_start3A = arith.constant 0 : i32
      %dma_start3A_200 = arith.constant 0 : i32
      %dma_start3A_201 = tpu.memref_slice %arg19[%dma_start3A, %dma_start3A_200] : memref<80x64xf32, #tpu.memory_space<vmem>> -> memref<80x64xf32, #tpu.memory_space<vmem>>
      %dma_start3A_202 = arith.constant 0 : i32
      %dma_start3A_203 = tpu.memref_slice %arg22[%add3A_29, %dma_start3A_202] : memref<10112x64xf32, #tpu.memory_space<vmem_shared>> -> memref<80x64xf32, #tpu.memory_space<vmem_shared>>
      %dma_start3A_204 = arith.constant 0 : i32
      %dma_start3A_205 = tpu.memref_slice %arg22[%add3A_29, %dma_start3A_204] : memref<10112x64xf32, #tpu.memory_space<vmem_shared>> -> memref<80x64xf32, #tpu.memory_space<vmem_shared>>
      %dma_start3A_206 = arith.constant 0 : i32
      %dma_start3A_207 = arith.constant 0 : i32
      %dma_start3A_208 = tpu.memref_slice %arg19[%dma_start3A_206, %dma_start3A_207] : memref<80x64xf32, #tpu.memory_space<vmem>> -> memref<80x64xf32, #tpu.memory_space<vmem>>
      tpu.enqueue_dma source(%dma_start3A_208 : memref<80x64xf32, #tpu.memory_space<vmem>>) target(%dma_start3A_205 : memref<80x64xf32, #tpu.memory_space<vmem_shared>>) target_semaphore(%run_scoped3A_199 : memref<!tpu.dma_semaphore, #tpu.memory_space<semaphore_mem>>)
      %dma_wait3A = arith.constant 0 : i32
      %dma_wait3A_209 = arith.constant 0 : i32
      %dma_wait3A_210 = tpu.memref_slice %arg19[%dma_wait3A, %dma_wait3A_209] : memref<80x64xf32, #tpu.memory_space<vmem>> -> memref<80x64xf32, #tpu.memory_space<vmem>>
      %dma_wait3A_211 = arith.constant 0 : i32
      %dma_wait3A_212 = tpu.memref_slice %arg22[%add3A_29, %dma_wait3A_211] : memref<10112x64xf32, #tpu.memory_space<vmem_shared>> -> memref<80x64xf32, #tpu.memory_space<vmem_shared>>
      %dma_wait3A_213 = arith.constant 0 : i32
      %dma_wait3A_214 = tpu.memref_slice %arg22[%add3A_29, %dma_wait3A_213] : memref<10112x64xf32, #tpu.memory_space<vmem_shared>> -> memref<80x64xf32, #tpu.memory_space<vmem_shared>>
      %dma_wait3A_215 = arith.constant 0 : i32
      %dma_wait3A_216 = arith.constant 0 : i32
      %dma_wait3A_217 = tpu.memref_slice %arg19[%dma_wait3A_215, %dma_wait3A_216] : memref<80x64xf32, #tpu.memory_space<vmem>> -> memref<80x64xf32, #tpu.memory_space<vmem>>
      tpu.wait_dma2 semaphore(%run_scoped3A_199 : memref<!tpu.dma_semaphore, #tpu.memory_space<semaphore_mem>>) src(%dma_wait3A_217 : memref<80x64xf32, #tpu.memory_space<vmem>>) dst(%dma_wait3A_214 : memref<80x64xf32, #tpu.memory_space<vmem_shared>>)
      tpu.yield
    }) : () -> ()
    %add3A_30 = arith.constant 80 : i32
    %add3A_31 = arith.addi %add3A_29, %add3A_30 : i32
    "tpu.region"() ({
      %run_scoped3A_199 = tpu.sem_alloc : memref<!tpu.dma_semaphore, #tpu.memory_space<semaphore_mem>>
      %dma_start3A = arith.constant 0 : i32
      %dma_start3A_200 = arith.constant 0 : i32
      %dma_start3A_201 = tpu.memref_slice %arg19[%dma_start3A, %dma_start3A_200] : memref<80x64xf32, #tpu.memory_space<vmem>> -> memref<80x64xf32, #tpu.memory_space<vmem>>
      %dma_start3A_202 = arith.constant 0 : i32
      %dma_start3A_203 = tpu.memref_slice %arg22[%add3A_31, %dma_start3A_202] : memref<10112x64xf32, #tpu.memory_space<vmem_shared>> -> memref<80x64xf32, #tpu.memory_space<vmem_shared>>
      %dma_start3A_204 = arith.constant 0 : i32
      %dma_start3A_205 = tpu.memref_slice %arg22[%add3A_31, %dma_start3A_204] : memref<10112x64xf32, #tpu.memory_space<vmem_shared>> -> memref<80x64xf32, #tpu.memory_space<vmem_shared>>
      %dma_start3A_206 = arith.constant 0 : i32
      %dma_start3A_207 = arith.constant 0 : i32
      %dma_start3A_208 = tpu.memref_slice %arg19[%dma_start3A_206, %dma_start3A_207] : memref<80x64xf32, #tpu.memory_space<vmem>> -> memref<80x64xf32, #tpu.memory_space<vmem>>
      tpu.enqueue_dma source(%dma_start3A_208 : memref<80x64xf32, #tpu.memory_space<vmem>>) target(%dma_start3A_205 : memref<80x64xf32, #tpu.memory_space<vmem_shared>>) target_semaphore(%run_scoped3A_199 : memref<!tpu.dma_semaphore, #tpu.memory_space<semaphore_mem>>)
      %dma_wait3A = arith.constant 0 : i32
      %dma_wait3A_209 = arith.constant 0 : i32
      %dma_wait3A_210 = tpu.memref_slice %arg19[%dma_wait3A, %dma_wait3A_209] : memref<80x64xf32, #tpu.memory_space<vmem>> -> memref<80x64xf32, #tpu.memory_space<vmem>>
      %dma_wait3A_211 = arith.constant 0 : i32
      %dma_wait3A_212 = tpu.memref_slice %arg22[%add3A_31, %dma_wait3A_211] : memref<10112x64xf32, #tpu.memory_space<vmem_shared>> -> memref<80x64xf32, #tpu.memory_space<vmem_shared>>
      %dma_wait3A_213 = arith.constant 0 : i32
      %dma_wait3A_214 = tpu.memref_slice %arg22[%add3A_31, %dma_wait3A_213] : memref<10112x64xf32, #tpu.memory_space<vmem_shared>> -> memref<80x64xf32, #tpu.memory_space<vmem_shared>>
      %dma_wait3A_215 = arith.constant 0 : i32
      %dma_wait3A_216 = arith.constant 0 : i32
      %dma_wait3A_217 = tpu.memref_slice %arg19[%dma_wait3A_215, %dma_wait3A_216] : memref<80x64xf32, #tpu.memory_space<vmem>> -> memref<80x64xf32, #tpu.memory_space<vmem>>
      tpu.wait_dma2 semaphore(%run_scoped3A_199 : memref<!tpu.dma_semaphore, #tpu.memory_space<semaphore_mem>>) src(%dma_wait3A_217 : memref<80x64xf32, #tpu.memory_space<vmem>>) dst(%dma_wait3A_214 : memref<80x64xf32, #tpu.memory_space<vmem_shared>>)
      tpu.yield
    }) : () -> ()
    %add3A_32 = arith.constant 80 : i32
    %add3A_33 = arith.addi %add3A_31, %add3A_32 : i32
    "tpu.region"() ({
      %run_scoped3A_199 = tpu.sem_alloc : memref<!tpu.dma_semaphore, #tpu.memory_space<semaphore_mem>>
      %dma_start3A = arith.constant 0 : i32
      %dma_start3A_200 = arith.constant 0 : i32
      %dma_start3A_201 = tpu.memref_slice %arg19[%dma_start3A, %dma_start3A_200] : memref<80x64xf32, #tpu.memory_space<vmem>> -> memref<80x64xf32, #tpu.memory_space<vmem>>
      %dma_start3A_202 = arith.constant 0 : i32
      %dma_start3A_203 = tpu.memref_slice %arg22[%add3A_33, %dma_start3A_202] : memref<10112x64xf32, #tpu.memory_space<vmem_shared>> -> memref<80x64xf32, #tpu.memory_space<vmem_shared>>
      %dma_start3A_204 = arith.constant 0 : i32
      %dma_start3A_205 = tpu.memref_slice %arg22[%add3A_33, %dma_start3A_204] : memref<10112x64xf32, #tpu.memory_space<vmem_shared>> -> memref<80x64xf32, #tpu.memory_space<vmem_shared>>
      %dma_start3A_206 = arith.constant 0 : i32
      %dma_start3A_207 = arith.constant 0 : i32
      %dma_start3A_208 = tpu.memref_slice %arg19[%dma_start3A_206, %dma_start3A_207] : memref<80x64xf32, #tpu.memory_space<vmem>> -> memref<80x64xf32, #tpu.memory_space<vmem>>
      tpu.enqueue_dma source(%dma_start3A_208 : memref<80x64xf32, #tpu.memory_space<vmem>>) target(%dma_start3A_205 : memref<80x64xf32, #tpu.memory_space<vmem_shared>>) target_semaphore(%run_scoped3A_199 : memref<!tpu.dma_semaphore, #tpu.memory_space<semaphore_mem>>)
      %dma_wait3A = arith.constant 0 : i32
      %dma_wait3A_209 = arith.constant 0 : i32
      %dma_wait3A_210 = tpu.memref_slice %arg19[%dma_wait3A, %dma_wait3A_209] : memref<80x64xf32, #tpu.memory_space<vmem>> -> memref<80x64xf32, #tpu.memory_space<vmem>>
      %dma_wait3A_211 = arith.constant 0 : i32
      %dma_wait3A_212 = tpu.memref_slice %arg22[%add3A_33, %dma_wait3A_211] : memref<10112x64xf32, #tpu.memory_space<vmem_shared>> -> memref<80x64xf32, #tpu.memory_space<vmem_shared>>
      %dma_wait3A_213 = arith.constant 0 : i32
      %dma_wait3A_214 = tpu.memref_slice %arg22[%add3A_33, %dma_wait3A_213] : memref<10112x64xf32, #tpu.memory_space<vmem_shared>> -> memref<80x64xf32, #tpu.memory_space<vmem_shared>>
      %dma_wait3A_215 = arith.constant 0 : i32
      %dma_wait3A_216 = arith.constant 0 : i32
      %dma_wait3A_217 = tpu.memref_slice %arg19[%dma_wait3A_215, %dma_wait3A_216] : memref<80x64xf32, #tpu.memory_space<vmem>> -> memref<80x64xf32, #tpu.memory_space<vmem>>
      tpu.wait_dma2 semaphore(%run_scoped3A_199 : memref<!tpu.dma_semaphore, #tpu.memory_space<semaphore_mem>>) src(%dma_wait3A_217 : memref<80x64xf32, #tpu.memory_space<vmem>>) dst(%dma_wait3A_214 : memref<80x64xf32, #tpu.memory_space<vmem_shared>>)
      tpu.yield
    }) : () -> ()
    %add3A_34 = arith.constant 80 : i32
    %add3A_35 = arith.addi %add3A_33, %add3A_34 : i32
    "tpu.region"() ({
      %run_scoped3A_199 = tpu.sem_alloc : memref<!tpu.dma_semaphore, #tpu.memory_space<semaphore_mem>>
      %dma_start3A = arith.constant 0 : i32
      %dma_start3A_200 = arith.constant 0 : i32
      %dma_start3A_201 = tpu.memref_slice %arg19[%dma_start3A, %dma_start3A_200] : memref<80x64xf32, #tpu.memory_space<vmem>> -> memref<80x64xf32, #tpu.memory_space<vmem>>
      %dma_start3A_202 = arith.constant 0 : i32
      %dma_start3A_203 = tpu.memref_slice %arg22[%add3A_35, %dma_start3A_202] : memref<10112x64xf32, #tpu.memory_space<vmem_shared>> -> memref<80x64xf32, #tpu.memory_space<vmem_shared>>
      %dma_start3A_204 = arith.constant 0 : i32
      %dma_start3A_205 = tpu.memref_slice %arg22[%add3A_35, %dma_start3A_204] : memref<10112x64xf32, #tpu.memory_space<vmem_shared>> -> memref<80x64xf32, #tpu.memory_space<vmem_shared>>
      %dma_start3A_206 = arith.constant 0 : i32
      %dma_start3A_207 = arith.constant 0 : i32
      %dma_start3A_208 = tpu.memref_slice %arg19[%dma_start3A_206, %dma_start3A_207] : memref<80x64xf32, #tpu.memory_space<vmem>> -> memref<80x64xf32, #tpu.memory_space<vmem>>
      tpu.enqueue_dma source(%dma_start3A_208 : memref<80x64xf32, #tpu.memory_space<vmem>>) target(%dma_start3A_205 : memref<80x64xf32, #tpu.memory_space<vmem_shared>>) target_semaphore(%run_scoped3A_199 : memref<!tpu.dma_semaphore, #tpu.memory_space<semaphore_mem>>)
      %dma_wait3A = arith.constant 0 : i32
      %dma_wait3A_209 = arith.constant 0 : i32
      %dma_wait3A_210 = tpu.memref_slice %arg19[%dma_wait3A, %dma_wait3A_209] : memref<80x64xf32, #tpu.memory_space<vmem>> -> memref<80x64xf32, #tpu.memory_space<vmem>>
      %dma_wait3A_211 = arith.constant 0 : i32
      %dma_wait3A_212 = tpu.memref_slice %arg22[%add3A_35, %dma_wait3A_211] : memref<10112x64xf32, #tpu.memory_space<vmem_shared>> -> memref<80x64xf32, #tpu.memory_space<vmem_shared>>
      %dma_wait3A_213 = arith.constant 0 : i32
      %dma_wait3A_214 = tpu.memref_slice %arg22[%add3A_35, %dma_wait3A_213] : memref<10112x64xf32, #tpu.memory_space<vmem_shared>> -> memref<80x64xf32, #tpu.memory_space<vmem_shared>>
      %dma_wait3A_215 = arith.constant 0 : i32
      %dma_wait3A_216 = arith.constant 0 : i32
      %dma_wait3A_217 = tpu.memref_slice %arg19[%dma_wait3A_215, %dma_wait3A_216] : memref<80x64xf32, #tpu.memory_space<vmem>> -> memref<80x64xf32, #tpu.memory_space<vmem>>
      tpu.wait_dma2 semaphore(%run_scoped3A_199 : memref<!tpu.dma_semaphore, #tpu.memory_space<semaphore_mem>>) src(%dma_wait3A_217 : memref<80x64xf32, #tpu.memory_space<vmem>>) dst(%dma_wait3A_214 : memref<80x64xf32, #tpu.memory_space<vmem_shared>>)
      tpu.yield
    }) : () -> ()
    %add3A_36 = arith.constant 80 : i32
    %add3A_37 = arith.addi %add3A_35, %add3A_36 : i32
    "tpu.region"() ({
      %run_scoped3A_199 = tpu.sem_alloc : memref<!tpu.dma_semaphore, #tpu.memory_space<semaphore_mem>>
      %dma_start3A = arith.constant 0 : i32
      %dma_start3A_200 = arith.constant 0 : i32
      %dma_start3A_201 = tpu.memref_slice %arg19[%dma_start3A, %dma_start3A_200] : memref<80x64xf32, #tpu.memory_space<vmem>> -> memref<80x64xf32, #tpu.memory_space<vmem>>
      %dma_start3A_202 = arith.constant 0 : i32
      %dma_start3A_203 = tpu.memref_slice %arg22[%add3A_37, %dma_start3A_202] : memref<10112x64xf32, #tpu.memory_space<vmem_shared>> -> memref<80x64xf32, #tpu.memory_space<vmem_shared>>
      %dma_start3A_204 = arith.constant 0 : i32
      %dma_start3A_205 = tpu.memref_slice %arg22[%add3A_37, %dma_start3A_204] : memref<10112x64xf32, #tpu.memory_space<vmem_shared>> -> memref<80x64xf32, #tpu.memory_space<vmem_shared>>
      %dma_start3A_206 = arith.constant 0 : i32
      %dma_start3A_207 = arith.constant 0 : i32
      %dma_start3A_208 = tpu.memref_slice %arg19[%dma_start3A_206, %dma_start3A_207] : memref<80x64xf32, #tpu.memory_space<vmem>> -> memref<80x64xf32, #tpu.memory_space<vmem>>
      tpu.enqueue_dma source(%dma_start3A_208 : memref<80x64xf32, #tpu.memory_space<vmem>>) target(%dma_start3A_205 : memref<80x64xf32, #tpu.memory_space<vmem_shared>>) target_semaphore(%run_scoped3A_199 : memref<!tpu.dma_semaphore, #tpu.memory_space<semaphore_mem>>)
      %dma_wait3A = arith.constant 0 : i32
      %dma_wait3A_209 = arith.constant 0 : i32
      %dma_wait3A_210 = tpu.memref_slice %arg19[%dma_wait3A, %dma_wait3A_209] : memref<80x64xf32, #tpu.memory_space<vmem>> -> memref<80x64xf32, #tpu.memory_space<vmem>>
      %dma_wait3A_211 = arith.constant 0 : i32
      %dma_wait3A_212 = tpu.memref_slice %arg22[%add3A_37, %dma_wait3A_211] : memref<10112x64xf32, #tpu.memory_space<vmem_shared>> -> memref<80x64xf32, #tpu.memory_space<vmem_shared>>
      %dma_wait3A_213 = arith.constant 0 : i32
      %dma_wait3A_214 = tpu.memref_slice %arg22[%add3A_37, %dma_wait3A_213] : memref<10112x64xf32, #tpu.memory_space<vmem_shared>> -> memref<80x64xf32, #tpu.memory_space<vmem_shared>>
      %dma_wait3A_215 = arith.constant 0 : i32
      %dma_wait3A_216 = arith.constant 0 : i32
      %dma_wait3A_217 = tpu.memref_slice %arg19[%dma_wait3A_215, %dma_wait3A_216] : memref<80x64xf32, #tpu.memory_space<vmem>> -> memref<80x64xf32, #tpu.memory_space<vmem>>
      tpu.wait_dma2 semaphore(%run_scoped3A_199 : memref<!tpu.dma_semaphore, #tpu.memory_space<semaphore_mem>>) src(%dma_wait3A_217 : memref<80x64xf32, #tpu.memory_space<vmem>>) dst(%dma_wait3A_214 : memref<80x64xf32, #tpu.memory_space<vmem_shared>>)
      tpu.yield
    }) : () -> ()
    %add3A_38 = arith.constant 80 : i32
    %add3A_39 = arith.addi %add3A_37, %add3A_38 : i32
    "tpu.region"() ({
      %run_scoped3A_199 = tpu.sem_alloc : memref<!tpu.dma_semaphore, #tpu.memory_space<semaphore_mem>>
      %dma_start3A = arith.constant 0 : i32
      %dma_start3A_200 = arith.constant 0 : i32
      %dma_start3A_201 = tpu.memref_slice %arg19[%dma_start3A, %dma_start3A_200] : memref<80x64xf32, #tpu.memory_space<vmem>> -> memref<80x64xf32, #tpu.memory_space<vmem>>
      %dma_start3A_202 = arith.constant 0 : i32
      %dma_start3A_203 = tpu.memref_slice %arg22[%add3A_39, %dma_start3A_202] : memref<10112x64xf32, #tpu.memory_space<vmem_shared>> -> memref<80x64xf32, #tpu.memory_space<vmem_shared>>
      %dma_start3A_204 = arith.constant 0 : i32
      %dma_start3A_205 = tpu.memref_slice %arg22[%add3A_39, %dma_start3A_204] : memref<10112x64xf32, #tpu.memory_space<vmem_shared>> -> memref<80x64xf32, #tpu.memory_space<vmem_shared>>
      %dma_start3A_206 = arith.constant 0 : i32
      %dma_start3A_207 = arith.constant 0 : i32
      %dma_start3A_208 = tpu.memref_slice %arg19[%dma_start3A_206, %dma_start3A_207] : memref<80x64xf32, #tpu.memory_space<vmem>> -> memref<80x64xf32, #tpu.memory_space<vmem>>
      tpu.enqueue_dma source(%dma_start3A_208 : memref<80x64xf32, #tpu.memory_space<vmem>>) target(%dma_start3A_205 : memref<80x64xf32, #tpu.memory_space<vmem_shared>>) target_semaphore(%run_scoped3A_199 : memref<!tpu.dma_semaphore, #tpu.memory_space<semaphore_mem>>)
      %dma_wait3A = arith.constant 0 : i32
      %dma_wait3A_209 = arith.constant 0 : i32
      %dma_wait3A_210 = tpu.memref_slice %arg19[%dma_wait3A, %dma_wait3A_209] : memref<80x64xf32, #tpu.memory_space<vmem>> -> memref<80x64xf32, #tpu.memory_space<vmem>>
      %dma_wait3A_211 = arith.constant 0 : i32
      %dma_wait3A_212 = tpu.memref_slice %arg22[%add3A_39, %dma_wait3A_211] : memref<10112x64xf32, #tpu.memory_space<vmem_shared>> -> memref<80x64xf32, #tpu.memory_space<vmem_shared>>
      %dma_wait3A_213 = arith.constant 0 : i32
      %dma_wait3A_214 = tpu.memref_slice %arg22[%add3A_39, %dma_wait3A_213] : memref<10112x64xf32, #tpu.memory_space<vmem_shared>> -> memref<80x64xf32, #tpu.memory_space<vmem_shared>>
      %dma_wait3A_215 = arith.constant 0 : i32
      %dma_wait3A_216 = arith.constant 0 : i32
      %dma_wait3A_217 = tpu.memref_slice %arg19[%dma_wait3A_215, %dma_wait3A_216] : memref<80x64xf32, #tpu.memory_space<vmem>> -> memref<80x64xf32, #tpu.memory_space<vmem>>
      tpu.wait_dma2 semaphore(%run_scoped3A_199 : memref<!tpu.dma_semaphore, #tpu.memory_space<semaphore_mem>>) src(%dma_wait3A_217 : memref<80x64xf32, #tpu.memory_space<vmem>>) dst(%dma_wait3A_214 : memref<80x64xf32, #tpu.memory_space<vmem_shared>>)
      tpu.yield
    }) : () -> ()
    %add3A_40 = arith.constant 80 : i32
    %add3A_41 = arith.addi %add3A_39, %add3A_40 : i32
    "tpu.region"() ({
      %run_scoped3A_199 = tpu.sem_alloc : memref<!tpu.dma_semaphore, #tpu.memory_space<semaphore_mem>>
      %dma_start3A = arith.constant 0 : i32
      %dma_start3A_200 = arith.constant 0 : i32
      %dma_start3A_201 = tpu.memref_slice %arg19[%dma_start3A, %dma_start3A_200] : memref<80x64xf32, #tpu.memory_space<vmem>> -> memref<72x64xf32, #tpu.memory_space<vmem>>
      %dma_start3A_202 = arith.constant 0 : i32
      %dma_start3A_203 = tpu.memref_slice %arg22[%add3A_41, %dma_start3A_202] : memref<10112x64xf32, #tpu.memory_space<vmem_shared>> -> memref<72x64xf32, #tpu.memory_space<vmem_shared>>
      %dma_start3A_204 = arith.constant 0 : i32
      %dma_start3A_205 = tpu.memref_slice %arg22[%add3A_41, %dma_start3A_204] : memref<10112x64xf32, #tpu.memory_space<vmem_shared>> -> memref<72x64xf32, #tpu.memory_space<vmem_shared>>
      %dma_start3A_206 = arith.constant 0 : i32
      %dma_start3A_207 = arith.constant 0 : i32
      %dma_start3A_208 = tpu.memref_slice %arg19[%dma_start3A_206, %dma_start3A_207] : memref<80x64xf32, #tpu.memory_space<vmem>> -> memref<72x64xf32, #tpu.memory_space<vmem>>
      tpu.enqueue_dma source(%dma_start3A_208 : memref<72x64xf32, #tpu.memory_space<vmem>>) target(%dma_start3A_205 : memref<72x64xf32, #tpu.memory_space<vmem_shared>>) target_semaphore(%run_scoped3A_199 : memref<!tpu.dma_semaphore, #tpu.memory_space<semaphore_mem>>)
      %dma_wait3A = arith.constant 0 : i32
      %dma_wait3A_209 = arith.constant 0 : i32
      %dma_wait3A_210 = tpu.memref_slice %arg19[%dma_wait3A, %dma_wait3A_209] : memref<80x64xf32, #tpu.memory_space<vmem>> -> memref<72x64xf32, #tpu.memory_space<vmem>>
      %dma_wait3A_211 = arith.constant 0 : i32
      %dma_wait3A_212 = tpu.memref_slice %arg22[%add3A_41, %dma_wait3A_211] : memref<10112x64xf32, #tpu.memory_space<vmem_shared>> -> memref<72x64xf32, #tpu.memory_space<vmem_shared>>
      %dma_wait3A_213 = arith.constant 0 : i32
      %dma_wait3A_214 = tpu.memref_slice %arg22[%add3A_41, %dma_wait3A_213] : memref<10112x64xf32, #tpu.memory_space<vmem_shared>> -> memref<72x64xf32, #tpu.memory_space<vmem_shared>>
      %dma_wait3A_215 = arith.constant 0 : i32
      %dma_wait3A_216 = arith.constant 0 : i32
      %dma_wait3A_217 = tpu.memref_slice %arg19[%dma_wait3A_215, %dma_wait3A_216] : memref<80x64xf32, #tpu.memory_space<vmem>> -> memref<72x64xf32, #tpu.memory_space<vmem>>
      tpu.wait_dma2 semaphore(%run_scoped3A_199 : memref<!tpu.dma_semaphore, #tpu.memory_space<semaphore_mem>>) src(%dma_wait3A_217 : memref<72x64xf32, #tpu.memory_space<vmem>>) dst(%dma_wait3A_214 : memref<72x64xf32, #tpu.memory_space<vmem_shared>>)
      tpu.yield
    }) : () -> ()
    %add3A_42 = arith.constant 72 : i32
    %add3A_43 = arith.addi %add3A_41, %add3A_42 : i32
    "tpu.region"() ({
      %run_scoped3A_199 = tpu.sem_alloc : memref<!tpu.dma_semaphore, #tpu.memory_space<semaphore_mem>>
      tpu.enqueue_dma source(%arg7 : memref<2x128xi32, #tpu.memory_space<hbm>>) target(%arg20 : memref<2x128xi32, #tpu.memory_space<vmem>>) target_semaphore(%run_scoped3A_199 : memref<!tpu.dma_semaphore, #tpu.memory_space<semaphore_mem>>)
      tpu.wait_dma2 semaphore(%run_scoped3A_199 : memref<!tpu.dma_semaphore, #tpu.memory_space<semaphore_mem>>) src(%arg7 : memref<2x128xi32, #tpu.memory_space<hbm>>) dst(%arg20 : memref<2x128xi32, #tpu.memory_space<vmem>>)
      tpu.yield
    }) : () -> ()
    "tpu.region"() ({
      %run_scoped3A_199 = tpu.sem_alloc : memref<!tpu.dma_semaphore, #tpu.memory_space<semaphore_mem>>
      tpu.enqueue_dma source(%arg8 : memref<30xi32, #tpu.memory_space<hbm>>) target(%arg21 : memref<30xi32, #tpu.memory_space<vmem>>) target_semaphore(%run_scoped3A_199 : memref<!tpu.dma_semaphore, #tpu.memory_space<semaphore_mem>>)
      tpu.wait_dma2 semaphore(%run_scoped3A_199 : memref<!tpu.dma_semaphore, #tpu.memory_space<semaphore_mem>>) src(%arg8 : memref<30xi32, #tpu.memory_space<hbm>>) dst(%arg21 : memref<30xi32, #tpu.memory_space<vmem>>)
      tpu.yield
    }) : () -> ()
    %barrier3A = arith.constant 0 : index
    tpu.barrier barrier_id(%barrier3A)
    %mul3A_44 = arith.constant 2 : i32
    %mul3A_45 = arith.muli %arg1, %mul3A_44 : i32
    %add3A_46 = arith.constant 0 : i32
    %add3A_47 = arith.addi %mul3A_45, %add3A_46 : i32
    "tpu.region"() ({
      %run_scoped3A_199 = tpu.sem_alloc : memref<!tpu.dma_semaphore, #tpu.memory_space<semaphore_mem>>
      %dma_start3A = arith.constant 0 : i32
      %dma_start3A_200 = arith.constant 0 : i32
      %dma_start3A_201 = tpu.memref_slice %arg5[%add3A_47, %dma_start3A, %dma_start3A_200] : memref<32x81x128xi32, #tpu.memory_space<hbm>> -> memref<1x81x128xi32, #tpu.memory_space<hbm>>
      %dma_start3A_202 = tpu.memref_squeeze %dma_start3A_201 : memref<1x81x128xi32, #tpu.memory_space<hbm>> -> memref<81x128xi32, #tpu.memory_space<hbm>>
      %dma_start3A_203 = arith.constant 0 : i32
      %dma_start3A_204 = arith.constant 0 : i32
      %dma_start3A_205 = tpu.memref_slice %arg5[%add3A_47, %dma_start3A_203, %dma_start3A_204] : memref<32x81x128xi32, #tpu.memory_space<hbm>> -> memref<1x81x128xi32, #tpu.memory_space<hbm>>
      %dma_start3A_206 = tpu.memref_squeeze %dma_start3A_205 : memref<1x81x128xi32, #tpu.memory_space<hbm>> -> memref<81x128xi32, #tpu.memory_space<hbm>>
      tpu.enqueue_dma source(%dma_start3A_206 : memref<81x128xi32, #tpu.memory_space<hbm>>) target(%arg12 : memref<81x128xi32, #tpu.memory_space<vmem>>) target_semaphore(%run_scoped3A_199 : memref<!tpu.dma_semaphore, #tpu.memory_space<semaphore_mem>>)
      %dma_wait3A = arith.constant 0 : i32
      %dma_wait3A_207 = arith.constant 0 : i32
      %dma_wait3A_208 = tpu.memref_slice %arg5[%add3A_47, %dma_wait3A, %dma_wait3A_207] : memref<32x81x128xi32, #tpu.memory_space<hbm>> -> memref<1x81x128xi32, #tpu.memory_space<hbm>>
      %dma_wait3A_209 = tpu.memref_squeeze %dma_wait3A_208 : memref<1x81x128xi32, #tpu.memory_space<hbm>> -> memref<81x128xi32, #tpu.memory_space<hbm>>
      %dma_wait3A_210 = arith.constant 0 : i32
      %dma_wait3A_211 = arith.constant 0 : i32
      %dma_wait3A_212 = tpu.memref_slice %arg5[%add3A_47, %dma_wait3A_210, %dma_wait3A_211] : memref<32x81x128xi32, #tpu.memory_space<hbm>> -> memref<1x81x128xi32, #tpu.memory_space<hbm>>
      %dma_wait3A_213 = tpu.memref_squeeze %dma_wait3A_212 : memref<1x81x128xi32, #tpu.memory_space<hbm>> -> memref<81x128xi32, #tpu.memory_space<hbm>>
      tpu.wait_dma2 semaphore(%run_scoped3A_199 : memref<!tpu.dma_semaphore, #tpu.memory_space<semaphore_mem>>) src(%dma_wait3A_213 : memref<81x128xi32, #tpu.memory_space<hbm>>) dst(%arg12 : memref<81x128xi32, #tpu.memory_space<vmem>>)
      tpu.yield
    }) : () -> ()
    "tpu.region"() ({
      %run_scoped3A_199 = tpu.sem_alloc : memref<!tpu.dma_semaphore, #tpu.memory_space<semaphore_mem>>
      %dma_start3A = arith.constant 0 : i32
      %dma_start3A_200 = arith.constant 0 : i32
      %dma_start3A_201 = tpu.memref_slice %arg6[%add3A_47, %dma_start3A, %dma_start3A_200] : memref<32x81x128xf32, #tpu.memory_space<hbm>> -> memref<1x81x128xf32, #tpu.memory_space<hbm>>
      %dma_start3A_202 = tpu.memref_squeeze %dma_start3A_201 : memref<1x81x128xf32, #tpu.memory_space<hbm>> -> memref<81x128xf32, #tpu.memory_space<hbm>>
      %dma_start3A_203 = arith.constant 0 : i32
      %dma_start3A_204 = arith.constant 0 : i32
      %dma_start3A_205 = tpu.memref_slice %arg6[%add3A_47, %dma_start3A_203, %dma_start3A_204] : memref<32x81x128xf32, #tpu.memory_space<hbm>> -> memref<1x81x128xf32, #tpu.memory_space<hbm>>
      %dma_start3A_206 = tpu.memref_squeeze %dma_start3A_205 : memref<1x81x128xf32, #tpu.memory_space<hbm>> -> memref<81x128xf32, #tpu.memory_space<hbm>>
      tpu.enqueue_dma source(%dma_start3A_206 : memref<81x128xf32, #tpu.memory_space<hbm>>) target(%arg13 : memref<81x128xf32, #tpu.memory_space<vmem>>) target_semaphore(%run_scoped3A_199 : memref<!tpu.dma_semaphore, #tpu.memory_space<semaphore_mem>>)
      %dma_wait3A = arith.constant 0 : i32
      %dma_wait3A_207 = arith.constant 0 : i32
      %dma_wait3A_208 = tpu.memref_slice %arg6[%add3A_47, %dma_wait3A, %dma_wait3A_207] : memref<32x81x128xf32, #tpu.memory_space<hbm>> -> memref<1x81x128xf32, #tpu.memory_space<hbm>>
      %dma_wait3A_209 = tpu.memref_squeeze %dma_wait3A_208 : memref<1x81x128xf32, #tpu.memory_space<hbm>> -> memref<81x128xf32, #tpu.memory_space<hbm>>
      %dma_wait3A_210 = arith.constant 0 : i32
      %dma_wait3A_211 = arith.constant 0 : i32
      %dma_wait3A_212 = tpu.memref_slice %arg6[%add3A_47, %dma_wait3A_210, %dma_wait3A_211] : memref<32x81x128xf32, #tpu.memory_space<hbm>> -> memref<1x81x128xf32, #tpu.memory_space<hbm>>
      %dma_wait3A_213 = tpu.memref_squeeze %dma_wait3A_212 : memref<1x81x128xf32, #tpu.memory_space<hbm>> -> memref<81x128xf32, #tpu.memory_space<hbm>>
      tpu.wait_dma2 semaphore(%run_scoped3A_199 : memref<!tpu.dma_semaphore, #tpu.memory_space<semaphore_mem>>) src(%dma_wait3A_213 : memref<81x128xf32, #tpu.memory_space<hbm>>) dst(%arg13 : memref<81x128xf32, #tpu.memory_space<vmem>>)
      tpu.yield
    }) : () -> ()
    %scan3A_48 = arith.constant 0 : i32
    %scan3A_49 = arith.constant 0 : i32
    %scan3A_50 = arith.constant 648 : i32
    %scan3A_51 = arith.addi %scan3A_49, %scan3A_50 : i32
    %scan3A_52 = arith.constant 1 : i32
    %scan3A_53 = scf.for %scan3A_199 = %scan3A_49 to %scan3A_51 step %scan3A_52 iter_args(%scan3A_200 = %scan3A_48) -> (i32)  : i32 {
      %jit3A = arith.constant 8 : i32
      %div3A = arith.divsi %scan3A_199, %jit3A : i32
      %sign3A = arith.constant 0 : i32
      %sign3A_201 = arith.cmpi sgt, %scan3A_199, %sign3A : i32
      %sign3A_202 = arith.extui %sign3A_201 : i1 to i32
      %sign3A_203 = arith.constant 0 : i32
      %sign3A_204 = arith.cmpi slt, %scan3A_199, %sign3A_203 : i32
      %sign3A_205 = arith.extui %sign3A_204 : i1 to i32
      %sign3A_206 = arith.subi %sign3A_202, %sign3A_205 : i32
      %sign3A_207 = arith.constant 0 : i32
      %sign3A_208 = arith.cmpi sgt, %jit3A, %sign3A_207 : i32
      %sign3A_209 = arith.extui %sign3A_208 : i1 to i32
      %sign3A_210 = arith.constant 0 : i32
      %sign3A_211 = arith.cmpi slt, %jit3A, %sign3A_210 : i32
      %sign3A_212 = arith.extui %sign3A_211 : i1 to i32
      %sign3A_213 = arith.subi %sign3A_209, %sign3A_212 : i32
      %ne3A = arith.cmpi ne, %sign3A_206, %sign3A_213 : i32
      %rem3A = arith.remsi %scan3A_199, %jit3A : i32
      %ne3A_214 = arith.constant 0 : i32
      %ne3A_215 = arith.cmpi ne, %rem3A, %ne3A_214 : i32
      %and3A = arith.andi %ne3A, %ne3A_215 : i1
      %sub3A = arith.constant 1 : i32
      %sub3A_216 = arith.subi %div3A, %sub3A : i32
      %select_n3A = arith.select %and3A, %sub3A_216, %div3A : i32
      %jit3A_217 = arith.constant 8 : i32
      %eq3A = arith.constant 0 : i32
      %eq3A_218 = arith.cmpi eq, %jit3A_217, %eq3A : i32
      %jit3A_219 = arith.constant 1 : i32
      %select_n3A_220 = arith.select %eq3A_218, %jit3A_219, %jit3A_217 : i32
      %rem3A_221 = arith.remsi %scan3A_199, %select_n3A_220 : i32
      %ne3A_222 = arith.constant 0 : i32
      %ne3A_223 = arith.cmpi ne, %rem3A_221, %ne3A_222 : i32
      %lt3A = arith.constant 0 : i32
      %lt3A_224 = arith.cmpi slt, %rem3A_221, %lt3A : i32
      %lt3A_225 = arith.constant 0 : i32
      %lt3A_226 = arith.cmpi slt, %select_n3A_220, %lt3A_225 : i32
      %ne3A_227 = arith.xori %lt3A_224, %lt3A_226 : i1
      %and3A_228 = arith.andi %ne3A_227, %ne3A_223 : i1
      %add3A_229 = arith.addi %rem3A_221, %select_n3A_220 : i32
      %select_n3A_230 = arith.select %and3A_228, %add3A_229, %rem3A_221 : i32
      %mul3A_231 = arith.constant 16 : i32
      %mul3A_232 = arith.muli %select_n3A_230, %mul3A_231 : i32
      %get3A = arith.index_cast %select_n3A : i32 to index
      %get3A_233 = arith.index_cast %mul3A_232 : i32 to index
      %get3A_234 = tpu.vector_load %arg12[%get3A, %get3A_233] {strides = array<i32>} : memref<81x128xi32, #tpu.memory_space<vmem>>, vector<16xi32>,
      %mul3A_235 = arith.constant 16 : i32
      %mul3A_236 = arith.muli %select_n3A_230, %mul3A_235 : i32
      %get3A_237 = arith.index_cast %select_n3A : i32 to index
      %get3A_238 = arith.index_cast %mul3A_236 : i32 to index
      %get3A_239 = tpu.vector_load %arg13[%get3A_237, %get3A_238] {strides = array<i32>} : memref<81x128xf32, #tpu.memory_space<vmem>>, vector<16xf32>,
      tpu.vector_store_idx %arg16[%get3A_234], %get3A_239 {add = true} : memref<10112xf32, #tpu.memory_space<vmem>>[vector<16xi32>], vector<16xf32>,
      %scan3A_240 = arith.constant 0 : i32
      scf.yield %scan3A_240 : i32
    }
    %scan3A_54 = arith.constant 648 : i32
    %mul3A_55 = arith.constant 2 : i32
    %mul3A_56 = arith.muli %arg1, %mul3A_55 : i32
    %add3A_57 = arith.constant 1 : i32
    %add3A_58 = arith.addi %mul3A_56, %add3A_57 : i32
    "tpu.region"() ({
      %run_scoped3A_199 = tpu.sem_alloc : memref<!tpu.dma_semaphore, #tpu.memory_space<semaphore_mem>>
      %dma_start3A = arith.constant 0 : i32
      %dma_start3A_200 = arith.constant 0 : i32
      %dma_start3A_201 = tpu.memref_slice %arg5[%add3A_58, %dma_start3A, %dma_start3A_200] : memref<32x81x128xi32, #tpu.memory_space<hbm>> -> memref<1x81x128xi32, #tpu.memory_space<hbm>>
      %dma_start3A_202 = tpu.memref_squeeze %dma_start3A_201 : memref<1x81x128xi32, #tpu.memory_space<hbm>> -> memref<81x128xi32, #tpu.memory_space<hbm>>
      %dma_start3A_203 = arith.constant 0 : i32
      %dma_start3A_204 = arith.constant 0 : i32
      %dma_start3A_205 = tpu.memref_slice %arg5[%add3A_58, %dma_start3A_203, %dma_start3A_204] : memref<32x81x128xi32, #tpu.memory_space<hbm>> -> memref<1x81x128xi32, #tpu.memory_space<hbm>>
      %dma_start3A_206 = tpu.memref_squeeze %dma_start3A_205 : memref<1x81x128xi32, #tpu.memory_space<hbm>> -> memref<81x128xi32, #tpu.memory_space<hbm>>
      tpu.enqueue_dma source(%dma_start3A_206 : memref<81x128xi32, #tpu.memory_space<hbm>>) target(%arg12 : memref<81x128xi32, #tpu.memory_space<vmem>>) target_semaphore(%run_scoped3A_199 : memref<!tpu.dma_semaphore, #tpu.memory_space<semaphore_mem>>)
      %dma_wait3A = arith.constant 0 : i32
      %dma_wait3A_207 = arith.constant 0 : i32
      %dma_wait3A_208 = tpu.memref_slice %arg5[%add3A_58, %dma_wait3A, %dma_wait3A_207] : memref<32x81x128xi32, #tpu.memory_space<hbm>> -> memref<1x81x128xi32, #tpu.memory_space<hbm>>
      %dma_wait3A_209 = tpu.memref_squeeze %dma_wait3A_208 : memref<1x81x128xi32, #tpu.memory_space<hbm>> -> memref<81x128xi32, #tpu.memory_space<hbm>>
      %dma_wait3A_210 = arith.constant 0 : i32
      %dma_wait3A_211 = arith.constant 0 : i32
      %dma_wait3A_212 = tpu.memref_slice %arg5[%add3A_58, %dma_wait3A_210, %dma_wait3A_211] : memref<32x81x128xi32, #tpu.memory_space<hbm>> -> memref<1x81x128xi32, #tpu.memory_space<hbm>>
      %dma_wait3A_213 = tpu.memref_squeeze %dma_wait3A_212 : memref<1x81x128xi32, #tpu.memory_space<hbm>> -> memref<81x128xi32, #tpu.memory_space<hbm>>
      tpu.wait_dma2 semaphore(%run_scoped3A_199 : memref<!tpu.dma_semaphore, #tpu.memory_space<semaphore_mem>>) src(%dma_wait3A_213 : memref<81x128xi32, #tpu.memory_space<hbm>>) dst(%arg12 : memref<81x128xi32, #tpu.memory_space<vmem>>)
      tpu.yield
    }) : () -> ()
    "tpu.region"() ({
      %run_scoped3A_199 = tpu.sem_alloc : memref<!tpu.dma_semaphore, #tpu.memory_space<semaphore_mem>>
      %dma_start3A = arith.constant 0 : i32
      %dma_start3A_200 = arith.constant 0 : i32
      %dma_start3A_201 = tpu.memref_slice %arg6[%add3A_58, %dma_start3A, %dma_start3A_200] : memref<32x81x128xf32, #tpu.memory_space<hbm>> -> memref<1x81x128xf32, #tpu.memory_space<hbm>>
      %dma_start3A_202 = tpu.memref_squeeze %dma_start3A_201 : memref<1x81x128xf32, #tpu.memory_space<hbm>> -> memref<81x128xf32, #tpu.memory_space<hbm>>
      %dma_start3A_203 = arith.constant 0 : i32
      %dma_start3A_204 = arith.constant 0 : i32
      %dma_start3A_205 = tpu.memref_slice %arg6[%add3A_58, %dma_start3A_203, %dma_start3A_204] : memref<32x81x128xf32, #tpu.memory_space<hbm>> -> memref<1x81x128xf32, #tpu.memory_space<hbm>>
      %dma_start3A_206 = tpu.memref_squeeze %dma_start3A_205 : memref<1x81x128xf32, #tpu.memory_space<hbm>> -> memref<81x128xf32, #tpu.memory_space<hbm>>
      tpu.enqueue_dma source(%dma_start3A_206 : memref<81x128xf32, #tpu.memory_space<hbm>>) target(%arg13 : memref<81x128xf32, #tpu.memory_space<vmem>>) target_semaphore(%run_scoped3A_199 : memref<!tpu.dma_semaphore, #tpu.memory_space<semaphore_mem>>)
      %dma_wait3A = arith.constant 0 : i32
      %dma_wait3A_207 = arith.constant 0 : i32
      %dma_wait3A_208 = tpu.memref_slice %arg6[%add3A_58, %dma_wait3A, %dma_wait3A_207] : memref<32x81x128xf32, #tpu.memory_space<hbm>> -> memref<1x81x128xf32, #tpu.memory_space<hbm>>
      %dma_wait3A_209 = tpu.memref_squeeze %dma_wait3A_208 : memref<1x81x128xf32, #tpu.memory_space<hbm>> -> memref<81x128xf32, #tpu.memory_space<hbm>>
      %dma_wait3A_210 = arith.constant 0 : i32
      %dma_wait3A_211 = arith.constant 0 : i32
      %dma_wait3A_212 = tpu.memref_slice %arg6[%add3A_58, %dma_wait3A_210, %dma_wait3A_211] : memref<32x81x128xf32, #tpu.memory_space<hbm>> -> memref<1x81x128xf32, #tpu.memory_space<hbm>>
      %dma_wait3A_213 = tpu.memref_squeeze %dma_wait3A_212 : memref<1x81x128xf32, #tpu.memory_space<hbm>> -> memref<81x128xf32, #tpu.memory_space<hbm>>
      tpu.wait_dma2 semaphore(%run_scoped3A_199 : memref<!tpu.dma_semaphore, #tpu.memory_space<semaphore_mem>>) src(%dma_wait3A_213 : memref<81x128xf32, #tpu.memory_space<hbm>>) dst(%arg13 : memref<81x128xf32, #tpu.memory_space<vmem>>)
      tpu.yield
    }) : () -> ()
    %scan3A_59 = arith.constant 0 : i32
    %scan3A_60 = arith.constant 0 : i32
    %scan3A_61 = arith.constant 648 : i32
    %scan3A_62 = arith.addi %scan3A_60, %scan3A_61 : i32
    %scan3A_63 = arith.constant 1 : i32
    %scan3A_64 = scf.for %scan3A_199 = %scan3A_60 to %scan3A_62 step %scan3A_63 iter_args(%scan3A_200 = %scan3A_59) -> (i32)  : i32 {
      %jit3A = arith.constant 8 : i32
      %div3A = arith.divsi %scan3A_199, %jit3A : i32
      %sign3A = arith.constant 0 : i32
      %sign3A_201 = arith.cmpi sgt, %scan3A_199, %sign3A : i32
      %sign3A_202 = arith.extui %sign3A_201 : i1 to i32
      %sign3A_203 = arith.constant 0 : i32
      %sign3A_204 = arith.cmpi slt, %scan3A_199, %sign3A_203 : i32
      %sign3A_205 = arith.extui %sign3A_204 : i1 to i32
      %sign3A_206 = arith.subi %sign3A_202, %sign3A_205 : i32
      %sign3A_207 = arith.constant 0 : i32
      %sign3A_208 = arith.cmpi sgt, %jit3A, %sign3A_207 : i32
      %sign3A_209 = arith.extui %sign3A_208 : i1 to i32
      %sign3A_210 = arith.constant 0 : i32
      %sign3A_211 = arith.cmpi slt, %jit3A, %sign3A_210 : i32
      %sign3A_212 = arith.extui %sign3A_211 : i1 to i32
      %sign3A_213 = arith.subi %sign3A_209, %sign3A_212 : i32
      %ne3A = arith.cmpi ne, %sign3A_206, %sign3A_213 : i32
      %rem3A = arith.remsi %scan3A_199, %jit3A : i32
      %ne3A_214 = arith.constant 0 : i32
      %ne3A_215 = arith.cmpi ne, %rem3A, %ne3A_214 : i32
      %and3A = arith.andi %ne3A, %ne3A_215 : i1
      %sub3A = arith.constant 1 : i32
      %sub3A_216 = arith.subi %div3A, %sub3A : i32
      %select_n3A = arith.select %and3A, %sub3A_216, %div3A : i32
      %jit3A_217 = arith.constant 8 : i32
      %eq3A = arith.constant 0 : i32
      %eq3A_218 = arith.cmpi eq, %jit3A_217, %eq3A : i32
      %jit3A_219 = arith.constant 1 : i32
      %select_n3A_220 = arith.select %eq3A_218, %jit3A_219, %jit3A_217 : i32
      %rem3A_221 = arith.remsi %scan3A_199, %select_n3A_220 : i32
      %ne3A_222 = arith.constant 0 : i32
      %ne3A_223 = arith.cmpi ne, %rem3A_221, %ne3A_222 : i32
      %lt3A = arith.constant 0 : i32
      %lt3A_224 = arith.cmpi slt, %rem3A_221, %lt3A : i32
      %lt3A_225 = arith.constant 0 : i32
      %lt3A_226 = arith.cmpi slt, %select_n3A_220, %lt3A_225 : i32
      %ne3A_227 = arith.xori %lt3A_224, %lt3A_226 : i1
      %and3A_228 = arith.andi %ne3A_227, %ne3A_223 : i1
      %add3A_229 = arith.addi %rem3A_221, %select_n3A_220 : i32
      %select_n3A_230 = arith.select %and3A_228, %add3A_229, %rem3A_221 : i32
      %mul3A_231 = arith.constant 16 : i32
      %mul3A_232 = arith.muli %select_n3A_230, %mul3A_231 : i32
      %get3A = arith.index_cast %select_n3A : i32 to index
      %get3A_233 = arith.index_cast %mul3A_232 : i32 to index
      %get3A_234 = tpu.vector_load %arg12[%get3A, %get3A_233] {strides = array<i32>} : memref<81x128xi32, #tpu.memory_space<vmem>>, vector<16xi32>,
      %mul3A_235 = arith.constant 16 : i32
      %mul3A_236 = arith.muli %select_n3A_230, %mul3A_235 : i32
      %get3A_237 = arith.index_cast %select_n3A : i32 to index
      %get3A_238 = arith.index_cast %mul3A_236 : i32 to index
      %get3A_239 = tpu.vector_load %arg13[%get3A_237, %get3A_238] {strides = array<i32>} : memref<81x128xf32, #tpu.memory_space<vmem>>, vector<16xf32>,
      tpu.vector_store_idx %arg16[%get3A_234], %get3A_239 {add = true} : memref<10112xf32, #tpu.memory_space<vmem>>[vector<16xi32>], vector<16xf32>,
      %scan3A_240 = arith.constant 0 : i32
      scf.yield %scan3A_240 : i32
    }
    %scan3A_65 = arith.constant 648 : i32
    %scan3A_66 = arith.constant 0 : i32
    %scan3A_67 = arith.constant 0 : i32
    %scan3A_68 = arith.constant 632 : i32
    %scan3A_69 = arith.addi %scan3A_67, %scan3A_68 : i32
    %scan3A_70 = arith.constant 1 : i32
    %scan3A_71 = scf.for %scan3A_199 = %scan3A_67 to %scan3A_69 step %scan3A_70 iter_args(%scan3A_200 = %scan3A_66) -> (i32)  : i32 {
      %jit3A = arith.constant 4 : i32
      %div3A = arith.divsi %scan3A_199, %jit3A : i32
      %sign3A = arith.constant 0 : i32
      %sign3A_201 = arith.cmpi sgt, %scan3A_199, %sign3A : i32
      %sign3A_202 = arith.extui %sign3A_201 : i1 to i32
      %sign3A_203 = arith.constant 0 : i32
      %sign3A_204 = arith.cmpi slt, %scan3A_199, %sign3A_203 : i32
      %sign3A_205 = arith.extui %sign3A_204 : i1 to i32
      %sign3A_206 = arith.subi %sign3A_202, %sign3A_205 : i32
      %sign3A_207 = arith.constant 0 : i32
      %sign3A_208 = arith.cmpi sgt, %jit3A, %sign3A_207 : i32
      %sign3A_209 = arith.extui %sign3A_208 : i1 to i32
      %sign3A_210 = arith.constant 0 : i32
      %sign3A_211 = arith.cmpi slt, %jit3A, %sign3A_210 : i32
      %sign3A_212 = arith.extui %sign3A_211 : i1 to i32
      %sign3A_213 = arith.subi %sign3A_209, %sign3A_212 : i32
      %ne3A = arith.cmpi ne, %sign3A_206, %sign3A_213 : i32
      %rem3A = arith.remsi %scan3A_199, %jit3A : i32
      %ne3A_214 = arith.constant 0 : i32
      %ne3A_215 = arith.cmpi ne, %rem3A, %ne3A_214 : i32
      %and3A = arith.andi %ne3A, %ne3A_215 : i1
      %sub3A = arith.constant 1 : i32
      %sub3A_216 = arith.subi %div3A, %sub3A : i32
      %select_n3A = arith.select %and3A, %sub3A_216, %div3A : i32
      %jit3A_217 = arith.constant 4 : i32
      %eq3A = arith.constant 0 : i32
      %eq3A_218 = arith.cmpi eq, %jit3A_217, %eq3A : i32
      %jit3A_219 = arith.constant 1 : i32
      %select_n3A_220 = arith.select %eq3A_218, %jit3A_219, %jit3A_217 : i32
      %rem3A_221 = arith.remsi %scan3A_199, %select_n3A_220 : i32
      %ne3A_222 = arith.constant 0 : i32
      %ne3A_223 = arith.cmpi ne, %rem3A_221, %ne3A_222 : i32
      %lt3A = arith.constant 0 : i32
      %lt3A_224 = arith.cmpi slt, %rem3A_221, %lt3A : i32
      %lt3A_225 = arith.constant 0 : i32
      %lt3A_226 = arith.cmpi slt, %select_n3A_220, %lt3A_225 : i32
      %ne3A_227 = arith.xori %lt3A_224, %lt3A_226 : i1
      %and3A_228 = arith.andi %ne3A_227, %ne3A_223 : i1
      %add3A_229 = arith.addi %rem3A_221, %select_n3A_220 : i32
      %select_n3A_230 = arith.select %and3A_228, %add3A_229, %rem3A_221 : i32
      %mul3A_231 = arith.constant 16 : i32
      %mul3A_232 = arith.muli %scan3A_199, %mul3A_231 : i32
      %get3A = arith.index_cast %mul3A_232 : i32 to index
      %get3A_233 = tpu.vector_load %arg16[%get3A] {strides = array<i32>} : memref<10112xf32, #tpu.memory_space<vmem>>, vector<16xf32>,
      %mul3A_234 = arith.constant 16 : i32
      %mul3A_235 = arith.muli %select_n3A_230, %mul3A_234 : i32
      %swap3A = arith.index_cast %select_n3A : i32 to index
      %swap3A_236 = arith.index_cast %mul3A_235 : i32 to index
      %swap3A_237 = tpu.vector_load %arg15[%swap3A, %swap3A_236] {strides = array<i32>} : memref<158x64xf32, #tpu.memory_space<vmem>>, vector<16xf32>,
      tpu.vector_store %arg15[%swap3A, %swap3A_236], %get3A_233 {strides = array<i32>} : memref<158x64xf32, #tpu.memory_space<vmem>>, vector<16xf32>,
      %scan3A_238 = arith.constant 0 : i32
      scf.yield %scan3A_238 : i32
    }
    %scan3A_72 = arith.constant 632 : i32
    %run_scoped3A = arith.constant 0 : i32
    "tpu.region"() ({
      %run_scoped3A_199 = tpu.sem_alloc : memref<!tpu.dma_semaphore, #tpu.memory_space<semaphore_mem>>
      %dma_start3A = arith.constant 0 : i32
      %dma_start3A_200 = arith.constant 0 : i32
      %dma_start3A_201 = tpu.memref_slice %arg15[%dma_start3A, %dma_start3A_200] : memref<158x64xf32, #tpu.memory_space<vmem>> -> memref<128x64xf32, #tpu.memory_space<vmem>>
      %dma_start3A_202 = arith.constant 0 : i32
      %dma_start3A_203 = tpu.memref_slice %arg20[%run_scoped3A, %dma_start3A_202] : memref<2x128xi32, #tpu.memory_space<vmem>> -> memref<1x128xi32, #tpu.memory_space<vmem>>
      %dma_start3A_204 = tpu.memref_squeeze %dma_start3A_203 : memref<1x128xi32, #tpu.memory_space<vmem>> -> memref<128xi32, #tpu.memory_space<vmem>>
      %dma_start3A_205 = arith.constant 0 : i32
      %dma_start3A_206 = arith.constant 0 : i32
      %dma_start3A_207 = tpu.memref_slice %arg22[%dma_start3A_205, %dma_start3A_206] : memref<10112x64xf32, #tpu.memory_space<vmem_shared>> -> memref<10112x64xf32, #tpu.memory_space<vmem_shared>>
      tpu.enqueue_indirect_dma source(%dma_start3A_201 : memref<128x64xf32, #tpu.memory_space<vmem>>) target(%dma_start3A_207 : memref<10112x64xf32, #tpu.memory_space<vmem_shared>>) offsets(%dma_start3A_204 : memref<128xi32, #tpu.memory_space<vmem>>) semaphore(%run_scoped3A_199 : memref<!tpu.dma_semaphore, #tpu.memory_space<semaphore_mem>>) {add = true}
      %dma_wait3A = arith.constant 0 : i32
      %dma_wait3A_208 = arith.constant 0 : i32
      %dma_wait3A_209 = tpu.memref_slice %arg15[%dma_wait3A, %dma_wait3A_208] : memref<158x64xf32, #tpu.memory_space<vmem>> -> memref<128x64xf32, #tpu.memory_space<vmem>>
      %dma_wait3A_210 = arith.constant 0 : i32
      %dma_wait3A_211 = tpu.memref_slice %arg20[%run_scoped3A, %dma_wait3A_210] : memref<2x128xi32, #tpu.memory_space<vmem>> -> memref<1x128xi32, #tpu.memory_space<vmem>>
      %dma_wait3A_212 = tpu.memref_squeeze %dma_wait3A_211 : memref<1x128xi32, #tpu.memory_space<vmem>> -> memref<128xi32, #tpu.memory_space<vmem>>
      %dma_wait3A_213 = arith.constant 0 : i32
      %dma_wait3A_214 = arith.constant 0 : i32
      %dma_wait3A_215 = tpu.memref_slice %arg22[%dma_wait3A_213, %dma_wait3A_214] : memref<10112x64xf32, #tpu.memory_space<vmem_shared>> -> memref<10112x64xf32, #tpu.memory_space<vmem_shared>>
      tpu.wait_indirect_dma semaphore(%run_scoped3A_199 : memref<!tpu.dma_semaphore, #tpu.memory_space<semaphore_mem>>) src(%dma_wait3A_209 : memref<128x64xf32, #tpu.memory_space<vmem>>) dst(%dma_wait3A_215 : memref<10112x64xf32, #tpu.memory_space<vmem_shared>>)
      tpu.yield
    }) : () -> ()
    "tpu.region"() ({
      %run_scoped3A_199 = tpu.sem_alloc : memref<!tpu.dma_semaphore, #tpu.memory_space<semaphore_mem>>
      %dma_start3A = arith.constant 128 : i32
      %dma_start3A_200 = arith.constant 0 : i32
      %dma_start3A_201 = tpu.memref_slice %arg15[%dma_start3A, %dma_start3A_200] : memref<158x64xf32, #tpu.memory_space<vmem>> -> memref<30x64xf32, #tpu.memory_space<vmem>>
      %dma_start3A_202 = arith.constant 0 : i32
      %dma_start3A_203 = arith.constant 0 : i32
      %dma_start3A_204 = tpu.memref_slice %arg22[%dma_start3A_202, %dma_start3A_203] : memref<10112x64xf32, #tpu.memory_space<vmem_shared>> -> memref<10112x64xf32, #tpu.memory_space<vmem_shared>>
      tpu.enqueue_indirect_dma source(%dma_start3A_201 : memref<30x64xf32, #tpu.memory_space<vmem>>) target(%dma_start3A_204 : memref<10112x64xf32, #tpu.memory_space<vmem_shared>>) offsets(%arg21 : memref<30xi32, #tpu.memory_space<vmem>>) semaphore(%run_scoped3A_199 : memref<!tpu.dma_semaphore, #tpu.memory_space<semaphore_mem>>) {add = true}
      %dma_wait3A = arith.constant 128 : i32
      %dma_wait3A_205 = arith.constant 0 : i32
      %dma_wait3A_206 = tpu.memref_slice %arg15[%dma_wait3A, %dma_wait3A_205] : memref<158x64xf32, #tpu.memory_space<vmem>> -> memref<30x64xf32, #tpu.memory_space<vmem>>
      %dma_wait3A_207 = arith.constant 0 : i32
      %dma_wait3A_208 = arith.constant 0 : i32
      %dma_wait3A_209 = tpu.memref_slice %arg22[%dma_wait3A_207, %dma_wait3A_208] : memref<10112x64xf32, #tpu.memory_space<vmem_shared>> -> memref<10112x64xf32, #tpu.memory_space<vmem_shared>>
      tpu.wait_indirect_dma semaphore(%run_scoped3A_199 : memref<!tpu.dma_semaphore, #tpu.memory_space<semaphore_mem>>) src(%dma_wait3A_206 : memref<30x64xf32, #tpu.memory_space<vmem>>) dst(%dma_wait3A_209 : memref<10112x64xf32, #tpu.memory_space<vmem_shared>>)
      tpu.yield
    }) : () -> ()
    %barrier3A_73 = arith.constant 0 : index
    tpu.barrier barrier_id(%barrier3A_73)
    "tpu.region"() ({
      %run_scoped3A_199 = tpu.sem_alloc : memref<!tpu.dma_semaphore, #tpu.memory_space<semaphore_mem>>
      %dma_start3A = arith.constant 0 : i32
      %dma_start3A_200 = arith.constant 0 : i32
      %dma_start3A_201 = tpu.memref_slice %arg15[%dma_start3A, %dma_start3A_200] : memref<158x64xf32, #tpu.memory_space<vmem>> -> memref<158x64xf32, #tpu.memory_space<vmem>>
      %dma_start3A_202 = arith.constant 0 : i32
      %dma_start3A_203 = arith.constant 0 : i32
      %dma_start3A_204 = tpu.memref_slice %arg22[%dma_start3A_202, %dma_start3A_203] : memref<10112x64xf32, #tpu.memory_space<vmem_shared>> -> memref<158x64xf32, #tpu.memory_space<vmem_shared>>
      %dma_start3A_205 = arith.constant 0 : i32
      %dma_start3A_206 = arith.constant 0 : i32
      %dma_start3A_207 = tpu.memref_slice %arg15[%dma_start3A_205, %dma_start3A_206] : memref<158x64xf32, #tpu.memory_space<vmem>> -> memref<158x64xf32, #tpu.memory_space<vmem>>
      %dma_start3A_208 = arith.constant 0 : i32
      %dma_start3A_209 = arith.constant 0 : i32
      %dma_start3A_210 = tpu.memref_slice %arg22[%dma_start3A_208, %dma_start3A_209] : memref<10112x64xf32, #tpu.memory_space<vmem_shared>> -> memref<158x64xf32, #tpu.memory_space<vmem_shared>>
      tpu.enqueue_dma source(%dma_start3A_210 : memref<158x64xf32, #tpu.memory_space<vmem_shared>>) target(%dma_start3A_207 : memref<158x64xf32, #tpu.memory_space<vmem>>) target_semaphore(%run_scoped3A_199 : memref<!tpu.dma_semaphore, #tpu.memory_space<semaphore_mem>>)
      %dma_wait3A = arith.constant 0 : i32
      %dma_wait3A_211 = arith.constant 0 : i32
      %dma_wait3A_212 = tpu.memref_slice %arg15[%dma_wait3A, %dma_wait3A_211] : memref<158x64xf32, #tpu.memory_space<vmem>> -> memref<158x64xf32, #tpu.memory_space<vmem>>
      %dma_wait3A_213 = arith.constant 0 : i32
      %dma_wait3A_214 = arith.constant 0 : i32
      %dma_wait3A_215 = tpu.memref_slice %arg22[%dma_wait3A_213, %dma_wait3A_214] : memref<10112x64xf32, #tpu.memory_space<vmem_shared>> -> memref<158x64xf32, #tpu.memory_space<vmem_shared>>
      %dma_wait3A_216 = arith.constant 0 : i32
      %dma_wait3A_217 = arith.constant 0 : i32
      %dma_wait3A_218 = tpu.memref_slice %arg15[%dma_wait3A_216, %dma_wait3A_217] : memref<158x64xf32, #tpu.memory_space<vmem>> -> memref<158x64xf32, #tpu.memory_space<vmem>>
      %dma_wait3A_219 = arith.constant 0 : i32
      %dma_wait3A_220 = arith.constant 0 : i32
      %dma_wait3A_221 = tpu.memref_slice %arg22[%dma_wait3A_219, %dma_wait3A_220] : memref<10112x64xf32, #tpu.memory_space<vmem_shared>> -> memref<158x64xf32, #tpu.memory_space<vmem_shared>>
      tpu.wait_dma2 semaphore(%run_scoped3A_199 : memref<!tpu.dma_semaphore, #tpu.memory_space<semaphore_mem>>) src(%dma_wait3A_221 : memref<158x64xf32, #tpu.memory_space<vmem_shared>>) dst(%dma_wait3A_218 : memref<158x64xf32, #tpu.memory_space<vmem>>)
      tpu.yield
    }) : () -> ()
    %scan3A_74 = arith.constant 5.000000e-01 : f32
    %scan3A_75 = arith.constant 1.500000e+00 : f32
    %scan3A_76 = arith.constant 0 : i32
    %scan3A_77 = arith.constant 0 : i32
    %scan3A_78 = arith.constant 632 : i32
    %scan3A_79 = arith.addi %scan3A_77, %scan3A_78 : i32
    %scan3A_80 = arith.constant 1 : i32
    %scan3A_81 = scf.for %scan3A_199 = %scan3A_77 to %scan3A_79 step %scan3A_80 iter_args(%scan3A_200 = %scan3A_76) -> (i32)  : i32 {
      %jit3A = arith.constant 4 : i32
      %div3A = arith.divsi %scan3A_199, %jit3A : i32
      %sign3A = arith.constant 0 : i32
      %sign3A_201 = arith.cmpi sgt, %scan3A_199, %sign3A : i32
      %sign3A_202 = arith.extui %sign3A_201 : i1 to i32
      %sign3A_203 = arith.constant 0 : i32
      %sign3A_204 = arith.cmpi slt, %scan3A_199, %sign3A_203 : i32
      %sign3A_205 = arith.extui %sign3A_204 : i1 to i32
      %sign3A_206 = arith.subi %sign3A_202, %sign3A_205 : i32
      %sign3A_207 = arith.constant 0 : i32
      %sign3A_208 = arith.cmpi sgt, %jit3A, %sign3A_207 : i32
      %sign3A_209 = arith.extui %sign3A_208 : i1 to i32
      %sign3A_210 = arith.constant 0 : i32
      %sign3A_211 = arith.cmpi slt, %jit3A, %sign3A_210 : i32
      %sign3A_212 = arith.extui %sign3A_211 : i1 to i32
      %sign3A_213 = arith.subi %sign3A_209, %sign3A_212 : i32
      %ne3A = arith.cmpi ne, %sign3A_206, %sign3A_213 : i32
      %rem3A = arith.remsi %scan3A_199, %jit3A : i32
      %ne3A_214 = arith.constant 0 : i32
      %ne3A_215 = arith.cmpi ne, %rem3A, %ne3A_214 : i32
      %and3A = arith.andi %ne3A, %ne3A_215 : i1
      %sub3A = arith.constant 1 : i32
      %sub3A_216 = arith.subi %div3A, %sub3A : i32
      %select_n3A = arith.select %and3A, %sub3A_216, %div3A : i32
      %jit3A_217 = arith.constant 4 : i32
      %eq3A = arith.constant 0 : i32
      %eq3A_218 = arith.cmpi eq, %jit3A_217, %eq3A : i32
      %jit3A_219 = arith.constant 1 : i32
      %select_n3A_220 = arith.select %eq3A_218, %jit3A_219, %jit3A_217 : i32
      %rem3A_221 = arith.remsi %scan3A_199, %select_n3A_220 : i32
      %ne3A_222 = arith.constant 0 : i32
      %ne3A_223 = arith.cmpi ne, %rem3A_221, %ne3A_222 : i32
      %lt3A = arith.constant 0 : i32
      %lt3A_224 = arith.cmpi slt, %rem3A_221, %lt3A : i32
      %lt3A_225 = arith.constant 0 : i32
      %lt3A_226 = arith.cmpi slt, %select_n3A_220, %lt3A_225 : i32
      %ne3A_227 = arith.xori %lt3A_224, %lt3A_226 : i1
      %and3A_228 = arith.andi %ne3A_227, %ne3A_223 : i1
      %add3A_229 = arith.addi %rem3A_221, %select_n3A_220 : i32
      %select_n3A_230 = arith.select %and3A_228, %add3A_229, %rem3A_221 : i32
      %mul3A_231 = arith.constant 16 : i32
      %mul3A_232 = arith.muli %select_n3A_230, %mul3A_231 : i32
      %get3A = arith.index_cast %select_n3A : i32 to index
      %get3A_233 = arith.index_cast %mul3A_232 : i32 to index
      %get3A_234 = tpu.vector_load %arg15[%get3A, %get3A_233] {strides = array<i32>} : memref<158x64xf32, #tpu.memory_space<vmem>>, vector<16xf32>,
      %bitcast3A = vector.bitcast %get3A_234 : vector<16xf32> to vector<16xi32>
      %shift_right_logical3A = arith.constant 1 : i32
      %shift_right_logical3A_235 = vector.broadcast %shift_right_logical3A : i32 to vector<16xi32>
      %shift_right_logical3A_236 = arith.shrui %bitcast3A, %shift_right_logical3A_235 : vector<16xi32>
      %sub3A_237 = arith.constant 1597463007 : i32
      %sub3A_238 = vector.broadcast %sub3A_237 : i32 to vector<16xi32>
      %sub3A_239 = arith.subi %sub3A_238, %shift_right_logical3A_236 : vector<16xi32>
      %bitcast3A_240 = vector.bitcast %sub3A_239 : vector<16xi32> to vector<16xf32>
      %mul3A_241 = vector.broadcast %scan3A_74 : f32 to vector<16xf32>
      %mul3A_242 = arith.mulf %mul3A_241, %get3A_234 : vector<16xf32>
      %mul3A_243 = arith.mulf %mul3A_242, %bitcast3A_240 : vector<16xf32>
      %mul3A_244 = arith.mulf %mul3A_243, %bitcast3A_240 : vector<16xf32>
      %sub3A_245 = vector.broadcast %scan3A_75 : f32 to vector<16xf32>
      %sub3A_246 = arith.subf %sub3A_245, %mul3A_244 : vector<16xf32>
      %mul3A_247 = arith.mulf %bitcast3A_240, %sub3A_246 : vector<16xf32>
      %mul3A_248 = arith.mulf %mul3A_242, %mul3A_247 : vector<16xf32>
      %mul3A_249 = arith.mulf %mul3A_248, %mul3A_247 : vector<16xf32>
      %sub3A_250 = vector.broadcast %scan3A_75 : f32 to vector<16xf32>
      %sub3A_251 = arith.subf %sub3A_250, %mul3A_249 : vector<16xf32>
      %mul3A_252 = arith.mulf %mul3A_247, %sub3A_251 : vector<16xf32>
      %mul3A_253 = arith.mulf %mul3A_242, %mul3A_252 : vector<16xf32>
      %mul3A_254 = arith.mulf %mul3A_253, %mul3A_252 : vector<16xf32>
      %sub3A_255 = vector.broadcast %scan3A_75 : f32 to vector<16xf32>
      %sub3A_256 = arith.subf %sub3A_255, %mul3A_254 : vector<16xf32>
      %mul3A_257 = arith.mulf %mul3A_252, %sub3A_256 : vector<16xf32>
      %mul3A_258 = arith.constant 16 : i32
      %mul3A_259 = arith.muli %scan3A_199, %mul3A_258 : i32
      %swap3A = arith.index_cast %mul3A_259 : i32 to index
      %swap3A_260 = tpu.vector_load %arg17[%swap3A] {strides = array<i32>} : memref<10112xf32, #tpu.memory_space<vmem>>, vector<16xf32>,
      tpu.vector_store %arg17[%swap3A], %mul3A_257 {strides = array<i32>} : memref<10112xf32, #tpu.memory_space<vmem>>, vector<16xf32>,
      %scan3A_261 = arith.constant 0 : i32
      scf.yield %scan3A_261 : i32
    }
    %scan3A_82 = arith.constant 632 : i32
    "tpu.region"() ({
      %run_scoped3A_199 = tpu.sem_alloc : memref<!tpu.dma_semaphore, #tpu.memory_space<semaphore_mem>>
      %dma_start3A = arith.constant 0 : i32
      %dma_start3A_200 = arith.constant 0 : i32
      %dma_start3A_201 = tpu.memref_slice %arg4[%add3A, %dma_start3A, %dma_start3A_200] : memref<32x81x128xi32, #tpu.memory_space<hbm>> -> memref<1x81x128xi32, #tpu.memory_space<hbm>>
      %dma_start3A_202 = tpu.memref_squeeze %dma_start3A_201 : memref<1x81x128xi32, #tpu.memory_space<hbm>> -> memref<81x128xi32, #tpu.memory_space<hbm>>
      %dma_start3A_203 = arith.constant 0 : i32
      %dma_start3A_204 = arith.constant 0 : i32
      %dma_start3A_205 = tpu.memref_slice %arg4[%add3A, %dma_start3A_203, %dma_start3A_204] : memref<32x81x128xi32, #tpu.memory_space<hbm>> -> memref<1x81x128xi32, #tpu.memory_space<hbm>>
      %dma_start3A_206 = tpu.memref_squeeze %dma_start3A_205 : memref<1x81x128xi32, #tpu.memory_space<hbm>> -> memref<81x128xi32, #tpu.memory_space<hbm>>
      tpu.enqueue_dma source(%dma_start3A_206 : memref<81x128xi32, #tpu.memory_space<hbm>>) target(%arg11 : memref<81x128xi32, #tpu.memory_space<vmem>>) target_semaphore(%run_scoped3A_199 : memref<!tpu.dma_semaphore, #tpu.memory_space<semaphore_mem>>)
      %dma_wait3A = arith.constant 0 : i32
      %dma_wait3A_207 = arith.constant 0 : i32
      %dma_wait3A_208 = tpu.memref_slice %arg4[%add3A, %dma_wait3A, %dma_wait3A_207] : memref<32x81x128xi32, #tpu.memory_space<hbm>> -> memref<1x81x128xi32, #tpu.memory_space<hbm>>
      %dma_wait3A_209 = tpu.memref_squeeze %dma_wait3A_208 : memref<1x81x128xi32, #tpu.memory_space<hbm>> -> memref<81x128xi32, #tpu.memory_space<hbm>>
      %dma_wait3A_210 = arith.constant 0 : i32
      %dma_wait3A_211 = arith.constant 0 : i32
      %dma_wait3A_212 = tpu.memref_slice %arg4[%add3A, %dma_wait3A_210, %dma_wait3A_211] : memref<32x81x128xi32, #tpu.memory_space<hbm>> -> memref<1x81x128xi32, #tpu.memory_space<hbm>>
      %dma_wait3A_213 = tpu.memref_squeeze %dma_wait3A_212 : memref<1x81x128xi32, #tpu.memory_space<hbm>> -> memref<81x128xi32, #tpu.memory_space<hbm>>
      tpu.wait_dma2 semaphore(%run_scoped3A_199 : memref<!tpu.dma_semaphore, #tpu.memory_space<semaphore_mem>>) src(%dma_wait3A_213 : memref<81x128xi32, #tpu.memory_space<hbm>>) dst(%arg11 : memref<81x128xi32, #tpu.memory_space<vmem>>)
      tpu.yield
    }) : () -> ()
    "tpu.region"() ({
      %run_scoped3A_199 = tpu.sem_alloc : memref<!tpu.dma_semaphore, #tpu.memory_space<semaphore_mem>>
      %dma_start3A = arith.constant 0 : i32
      %dma_start3A_200 = arith.constant 0 : i32
      %dma_start3A_201 = tpu.memref_slice %arg5[%add3A, %dma_start3A, %dma_start3A_200] : memref<32x81x128xi32, #tpu.memory_space<hbm>> -> memref<1x81x128xi32, #tpu.memory_space<hbm>>
      %dma_start3A_202 = tpu.memref_squeeze %dma_start3A_201 : memref<1x81x128xi32, #tpu.memory_space<hbm>> -> memref<81x128xi32, #tpu.memory_space<hbm>>
      %dma_start3A_203 = arith.constant 0 : i32
      %dma_start3A_204 = arith.constant 0 : i32
      %dma_start3A_205 = tpu.memref_slice %arg5[%add3A, %dma_start3A_203, %dma_start3A_204] : memref<32x81x128xi32, #tpu.memory_space<hbm>> -> memref<1x81x128xi32, #tpu.memory_space<hbm>>
      %dma_start3A_206 = tpu.memref_squeeze %dma_start3A_205 : memref<1x81x128xi32, #tpu.memory_space<hbm>> -> memref<81x128xi32, #tpu.memory_space<hbm>>
      tpu.enqueue_dma source(%dma_start3A_206 : memref<81x128xi32, #tpu.memory_space<hbm>>) target(%arg12 : memref<81x128xi32, #tpu.memory_space<vmem>>) target_semaphore(%run_scoped3A_199 : memref<!tpu.dma_semaphore, #tpu.memory_space<semaphore_mem>>)
      %dma_wait3A = arith.constant 0 : i32
      %dma_wait3A_207 = arith.constant 0 : i32
      %dma_wait3A_208 = tpu.memref_slice %arg5[%add3A, %dma_wait3A, %dma_wait3A_207] : memref<32x81x128xi32, #tpu.memory_space<hbm>> -> memref<1x81x128xi32, #tpu.memory_space<hbm>>
      %dma_wait3A_209 = tpu.memref_squeeze %dma_wait3A_208 : memref<1x81x128xi32, #tpu.memory_space<hbm>> -> memref<81x128xi32, #tpu.memory_space<hbm>>
      %dma_wait3A_210 = arith.constant 0 : i32
      %dma_wait3A_211 = arith.constant 0 : i32
      %dma_wait3A_212 = tpu.memref_slice %arg5[%add3A, %dma_wait3A_210, %dma_wait3A_211] : memref<32x81x128xi32, #tpu.memory_space<hbm>> -> memref<1x81x128xi32, #tpu.memory_space<hbm>>
      %dma_wait3A_213 = tpu.memref_squeeze %dma_wait3A_212 : memref<1x81x128xi32, #tpu.memory_space<hbm>> -> memref<81x128xi32, #tpu.memory_space<hbm>>
      tpu.wait_dma2 semaphore(%run_scoped3A_199 : memref<!tpu.dma_semaphore, #tpu.memory_space<semaphore_mem>>) src(%dma_wait3A_213 : memref<81x128xi32, #tpu.memory_space<hbm>>) dst(%arg12 : memref<81x128xi32, #tpu.memory_space<vmem>>)
      tpu.yield
    }) : () -> ()
    "tpu.region"() ({
      %run_scoped3A_199 = tpu.sem_alloc : memref<!tpu.dma_semaphore, #tpu.memory_space<semaphore_mem>>
      %dma_start3A = arith.constant 0 : i32
      %dma_start3A_200 = arith.constant 0 : i32
      %dma_start3A_201 = tpu.memref_slice %arg6[%add3A, %dma_start3A, %dma_start3A_200] : memref<32x81x128xf32, #tpu.memory_space<hbm>> -> memref<1x81x128xf32, #tpu.memory_space<hbm>>
      %dma_start3A_202 = tpu.memref_squeeze %dma_start3A_201 : memref<1x81x128xf32, #tpu.memory_space<hbm>> -> memref<81x128xf32, #tpu.memory_space<hbm>>
      %dma_start3A_203 = arith.constant 0 : i32
      %dma_start3A_204 = arith.constant 0 : i32
      %dma_start3A_205 = tpu.memref_slice %arg6[%add3A, %dma_start3A_203, %dma_start3A_204] : memref<32x81x128xf32, #tpu.memory_space<hbm>> -> memref<1x81x128xf32, #tpu.memory_space<hbm>>
      %dma_start3A_206 = tpu.memref_squeeze %dma_start3A_205 : memref<1x81x128xf32, #tpu.memory_space<hbm>> -> memref<81x128xf32, #tpu.memory_space<hbm>>
      tpu.enqueue_dma source(%dma_start3A_206 : memref<81x128xf32, #tpu.memory_space<hbm>>) target(%arg13 : memref<81x128xf32, #tpu.memory_space<vmem>>) target_semaphore(%run_scoped3A_199 : memref<!tpu.dma_semaphore, #tpu.memory_space<semaphore_mem>>)
      %dma_wait3A = arith.constant 0 : i32
      %dma_wait3A_207 = arith.constant 0 : i32
      %dma_wait3A_208 = tpu.memref_slice %arg6[%add3A, %dma_wait3A, %dma_wait3A_207] : memref<32x81x128xf32, #tpu.memory_space<hbm>> -> memref<1x81x128xf32, #tpu.memory_space<hbm>>
      %dma_wait3A_209 = tpu.memref_squeeze %dma_wait3A_208 : memref<1x81x128xf32, #tpu.memory_space<hbm>> -> memref<81x128xf32, #tpu.memory_space<hbm>>
      %dma_wait3A_210 = arith.constant 0 : i32
      %dma_wait3A_211 = arith.constant 0 : i32
      %dma_wait3A_212 = tpu.memref_slice %arg6[%add3A, %dma_wait3A_210, %dma_wait3A_211] : memref<32x81x128xf32, #tpu.memory_space<hbm>> -> memref<1x81x128xf32, #tpu.memory_space<hbm>>
      %dma_wait3A_213 = tpu.memref_squeeze %dma_wait3A_212 : memref<1x81x128xf32, #tpu.memory_space<hbm>> -> memref<81x128xf32, #tpu.memory_space<hbm>>
      tpu.wait_dma2 semaphore(%run_scoped3A_199 : memref<!tpu.dma_semaphore, #tpu.memory_space<semaphore_mem>>) src(%dma_wait3A_213 : memref<81x128xf32, #tpu.memory_space<hbm>>) dst(%arg13 : memref<81x128xf32, #tpu.memory_space<vmem>>)
      tpu.yield
    }) : () -> ()
    %scan3A_83 = arith.constant 0 : i32
    %scan3A_84 = arith.constant 0 : i32
    %scan3A_85 = arith.constant 648 : i32
    %scan3A_86 = arith.addi %scan3A_84, %scan3A_85 : i32
    %scan3A_87 = arith.constant 1 : i32
    %scan3A_88 = scf.for %scan3A_199 = %scan3A_84 to %scan3A_86 step %scan3A_87 iter_args(%scan3A_200 = %scan3A_83) -> (i32)  : i32 {
      %jit3A = arith.constant 8 : i32
      %div3A = arith.divsi %scan3A_199, %jit3A : i32
      %sign3A = arith.constant 0 : i32
      %sign3A_201 = arith.cmpi sgt, %scan3A_199, %sign3A : i32
      %sign3A_202 = arith.extui %sign3A_201 : i1 to i32
      %sign3A_203 = arith.constant 0 : i32
      %sign3A_204 = arith.cmpi slt, %scan3A_199, %sign3A_203 : i32
      %sign3A_205 = arith.extui %sign3A_204 : i1 to i32
      %sign3A_206 = arith.subi %sign3A_202, %sign3A_205 : i32
      %sign3A_207 = arith.constant 0 : i32
      %sign3A_208 = arith.cmpi sgt, %jit3A, %sign3A_207 : i32
      %sign3A_209 = arith.extui %sign3A_208 : i1 to i32
      %sign3A_210 = arith.constant 0 : i32
      %sign3A_211 = arith.cmpi slt, %jit3A, %sign3A_210 : i32
      %sign3A_212 = arith.extui %sign3A_211 : i1 to i32
      %sign3A_213 = arith.subi %sign3A_209, %sign3A_212 : i32
      %ne3A = arith.cmpi ne, %sign3A_206, %sign3A_213 : i32
      %rem3A = arith.remsi %scan3A_199, %jit3A : i32
      %ne3A_214 = arith.constant 0 : i32
      %ne3A_215 = arith.cmpi ne, %rem3A, %ne3A_214 : i32
      %and3A = arith.andi %ne3A, %ne3A_215 : i1
      %sub3A = arith.constant 1 : i32
      %sub3A_216 = arith.subi %div3A, %sub3A : i32
      %select_n3A = arith.select %and3A, %sub3A_216, %div3A : i32
      %jit3A_217 = arith.constant 8 : i32
      %eq3A = arith.constant 0 : i32
      %eq3A_218 = arith.cmpi eq, %jit3A_217, %eq3A : i32
      %jit3A_219 = arith.constant 1 : i32
      %select_n3A_220 = arith.select %eq3A_218, %jit3A_219, %jit3A_217 : i32
      %rem3A_221 = arith.remsi %scan3A_199, %select_n3A_220 : i32
      %ne3A_222 = arith.constant 0 : i32
      %ne3A_223 = arith.cmpi ne, %rem3A_221, %ne3A_222 : i32
      %lt3A = arith.constant 0 : i32
      %lt3A_224 = arith.cmpi slt, %rem3A_221, %lt3A : i32
      %lt3A_225 = arith.constant 0 : i32
      %lt3A_226 = arith.cmpi slt, %select_n3A_220, %lt3A_225 : i32
      %ne3A_227 = arith.xori %lt3A_224, %lt3A_226 : i1
      %and3A_228 = arith.andi %ne3A_227, %ne3A_223 : i1
      %add3A_229 = arith.addi %rem3A_221, %select_n3A_220 : i32
      %select_n3A_230 = arith.select %and3A_228, %add3A_229, %rem3A_221 : i32
      %mul3A_231 = arith.constant 16 : i32
      %mul3A_232 = arith.muli %select_n3A_230, %mul3A_231 : i32
      %get3A = arith.index_cast %select_n3A : i32 to index
      %get3A_233 = arith.index_cast %mul3A_232 : i32 to index
      %get3A_234 = tpu.vector_load %arg11[%get3A, %get3A_233] {strides = array<i32>} : memref<81x128xi32, #tpu.memory_space<vmem>>, vector<16xi32>,
      %mul3A_235 = arith.constant 16 : i32
      %mul3A_236 = arith.muli %select_n3A_230, %mul3A_235 : i32
      %get3A_237 = arith.index_cast %select_n3A : i32 to index
      %get3A_238 = arith.index_cast %mul3A_236 : i32 to index
      %get3A_239 = tpu.vector_load %arg12[%get3A_237, %get3A_238] {strides = array<i32>} : memref<81x128xi32, #tpu.memory_space<vmem>>, vector<16xi32>,
      %mul3A_240 = arith.constant 16 : i32
      %mul3A_241 = arith.muli %select_n3A_230, %mul3A_240 : i32
      %get3A_242 = arith.index_cast %select_n3A : i32 to index
      %get3A_243 = arith.index_cast %mul3A_241 : i32 to index
      %get3A_244 = tpu.vector_load %arg13[%get3A_242, %get3A_243] {strides = array<i32>} : memref<81x128xf32, #tpu.memory_space<vmem>>, vector<16xf32>,
      %gather3A = tpu.vector_load_idx %arg17[%get3A_234] : memref<10112xf32, #tpu.memory_space<vmem>>[vector<16xi32>], vector<16xf32>,
      %gather3A_245 = tpu.vector_load_idx %arg17[%get3A_239] : memref<10112xf32, #tpu.memory_space<vmem>>[vector<16xi32>], vector<16xf32>,
      %mul3A_246 = arith.mulf %gather3A, %get3A_244 : vector<16xf32>
      %mul3A_247 = arith.mulf %mul3A_246, %gather3A_245 : vector<16xf32>
      %mul3A_248 = arith.constant 16 : i32
      %mul3A_249 = arith.muli %select_n3A_230, %mul3A_248 : i32
      %swap3A = arith.index_cast %select_n3A : i32 to index
      %swap3A_250 = arith.index_cast %mul3A_249 : i32 to index
      %swap3A_251 = tpu.vector_load %arg14[%swap3A, %swap3A_250] {strides = array<i32>} : memref<81x128xf32, #tpu.memory_space<vmem>>, vector<16xf32>,
      tpu.vector_store %arg14[%swap3A, %swap3A_250], %mul3A_247 {strides = array<i32>} : memref<81x128xf32, #tpu.memory_space<vmem>>, vector<16xf32>,
      %scan3A_252 = arith.constant 0 : i32
      scf.yield %scan3A_252 : i32
    }
    %scan3A_89 = arith.constant 648 : i32
    "tpu.region"() ({
      %run_scoped3A_199 = tpu.sem_alloc : memref<!tpu.dma_semaphore, #tpu.memory_space<semaphore_mem>>
      %dma_start3A = arith.constant 0 : i32
      %dma_start3A_200 = arith.constant 0 : i32
      %dma_start3A_201 = tpu.memref_slice %arg10[%add3A, %dma_start3A, %dma_start3A_200] : memref<32x81x128xf32, #tpu.memory_space<hbm>> -> memref<1x81x128xf32, #tpu.memory_space<hbm>>
      %dma_start3A_202 = tpu.memref_squeeze %dma_start3A_201 : memref<1x81x128xf32, #tpu.memory_space<hbm>> -> memref<81x128xf32, #tpu.memory_space<hbm>>
      %dma_start3A_203 = arith.constant 0 : i32
      %dma_start3A_204 = arith.constant 0 : i32
      %dma_start3A_205 = tpu.memref_slice %arg10[%add3A, %dma_start3A_203, %dma_start3A_204] : memref<32x81x128xf32, #tpu.memory_space<hbm>> -> memref<1x81x128xf32, #tpu.memory_space<hbm>>
      %dma_start3A_206 = tpu.memref_squeeze %dma_start3A_205 : memref<1x81x128xf32, #tpu.memory_space<hbm>> -> memref<81x128xf32, #tpu.memory_space<hbm>>
      tpu.enqueue_dma source(%arg14 : memref<81x128xf32, #tpu.memory_space<vmem>>) target(%dma_start3A_206 : memref<81x128xf32, #tpu.memory_space<hbm>>) target_semaphore(%run_scoped3A_199 : memref<!tpu.dma_semaphore, #tpu.memory_space<semaphore_mem>>)
      %dma_wait3A = arith.constant 0 : i32
      %dma_wait3A_207 = arith.constant 0 : i32
      %dma_wait3A_208 = tpu.memref_slice %arg10[%add3A, %dma_wait3A, %dma_wait3A_207] : memref<32x81x128xf32, #tpu.memory_space<hbm>> -> memref<1x81x128xf32, #tpu.memory_space<hbm>>
      %dma_wait3A_209 = tpu.memref_squeeze %dma_wait3A_208 : memref<1x81x128xf32, #tpu.memory_space<hbm>> -> memref<81x128xf32, #tpu.memory_space<hbm>>
      %dma_wait3A_210 = arith.constant 0 : i32
      %dma_wait3A_211 = arith.constant 0 : i32
      %dma_wait3A_212 = tpu.memref_slice %arg10[%add3A, %dma_wait3A_210, %dma_wait3A_211] : memref<32x81x128xf32, #tpu.memory_space<hbm>> -> memref<1x81x128xf32, #tpu.memory_space<hbm>>
      %dma_wait3A_213 = tpu.memref_squeeze %dma_wait3A_212 : memref<1x81x128xf32, #tpu.memory_space<hbm>> -> memref<81x128xf32, #tpu.memory_space<hbm>>
      tpu.wait_dma2 semaphore(%run_scoped3A_199 : memref<!tpu.dma_semaphore, #tpu.memory_space<semaphore_mem>>) src(%arg14 : memref<81x128xf32, #tpu.memory_space<vmem>>) dst(%dma_wait3A_213 : memref<81x128xf32, #tpu.memory_space<hbm>>)
      tpu.yield
    }) : () -> ()
    "tpu.region"() ({
      %run_scoped3A_199 = tpu.sem_alloc : memref<!tpu.dma_semaphore, #tpu.memory_space<semaphore_mem>>
      %dma_start3A = arith.constant 0 : i32
      %dma_start3A_200 = arith.constant 0 : i32
      %dma_start3A_201 = tpu.memref_slice %arg19[%dma_start3A, %dma_start3A_200] : memref<80x64xf32, #tpu.memory_space<vmem>> -> memref<80x64xf32, #tpu.memory_space<vmem>>
      %dma_start3A_202 = arith.constant 0 : i32
      %dma_start3A_203 = tpu.memref_slice %arg22[%mul3A_2, %dma_start3A_202] : memref<10112x64xf32, #tpu.memory_space<vmem_shared>> -> memref<80x64xf32, #tpu.memory_space<vmem_shared>>
      %dma_start3A_204 = arith.constant 0 : i32
      %dma_start3A_205 = tpu.memref_slice %arg22[%mul3A_2, %dma_start3A_204] : memref<10112x64xf32, #tpu.memory_space<vmem_shared>> -> memref<80x64xf32, #tpu.memory_space<vmem_shared>>
      %dma_start3A_206 = arith.constant 0 : i32
      %dma_start3A_207 = arith.constant 0 : i32
      %dma_start3A_208 = tpu.memref_slice %arg19[%dma_start3A_206, %dma_start3A_207] : memref<80x64xf32, #tpu.memory_space<vmem>> -> memref<80x64xf32, #tpu.memory_space<vmem>>
      tpu.enqueue_dma source(%dma_start3A_208 : memref<80x64xf32, #tpu.memory_space<vmem>>) target(%dma_start3A_205 : memref<80x64xf32, #tpu.memory_space<vmem_shared>>) target_semaphore(%run_scoped3A_199 : memref<!tpu.dma_semaphore, #tpu.memory_space<semaphore_mem>>)
      %dma_wait3A = arith.constant 0 : i32
      %dma_wait3A_209 = arith.constant 0 : i32
      %dma_wait3A_210 = tpu.memref_slice %arg19[%dma_wait3A, %dma_wait3A_209] : memref<80x64xf32, #tpu.memory_space<vmem>> -> memref<80x64xf32, #tpu.memory_space<vmem>>
      %dma_wait3A_211 = arith.constant 0 : i32
      %dma_wait3A_212 = tpu.memref_slice %arg22[%mul3A_2, %dma_wait3A_211] : memref<10112x64xf32, #tpu.memory_space<vmem_shared>> -> memref<80x64xf32, #tpu.memory_space<vmem_shared>>
      %dma_wait3A_213 = arith.constant 0 : i32
      %dma_wait3A_214 = tpu.memref_slice %arg22[%mul3A_2, %dma_wait3A_213] : memref<10112x64xf32, #tpu.memory_space<vmem_shared>> -> memref<80x64xf32, #tpu.memory_space<vmem_shared>>
      %dma_wait3A_215 = arith.constant 0 : i32
      %dma_wait3A_216 = arith.constant 0 : i32
      %dma_wait3A_217 = tpu.memref_slice %arg19[%dma_wait3A_215, %dma_wait3A_216] : memref<80x64xf32, #tpu.memory_space<vmem>> -> memref<80x64xf32, #tpu.memory_space<vmem>>
      tpu.wait_dma2 semaphore(%run_scoped3A_199 : memref<!tpu.dma_semaphore, #tpu.memory_space<semaphore_mem>>) src(%dma_wait3A_217 : memref<80x64xf32, #tpu.memory_space<vmem>>) dst(%dma_wait3A_214 : memref<80x64xf32, #tpu.memory_space<vmem_shared>>)
      tpu.yield
    }) : () -> ()
    %add3A_90 = arith.constant 80 : i32
    %add3A_91 = arith.addi %mul3A_2, %add3A_90 : i32
    "tpu.region"() ({
      %run_scoped3A_199 = tpu.sem_alloc : memref<!tpu.dma_semaphore, #tpu.memory_space<semaphore_mem>>
      %dma_start3A = arith.constant 0 : i32
      %dma_start3A_200 = arith.constant 0 : i32
      %dma_start3A_201 = tpu.memref_slice %arg19[%dma_start3A, %dma_start3A_200] : memref<80x64xf32, #tpu.memory_space<vmem>> -> memref<80x64xf32, #tpu.memory_space<vmem>>
      %dma_start3A_202 = arith.constant 0 : i32
      %dma_start3A_203 = tpu.memref_slice %arg22[%add3A_91, %dma_start3A_202] : memref<10112x64xf32, #tpu.memory_space<vmem_shared>> -> memref<80x64xf32, #tpu.memory_space<vmem_shared>>
      %dma_start3A_204 = arith.constant 0 : i32
      %dma_start3A_205 = tpu.memref_slice %arg22[%add3A_91, %dma_start3A_204] : memref<10112x64xf32, #tpu.memory_space<vmem_shared>> -> memref<80x64xf32, #tpu.memory_space<vmem_shared>>
      %dma_start3A_206 = arith.constant 0 : i32
      %dma_start3A_207 = arith.constant 0 : i32
      %dma_start3A_208 = tpu.memref_slice %arg19[%dma_start3A_206, %dma_start3A_207] : memref<80x64xf32, #tpu.memory_space<vmem>> -> memref<80x64xf32, #tpu.memory_space<vmem>>
      tpu.enqueue_dma source(%dma_start3A_208 : memref<80x64xf32, #tpu.memory_space<vmem>>) target(%dma_start3A_205 : memref<80x64xf32, #tpu.memory_space<vmem_shared>>) target_semaphore(%run_scoped3A_199 : memref<!tpu.dma_semaphore, #tpu.memory_space<semaphore_mem>>)
      %dma_wait3A = arith.constant 0 : i32
      %dma_wait3A_209 = arith.constant 0 : i32
      %dma_wait3A_210 = tpu.memref_slice %arg19[%dma_wait3A, %dma_wait3A_209] : memref<80x64xf32, #tpu.memory_space<vmem>> -> memref<80x64xf32, #tpu.memory_space<vmem>>
      %dma_wait3A_211 = arith.constant 0 : i32
      %dma_wait3A_212 = tpu.memref_slice %arg22[%add3A_91, %dma_wait3A_211] : memref<10112x64xf32, #tpu.memory_space<vmem_shared>> -> memref<80x64xf32, #tpu.memory_space<vmem_shared>>
      %dma_wait3A_213 = arith.constant 0 : i32
      %dma_wait3A_214 = tpu.memref_slice %arg22[%add3A_91, %dma_wait3A_213] : memref<10112x64xf32, #tpu.memory_space<vmem_shared>> -> memref<80x64xf32, #tpu.memory_space<vmem_shared>>
      %dma_wait3A_215 = arith.constant 0 : i32
      %dma_wait3A_216 = arith.constant 0 : i32
      %dma_wait3A_217 = tpu.memref_slice %arg19[%dma_wait3A_215, %dma_wait3A_216] : memref<80x64xf32, #tpu.memory_space<vmem>> -> memref<80x64xf32, #tpu.memory_space<vmem>>
      tpu.wait_dma2 semaphore(%run_scoped3A_199 : memref<!tpu.dma_semaphore, #tpu.memory_space<semaphore_mem>>) src(%dma_wait3A_217 : memref<80x64xf32, #tpu.memory_space<vmem>>) dst(%dma_wait3A_214 : memref<80x64xf32, #tpu.memory_space<vmem_shared>>)
      tpu.yield
    }) : () -> ()
    %add3A_92 = arith.constant 80 : i32
    %add3A_93 = arith.addi %add3A_91, %add3A_92 : i32
    "tpu.region"() ({
      %run_scoped3A_199 = tpu.sem_alloc : memref<!tpu.dma_semaphore, #tpu.memory_space<semaphore_mem>>
      %dma_start3A = arith.constant 0 : i32
      %dma_start3A_200 = arith.constant 0 : i32
      %dma_start3A_201 = tpu.memref_slice %arg19[%dma_start3A, %dma_start3A_200] : memref<80x64xf32, #tpu.memory_space<vmem>> -> memref<80x64xf32, #tpu.memory_space<vmem>>
      %dma_start3A_202 = arith.constant 0 : i32
      %dma_start3A_203 = tpu.memref_slice %arg22[%add3A_93, %dma_start3A_202] : memref<10112x64xf32, #tpu.memory_space<vmem_shared>> -> memref<80x64xf32, #tpu.memory_space<vmem_shared>>
      %dma_start3A_204 = arith.constant 0 : i32
      %dma_start3A_205 = tpu.memref_slice %arg22[%add3A_93, %dma_start3A_204] : memref<10112x64xf32, #tpu.memory_space<vmem_shared>> -> memref<80x64xf32, #tpu.memory_space<vmem_shared>>
      %dma_start3A_206 = arith.constant 0 : i32
      %dma_start3A_207 = arith.constant 0 : i32
      %dma_start3A_208 = tpu.memref_slice %arg19[%dma_start3A_206, %dma_start3A_207] : memref<80x64xf32, #tpu.memory_space<vmem>> -> memref<80x64xf32, #tpu.memory_space<vmem>>
      tpu.enqueue_dma source(%dma_start3A_208 : memref<80x64xf32, #tpu.memory_space<vmem>>) target(%dma_start3A_205 : memref<80x64xf32, #tpu.memory_space<vmem_shared>>) target_semaphore(%run_scoped3A_199 : memref<!tpu.dma_semaphore, #tpu.memory_space<semaphore_mem>>)
      %dma_wait3A = arith.constant 0 : i32
      %dma_wait3A_209 = arith.constant 0 : i32
      %dma_wait3A_210 = tpu.memref_slice %arg19[%dma_wait3A, %dma_wait3A_209] : memref<80x64xf32, #tpu.memory_space<vmem>> -> memref<80x64xf32, #tpu.memory_space<vmem>>
      %dma_wait3A_211 = arith.constant 0 : i32
      %dma_wait3A_212 = tpu.memref_slice %arg22[%add3A_93, %dma_wait3A_211] : memref<10112x64xf32, #tpu.memory_space<vmem_shared>> -> memref<80x64xf32, #tpu.memory_space<vmem_shared>>
      %dma_wait3A_213 = arith.constant 0 : i32
      %dma_wait3A_214 = tpu.memref_slice %arg22[%add3A_93, %dma_wait3A_213] : memref<10112x64xf32, #tpu.memory_space<vmem_shared>> -> memref<80x64xf32, #tpu.memory_space<vmem_shared>>
      %dma_wait3A_215 = arith.constant 0 : i32
      %dma_wait3A_216 = arith.constant 0 : i32
      %dma_wait3A_217 = tpu.memref_slice %arg19[%dma_wait3A_215, %dma_wait3A_216] : memref<80x64xf32, #tpu.memory_space<vmem>> -> memref<80x64xf32, #tpu.memory_space<vmem>>
      tpu.wait_dma2 semaphore(%run_scoped3A_199 : memref<!tpu.dma_semaphore, #tpu.memory_space<semaphore_mem>>) src(%dma_wait3A_217 : memref<80x64xf32, #tpu.memory_space<vmem>>) dst(%dma_wait3A_214 : memref<80x64xf32, #tpu.memory_space<vmem_shared>>)
      tpu.yield
    }) : () -> ()
    %add3A_94 = arith.constant 80 : i32
    %add3A_95 = arith.addi %add3A_93, %add3A_94 : i32
    "tpu.region"() ({
      %run_scoped3A_199 = tpu.sem_alloc : memref<!tpu.dma_semaphore, #tpu.memory_space<semaphore_mem>>
      %dma_start3A = arith.constant 0 : i32
      %dma_start3A_200 = arith.constant 0 : i32
      %dma_start3A_201 = tpu.memref_slice %arg19[%dma_start3A, %dma_start3A_200] : memref<80x64xf32, #tpu.memory_space<vmem>> -> memref<80x64xf32, #tpu.memory_space<vmem>>
      %dma_start3A_202 = arith.constant 0 : i32
      %dma_start3A_203 = tpu.memref_slice %arg22[%add3A_95, %dma_start3A_202] : memref<10112x64xf32, #tpu.memory_space<vmem_shared>> -> memref<80x64xf32, #tpu.memory_space<vmem_shared>>
      %dma_start3A_204 = arith.constant 0 : i32
      %dma_start3A_205 = tpu.memref_slice %arg22[%add3A_95, %dma_start3A_204] : memref<10112x64xf32, #tpu.memory_space<vmem_shared>> -> memref<80x64xf32, #tpu.memory_space<vmem_shared>>
      %dma_start3A_206 = arith.constant 0 : i32
      %dma_start3A_207 = arith.constant 0 : i32
      %dma_start3A_208 = tpu.memref_slice %arg19[%dma_start3A_206, %dma_start3A_207] : memref<80x64xf32, #tpu.memory_space<vmem>> -> memref<80x64xf32, #tpu.memory_space<vmem>>
      tpu.enqueue_dma source(%dma_start3A_208 : memref<80x64xf32, #tpu.memory_space<vmem>>) target(%dma_start3A_205 : memref<80x64xf32, #tpu.memory_space<vmem_shared>>) target_semaphore(%run_scoped3A_199 : memref<!tpu.dma_semaphore, #tpu.memory_space<semaphore_mem>>)
      %dma_wait3A = arith.constant 0 : i32
      %dma_wait3A_209 = arith.constant 0 : i32
      %dma_wait3A_210 = tpu.memref_slice %arg19[%dma_wait3A, %dma_wait3A_209] : memref<80x64xf32, #tpu.memory_space<vmem>> -> memref<80x64xf32, #tpu.memory_space<vmem>>
      %dma_wait3A_211 = arith.constant 0 : i32
      %dma_wait3A_212 = tpu.memref_slice %arg22[%add3A_95, %dma_wait3A_211] : memref<10112x64xf32, #tpu.memory_space<vmem_shared>> -> memref<80x64xf32, #tpu.memory_space<vmem_shared>>
      %dma_wait3A_213 = arith.constant 0 : i32
      %dma_wait3A_214 = tpu.memref_slice %arg22[%add3A_95, %dma_wait3A_213] : memref<10112x64xf32, #tpu.memory_space<vmem_shared>> -> memref<80x64xf32, #tpu.memory_space<vmem_shared>>
      %dma_wait3A_215 = arith.constant 0 : i32
      %dma_wait3A_216 = arith.constant 0 : i32
      %dma_wait3A_217 = tpu.memref_slice %arg19[%dma_wait3A_215, %dma_wait3A_216] : memref<80x64xf32, #tpu.memory_space<vmem>> -> memref<80x64xf32, #tpu.memory_space<vmem>>
      tpu.wait_dma2 semaphore(%run_scoped3A_199 : memref<!tpu.dma_semaphore, #tpu.memory_space<semaphore_mem>>) src(%dma_wait3A_217 : memref<80x64xf32, #tpu.memory_space<vmem>>) dst(%dma_wait3A_214 : memref<80x64xf32, #tpu.memory_space<vmem_shared>>)
      tpu.yield
    }) : () -> ()
    %add3A_96 = arith.constant 80 : i32
    %add3A_97 = arith.addi %add3A_95, %add3A_96 : i32
    "tpu.region"() ({
      %run_scoped3A_199 = tpu.sem_alloc : memref<!tpu.dma_semaphore, #tpu.memory_space<semaphore_mem>>
      %dma_start3A = arith.constant 0 : i32
      %dma_start3A_200 = arith.constant 0 : i32
      %dma_start3A_201 = tpu.memref_slice %arg19[%dma_start3A, %dma_start3A_200] : memref<80x64xf32, #tpu.memory_space<vmem>> -> memref<80x64xf32, #tpu.memory_space<vmem>>
      %dma_start3A_202 = arith.constant 0 : i32
      %dma_start3A_203 = tpu.memref_slice %arg22[%add3A_97, %dma_start3A_202] : memref<10112x64xf32, #tpu.memory_space<vmem_shared>> -> memref<80x64xf32, #tpu.memory_space<vmem_shared>>
      %dma_start3A_204 = arith.constant 0 : i32
      %dma_start3A_205 = tpu.memref_slice %arg22[%add3A_97, %dma_start3A_204] : memref<10112x64xf32, #tpu.memory_space<vmem_shared>> -> memref<80x64xf32, #tpu.memory_space<vmem_shared>>
      %dma_start3A_206 = arith.constant 0 : i32
      %dma_start3A_207 = arith.constant 0 : i32
      %dma_start3A_208 = tpu.memref_slice %arg19[%dma_start3A_206, %dma_start3A_207] : memref<80x64xf32, #tpu.memory_space<vmem>> -> memref<80x64xf32, #tpu.memory_space<vmem>>
      tpu.enqueue_dma source(%dma_start3A_208 : memref<80x64xf32, #tpu.memory_space<vmem>>) target(%dma_start3A_205 : memref<80x64xf32, #tpu.memory_space<vmem_shared>>) target_semaphore(%run_scoped3A_199 : memref<!tpu.dma_semaphore, #tpu.memory_space<semaphore_mem>>)
      %dma_wait3A = arith.constant 0 : i32
      %dma_wait3A_209 = arith.constant 0 : i32
      %dma_wait3A_210 = tpu.memref_slice %arg19[%dma_wait3A, %dma_wait3A_209] : memref<80x64xf32, #tpu.memory_space<vmem>> -> memref<80x64xf32, #tpu.memory_space<vmem>>
      %dma_wait3A_211 = arith.constant 0 : i32
      %dma_wait3A_212 = tpu.memref_slice %arg22[%add3A_97, %dma_wait3A_211] : memref<10112x64xf32, #tpu.memory_space<vmem_shared>> -> memref<80x64xf32, #tpu.memory_space<vmem_shared>>
      %dma_wait3A_213 = arith.constant 0 : i32
      %dma_wait3A_214 = tpu.memref_slice %arg22[%add3A_97, %dma_wait3A_213] : memref<10112x64xf32, #tpu.memory_space<vmem_shared>> -> memref<80x64xf32, #tpu.memory_space<vmem_shared>>
      %dma_wait3A_215 = arith.constant 0 : i32
      %dma_wait3A_216 = arith.constant 0 : i32
      %dma_wait3A_217 = tpu.memref_slice %arg19[%dma_wait3A_215, %dma_wait3A_216] : memref<80x64xf32, #tpu.memory_space<vmem>> -> memref<80x64xf32, #tpu.memory_space<vmem>>
      tpu.wait_dma2 semaphore(%run_scoped3A_199 : memref<!tpu.dma_semaphore, #tpu.memory_space<semaphore_mem>>) src(%dma_wait3A_217 : memref<80x64xf32, #tpu.memory_space<vmem>>) dst(%dma_wait3A_214 : memref<80x64xf32, #tpu.memory_space<vmem_shared>>)
      tpu.yield
    }) : () -> ()
    %add3A_98 = arith.constant 80 : i32
    %add3A_99 = arith.addi %add3A_97, %add3A_98 : i32
    "tpu.region"() ({
      %run_scoped3A_199 = tpu.sem_alloc : memref<!tpu.dma_semaphore, #tpu.memory_space<semaphore_mem>>
      %dma_start3A = arith.constant 0 : i32
      %dma_start3A_200 = arith.constant 0 : i32
      %dma_start3A_201 = tpu.memref_slice %arg19[%dma_start3A, %dma_start3A_200] : memref<80x64xf32, #tpu.memory_space<vmem>> -> memref<80x64xf32, #tpu.memory_space<vmem>>
      %dma_start3A_202 = arith.constant 0 : i32
      %dma_start3A_203 = tpu.memref_slice %arg22[%add3A_99, %dma_start3A_202] : memref<10112x64xf32, #tpu.memory_space<vmem_shared>> -> memref<80x64xf32, #tpu.memory_space<vmem_shared>>
      %dma_start3A_204 = arith.constant 0 : i32
      %dma_start3A_205 = tpu.memref_slice %arg22[%add3A_99, %dma_start3A_204] : memref<10112x64xf32, #tpu.memory_space<vmem_shared>> -> memref<80x64xf32, #tpu.memory_space<vmem_shared>>
      %dma_start3A_206 = arith.constant 0 : i32
      %dma_start3A_207 = arith.constant 0 : i32
      %dma_start3A_208 = tpu.memref_slice %arg19[%dma_start3A_206, %dma_start3A_207] : memref<80x64xf32, #tpu.memory_space<vmem>> -> memref<80x64xf32, #tpu.memory_space<vmem>>
      tpu.enqueue_dma source(%dma_start3A_208 : memref<80x64xf32, #tpu.memory_space<vmem>>) target(%dma_start3A_205 : memref<80x64xf32, #tpu.memory_space<vmem_shared>>) target_semaphore(%run_scoped3A_199 : memref<!tpu.dma_semaphore, #tpu.memory_space<semaphore_mem>>)
      %dma_wait3A = arith.constant 0 : i32
      %dma_wait3A_209 = arith.constant 0 : i32
      %dma_wait3A_210 = tpu.memref_slice %arg19[%dma_wait3A, %dma_wait3A_209] : memref<80x64xf32, #tpu.memory_space<vmem>> -> memref<80x64xf32, #tpu.memory_space<vmem>>
      %dma_wait3A_211 = arith.constant 0 : i32
      %dma_wait3A_212 = tpu.memref_slice %arg22[%add3A_99, %dma_wait3A_211] : memref<10112x64xf32, #tpu.memory_space<vmem_shared>> -> memref<80x64xf32, #tpu.memory_space<vmem_shared>>
      %dma_wait3A_213 = arith.constant 0 : i32
      %dma_wait3A_214 = tpu.memref_slice %arg22[%add3A_99, %dma_wait3A_213] : memref<10112x64xf32, #tpu.memory_space<vmem_shared>> -> memref<80x64xf32, #tpu.memory_space<vmem_shared>>
      %dma_wait3A_215 = arith.constant 0 : i32
      %dma_wait3A_216 = arith.constant 0 : i32
      %dma_wait3A_217 = tpu.memref_slice %arg19[%dma_wait3A_215, %dma_wait3A_216] : memref<80x64xf32, #tpu.memory_space<vmem>> -> memref<80x64xf32, #tpu.memory_space<vmem>>
      tpu.wait_dma2 semaphore(%run_scoped3A_199 : memref<!tpu.dma_semaphore, #tpu.memory_space<semaphore_mem>>) src(%dma_wait3A_217 : memref<80x64xf32, #tpu.memory_space<vmem>>) dst(%dma_wait3A_214 : memref<80x64xf32, #tpu.memory_space<vmem_shared>>)
      tpu.yield
    }) : () -> ()
    %add3A_100 = arith.constant 80 : i32
    %add3A_101 = arith.addi %add3A_99, %add3A_100 : i32
    "tpu.region"() ({
      %run_scoped3A_199 = tpu.sem_alloc : memref<!tpu.dma_semaphore, #tpu.memory_space<semaphore_mem>>
      %dma_start3A = arith.constant 0 : i32
      %dma_start3A_200 = arith.constant 0 : i32
      %dma_start3A_201 = tpu.memref_slice %arg19[%dma_start3A, %dma_start3A_200] : memref<80x64xf32, #tpu.memory_space<vmem>> -> memref<80x64xf32, #tpu.memory_space<vmem>>
      %dma_start3A_202 = arith.constant 0 : i32
      %dma_start3A_203 = tpu.memref_slice %arg22[%add3A_101, %dma_start3A_202] : memref<10112x64xf32, #tpu.memory_space<vmem_shared>> -> memref<80x64xf32, #tpu.memory_space<vmem_shared>>
      %dma_start3A_204 = arith.constant 0 : i32
      %dma_start3A_205 = tpu.memref_slice %arg22[%add3A_101, %dma_start3A_204] : memref<10112x64xf32, #tpu.memory_space<vmem_shared>> -> memref<80x64xf32, #tpu.memory_space<vmem_shared>>
      %dma_start3A_206 = arith.constant 0 : i32
      %dma_start3A_207 = arith.constant 0 : i32
      %dma_start3A_208 = tpu.memref_slice %arg19[%dma_start3A_206, %dma_start3A_207] : memref<80x64xf32, #tpu.memory_space<vmem>> -> memref<80x64xf32, #tpu.memory_space<vmem>>
      tpu.enqueue_dma source(%dma_start3A_208 : memref<80x64xf32, #tpu.memory_space<vmem>>) target(%dma_start3A_205 : memref<80x64xf32, #tpu.memory_space<vmem_shared>>) target_semaphore(%run_scoped3A_199 : memref<!tpu.dma_semaphore, #tpu.memory_space<semaphore_mem>>)
      %dma_wait3A = arith.constant 0 : i32
      %dma_wait3A_209 = arith.constant 0 : i32
      %dma_wait3A_210 = tpu.memref_slice %arg19[%dma_wait3A, %dma_wait3A_209] : memref<80x64xf32, #tpu.memory_space<vmem>> -> memref<80x64xf32, #tpu.memory_space<vmem>>
      %dma_wait3A_211 = arith.constant 0 : i32
      %dma_wait3A_212 = tpu.memref_slice %arg22[%add3A_101, %dma_wait3A_211] : memref<10112x64xf32, #tpu.memory_space<vmem_shared>> -> memref<80x64xf32, #tpu.memory_space<vmem_shared>>
      %dma_wait3A_213 = arith.constant 0 : i32
      %dma_wait3A_214 = tpu.memref_slice %arg22[%add3A_101, %dma_wait3A_213] : memref<10112x64xf32, #tpu.memory_space<vmem_shared>> -> memref<80x64xf32, #tpu.memory_space<vmem_shared>>
      %dma_wait3A_215 = arith.constant 0 : i32
      %dma_wait3A_216 = arith.constant 0 : i32
      %dma_wait3A_217 = tpu.memref_slice %arg19[%dma_wait3A_215, %dma_wait3A_216] : memref<80x64xf32, #tpu.memory_space<vmem>> -> memref<80x64xf32, #tpu.memory_space<vmem>>
      tpu.wait_dma2 semaphore(%run_scoped3A_199 : memref<!tpu.dma_semaphore, #tpu.memory_space<semaphore_mem>>) src(%dma_wait3A_217 : memref<80x64xf32, #tpu.memory_space<vmem>>) dst(%dma_wait3A_214 : memref<80x64xf32, #tpu.memory_space<vmem_shared>>)
      tpu.yield
    }) : () -> ()
    %add3A_102 = arith.constant 80 : i32
    %add3A_103 = arith.addi %add3A_101, %add3A_102 : i32
    "tpu.region"() ({
      %run_scoped3A_199 = tpu.sem_alloc : memref<!tpu.dma_semaphore, #tpu.memory_space<semaphore_mem>>
      %dma_start3A = arith.constant 0 : i32
      %dma_start3A_200 = arith.constant 0 : i32
      %dma_start3A_201 = tpu.memref_slice %arg19[%dma_start3A, %dma_start3A_200] : memref<80x64xf32, #tpu.memory_space<vmem>> -> memref<72x64xf32, #tpu.memory_space<vmem>>
      %dma_start3A_202 = arith.constant 0 : i32
      %dma_start3A_203 = tpu.memref_slice %arg22[%add3A_103, %dma_start3A_202] : memref<10112x64xf32, #tpu.memory_space<vmem_shared>> -> memref<72x64xf32, #tpu.memory_space<vmem_shared>>
      %dma_start3A_204 = arith.constant 0 : i32
      %dma_start3A_205 = tpu.memref_slice %arg22[%add3A_103, %dma_start3A_204] : memref<10112x64xf32, #tpu.memory_space<vmem_shared>> -> memref<72x64xf32, #tpu.memory_space<vmem_shared>>
      %dma_start3A_206 = arith.constant 0 : i32
      %dma_start3A_207 = arith.constant 0 : i32
      %dma_start3A_208 = tpu.memref_slice %arg19[%dma_start3A_206, %dma_start3A_207] : memref<80x64xf32, #tpu.memory_space<vmem>> -> memref<72x64xf32, #tpu.memory_space<vmem>>
      tpu.enqueue_dma source(%dma_start3A_208 : memref<72x64xf32, #tpu.memory_space<vmem>>) target(%dma_start3A_205 : memref<72x64xf32, #tpu.memory_space<vmem_shared>>) target_semaphore(%run_scoped3A_199 : memref<!tpu.dma_semaphore, #tpu.memory_space<semaphore_mem>>)
      %dma_wait3A = arith.constant 0 : i32
      %dma_wait3A_209 = arith.constant 0 : i32
      %dma_wait3A_210 = tpu.memref_slice %arg19[%dma_wait3A, %dma_wait3A_209] : memref<80x64xf32, #tpu.memory_space<vmem>> -> memref<72x64xf32, #tpu.memory_space<vmem>>
      %dma_wait3A_211 = arith.constant 0 : i32
      %dma_wait3A_212 = tpu.memref_slice %arg22[%add3A_103, %dma_wait3A_211] : memref<10112x64xf32, #tpu.memory_space<vmem_shared>> -> memref<72x64xf32, #tpu.memory_space<vmem_shared>>
      %dma_wait3A_213 = arith.constant 0 : i32
      %dma_wait3A_214 = tpu.memref_slice %arg22[%add3A_103, %dma_wait3A_213] : memref<10112x64xf32, #tpu.memory_space<vmem_shared>> -> memref<72x64xf32, #tpu.memory_space<vmem_shared>>
      %dma_wait3A_215 = arith.constant 0 : i32
      %dma_wait3A_216 = arith.constant 0 : i32
      %dma_wait3A_217 = tpu.memref_slice %arg19[%dma_wait3A_215, %dma_wait3A_216] : memref<80x64xf32, #tpu.memory_space<vmem>> -> memref<72x64xf32, #tpu.memory_space<vmem>>
      tpu.wait_dma2 semaphore(%run_scoped3A_199 : memref<!tpu.dma_semaphore, #tpu.memory_space<semaphore_mem>>) src(%dma_wait3A_217 : memref<72x64xf32, #tpu.memory_space<vmem>>) dst(%dma_wait3A_214 : memref<72x64xf32, #tpu.memory_space<vmem_shared>>)
      tpu.yield
    }) : () -> ()
    %add3A_104 = arith.constant 72 : i32
    %add3A_105 = arith.addi %add3A_103, %add3A_104 : i32
    %barrier3A_106 = arith.constant 0 : index
    tpu.barrier barrier_id(%barrier3A_106)
    %scan3A_107 = arith.constant 0 : i32
    %scan3A_108 = arith.constant 0 : i32
    %scan3A_109 = arith.constant 81 : i32
    %scan3A_110 = arith.addi %scan3A_108, %scan3A_109 : i32
    %scan3A_111 = arith.constant 1 : i32
    %scan3A_112 = scf.for %scan3A_199 = %scan3A_108 to %scan3A_110 step %scan3A_111 iter_args(%scan3A_200 = %scan3A_107) -> (i32)  : i32 {
      %dma_start3A = arith.constant 0 : i32
      %dma_start3A_201 = tpu.memref_slice %arg11[%scan3A_199, %dma_start3A] : memref<81x128xi32, #tpu.memory_space<vmem>> -> memref<1x128xi32, #tpu.memory_space<vmem>>
      %dma_start3A_202 = tpu.memref_squeeze %dma_start3A_201 : memref<1x128xi32, #tpu.memory_space<vmem>> -> memref<128xi32, #tpu.memory_space<vmem>>
      %dma_start3A_203 = arith.constant 0 : i32
      %dma_start3A_204 = arith.constant 0 : i32
      %dma_start3A_205 = tpu.memref_slice %arg2[%dma_start3A_203, %dma_start3A_204] : memref<10000x64xf32, #tpu.memory_space<hbm>> -> memref<10000x64xf32, #tpu.memory_space<hbm>>
      tpu.enqueue_indirect_dma source(%dma_start3A_205 : memref<10000x64xf32, #tpu.memory_space<hbm>>) target(%arg18 : memref<128x64xf32, #tpu.memory_space<vmem>>) offsets(%dma_start3A_202 : memref<128xi32, #tpu.memory_space<vmem>>) semaphore(%arg23 : memref<!tpu.dma_semaphore, #tpu.memory_space<semaphore_mem>>)
      %dma_wait3A = arith.constant 0 : i32
      %dma_wait3A_206 = tpu.memref_slice %arg11[%scan3A_199, %dma_wait3A] : memref<81x128xi32, #tpu.memory_space<vmem>> -> memref<1x128xi32, #tpu.memory_space<vmem>>
      %dma_wait3A_207 = tpu.memref_squeeze %dma_wait3A_206 : memref<1x128xi32, #tpu.memory_space<vmem>> -> memref<128xi32, #tpu.memory_space<vmem>>
      %dma_wait3A_208 = arith.constant 0 : i32
      %dma_wait3A_209 = arith.constant 0 : i32
      %dma_wait3A_210 = tpu.memref_slice %arg2[%dma_wait3A_208, %dma_wait3A_209] : memref<10000x64xf32, #tpu.memory_space<hbm>> -> memref<10000x64xf32, #tpu.memory_space<hbm>>
      tpu.wait_indirect_dma semaphore(%arg23 : memref<!tpu.dma_semaphore, #tpu.memory_space<semaphore_mem>>) src(%dma_wait3A_210 : memref<10000x64xf32, #tpu.memory_space<hbm>>) dst(%arg18 : memref<128x64xf32, #tpu.memory_space<vmem>>)
      %scan3A_211 = arith.constant 0 : i32
      %scan3A_212 = arith.constant 0 : i32
      %scan3A_213 = arith.constant 128 : i32
      %scan3A_214 = arith.addi %scan3A_212, %scan3A_213 : i32
      %scan3A_215 = arith.constant 1 : i32
      %scan3A_216 = scf.for %scan3A_219 = %scan3A_212 to %scan3A_214 step %scan3A_215 iter_args(%scan3A_220 = %scan3A_211) -> (i32)  : i32 {
        %broadcast_in_dim3A_221 = vector.broadcast %scan3A_199 : i32 to vector<16xi32>
        %broadcast_in_dim3A_222 = vector.broadcast %scan3A_219 : i32 to vector<16xi32>
        %gather3A = tpu.vector_load_idx %arg14[%broadcast_in_dim3A_221, %broadcast_in_dim3A_222] : memref<81x128xf32, #tpu.memory_space<vmem>>[vector<16xi32>, vector<16xi32>], vector<16xf32>,
        %get3A = arith.index_cast %scan3A_219 : i32 to index
        %get3A_223 = arith.constant 0 : index
        %get3A_224 = tpu.vector_load %arg18[%get3A, %get3A_223] {strides = array<i32>} : memref<128x64xf32, #tpu.memory_space<vmem>>, vector<16xf32>,
        %mul3A_225 = arith.mulf %get3A_224, %gather3A : vector<16xf32>
        %swap3A = arith.index_cast %scan3A_219 : i32 to index
        %swap3A_226 = arith.constant 0 : index
        %swap3A_227 = tpu.vector_load %arg18[%swap3A, %swap3A_226] {strides = array<i32>} : memref<128x64xf32, #tpu.memory_space<vmem>>, vector<16xf32>,
        tpu.vector_store %arg18[%swap3A, %swap3A_226], %mul3A_225 {strides = array<i32>} : memref<128x64xf32, #tpu.memory_space<vmem>>, vector<16xf32>,
        %get3A_228 = arith.index_cast %scan3A_219 : i32 to index
        %get3A_229 = arith.constant 16 : index
        %get3A_230 = tpu.vector_load %arg18[%get3A_228, %get3A_229] {strides = array<i32>} : memref<128x64xf32, #tpu.memory_space<vmem>>, vector<16xf32>,
        %mul3A_231 = arith.mulf %get3A_230, %gather3A : vector<16xf32>
        %swap3A_232 = arith.index_cast %scan3A_219 : i32 to index
        %swap3A_233 = arith.constant 16 : index
        %swap3A_234 = tpu.vector_load %arg18[%swap3A_232, %swap3A_233] {strides = array<i32>} : memref<128x64xf32, #tpu.memory_space<vmem>>, vector<16xf32>,
        tpu.vector_store %arg18[%swap3A_232, %swap3A_233], %mul3A_231 {strides = array<i32>} : memref<128x64xf32, #tpu.memory_space<vmem>>, vector<16xf32>,
        %get3A_235 = arith.index_cast %scan3A_219 : i32 to index
        %get3A_236 = arith.constant 32 : index
        %get3A_237 = tpu.vector_load %arg18[%get3A_235, %get3A_236] {strides = array<i32>} : memref<128x64xf32, #tpu.memory_space<vmem>>, vector<16xf32>,
        %mul3A_238 = arith.mulf %get3A_237, %gather3A : vector<16xf32>
        %swap3A_239 = arith.index_cast %scan3A_219 : i32 to index
        %swap3A_240 = arith.constant 32 : index
        %swap3A_241 = tpu.vector_load %arg18[%swap3A_239, %swap3A_240] {strides = array<i32>} : memref<128x64xf32, #tpu.memory_space<vmem>>, vector<16xf32>,
        tpu.vector_store %arg18[%swap3A_239, %swap3A_240], %mul3A_238 {strides = array<i32>} : memref<128x64xf32, #tpu.memory_space<vmem>>, vector<16xf32>,
        %get3A_242 = arith.index_cast %scan3A_219 : i32 to index
        %get3A_243 = arith.constant 48 : index
        %get3A_244 = tpu.vector_load %arg18[%get3A_242, %get3A_243] {strides = array<i32>} : memref<128x64xf32, #tpu.memory_space<vmem>>, vector<16xf32>,
        %mul3A_245 = arith.mulf %get3A_244, %gather3A : vector<16xf32>
        %swap3A_246 = arith.index_cast %scan3A_219 : i32 to index
        %swap3A_247 = arith.constant 48 : index
        %swap3A_248 = tpu.vector_load %arg18[%swap3A_246, %swap3A_247] {strides = array<i32>} : memref<128x64xf32, #tpu.memory_space<vmem>>, vector<16xf32>,
        tpu.vector_store %arg18[%swap3A_246, %swap3A_247], %mul3A_245 {strides = array<i32>} : memref<128x64xf32, #tpu.memory_space<vmem>>, vector<16xf32>,
        %scan3A_249 = arith.constant 0 : i32
        scf.yield %scan3A_249 : i32
      }
      %scan3A_217 = arith.constant 128 : i32
      "tpu.region"() ({
        %run_scoped3A_219 = tpu.sem_alloc : memref<!tpu.dma_semaphore, #tpu.memory_space<semaphore_mem>>
        %dma_start3A_220 = arith.constant 0 : i32
        %dma_start3A_221 = tpu.memref_slice %arg12[%scan3A_199, %dma_start3A_220] : memref<81x128xi32, #tpu.memory_space<vmem>> -> memref<1x128xi32, #tpu.memory_space<vmem>>
        %dma_start3A_222 = tpu.memref_squeeze %dma_start3A_221 : memref<1x128xi32, #tpu.memory_space<vmem>> -> memref<128xi32, #tpu.memory_space<vmem>>
        %dma_start3A_223 = arith.constant 0 : i32
        %dma_start3A_224 = arith.constant 0 : i32
        %dma_start3A_225 = tpu.memref_slice %arg22[%dma_start3A_223, %dma_start3A_224] : memref<10112x64xf32, #tpu.memory_space<vmem_shared>> -> memref<10112x64xf32, #tpu.memory_space<vmem_shared>>
        tpu.enqueue_indirect_dma source(%arg18 : memref<128x64xf32, #tpu.memory_space<vmem>>) target(%dma_start3A_225 : memref<10112x64xf32, #tpu.memory_space<vmem_shared>>) offsets(%dma_start3A_222 : memref<128xi32, #tpu.memory_space<vmem>>) semaphore(%run_scoped3A_219 : memref<!tpu.dma_semaphore, #tpu.memory_space<semaphore_mem>>) {add = true}
        %dma_wait3A_226 = arith.constant 0 : i32
        %dma_wait3A_227 = tpu.memref_slice %arg12[%scan3A_199, %dma_wait3A_226] : memref<81x128xi32, #tpu.memory_space<vmem>> -> memref<1x128xi32, #tpu.memory_space<vmem>>
        %dma_wait3A_228 = tpu.memref_squeeze %dma_wait3A_227 : memref<1x128xi32, #tpu.memory_space<vmem>> -> memref<128xi32, #tpu.memory_space<vmem>>
        %dma_wait3A_229 = arith.constant 0 : i32
        %dma_wait3A_230 = arith.constant 0 : i32
        %dma_wait3A_231 = tpu.memref_slice %arg22[%dma_wait3A_229, %dma_wait3A_230] : memref<10112x64xf32, #tpu.memory_space<vmem_shared>> -> memref<10112x64xf32, #tpu.memory_space<vmem_shared>>
        tpu.wait_indirect_dma semaphore(%run_scoped3A_219 : memref<!tpu.dma_semaphore, #tpu.memory_space<semaphore_mem>>) src(%arg18 : memref<128x64xf32, #tpu.memory_space<vmem>>) dst(%dma_wait3A_231 : memref<10112x64xf32, #tpu.memory_space<vmem_shared>>)
        tpu.yield
      }) : () -> ()
      %scan3A_218 = arith.constant 0 : i32
      scf.yield %scan3A_218 : i32
    }
    %scan3A_113 = arith.constant 81 : i32
    %barrier3A_114 = arith.constant 0 : index
    tpu.barrier barrier_id(%barrier3A_114)
    "tpu.region"() ({
      %run_scoped3A_199 = tpu.sem_alloc : memref<!tpu.dma_semaphore, #tpu.memory_space<semaphore_mem>>
      %dma_start3A = arith.constant 0 : i32
      %dma_start3A_200 = arith.constant 0 : i32
      %dma_start3A_201 = tpu.memref_slice %arg19[%dma_start3A, %dma_start3A_200] : memref<80x64xf32, #tpu.memory_space<vmem>> -> memref<80x64xf32, #tpu.memory_space<vmem>>
      %dma_start3A_202 = arith.constant 0 : i32
      %dma_start3A_203 = tpu.memref_slice %arg22[%mul3A_2, %dma_start3A_202] : memref<10112x64xf32, #tpu.memory_space<vmem_shared>> -> memref<80x64xf32, #tpu.memory_space<vmem_shared>>
      %dma_start3A_204 = arith.constant 0 : i32
      %dma_start3A_205 = arith.constant 0 : i32
      %dma_start3A_206 = tpu.memref_slice %arg19[%dma_start3A_204, %dma_start3A_205] : memref<80x64xf32, #tpu.memory_space<vmem>> -> memref<80x64xf32, #tpu.memory_space<vmem>>
      %dma_start3A_207 = arith.constant 0 : i32
      %dma_start3A_208 = tpu.memref_slice %arg22[%mul3A_2, %dma_start3A_207] : memref<10112x64xf32, #tpu.memory_space<vmem_shared>> -> memref<80x64xf32, #tpu.memory_space<vmem_shared>>
      tpu.enqueue_dma source(%dma_start3A_208 : memref<80x64xf32, #tpu.memory_space<vmem_shared>>) target(%dma_start3A_206 : memref<80x64xf32, #tpu.memory_space<vmem>>) target_semaphore(%run_scoped3A_199 : memref<!tpu.dma_semaphore, #tpu.memory_space<semaphore_mem>>)
      %dma_wait3A = arith.constant 0 : i32
      %dma_wait3A_209 = arith.constant 0 : i32
      %dma_wait3A_210 = tpu.memref_slice %arg19[%dma_wait3A, %dma_wait3A_209] : memref<80x64xf32, #tpu.memory_space<vmem>> -> memref<80x64xf32, #tpu.memory_space<vmem>>
      %dma_wait3A_211 = arith.constant 0 : i32
      %dma_wait3A_212 = tpu.memref_slice %arg22[%mul3A_2, %dma_wait3A_211] : memref<10112x64xf32, #tpu.memory_space<vmem_shared>> -> memref<80x64xf32, #tpu.memory_space<vmem_shared>>
      %dma_wait3A_213 = arith.constant 0 : i32
      %dma_wait3A_214 = arith.constant 0 : i32
      %dma_wait3A_215 = tpu.memref_slice %arg19[%dma_wait3A_213, %dma_wait3A_214] : memref<80x64xf32, #tpu.memory_space<vmem>> -> memref<80x64xf32, #tpu.memory_space<vmem>>
      %dma_wait3A_216 = arith.constant 0 : i32
      %dma_wait3A_217 = tpu.memref_slice %arg22[%mul3A_2, %dma_wait3A_216] : memref<10112x64xf32, #tpu.memory_space<vmem_shared>> -> memref<80x64xf32, #tpu.memory_space<vmem_shared>>
      tpu.wait_dma2 semaphore(%run_scoped3A_199 : memref<!tpu.dma_semaphore, #tpu.memory_space<semaphore_mem>>) src(%dma_wait3A_217 : memref<80x64xf32, #tpu.memory_space<vmem_shared>>) dst(%dma_wait3A_215 : memref<80x64xf32, #tpu.memory_space<vmem>>)
      tpu.yield
    }) : () -> ()
    %run_scoped3A_115 = arith.constant 0 : i32
    "tpu.region"() ({
      %run_scoped3A_199 = tpu.sem_alloc : memref<!tpu.dma_semaphore, #tpu.memory_space<semaphore_mem>>
      %dma_start3A = arith.constant 0 : i32
      %dma_start3A_200 = arith.constant 0 : i32
      %dma_start3A_201 = tpu.memref_slice %arg19[%dma_start3A, %dma_start3A_200] : memref<80x64xf32, #tpu.memory_space<vmem>> -> memref<80x64xf32, #tpu.memory_space<vmem>>
      %dma_start3A_202 = arith.constant 0 : i32
      %dma_start3A_203 = arith.constant 0 : i32
      %dma_start3A_204 = tpu.memref_slice %arg9[%run_scoped3A_115, %arg0, %dma_start3A_202, %dma_start3A_203] : memref<2x2x10112x64xf32, #tpu.memory_space<hbm>> -> memref<1x1x10112x64xf32, #tpu.memory_space<hbm>>
      %dma_start3A_205 = tpu.memref_squeeze %dma_start3A_204 : memref<1x1x10112x64xf32, #tpu.memory_space<hbm>> -> memref<10112x64xf32, #tpu.memory_space<hbm>>
      %dma_start3A_206 = arith.constant 0 : i32
      %dma_start3A_207 = tpu.memref_slice %dma_start3A_205[%mul3A_2, %dma_start3A_206] : memref<10112x64xf32, #tpu.memory_space<hbm>> -> memref<80x64xf32, #tpu.memory_space<hbm>>
      %dma_start3A_208 = arith.constant 0 : i32
      %dma_start3A_209 = arith.constant 0 : i32
      %dma_start3A_210 = tpu.memref_slice %arg9[%run_scoped3A_115, %arg0, %dma_start3A_208, %dma_start3A_209] : memref<2x2x10112x64xf32, #tpu.memory_space<hbm>> -> memref<1x1x10112x64xf32, #tpu.memory_space<hbm>>
      %dma_start3A_211 = tpu.memref_squeeze %dma_start3A_210 : memref<1x1x10112x64xf32, #tpu.memory_space<hbm>> -> memref<10112x64xf32, #tpu.memory_space<hbm>>
      %dma_start3A_212 = arith.constant 0 : i32
      %dma_start3A_213 = tpu.memref_slice %dma_start3A_211[%mul3A_2, %dma_start3A_212] : memref<10112x64xf32, #tpu.memory_space<hbm>> -> memref<80x64xf32, #tpu.memory_space<hbm>>
      %dma_start3A_214 = arith.constant 0 : i32
      %dma_start3A_215 = arith.constant 0 : i32
      %dma_start3A_216 = tpu.memref_slice %arg19[%dma_start3A_214, %dma_start3A_215] : memref<80x64xf32, #tpu.memory_space<vmem>> -> memref<80x64xf32, #tpu.memory_space<vmem>>
      tpu.enqueue_dma source(%dma_start3A_216 : memref<80x64xf32, #tpu.memory_space<vmem>>) target(%dma_start3A_213 : memref<80x64xf32, #tpu.memory_space<hbm>>) target_semaphore(%run_scoped3A_199 : memref<!tpu.dma_semaphore, #tpu.memory_space<semaphore_mem>>)
      %dma_wait3A = arith.constant 0 : i32
      %dma_wait3A_217 = arith.constant 0 : i32
      %dma_wait3A_218 = tpu.memref_slice %arg19[%dma_wait3A, %dma_wait3A_217] : memref<80x64xf32, #tpu.memory_space<vmem>> -> memref<80x64xf32, #tpu.memory_space<vmem>>
      %dma_wait3A_219 = arith.constant 0 : i32
      %dma_wait3A_220 = arith.constant 0 : i32
      %dma_wait3A_221 = tpu.memref_slice %arg9[%run_scoped3A_115, %arg0, %dma_wait3A_219, %dma_wait3A_220] : memref<2x2x10112x64xf32, #tpu.memory_space<hbm>> -> memref<1x1x10112x64xf32, #tpu.memory_space<hbm>>
      %dma_wait3A_222 = tpu.memref_squeeze %dma_wait3A_221 : memref<1x1x10112x64xf32, #tpu.memory_space<hbm>> -> memref<10112x64xf32, #tpu.memory_space<hbm>>
      %dma_wait3A_223 = arith.constant 0 : i32
      %dma_wait3A_224 = tpu.memref_slice %dma_wait3A_222[%mul3A_2, %dma_wait3A_223] : memref<10112x64xf32, #tpu.memory_space<hbm>> -> memref<80x64xf32, #tpu.memory_space<hbm>>
      %dma_wait3A_225 = arith.constant 0 : i32
      %dma_wait3A_226 = arith.constant 0 : i32
      %dma_wait3A_227 = tpu.memref_slice %arg9[%run_scoped3A_115, %arg0, %dma_wait3A_225, %dma_wait3A_226] : memref<2x2x10112x64xf32, #tpu.memory_space<hbm>> -> memref<1x1x10112x64xf32, #tpu.memory_space<hbm>>
      %dma_wait3A_228 = tpu.memref_squeeze %dma_wait3A_227 : memref<1x1x10112x64xf32, #tpu.memory_space<hbm>> -> memref<10112x64xf32, #tpu.memory_space<hbm>>
      %dma_wait3A_229 = arith.constant 0 : i32
      %dma_wait3A_230 = tpu.memref_slice %dma_wait3A_228[%mul3A_2, %dma_wait3A_229] : memref<10112x64xf32, #tpu.memory_space<hbm>> -> memref<80x64xf32, #tpu.memory_space<hbm>>
      %dma_wait3A_231 = arith.constant 0 : i32
      %dma_wait3A_232 = arith.constant 0 : i32
      %dma_wait3A_233 = tpu.memref_slice %arg19[%dma_wait3A_231, %dma_wait3A_232] : memref<80x64xf32, #tpu.memory_space<vmem>> -> memref<80x64xf32, #tpu.memory_space<vmem>>
      tpu.wait_dma2 semaphore(%run_scoped3A_199 : memref<!tpu.dma_semaphore, #tpu.memory_space<semaphore_mem>>) src(%dma_wait3A_233 : memref<80x64xf32, #tpu.memory_space<vmem>>) dst(%dma_wait3A_230 : memref<80x64xf32, #tpu.memory_space<hbm>>)
      tpu.yield
    }) : () -> ()
    %add3A_116 = arith.constant 80 : i32
    %add3A_117 = arith.addi %mul3A_2, %add3A_116 : i32
    "tpu.region"() ({
      %run_scoped3A_199 = tpu.sem_alloc : memref<!tpu.dma_semaphore, #tpu.memory_space<semaphore_mem>>
      %dma_start3A = arith.constant 0 : i32
      %dma_start3A_200 = arith.constant 0 : i32
      %dma_start3A_201 = tpu.memref_slice %arg19[%dma_start3A, %dma_start3A_200] : memref<80x64xf32, #tpu.memory_space<vmem>> -> memref<80x64xf32, #tpu.memory_space<vmem>>
      %dma_start3A_202 = arith.constant 0 : i32
      %dma_start3A_203 = tpu.memref_slice %arg22[%add3A_117, %dma_start3A_202] : memref<10112x64xf32, #tpu.memory_space<vmem_shared>> -> memref<80x64xf32, #tpu.memory_space<vmem_shared>>
      %dma_start3A_204 = arith.constant 0 : i32
      %dma_start3A_205 = arith.constant 0 : i32
      %dma_start3A_206 = tpu.memref_slice %arg19[%dma_start3A_204, %dma_start3A_205] : memref<80x64xf32, #tpu.memory_space<vmem>> -> memref<80x64xf32, #tpu.memory_space<vmem>>
      %dma_start3A_207 = arith.constant 0 : i32
      %dma_start3A_208 = tpu.memref_slice %arg22[%add3A_117, %dma_start3A_207] : memref<10112x64xf32, #tpu.memory_space<vmem_shared>> -> memref<80x64xf32, #tpu.memory_space<vmem_shared>>
      tpu.enqueue_dma source(%dma_start3A_208 : memref<80x64xf32, #tpu.memory_space<vmem_shared>>) target(%dma_start3A_206 : memref<80x64xf32, #tpu.memory_space<vmem>>) target_semaphore(%run_scoped3A_199 : memref<!tpu.dma_semaphore, #tpu.memory_space<semaphore_mem>>)
      %dma_wait3A = arith.constant 0 : i32
      %dma_wait3A_209 = arith.constant 0 : i32
      %dma_wait3A_210 = tpu.memref_slice %arg19[%dma_wait3A, %dma_wait3A_209] : memref<80x64xf32, #tpu.memory_space<vmem>> -> memref<80x64xf32, #tpu.memory_space<vmem>>
      %dma_wait3A_211 = arith.constant 0 : i32
      %dma_wait3A_212 = tpu.memref_slice %arg22[%add3A_117, %dma_wait3A_211] : memref<10112x64xf32, #tpu.memory_space<vmem_shared>> -> memref<80x64xf32, #tpu.memory_space<vmem_shared>>
      %dma_wait3A_213 = arith.constant 0 : i32
      %dma_wait3A_214 = arith.constant 0 : i32
      %dma_wait3A_215 = tpu.memref_slice %arg19[%dma_wait3A_213, %dma_wait3A_214] : memref<80x64xf32, #tpu.memory_space<vmem>> -> memref<80x64xf32, #tpu.memory_space<vmem>>
      %dma_wait3A_216 = arith.constant 0 : i32
      %dma_wait3A_217 = tpu.memref_slice %arg22[%add3A_117, %dma_wait3A_216] : memref<10112x64xf32, #tpu.memory_space<vmem_shared>> -> memref<80x64xf32, #tpu.memory_space<vmem_shared>>
      tpu.wait_dma2 semaphore(%run_scoped3A_199 : memref<!tpu.dma_semaphore, #tpu.memory_space<semaphore_mem>>) src(%dma_wait3A_217 : memref<80x64xf32, #tpu.memory_space<vmem_shared>>) dst(%dma_wait3A_215 : memref<80x64xf32, #tpu.memory_space<vmem>>)
      tpu.yield
    }) : () -> ()
    %run_scoped3A_118 = arith.constant 0 : i32
    "tpu.region"() ({
      %run_scoped3A_199 = tpu.sem_alloc : memref<!tpu.dma_semaphore, #tpu.memory_space<semaphore_mem>>
      %dma_start3A = arith.constant 0 : i32
      %dma_start3A_200 = arith.constant 0 : i32
      %dma_start3A_201 = tpu.memref_slice %arg19[%dma_start3A, %dma_start3A_200] : memref<80x64xf32, #tpu.memory_space<vmem>> -> memref<80x64xf32, #tpu.memory_space<vmem>>
      %dma_start3A_202 = arith.constant 0 : i32
      %dma_start3A_203 = arith.constant 0 : i32
      %dma_start3A_204 = tpu.memref_slice %arg9[%run_scoped3A_118, %arg0, %dma_start3A_202, %dma_start3A_203] : memref<2x2x10112x64xf32, #tpu.memory_space<hbm>> -> memref<1x1x10112x64xf32, #tpu.memory_space<hbm>>
      %dma_start3A_205 = tpu.memref_squeeze %dma_start3A_204 : memref<1x1x10112x64xf32, #tpu.memory_space<hbm>> -> memref<10112x64xf32, #tpu.memory_space<hbm>>
      %dma_start3A_206 = arith.constant 0 : i32
      %dma_start3A_207 = tpu.memref_slice %dma_start3A_205[%add3A_117, %dma_start3A_206] : memref<10112x64xf32, #tpu.memory_space<hbm>> -> memref<80x64xf32, #tpu.memory_space<hbm>>
      %dma_start3A_208 = arith.constant 0 : i32
      %dma_start3A_209 = arith.constant 0 : i32
      %dma_start3A_210 = tpu.memref_slice %arg9[%run_scoped3A_118, %arg0, %dma_start3A_208, %dma_start3A_209] : memref<2x2x10112x64xf32, #tpu.memory_space<hbm>> -> memref<1x1x10112x64xf32, #tpu.memory_space<hbm>>
      %dma_start3A_211 = tpu.memref_squeeze %dma_start3A_210 : memref<1x1x10112x64xf32, #tpu.memory_space<hbm>> -> memref<10112x64xf32, #tpu.memory_space<hbm>>
      %dma_start3A_212 = arith.constant 0 : i32
      %dma_start3A_213 = tpu.memref_slice %dma_start3A_211[%add3A_117, %dma_start3A_212] : memref<10112x64xf32, #tpu.memory_space<hbm>> -> memref<80x64xf32, #tpu.memory_space<hbm>>
      %dma_start3A_214 = arith.constant 0 : i32
      %dma_start3A_215 = arith.constant 0 : i32
      %dma_start3A_216 = tpu.memref_slice %arg19[%dma_start3A_214, %dma_start3A_215] : memref<80x64xf32, #tpu.memory_space<vmem>> -> memref<80x64xf32, #tpu.memory_space<vmem>>
      tpu.enqueue_dma source(%dma_start3A_216 : memref<80x64xf32, #tpu.memory_space<vmem>>) target(%dma_start3A_213 : memref<80x64xf32, #tpu.memory_space<hbm>>) target_semaphore(%run_scoped3A_199 : memref<!tpu.dma_semaphore, #tpu.memory_space<semaphore_mem>>)
      %dma_wait3A = arith.constant 0 : i32
      %dma_wait3A_217 = arith.constant 0 : i32
      %dma_wait3A_218 = tpu.memref_slice %arg19[%dma_wait3A, %dma_wait3A_217] : memref<80x64xf32, #tpu.memory_space<vmem>> -> memref<80x64xf32, #tpu.memory_space<vmem>>
      %dma_wait3A_219 = arith.constant 0 : i32
      %dma_wait3A_220 = arith.constant 0 : i32
      %dma_wait3A_221 = tpu.memref_slice %arg9[%run_scoped3A_118, %arg0, %dma_wait3A_219, %dma_wait3A_220] : memref<2x2x10112x64xf32, #tpu.memory_space<hbm>> -> memref<1x1x10112x64xf32, #tpu.memory_space<hbm>>
      %dma_wait3A_222 = tpu.memref_squeeze %dma_wait3A_221 : memref<1x1x10112x64xf32, #tpu.memory_space<hbm>> -> memref<10112x64xf32, #tpu.memory_space<hbm>>
      %dma_wait3A_223 = arith.constant 0 : i32
      %dma_wait3A_224 = tpu.memref_slice %dma_wait3A_222[%add3A_117, %dma_wait3A_223] : memref<10112x64xf32, #tpu.memory_space<hbm>> -> memref<80x64xf32, #tpu.memory_space<hbm>>
      %dma_wait3A_225 = arith.constant 0 : i32
      %dma_wait3A_226 = arith.constant 0 : i32
      %dma_wait3A_227 = tpu.memref_slice %arg9[%run_scoped3A_118, %arg0, %dma_wait3A_225, %dma_wait3A_226] : memref<2x2x10112x64xf32, #tpu.memory_space<hbm>> -> memref<1x1x10112x64xf32, #tpu.memory_space<hbm>>
      %dma_wait3A_228 = tpu.memref_squeeze %dma_wait3A_227 : memref<1x1x10112x64xf32, #tpu.memory_space<hbm>> -> memref<10112x64xf32, #tpu.memory_space<hbm>>
      %dma_wait3A_229 = arith.constant 0 : i32
      %dma_wait3A_230 = tpu.memref_slice %dma_wait3A_228[%add3A_117, %dma_wait3A_229] : memref<10112x64xf32, #tpu.memory_space<hbm>> -> memref<80x64xf32, #tpu.memory_space<hbm>>
      %dma_wait3A_231 = arith.constant 0 : i32
      %dma_wait3A_232 = arith.constant 0 : i32
      %dma_wait3A_233 = tpu.memref_slice %arg19[%dma_wait3A_231, %dma_wait3A_232] : memref<80x64xf32, #tpu.memory_space<vmem>> -> memref<80x64xf32, #tpu.memory_space<vmem>>
      tpu.wait_dma2 semaphore(%run_scoped3A_199 : memref<!tpu.dma_semaphore, #tpu.memory_space<semaphore_mem>>) src(%dma_wait3A_233 : memref<80x64xf32, #tpu.memory_space<vmem>>) dst(%dma_wait3A_230 : memref<80x64xf32, #tpu.memory_space<hbm>>)
      tpu.yield
    }) : () -> ()
    %add3A_119 = arith.constant 80 : i32
    %add3A_120 = arith.addi %add3A_117, %add3A_119 : i32
    "tpu.region"() ({
      %run_scoped3A_199 = tpu.sem_alloc : memref<!tpu.dma_semaphore, #tpu.memory_space<semaphore_mem>>
      %dma_start3A = arith.constant 0 : i32
      %dma_start3A_200 = arith.constant 0 : i32
      %dma_start3A_201 = tpu.memref_slice %arg19[%dma_start3A, %dma_start3A_200] : memref<80x64xf32, #tpu.memory_space<vmem>> -> memref<80x64xf32, #tpu.memory_space<vmem>>
      %dma_start3A_202 = arith.constant 0 : i32
      %dma_start3A_203 = tpu.memref_slice %arg22[%add3A_120, %dma_start3A_202] : memref<10112x64xf32, #tpu.memory_space<vmem_shared>> -> memref<80x64xf32, #tpu.memory_space<vmem_shared>>
      %dma_start3A_204 = arith.constant 0 : i32
      %dma_start3A_205 = arith.constant 0 : i32
      %dma_start3A_206 = tpu.memref_slice %arg19[%dma_start3A_204, %dma_start3A_205] : memref<80x64xf32, #tpu.memory_space<vmem>> -> memref<80x64xf32, #tpu.memory_space<vmem>>
      %dma_start3A_207 = arith.constant 0 : i32
      %dma_start3A_208 = tpu.memref_slice %arg22[%add3A_120, %dma_start3A_207] : memref<10112x64xf32, #tpu.memory_space<vmem_shared>> -> memref<80x64xf32, #tpu.memory_space<vmem_shared>>
      tpu.enqueue_dma source(%dma_start3A_208 : memref<80x64xf32, #tpu.memory_space<vmem_shared>>) target(%dma_start3A_206 : memref<80x64xf32, #tpu.memory_space<vmem>>) target_semaphore(%run_scoped3A_199 : memref<!tpu.dma_semaphore, #tpu.memory_space<semaphore_mem>>)
      %dma_wait3A = arith.constant 0 : i32
      %dma_wait3A_209 = arith.constant 0 : i32
      %dma_wait3A_210 = tpu.memref_slice %arg19[%dma_wait3A, %dma_wait3A_209] : memref<80x64xf32, #tpu.memory_space<vmem>> -> memref<80x64xf32, #tpu.memory_space<vmem>>
      %dma_wait3A_211 = arith.constant 0 : i32
      %dma_wait3A_212 = tpu.memref_slice %arg22[%add3A_120, %dma_wait3A_211] : memref<10112x64xf32, #tpu.memory_space<vmem_shared>> -> memref<80x64xf32, #tpu.memory_space<vmem_shared>>
      %dma_wait3A_213 = arith.constant 0 : i32
      %dma_wait3A_214 = arith.constant 0 : i32
      %dma_wait3A_215 = tpu.memref_slice %arg19[%dma_wait3A_213, %dma_wait3A_214] : memref<80x64xf32, #tpu.memory_space<vmem>> -> memref<80x64xf32, #tpu.memory_space<vmem>>
      %dma_wait3A_216 = arith.constant 0 : i32
      %dma_wait3A_217 = tpu.memref_slice %arg22[%add3A_120, %dma_wait3A_216] : memref<10112x64xf32, #tpu.memory_space<vmem_shared>> -> memref<80x64xf32, #tpu.memory_space<vmem_shared>>
      tpu.wait_dma2 semaphore(%run_scoped3A_199 : memref<!tpu.dma_semaphore, #tpu.memory_space<semaphore_mem>>) src(%dma_wait3A_217 : memref<80x64xf32, #tpu.memory_space<vmem_shared>>) dst(%dma_wait3A_215 : memref<80x64xf32, #tpu.memory_space<vmem>>)
      tpu.yield
    }) : () -> ()
    %run_scoped3A_121 = arith.constant 0 : i32
    "tpu.region"() ({
      %run_scoped3A_199 = tpu.sem_alloc : memref<!tpu.dma_semaphore, #tpu.memory_space<semaphore_mem>>
      %dma_start3A = arith.constant 0 : i32
      %dma_start3A_200 = arith.constant 0 : i32
      %dma_start3A_201 = tpu.memref_slice %arg19[%dma_start3A, %dma_start3A_200] : memref<80x64xf32, #tpu.memory_space<vmem>> -> memref<80x64xf32, #tpu.memory_space<vmem>>
      %dma_start3A_202 = arith.constant 0 : i32
      %dma_start3A_203 = arith.constant 0 : i32
      %dma_start3A_204 = tpu.memref_slice %arg9[%run_scoped3A_121, %arg0, %dma_start3A_202, %dma_start3A_203] : memref<2x2x10112x64xf32, #tpu.memory_space<hbm>> -> memref<1x1x10112x64xf32, #tpu.memory_space<hbm>>
      %dma_start3A_205 = tpu.memref_squeeze %dma_start3A_204 : memref<1x1x10112x64xf32, #tpu.memory_space<hbm>> -> memref<10112x64xf32, #tpu.memory_space<hbm>>
      %dma_start3A_206 = arith.constant 0 : i32
      %dma_start3A_207 = tpu.memref_slice %dma_start3A_205[%add3A_120, %dma_start3A_206] : memref<10112x64xf32, #tpu.memory_space<hbm>> -> memref<80x64xf32, #tpu.memory_space<hbm>>
      %dma_start3A_208 = arith.constant 0 : i32
      %dma_start3A_209 = arith.constant 0 : i32
      %dma_start3A_210 = tpu.memref_slice %arg9[%run_scoped3A_121, %arg0, %dma_start3A_208, %dma_start3A_209] : memref<2x2x10112x64xf32, #tpu.memory_space<hbm>> -> memref<1x1x10112x64xf32, #tpu.memory_space<hbm>>
      %dma_start3A_211 = tpu.memref_squeeze %dma_start3A_210 : memref<1x1x10112x64xf32, #tpu.memory_space<hbm>> -> memref<10112x64xf32, #tpu.memory_space<hbm>>
      %dma_start3A_212 = arith.constant 0 : i32
      %dma_start3A_213 = tpu.memref_slice %dma_start3A_211[%add3A_120, %dma_start3A_212] : memref<10112x64xf32, #tpu.memory_space<hbm>> -> memref<80x64xf32, #tpu.memory_space<hbm>>
      %dma_start3A_214 = arith.constant 0 : i32
      %dma_start3A_215 = arith.constant 0 : i32
      %dma_start3A_216 = tpu.memref_slice %arg19[%dma_start3A_214, %dma_start3A_215] : memref<80x64xf32, #tpu.memory_space<vmem>> -> memref<80x64xf32, #tpu.memory_space<vmem>>
      tpu.enqueue_dma source(%dma_start3A_216 : memref<80x64xf32, #tpu.memory_space<vmem>>) target(%dma_start3A_213 : memref<80x64xf32, #tpu.memory_space<hbm>>) target_semaphore(%run_scoped3A_199 : memref<!tpu.dma_semaphore, #tpu.memory_space<semaphore_mem>>)
      %dma_wait3A = arith.constant 0 : i32
      %dma_wait3A_217 = arith.constant 0 : i32
      %dma_wait3A_218 = tpu.memref_slice %arg19[%dma_wait3A, %dma_wait3A_217] : memref<80x64xf32, #tpu.memory_space<vmem>> -> memref<80x64xf32, #tpu.memory_space<vmem>>
      %dma_wait3A_219 = arith.constant 0 : i32
      %dma_wait3A_220 = arith.constant 0 : i32
      %dma_wait3A_221 = tpu.memref_slice %arg9[%run_scoped3A_121, %arg0, %dma_wait3A_219, %dma_wait3A_220] : memref<2x2x10112x64xf32, #tpu.memory_space<hbm>> -> memref<1x1x10112x64xf32, #tpu.memory_space<hbm>>
      %dma_wait3A_222 = tpu.memref_squeeze %dma_wait3A_221 : memref<1x1x10112x64xf32, #tpu.memory_space<hbm>> -> memref<10112x64xf32, #tpu.memory_space<hbm>>
      %dma_wait3A_223 = arith.constant 0 : i32
      %dma_wait3A_224 = tpu.memref_slice %dma_wait3A_222[%add3A_120, %dma_wait3A_223] : memref<10112x64xf32, #tpu.memory_space<hbm>> -> memref<80x64xf32, #tpu.memory_space<hbm>>
      %dma_wait3A_225 = arith.constant 0 : i32
      %dma_wait3A_226 = arith.constant 0 : i32
      %dma_wait3A_227 = tpu.memref_slice %arg9[%run_scoped3A_121, %arg0, %dma_wait3A_225, %dma_wait3A_226] : memref<2x2x10112x64xf32, #tpu.memory_space<hbm>> -> memref<1x1x10112x64xf32, #tpu.memory_space<hbm>>
      %dma_wait3A_228 = tpu.memref_squeeze %dma_wait3A_227 : memref<1x1x10112x64xf32, #tpu.memory_space<hbm>> -> memref<10112x64xf32, #tpu.memory_space<hbm>>
      %dma_wait3A_229 = arith.constant 0 : i32
      %dma_wait3A_230 = tpu.memref_slice %dma_wait3A_228[%add3A_120, %dma_wait3A_229] : memref<10112x64xf32, #tpu.memory_space<hbm>> -> memref<80x64xf32, #tpu.memory_space<hbm>>
      %dma_wait3A_231 = arith.constant 0 : i32
      %dma_wait3A_232 = arith.constant 0 : i32
      %dma_wait3A_233 = tpu.memref_slice %arg19[%dma_wait3A_231, %dma_wait3A_232] : memref<80x64xf32, #tpu.memory_space<vmem>> -> memref<80x64xf32, #tpu.memory_space<vmem>>
      tpu.wait_dma2 semaphore(%run_scoped3A_199 : memref<!tpu.dma_semaphore, #tpu.memory_space<semaphore_mem>>) src(%dma_wait3A_233 : memref<80x64xf32, #tpu.memory_space<vmem>>) dst(%dma_wait3A_230 : memref<80x64xf32, #tpu.memory_space<hbm>>)
      tpu.yield
    }) : () -> ()
    %add3A_122 = arith.constant 80 : i32
    %add3A_123 = arith.addi %add3A_120, %add3A_122 : i32
    "tpu.region"() ({
      %run_scoped3A_199 = tpu.sem_alloc : memref<!tpu.dma_semaphore, #tpu.memory_space<semaphore_mem>>
      %dma_start3A = arith.constant 0 : i32
      %dma_start3A_200 = arith.constant 0 : i32
      %dma_start3A_201 = tpu.memref_slice %arg19[%dma_start3A, %dma_start3A_200] : memref<80x64xf32, #tpu.memory_space<vmem>> -> memref<80x64xf32, #tpu.memory_space<vmem>>
      %dma_start3A_202 = arith.constant 0 : i32
      %dma_start3A_203 = tpu.memref_slice %arg22[%add3A_123, %dma_start3A_202] : memref<10112x64xf32, #tpu.memory_space<vmem_shared>> -> memref<80x64xf32, #tpu.memory_space<vmem_shared>>
      %dma_start3A_204 = arith.constant 0 : i32
      %dma_start3A_205 = arith.constant 0 : i32
      %dma_start3A_206 = tpu.memref_slice %arg19[%dma_start3A_204, %dma_start3A_205] : memref<80x64xf32, #tpu.memory_space<vmem>> -> memref<80x64xf32, #tpu.memory_space<vmem>>
      %dma_start3A_207 = arith.constant 0 : i32
      %dma_start3A_208 = tpu.memref_slice %arg22[%add3A_123, %dma_start3A_207] : memref<10112x64xf32, #tpu.memory_space<vmem_shared>> -> memref<80x64xf32, #tpu.memory_space<vmem_shared>>
      tpu.enqueue_dma source(%dma_start3A_208 : memref<80x64xf32, #tpu.memory_space<vmem_shared>>) target(%dma_start3A_206 : memref<80x64xf32, #tpu.memory_space<vmem>>) target_semaphore(%run_scoped3A_199 : memref<!tpu.dma_semaphore, #tpu.memory_space<semaphore_mem>>)
      %dma_wait3A = arith.constant 0 : i32
      %dma_wait3A_209 = arith.constant 0 : i32
      %dma_wait3A_210 = tpu.memref_slice %arg19[%dma_wait3A, %dma_wait3A_209] : memref<80x64xf32, #tpu.memory_space<vmem>> -> memref<80x64xf32, #tpu.memory_space<vmem>>
      %dma_wait3A_211 = arith.constant 0 : i32
      %dma_wait3A_212 = tpu.memref_slice %arg22[%add3A_123, %dma_wait3A_211] : memref<10112x64xf32, #tpu.memory_space<vmem_shared>> -> memref<80x64xf32, #tpu.memory_space<vmem_shared>>
      %dma_wait3A_213 = arith.constant 0 : i32
      %dma_wait3A_214 = arith.constant 0 : i32
      %dma_wait3A_215 = tpu.memref_slice %arg19[%dma_wait3A_213, %dma_wait3A_214] : memref<80x64xf32, #tpu.memory_space<vmem>> -> memref<80x64xf32, #tpu.memory_space<vmem>>
      %dma_wait3A_216 = arith.constant 0 : i32
      %dma_wait3A_217 = tpu.memref_slice %arg22[%add3A_123, %dma_wait3A_216] : memref<10112x64xf32, #tpu.memory_space<vmem_shared>> -> memref<80x64xf32, #tpu.memory_space<vmem_shared>>
      tpu.wait_dma2 semaphore(%run_scoped3A_199 : memref<!tpu.dma_semaphore, #tpu.memory_space<semaphore_mem>>) src(%dma_wait3A_217 : memref<80x64xf32, #tpu.memory_space<vmem_shared>>) dst(%dma_wait3A_215 : memref<80x64xf32, #tpu.memory_space<vmem>>)
      tpu.yield
    }) : () -> ()
    %run_scoped3A_124 = arith.constant 0 : i32
    "tpu.region"() ({
      %run_scoped3A_199 = tpu.sem_alloc : memref<!tpu.dma_semaphore, #tpu.memory_space<semaphore_mem>>
      %dma_start3A = arith.constant 0 : i32
      %dma_start3A_200 = arith.constant 0 : i32
      %dma_start3A_201 = tpu.memref_slice %arg19[%dma_start3A, %dma_start3A_200] : memref<80x64xf32, #tpu.memory_space<vmem>> -> memref<80x64xf32, #tpu.memory_space<vmem>>
      %dma_start3A_202 = arith.constant 0 : i32
      %dma_start3A_203 = arith.constant 0 : i32
      %dma_start3A_204 = tpu.memref_slice %arg9[%run_scoped3A_124, %arg0, %dma_start3A_202, %dma_start3A_203] : memref<2x2x10112x64xf32, #tpu.memory_space<hbm>> -> memref<1x1x10112x64xf32, #tpu.memory_space<hbm>>
      %dma_start3A_205 = tpu.memref_squeeze %dma_start3A_204 : memref<1x1x10112x64xf32, #tpu.memory_space<hbm>> -> memref<10112x64xf32, #tpu.memory_space<hbm>>
      %dma_start3A_206 = arith.constant 0 : i32
      %dma_start3A_207 = tpu.memref_slice %dma_start3A_205[%add3A_123, %dma_start3A_206] : memref<10112x64xf32, #tpu.memory_space<hbm>> -> memref<80x64xf32, #tpu.memory_space<hbm>>
      %dma_start3A_208 = arith.constant 0 : i32
      %dma_start3A_209 = arith.constant 0 : i32
      %dma_start3A_210 = tpu.memref_slice %arg9[%run_scoped3A_124, %arg0, %dma_start3A_208, %dma_start3A_209] : memref<2x2x10112x64xf32, #tpu.memory_space<hbm>> -> memref<1x1x10112x64xf32, #tpu.memory_space<hbm>>
      %dma_start3A_211 = tpu.memref_squeeze %dma_start3A_210 : memref<1x1x10112x64xf32, #tpu.memory_space<hbm>> -> memref<10112x64xf32, #tpu.memory_space<hbm>>
      %dma_start3A_212 = arith.constant 0 : i32
      %dma_start3A_213 = tpu.memref_slice %dma_start3A_211[%add3A_123, %dma_start3A_212] : memref<10112x64xf32, #tpu.memory_space<hbm>> -> memref<80x64xf32, #tpu.memory_space<hbm>>
      %dma_start3A_214 = arith.constant 0 : i32
      %dma_start3A_215 = arith.constant 0 : i32
      %dma_start3A_216 = tpu.memref_slice %arg19[%dma_start3A_214, %dma_start3A_215] : memref<80x64xf32, #tpu.memory_space<vmem>> -> memref<80x64xf32, #tpu.memory_space<vmem>>
      tpu.enqueue_dma source(%dma_start3A_216 : memref<80x64xf32, #tpu.memory_space<vmem>>) target(%dma_start3A_213 : memref<80x64xf32, #tpu.memory_space<hbm>>) target_semaphore(%run_scoped3A_199 : memref<!tpu.dma_semaphore, #tpu.memory_space<semaphore_mem>>)
      %dma_wait3A = arith.constant 0 : i32
      %dma_wait3A_217 = arith.constant 0 : i32
      %dma_wait3A_218 = tpu.memref_slice %arg19[%dma_wait3A, %dma_wait3A_217] : memref<80x64xf32, #tpu.memory_space<vmem>> -> memref<80x64xf32, #tpu.memory_space<vmem>>
      %dma_wait3A_219 = arith.constant 0 : i32
      %dma_wait3A_220 = arith.constant 0 : i32
      %dma_wait3A_221 = tpu.memref_slice %arg9[%run_scoped3A_124, %arg0, %dma_wait3A_219, %dma_wait3A_220] : memref<2x2x10112x64xf32, #tpu.memory_space<hbm>> -> memref<1x1x10112x64xf32, #tpu.memory_space<hbm>>
      %dma_wait3A_222 = tpu.memref_squeeze %dma_wait3A_221 : memref<1x1x10112x64xf32, #tpu.memory_space<hbm>> -> memref<10112x64xf32, #tpu.memory_space<hbm>>
      %dma_wait3A_223 = arith.constant 0 : i32
      %dma_wait3A_224 = tpu.memref_slice %dma_wait3A_222[%add3A_123, %dma_wait3A_223] : memref<10112x64xf32, #tpu.memory_space<hbm>> -> memref<80x64xf32, #tpu.memory_space<hbm>>
      %dma_wait3A_225 = arith.constant 0 : i32
      %dma_wait3A_226 = arith.constant 0 : i32
      %dma_wait3A_227 = tpu.memref_slice %arg9[%run_scoped3A_124, %arg0, %dma_wait3A_225, %dma_wait3A_226] : memref<2x2x10112x64xf32, #tpu.memory_space<hbm>> -> memref<1x1x10112x64xf32, #tpu.memory_space<hbm>>
      %dma_wait3A_228 = tpu.memref_squeeze %dma_wait3A_227 : memref<1x1x10112x64xf32, #tpu.memory_space<hbm>> -> memref<10112x64xf32, #tpu.memory_space<hbm>>
      %dma_wait3A_229 = arith.constant 0 : i32
      %dma_wait3A_230 = tpu.memref_slice %dma_wait3A_228[%add3A_123, %dma_wait3A_229] : memref<10112x64xf32, #tpu.memory_space<hbm>> -> memref<80x64xf32, #tpu.memory_space<hbm>>
      %dma_wait3A_231 = arith.constant 0 : i32
      %dma_wait3A_232 = arith.constant 0 : i32
      %dma_wait3A_233 = tpu.memref_slice %arg19[%dma_wait3A_231, %dma_wait3A_232] : memref<80x64xf32, #tpu.memory_space<vmem>> -> memref<80x64xf32, #tpu.memory_space<vmem>>
      tpu.wait_dma2 semaphore(%run_scoped3A_199 : memref<!tpu.dma_semaphore, #tpu.memory_space<semaphore_mem>>) src(%dma_wait3A_233 : memref<80x64xf32, #tpu.memory_space<vmem>>) dst(%dma_wait3A_230 : memref<80x64xf32, #tpu.memory_space<hbm>>)
      tpu.yield
    }) : () -> ()
    %add3A_125 = arith.constant 80 : i32
    %add3A_126 = arith.addi %add3A_123, %add3A_125 : i32
    "tpu.region"() ({
      %run_scoped3A_199 = tpu.sem_alloc : memref<!tpu.dma_semaphore, #tpu.memory_space<semaphore_mem>>
      %dma_start3A = arith.constant 0 : i32
      %dma_start3A_200 = arith.constant 0 : i32
      %dma_start3A_201 = tpu.memref_slice %arg19[%dma_start3A, %dma_start3A_200] : memref<80x64xf32, #tpu.memory_space<vmem>> -> memref<80x64xf32, #tpu.memory_space<vmem>>
      %dma_start3A_202 = arith.constant 0 : i32
      %dma_start3A_203 = tpu.memref_slice %arg22[%add3A_126, %dma_start3A_202] : memref<10112x64xf32, #tpu.memory_space<vmem_shared>> -> memref<80x64xf32, #tpu.memory_space<vmem_shared>>
      %dma_start3A_204 = arith.constant 0 : i32
      %dma_start3A_205 = arith.constant 0 : i32
      %dma_start3A_206 = tpu.memref_slice %arg19[%dma_start3A_204, %dma_start3A_205] : memref<80x64xf32, #tpu.memory_space<vmem>> -> memref<80x64xf32, #tpu.memory_space<vmem>>
      %dma_start3A_207 = arith.constant 0 : i32
      %dma_start3A_208 = tpu.memref_slice %arg22[%add3A_126, %dma_start3A_207] : memref<10112x64xf32, #tpu.memory_space<vmem_shared>> -> memref<80x64xf32, #tpu.memory_space<vmem_shared>>
      tpu.enqueue_dma source(%dma_start3A_208 : memref<80x64xf32, #tpu.memory_space<vmem_shared>>) target(%dma_start3A_206 : memref<80x64xf32, #tpu.memory_space<vmem>>) target_semaphore(%run_scoped3A_199 : memref<!tpu.dma_semaphore, #tpu.memory_space<semaphore_mem>>)
      %dma_wait3A = arith.constant 0 : i32
      %dma_wait3A_209 = arith.constant 0 : i32
      %dma_wait3A_210 = tpu.memref_slice %arg19[%dma_wait3A, %dma_wait3A_209] : memref<80x64xf32, #tpu.memory_space<vmem>> -> memref<80x64xf32, #tpu.memory_space<vmem>>
      %dma_wait3A_211 = arith.constant 0 : i32
      %dma_wait3A_212 = tpu.memref_slice %arg22[%add3A_126, %dma_wait3A_211] : memref<10112x64xf32, #tpu.memory_space<vmem_shared>> -> memref<80x64xf32, #tpu.memory_space<vmem_shared>>
      %dma_wait3A_213 = arith.constant 0 : i32
      %dma_wait3A_214 = arith.constant 0 : i32
      %dma_wait3A_215 = tpu.memref_slice %arg19[%dma_wait3A_213, %dma_wait3A_214] : memref<80x64xf32, #tpu.memory_space<vmem>> -> memref<80x64xf32, #tpu.memory_space<vmem>>
      %dma_wait3A_216 = arith.constant 0 : i32
      %dma_wait3A_217 = tpu.memref_slice %arg22[%add3A_126, %dma_wait3A_216] : memref<10112x64xf32, #tpu.memory_space<vmem_shared>> -> memref<80x64xf32, #tpu.memory_space<vmem_shared>>
      tpu.wait_dma2 semaphore(%run_scoped3A_199 : memref<!tpu.dma_semaphore, #tpu.memory_space<semaphore_mem>>) src(%dma_wait3A_217 : memref<80x64xf32, #tpu.memory_space<vmem_shared>>) dst(%dma_wait3A_215 : memref<80x64xf32, #tpu.memory_space<vmem>>)
      tpu.yield
    }) : () -> ()
    %run_scoped3A_127 = arith.constant 0 : i32
    "tpu.region"() ({
      %run_scoped3A_199 = tpu.sem_alloc : memref<!tpu.dma_semaphore, #tpu.memory_space<semaphore_mem>>
      %dma_start3A = arith.constant 0 : i32
      %dma_start3A_200 = arith.constant 0 : i32
      %dma_start3A_201 = tpu.memref_slice %arg19[%dma_start3A, %dma_start3A_200] : memref<80x64xf32, #tpu.memory_space<vmem>> -> memref<80x64xf32, #tpu.memory_space<vmem>>
      %dma_start3A_202 = arith.constant 0 : i32
      %dma_start3A_203 = arith.constant 0 : i32
      %dma_start3A_204 = tpu.memref_slice %arg9[%run_scoped3A_127, %arg0, %dma_start3A_202, %dma_start3A_203] : memref<2x2x10112x64xf32, #tpu.memory_space<hbm>> -> memref<1x1x10112x64xf32, #tpu.memory_space<hbm>>
      %dma_start3A_205 = tpu.memref_squeeze %dma_start3A_204 : memref<1x1x10112x64xf32, #tpu.memory_space<hbm>> -> memref<10112x64xf32, #tpu.memory_space<hbm>>
      %dma_start3A_206 = arith.constant 0 : i32
      %dma_start3A_207 = tpu.memref_slice %dma_start3A_205[%add3A_126, %dma_start3A_206] : memref<10112x64xf32, #tpu.memory_space<hbm>> -> memref<80x64xf32, #tpu.memory_space<hbm>>
      %dma_start3A_208 = arith.constant 0 : i32
      %dma_start3A_209 = arith.constant 0 : i32
      %dma_start3A_210 = tpu.memref_slice %arg9[%run_scoped3A_127, %arg0, %dma_start3A_208, %dma_start3A_209] : memref<2x2x10112x64xf32, #tpu.memory_space<hbm>> -> memref<1x1x10112x64xf32, #tpu.memory_space<hbm>>
      %dma_start3A_211 = tpu.memref_squeeze %dma_start3A_210 : memref<1x1x10112x64xf32, #tpu.memory_space<hbm>> -> memref<10112x64xf32, #tpu.memory_space<hbm>>
      %dma_start3A_212 = arith.constant 0 : i32
      %dma_start3A_213 = tpu.memref_slice %dma_start3A_211[%add3A_126, %dma_start3A_212] : memref<10112x64xf32, #tpu.memory_space<hbm>> -> memref<80x64xf32, #tpu.memory_space<hbm>>
      %dma_start3A_214 = arith.constant 0 : i32
      %dma_start3A_215 = arith.constant 0 : i32
      %dma_start3A_216 = tpu.memref_slice %arg19[%dma_start3A_214, %dma_start3A_215] : memref<80x64xf32, #tpu.memory_space<vmem>> -> memref<80x64xf32, #tpu.memory_space<vmem>>
      tpu.enqueue_dma source(%dma_start3A_216 : memref<80x64xf32, #tpu.memory_space<vmem>>) target(%dma_start3A_213 : memref<80x64xf32, #tpu.memory_space<hbm>>) target_semaphore(%run_scoped3A_199 : memref<!tpu.dma_semaphore, #tpu.memory_space<semaphore_mem>>)
      %dma_wait3A = arith.constant 0 : i32
      %dma_wait3A_217 = arith.constant 0 : i32
      %dma_wait3A_218 = tpu.memref_slice %arg19[%dma_wait3A, %dma_wait3A_217] : memref<80x64xf32, #tpu.memory_space<vmem>> -> memref<80x64xf32, #tpu.memory_space<vmem>>
      %dma_wait3A_219 = arith.constant 0 : i32
      %dma_wait3A_220 = arith.constant 0 : i32
      %dma_wait3A_221 = tpu.memref_slice %arg9[%run_scoped3A_127, %arg0, %dma_wait3A_219, %dma_wait3A_220] : memref<2x2x10112x64xf32, #tpu.memory_space<hbm>> -> memref<1x1x10112x64xf32, #tpu.memory_space<hbm>>
      %dma_wait3A_222 = tpu.memref_squeeze %dma_wait3A_221 : memref<1x1x10112x64xf32, #tpu.memory_space<hbm>> -> memref<10112x64xf32, #tpu.memory_space<hbm>>
      %dma_wait3A_223 = arith.constant 0 : i32
      %dma_wait3A_224 = tpu.memref_slice %dma_wait3A_222[%add3A_126, %dma_wait3A_223] : memref<10112x64xf32, #tpu.memory_space<hbm>> -> memref<80x64xf32, #tpu.memory_space<hbm>>
      %dma_wait3A_225 = arith.constant 0 : i32
      %dma_wait3A_226 = arith.constant 0 : i32
      %dma_wait3A_227 = tpu.memref_slice %arg9[%run_scoped3A_127, %arg0, %dma_wait3A_225, %dma_wait3A_226] : memref<2x2x10112x64xf32, #tpu.memory_space<hbm>> -> memref<1x1x10112x64xf32, #tpu.memory_space<hbm>>
      %dma_wait3A_228 = tpu.memref_squeeze %dma_wait3A_227 : memref<1x1x10112x64xf32, #tpu.memory_space<hbm>> -> memref<10112x64xf32, #tpu.memory_space<hbm>>
      %dma_wait3A_229 = arith.constant 0 : i32
      %dma_wait3A_230 = tpu.memref_slice %dma_wait3A_228[%add3A_126, %dma_wait3A_229] : memref<10112x64xf32, #tpu.memory_space<hbm>> -> memref<80x64xf32, #tpu.memory_space<hbm>>
      %dma_wait3A_231 = arith.constant 0 : i32
      %dma_wait3A_232 = arith.constant 0 : i32
      %dma_wait3A_233 = tpu.memref_slice %arg19[%dma_wait3A_231, %dma_wait3A_232] : memref<80x64xf32, #tpu.memory_space<vmem>> -> memref<80x64xf32, #tpu.memory_space<vmem>>
      tpu.wait_dma2 semaphore(%run_scoped3A_199 : memref<!tpu.dma_semaphore, #tpu.memory_space<semaphore_mem>>) src(%dma_wait3A_233 : memref<80x64xf32, #tpu.memory_space<vmem>>) dst(%dma_wait3A_230 : memref<80x64xf32, #tpu.memory_space<hbm>>)
      tpu.yield
    }) : () -> ()
    %add3A_128 = arith.constant 80 : i32
    %add3A_129 = arith.addi %add3A_126, %add3A_128 : i32
    "tpu.region"() ({
      %run_scoped3A_199 = tpu.sem_alloc : memref<!tpu.dma_semaphore, #tpu.memory_space<semaphore_mem>>
      %dma_start3A = arith.constant 0 : i32
      %dma_start3A_200 = arith.constant 0 : i32
      %dma_start3A_201 = tpu.memref_slice %arg19[%dma_start3A, %dma_start3A_200] : memref<80x64xf32, #tpu.memory_space<vmem>> -> memref<80x64xf32, #tpu.memory_space<vmem>>
      %dma_start3A_202 = arith.constant 0 : i32
      %dma_start3A_203 = tpu.memref_slice %arg22[%add3A_129, %dma_start3A_202] : memref<10112x64xf32, #tpu.memory_space<vmem_shared>> -> memref<80x64xf32, #tpu.memory_space<vmem_shared>>
      %dma_start3A_204 = arith.constant 0 : i32
      %dma_start3A_205 = arith.constant 0 : i32
      %dma_start3A_206 = tpu.memref_slice %arg19[%dma_start3A_204, %dma_start3A_205] : memref<80x64xf32, #tpu.memory_space<vmem>> -> memref<80x64xf32, #tpu.memory_space<vmem>>
      %dma_start3A_207 = arith.constant 0 : i32
      %dma_start3A_208 = tpu.memref_slice %arg22[%add3A_129, %dma_start3A_207] : memref<10112x64xf32, #tpu.memory_space<vmem_shared>> -> memref<80x64xf32, #tpu.memory_space<vmem_shared>>
      tpu.enqueue_dma source(%dma_start3A_208 : memref<80x64xf32, #tpu.memory_space<vmem_shared>>) target(%dma_start3A_206 : memref<80x64xf32, #tpu.memory_space<vmem>>) target_semaphore(%run_scoped3A_199 : memref<!tpu.dma_semaphore, #tpu.memory_space<semaphore_mem>>)
      %dma_wait3A = arith.constant 0 : i32
      %dma_wait3A_209 = arith.constant 0 : i32
      %dma_wait3A_210 = tpu.memref_slice %arg19[%dma_wait3A, %dma_wait3A_209] : memref<80x64xf32, #tpu.memory_space<vmem>> -> memref<80x64xf32, #tpu.memory_space<vmem>>
      %dma_wait3A_211 = arith.constant 0 : i32
      %dma_wait3A_212 = tpu.memref_slice %arg22[%add3A_129, %dma_wait3A_211] : memref<10112x64xf32, #tpu.memory_space<vmem_shared>> -> memref<80x64xf32, #tpu.memory_space<vmem_shared>>
      %dma_wait3A_213 = arith.constant 0 : i32
      %dma_wait3A_214 = arith.constant 0 : i32
      %dma_wait3A_215 = tpu.memref_slice %arg19[%dma_wait3A_213, %dma_wait3A_214] : memref<80x64xf32, #tpu.memory_space<vmem>> -> memref<80x64xf32, #tpu.memory_space<vmem>>
      %dma_wait3A_216 = arith.constant 0 : i32
      %dma_wait3A_217 = tpu.memref_slice %arg22[%add3A_129, %dma_wait3A_216] : memref<10112x64xf32, #tpu.memory_space<vmem_shared>> -> memref<80x64xf32, #tpu.memory_space<vmem_shared>>
      tpu.wait_dma2 semaphore(%run_scoped3A_199 : memref<!tpu.dma_semaphore, #tpu.memory_space<semaphore_mem>>) src(%dma_wait3A_217 : memref<80x64xf32, #tpu.memory_space<vmem_shared>>) dst(%dma_wait3A_215 : memref<80x64xf32, #tpu.memory_space<vmem>>)
      tpu.yield
    }) : () -> ()
    %run_scoped3A_130 = arith.constant 0 : i32
    "tpu.region"() ({
      %run_scoped3A_199 = tpu.sem_alloc : memref<!tpu.dma_semaphore, #tpu.memory_space<semaphore_mem>>
      %dma_start3A = arith.constant 0 : i32
      %dma_start3A_200 = arith.constant 0 : i32
      %dma_start3A_201 = tpu.memref_slice %arg19[%dma_start3A, %dma_start3A_200] : memref<80x64xf32, #tpu.memory_space<vmem>> -> memref<80x64xf32, #tpu.memory_space<vmem>>
      %dma_start3A_202 = arith.constant 0 : i32
      %dma_start3A_203 = arith.constant 0 : i32
      %dma_start3A_204 = tpu.memref_slice %arg9[%run_scoped3A_130, %arg0, %dma_start3A_202, %dma_start3A_203] : memref<2x2x10112x64xf32, #tpu.memory_space<hbm>> -> memref<1x1x10112x64xf32, #tpu.memory_space<hbm>>
      %dma_start3A_205 = tpu.memref_squeeze %dma_start3A_204 : memref<1x1x10112x64xf32, #tpu.memory_space<hbm>> -> memref<10112x64xf32, #tpu.memory_space<hbm>>
      %dma_start3A_206 = arith.constant 0 : i32
      %dma_start3A_207 = tpu.memref_slice %dma_start3A_205[%add3A_129, %dma_start3A_206] : memref<10112x64xf32, #tpu.memory_space<hbm>> -> memref<80x64xf32, #tpu.memory_space<hbm>>
      %dma_start3A_208 = arith.constant 0 : i32
      %dma_start3A_209 = arith.constant 0 : i32
      %dma_start3A_210 = tpu.memref_slice %arg9[%run_scoped3A_130, %arg0, %dma_start3A_208, %dma_start3A_209] : memref<2x2x10112x64xf32, #tpu.memory_space<hbm>> -> memref<1x1x10112x64xf32, #tpu.memory_space<hbm>>
      %dma_start3A_211 = tpu.memref_squeeze %dma_start3A_210 : memref<1x1x10112x64xf32, #tpu.memory_space<hbm>> -> memref<10112x64xf32, #tpu.memory_space<hbm>>
      %dma_start3A_212 = arith.constant 0 : i32
      %dma_start3A_213 = tpu.memref_slice %dma_start3A_211[%add3A_129, %dma_start3A_212] : memref<10112x64xf32, #tpu.memory_space<hbm>> -> memref<80x64xf32, #tpu.memory_space<hbm>>
      %dma_start3A_214 = arith.constant 0 : i32
      %dma_start3A_215 = arith.constant 0 : i32
      %dma_start3A_216 = tpu.memref_slice %arg19[%dma_start3A_214, %dma_start3A_215] : memref<80x64xf32, #tpu.memory_space<vmem>> -> memref<80x64xf32, #tpu.memory_space<vmem>>
      tpu.enqueue_dma source(%dma_start3A_216 : memref<80x64xf32, #tpu.memory_space<vmem>>) target(%dma_start3A_213 : memref<80x64xf32, #tpu.memory_space<hbm>>) target_semaphore(%run_scoped3A_199 : memref<!tpu.dma_semaphore, #tpu.memory_space<semaphore_mem>>)
      %dma_wait3A = arith.constant 0 : i32
      %dma_wait3A_217 = arith.constant 0 : i32
      %dma_wait3A_218 = tpu.memref_slice %arg19[%dma_wait3A, %dma_wait3A_217] : memref<80x64xf32, #tpu.memory_space<vmem>> -> memref<80x64xf32, #tpu.memory_space<vmem>>
      %dma_wait3A_219 = arith.constant 0 : i32
      %dma_wait3A_220 = arith.constant 0 : i32
      %dma_wait3A_221 = tpu.memref_slice %arg9[%run_scoped3A_130, %arg0, %dma_wait3A_219, %dma_wait3A_220] : memref<2x2x10112x64xf32, #tpu.memory_space<hbm>> -> memref<1x1x10112x64xf32, #tpu.memory_space<hbm>>
      %dma_wait3A_222 = tpu.memref_squeeze %dma_wait3A_221 : memref<1x1x10112x64xf32, #tpu.memory_space<hbm>> -> memref<10112x64xf32, #tpu.memory_space<hbm>>
      %dma_wait3A_223 = arith.constant 0 : i32
      %dma_wait3A_224 = tpu.memref_slice %dma_wait3A_222[%add3A_129, %dma_wait3A_223] : memref<10112x64xf32, #tpu.memory_space<hbm>> -> memref<80x64xf32, #tpu.memory_space<hbm>>
      %dma_wait3A_225 = arith.constant 0 : i32
      %dma_wait3A_226 = arith.constant 0 : i32
      %dma_wait3A_227 = tpu.memref_slice %arg9[%run_scoped3A_130, %arg0, %dma_wait3A_225, %dma_wait3A_226] : memref<2x2x10112x64xf32, #tpu.memory_space<hbm>> -> memref<1x1x10112x64xf32, #tpu.memory_space<hbm>>
      %dma_wait3A_228 = tpu.memref_squeeze %dma_wait3A_227 : memref<1x1x10112x64xf32, #tpu.memory_space<hbm>> -> memref<10112x64xf32, #tpu.memory_space<hbm>>
      %dma_wait3A_229 = arith.constant 0 : i32
      %dma_wait3A_230 = tpu.memref_slice %dma_wait3A_228[%add3A_129, %dma_wait3A_229] : memref<10112x64xf32, #tpu.memory_space<hbm>> -> memref<80x64xf32, #tpu.memory_space<hbm>>
      %dma_wait3A_231 = arith.constant 0 : i32
      %dma_wait3A_232 = arith.constant 0 : i32
      %dma_wait3A_233 = tpu.memref_slice %arg19[%dma_wait3A_231, %dma_wait3A_232] : memref<80x64xf32, #tpu.memory_space<vmem>> -> memref<80x64xf32, #tpu.memory_space<vmem>>
      tpu.wait_dma2 semaphore(%run_scoped3A_199 : memref<!tpu.dma_semaphore, #tpu.memory_space<semaphore_mem>>) src(%dma_wait3A_233 : memref<80x64xf32, #tpu.memory_space<vmem>>) dst(%dma_wait3A_230 : memref<80x64xf32, #tpu.memory_space<hbm>>)
      tpu.yield
    }) : () -> ()
    %add3A_131 = arith.constant 80 : i32
    %add3A_132 = arith.addi %add3A_129, %add3A_131 : i32
    "tpu.region"() ({
      %run_scoped3A_199 = tpu.sem_alloc : memref<!tpu.dma_semaphore, #tpu.memory_space<semaphore_mem>>
      %dma_start3A = arith.constant 0 : i32
      %dma_start3A_200 = arith.constant 0 : i32
      %dma_start3A_201 = tpu.memref_slice %arg19[%dma_start3A, %dma_start3A_200] : memref<80x64xf32, #tpu.memory_space<vmem>> -> memref<80x64xf32, #tpu.memory_space<vmem>>
      %dma_start3A_202 = arith.constant 0 : i32
      %dma_start3A_203 = tpu.memref_slice %arg22[%add3A_132, %dma_start3A_202] : memref<10112x64xf32, #tpu.memory_space<vmem_shared>> -> memref<80x64xf32, #tpu.memory_space<vmem_shared>>
      %dma_start3A_204 = arith.constant 0 : i32
      %dma_start3A_205 = arith.constant 0 : i32
      %dma_start3A_206 = tpu.memref_slice %arg19[%dma_start3A_204, %dma_start3A_205] : memref<80x64xf32, #tpu.memory_space<vmem>> -> memref<80x64xf32, #tpu.memory_space<vmem>>
      %dma_start3A_207 = arith.constant 0 : i32
      %dma_start3A_208 = tpu.memref_slice %arg22[%add3A_132, %dma_start3A_207] : memref<10112x64xf32, #tpu.memory_space<vmem_shared>> -> memref<80x64xf32, #tpu.memory_space<vmem_shared>>
      tpu.enqueue_dma source(%dma_start3A_208 : memref<80x64xf32, #tpu.memory_space<vmem_shared>>) target(%dma_start3A_206 : memref<80x64xf32, #tpu.memory_space<vmem>>) target_semaphore(%run_scoped3A_199 : memref<!tpu.dma_semaphore, #tpu.memory_space<semaphore_mem>>)
      %dma_wait3A = arith.constant 0 : i32
      %dma_wait3A_209 = arith.constant 0 : i32
      %dma_wait3A_210 = tpu.memref_slice %arg19[%dma_wait3A, %dma_wait3A_209] : memref<80x64xf32, #tpu.memory_space<vmem>> -> memref<80x64xf32, #tpu.memory_space<vmem>>
      %dma_wait3A_211 = arith.constant 0 : i32
      %dma_wait3A_212 = tpu.memref_slice %arg22[%add3A_132, %dma_wait3A_211] : memref<10112x64xf32, #tpu.memory_space<vmem_shared>> -> memref<80x64xf32, #tpu.memory_space<vmem_shared>>
      %dma_wait3A_213 = arith.constant 0 : i32
      %dma_wait3A_214 = arith.constant 0 : i32
      %dma_wait3A_215 = tpu.memref_slice %arg19[%dma_wait3A_213, %dma_wait3A_214] : memref<80x64xf32, #tpu.memory_space<vmem>> -> memref<80x64xf32, #tpu.memory_space<vmem>>
      %dma_wait3A_216 = arith.constant 0 : i32
      %dma_wait3A_217 = tpu.memref_slice %arg22[%add3A_132, %dma_wait3A_216] : memref<10112x64xf32, #tpu.memory_space<vmem_shared>> -> memref<80x64xf32, #tpu.memory_space<vmem_shared>>
      tpu.wait_dma2 semaphore(%run_scoped3A_199 : memref<!tpu.dma_semaphore, #tpu.memory_space<semaphore_mem>>) src(%dma_wait3A_217 : memref<80x64xf32, #tpu.memory_space<vmem_shared>>) dst(%dma_wait3A_215 : memref<80x64xf32, #tpu.memory_space<vmem>>)
      tpu.yield
    }) : () -> ()
    %run_scoped3A_133 = arith.constant 0 : i32
    "tpu.region"() ({
      %run_scoped3A_199 = tpu.sem_alloc : memref<!tpu.dma_semaphore, #tpu.memory_space<semaphore_mem>>
      %dma_start3A = arith.constant 0 : i32
      %dma_start3A_200 = arith.constant 0 : i32
      %dma_start3A_201 = tpu.memref_slice %arg19[%dma_start3A, %dma_start3A_200] : memref<80x64xf32, #tpu.memory_space<vmem>> -> memref<80x64xf32, #tpu.memory_space<vmem>>
      %dma_start3A_202 = arith.constant 0 : i32
      %dma_start3A_203 = arith.constant 0 : i32
      %dma_start3A_204 = tpu.memref_slice %arg9[%run_scoped3A_133, %arg0, %dma_start3A_202, %dma_start3A_203] : memref<2x2x10112x64xf32, #tpu.memory_space<hbm>> -> memref<1x1x10112x64xf32, #tpu.memory_space<hbm>>
      %dma_start3A_205 = tpu.memref_squeeze %dma_start3A_204 : memref<1x1x10112x64xf32, #tpu.memory_space<hbm>> -> memref<10112x64xf32, #tpu.memory_space<hbm>>
      %dma_start3A_206 = arith.constant 0 : i32
      %dma_start3A_207 = tpu.memref_slice %dma_start3A_205[%add3A_132, %dma_start3A_206] : memref<10112x64xf32, #tpu.memory_space<hbm>> -> memref<80x64xf32, #tpu.memory_space<hbm>>
      %dma_start3A_208 = arith.constant 0 : i32
      %dma_start3A_209 = arith.constant 0 : i32
      %dma_start3A_210 = tpu.memref_slice %arg9[%run_scoped3A_133, %arg0, %dma_start3A_208, %dma_start3A_209] : memref<2x2x10112x64xf32, #tpu.memory_space<hbm>> -> memref<1x1x10112x64xf32, #tpu.memory_space<hbm>>
      %dma_start3A_211 = tpu.memref_squeeze %dma_start3A_210 : memref<1x1x10112x64xf32, #tpu.memory_space<hbm>> -> memref<10112x64xf32, #tpu.memory_space<hbm>>
      %dma_start3A_212 = arith.constant 0 : i32
      %dma_start3A_213 = tpu.memref_slice %dma_start3A_211[%add3A_132, %dma_start3A_212] : memref<10112x64xf32, #tpu.memory_space<hbm>> -> memref<80x64xf32, #tpu.memory_space<hbm>>
      %dma_start3A_214 = arith.constant 0 : i32
      %dma_start3A_215 = arith.constant 0 : i32
      %dma_start3A_216 = tpu.memref_slice %arg19[%dma_start3A_214, %dma_start3A_215] : memref<80x64xf32, #tpu.memory_space<vmem>> -> memref<80x64xf32, #tpu.memory_space<vmem>>
      tpu.enqueue_dma source(%dma_start3A_216 : memref<80x64xf32, #tpu.memory_space<vmem>>) target(%dma_start3A_213 : memref<80x64xf32, #tpu.memory_space<hbm>>) target_semaphore(%run_scoped3A_199 : memref<!tpu.dma_semaphore, #tpu.memory_space<semaphore_mem>>)
      %dma_wait3A = arith.constant 0 : i32
      %dma_wait3A_217 = arith.constant 0 : i32
      %dma_wait3A_218 = tpu.memref_slice %arg19[%dma_wait3A, %dma_wait3A_217] : memref<80x64xf32, #tpu.memory_space<vmem>> -> memref<80x64xf32, #tpu.memory_space<vmem>>
      %dma_wait3A_219 = arith.constant 0 : i32
      %dma_wait3A_220 = arith.constant 0 : i32
      %dma_wait3A_221 = tpu.memref_slice %arg9[%run_scoped3A_133, %arg0, %dma_wait3A_219, %dma_wait3A_220] : memref<2x2x10112x64xf32, #tpu.memory_space<hbm>> -> memref<1x1x10112x64xf32, #tpu.memory_space<hbm>>
      %dma_wait3A_222 = tpu.memref_squeeze %dma_wait3A_221 : memref<1x1x10112x64xf32, #tpu.memory_space<hbm>> -> memref<10112x64xf32, #tpu.memory_space<hbm>>
      %dma_wait3A_223 = arith.constant 0 : i32
      %dma_wait3A_224 = tpu.memref_slice %dma_wait3A_222[%add3A_132, %dma_wait3A_223] : memref<10112x64xf32, #tpu.memory_space<hbm>> -> memref<80x64xf32, #tpu.memory_space<hbm>>
      %dma_wait3A_225 = arith.constant 0 : i32
      %dma_wait3A_226 = arith.constant 0 : i32
      %dma_wait3A_227 = tpu.memref_slice %arg9[%run_scoped3A_133, %arg0, %dma_wait3A_225, %dma_wait3A_226] : memref<2x2x10112x64xf32, #tpu.memory_space<hbm>> -> memref<1x1x10112x64xf32, #tpu.memory_space<hbm>>
      %dma_wait3A_228 = tpu.memref_squeeze %dma_wait3A_227 : memref<1x1x10112x64xf32, #tpu.memory_space<hbm>> -> memref<10112x64xf32, #tpu.memory_space<hbm>>
      %dma_wait3A_229 = arith.constant 0 : i32
      %dma_wait3A_230 = tpu.memref_slice %dma_wait3A_228[%add3A_132, %dma_wait3A_229] : memref<10112x64xf32, #tpu.memory_space<hbm>> -> memref<80x64xf32, #tpu.memory_space<hbm>>
      %dma_wait3A_231 = arith.constant 0 : i32
      %dma_wait3A_232 = arith.constant 0 : i32
      %dma_wait3A_233 = tpu.memref_slice %arg19[%dma_wait3A_231, %dma_wait3A_232] : memref<80x64xf32, #tpu.memory_space<vmem>> -> memref<80x64xf32, #tpu.memory_space<vmem>>
      tpu.wait_dma2 semaphore(%run_scoped3A_199 : memref<!tpu.dma_semaphore, #tpu.memory_space<semaphore_mem>>) src(%dma_wait3A_233 : memref<80x64xf32, #tpu.memory_space<vmem>>) dst(%dma_wait3A_230 : memref<80x64xf32, #tpu.memory_space<hbm>>)
      tpu.yield
    }) : () -> ()
    %add3A_134 = arith.constant 80 : i32
    %add3A_135 = arith.addi %add3A_132, %add3A_134 : i32
    "tpu.region"() ({
      %run_scoped3A_199 = tpu.sem_alloc : memref<!tpu.dma_semaphore, #tpu.memory_space<semaphore_mem>>
      %dma_start3A = arith.constant 0 : i32
      %dma_start3A_200 = arith.constant 0 : i32
      %dma_start3A_201 = tpu.memref_slice %arg19[%dma_start3A, %dma_start3A_200] : memref<80x64xf32, #tpu.memory_space<vmem>> -> memref<72x64xf32, #tpu.memory_space<vmem>>
      %dma_start3A_202 = arith.constant 0 : i32
      %dma_start3A_203 = tpu.memref_slice %arg22[%add3A_135, %dma_start3A_202] : memref<10112x64xf32, #tpu.memory_space<vmem_shared>> -> memref<72x64xf32, #tpu.memory_space<vmem_shared>>
      %dma_start3A_204 = arith.constant 0 : i32
      %dma_start3A_205 = arith.constant 0 : i32
      %dma_start3A_206 = tpu.memref_slice %arg19[%dma_start3A_204, %dma_start3A_205] : memref<80x64xf32, #tpu.memory_space<vmem>> -> memref<72x64xf32, #tpu.memory_space<vmem>>
      %dma_start3A_207 = arith.constant 0 : i32
      %dma_start3A_208 = tpu.memref_slice %arg22[%add3A_135, %dma_start3A_207] : memref<10112x64xf32, #tpu.memory_space<vmem_shared>> -> memref<72x64xf32, #tpu.memory_space<vmem_shared>>
      tpu.enqueue_dma source(%dma_start3A_208 : memref<72x64xf32, #tpu.memory_space<vmem_shared>>) target(%dma_start3A_206 : memref<72x64xf32, #tpu.memory_space<vmem>>) target_semaphore(%run_scoped3A_199 : memref<!tpu.dma_semaphore, #tpu.memory_space<semaphore_mem>>)
      %dma_wait3A = arith.constant 0 : i32
      %dma_wait3A_209 = arith.constant 0 : i32
      %dma_wait3A_210 = tpu.memref_slice %arg19[%dma_wait3A, %dma_wait3A_209] : memref<80x64xf32, #tpu.memory_space<vmem>> -> memref<72x64xf32, #tpu.memory_space<vmem>>
      %dma_wait3A_211 = arith.constant 0 : i32
      %dma_wait3A_212 = tpu.memref_slice %arg22[%add3A_135, %dma_wait3A_211] : memref<10112x64xf32, #tpu.memory_space<vmem_shared>> -> memref<72x64xf32, #tpu.memory_space<vmem_shared>>
      %dma_wait3A_213 = arith.constant 0 : i32
      %dma_wait3A_214 = arith.constant 0 : i32
      %dma_wait3A_215 = tpu.memref_slice %arg19[%dma_wait3A_213, %dma_wait3A_214] : memref<80x64xf32, #tpu.memory_space<vmem>> -> memref<72x64xf32, #tpu.memory_space<vmem>>
      %dma_wait3A_216 = arith.constant 0 : i32
      %dma_wait3A_217 = tpu.memref_slice %arg22[%add3A_135, %dma_wait3A_216] : memref<10112x64xf32, #tpu.memory_space<vmem_shared>> -> memref<72x64xf32, #tpu.memory_space<vmem_shared>>
      tpu.wait_dma2 semaphore(%run_scoped3A_199 : memref<!tpu.dma_semaphore, #tpu.memory_space<semaphore_mem>>) src(%dma_wait3A_217 : memref<72x64xf32, #tpu.memory_space<vmem_shared>>) dst(%dma_wait3A_215 : memref<72x64xf32, #tpu.memory_space<vmem>>)
      tpu.yield
    }) : () -> ()
    %run_scoped3A_136 = arith.constant 0 : i32
    "tpu.region"() ({
      %run_scoped3A_199 = tpu.sem_alloc : memref<!tpu.dma_semaphore, #tpu.memory_space<semaphore_mem>>
      %dma_start3A = arith.constant 0 : i32
      %dma_start3A_200 = arith.constant 0 : i32
      %dma_start3A_201 = tpu.memref_slice %arg19[%dma_start3A, %dma_start3A_200] : memref<80x64xf32, #tpu.memory_space<vmem>> -> memref<72x64xf32, #tpu.memory_space<vmem>>
      %dma_start3A_202 = arith.constant 0 : i32
      %dma_start3A_203 = arith.constant 0 : i32
      %dma_start3A_204 = tpu.memref_slice %arg9[%run_scoped3A_136, %arg0, %dma_start3A_202, %dma_start3A_203] : memref<2x2x10112x64xf32, #tpu.memory_space<hbm>> -> memref<1x1x10112x64xf32, #tpu.memory_space<hbm>>
      %dma_start3A_205 = tpu.memref_squeeze %dma_start3A_204 : memref<1x1x10112x64xf32, #tpu.memory_space<hbm>> -> memref<10112x64xf32, #tpu.memory_space<hbm>>
      %dma_start3A_206 = arith.constant 0 : i32
      %dma_start3A_207 = tpu.memref_slice %dma_start3A_205[%add3A_135, %dma_start3A_206] : memref<10112x64xf32, #tpu.memory_space<hbm>> -> memref<72x64xf32, #tpu.memory_space<hbm>>
      %dma_start3A_208 = arith.constant 0 : i32
      %dma_start3A_209 = arith.constant 0 : i32
      %dma_start3A_210 = tpu.memref_slice %arg9[%run_scoped3A_136, %arg0, %dma_start3A_208, %dma_start3A_209] : memref<2x2x10112x64xf32, #tpu.memory_space<hbm>> -> memref<1x1x10112x64xf32, #tpu.memory_space<hbm>>
      %dma_start3A_211 = tpu.memref_squeeze %dma_start3A_210 : memref<1x1x10112x64xf32, #tpu.memory_space<hbm>> -> memref<10112x64xf32, #tpu.memory_space<hbm>>
      %dma_start3A_212 = arith.constant 0 : i32
      %dma_start3A_213 = tpu.memref_slice %dma_start3A_211[%add3A_135, %dma_start3A_212] : memref<10112x64xf32, #tpu.memory_space<hbm>> -> memref<72x64xf32, #tpu.memory_space<hbm>>
      %dma_start3A_214 = arith.constant 0 : i32
      %dma_start3A_215 = arith.constant 0 : i32
      %dma_start3A_216 = tpu.memref_slice %arg19[%dma_start3A_214, %dma_start3A_215] : memref<80x64xf32, #tpu.memory_space<vmem>> -> memref<72x64xf32, #tpu.memory_space<vmem>>
      tpu.enqueue_dma source(%dma_start3A_216 : memref<72x64xf32, #tpu.memory_space<vmem>>) target(%dma_start3A_213 : memref<72x64xf32, #tpu.memory_space<hbm>>) target_semaphore(%run_scoped3A_199 : memref<!tpu.dma_semaphore, #tpu.memory_space<semaphore_mem>>)
      %dma_wait3A = arith.constant 0 : i32
      %dma_wait3A_217 = arith.constant 0 : i32
      %dma_wait3A_218 = tpu.memref_slice %arg19[%dma_wait3A, %dma_wait3A_217] : memref<80x64xf32, #tpu.memory_space<vmem>> -> memref<72x64xf32, #tpu.memory_space<vmem>>
      %dma_wait3A_219 = arith.constant 0 : i32
      %dma_wait3A_220 = arith.constant 0 : i32
      %dma_wait3A_221 = tpu.memref_slice %arg9[%run_scoped3A_136, %arg0, %dma_wait3A_219, %dma_wait3A_220] : memref<2x2x10112x64xf32, #tpu.memory_space<hbm>> -> memref<1x1x10112x64xf32, #tpu.memory_space<hbm>>
      %dma_wait3A_222 = tpu.memref_squeeze %dma_wait3A_221 : memref<1x1x10112x64xf32, #tpu.memory_space<hbm>> -> memref<10112x64xf32, #tpu.memory_space<hbm>>
      %dma_wait3A_223 = arith.constant 0 : i32
      %dma_wait3A_224 = tpu.memref_slice %dma_wait3A_222[%add3A_135, %dma_wait3A_223] : memref<10112x64xf32, #tpu.memory_space<hbm>> -> memref<72x64xf32, #tpu.memory_space<hbm>>
      %dma_wait3A_225 = arith.constant 0 : i32
      %dma_wait3A_226 = arith.constant 0 : i32
      %dma_wait3A_227 = tpu.memref_slice %arg9[%run_scoped3A_136, %arg0, %dma_wait3A_225, %dma_wait3A_226] : memref<2x2x10112x64xf32, #tpu.memory_space<hbm>> -> memref<1x1x10112x64xf32, #tpu.memory_space<hbm>>
      %dma_wait3A_228 = tpu.memref_squeeze %dma_wait3A_227 : memref<1x1x10112x64xf32, #tpu.memory_space<hbm>> -> memref<10112x64xf32, #tpu.memory_space<hbm>>
      %dma_wait3A_229 = arith.constant 0 : i32
      %dma_wait3A_230 = tpu.memref_slice %dma_wait3A_228[%add3A_135, %dma_wait3A_229] : memref<10112x64xf32, #tpu.memory_space<hbm>> -> memref<72x64xf32, #tpu.memory_space<hbm>>
      %dma_wait3A_231 = arith.constant 0 : i32
      %dma_wait3A_232 = arith.constant 0 : i32
      %dma_wait3A_233 = tpu.memref_slice %arg19[%dma_wait3A_231, %dma_wait3A_232] : memref<80x64xf32, #tpu.memory_space<vmem>> -> memref<72x64xf32, #tpu.memory_space<vmem>>
      tpu.wait_dma2 semaphore(%run_scoped3A_199 : memref<!tpu.dma_semaphore, #tpu.memory_space<semaphore_mem>>) src(%dma_wait3A_233 : memref<72x64xf32, #tpu.memory_space<vmem>>) dst(%dma_wait3A_230 : memref<72x64xf32, #tpu.memory_space<hbm>>)
      tpu.yield
    }) : () -> ()
    %add3A_137 = arith.constant 72 : i32
    %add3A_138 = arith.addi %add3A_135, %add3A_137 : i32
    %barrier3A_139 = arith.constant 0 : index
    tpu.barrier barrier_id(%barrier3A_139)
    %broadcast_in_dim3A_140 = arith.constant 0.000000e+00 : f32
    %broadcast_in_dim3A_141 = vector.broadcast %broadcast_in_dim3A_140 : f32 to vector<16xf32>
    %scan3A_142 = arith.constant 0 : i32
    %scan3A_143 = arith.constant 0 : i32
    %scan3A_144 = arith.constant 320 : i32
    %scan3A_145 = arith.addi %scan3A_143, %scan3A_144 : i32
    %scan3A_146 = arith.constant 1 : i32
    %scan3A_147 = scf.for %scan3A_199 = %scan3A_143 to %scan3A_145 step %scan3A_146 iter_args(%scan3A_200 = %scan3A_142) -> (i32)  : i32 {
      %jit3A = arith.constant 4 : i32
      %div3A = arith.divsi %scan3A_199, %jit3A : i32
      %sign3A = arith.constant 0 : i32
      %sign3A_201 = arith.cmpi sgt, %scan3A_199, %sign3A : i32
      %sign3A_202 = arith.extui %sign3A_201 : i1 to i32
      %sign3A_203 = arith.constant 0 : i32
      %sign3A_204 = arith.cmpi slt, %scan3A_199, %sign3A_203 : i32
      %sign3A_205 = arith.extui %sign3A_204 : i1 to i32
      %sign3A_206 = arith.subi %sign3A_202, %sign3A_205 : i32
      %sign3A_207 = arith.constant 0 : i32
      %sign3A_208 = arith.cmpi sgt, %jit3A, %sign3A_207 : i32
      %sign3A_209 = arith.extui %sign3A_208 : i1 to i32
      %sign3A_210 = arith.constant 0 : i32
      %sign3A_211 = arith.cmpi slt, %jit3A, %sign3A_210 : i32
      %sign3A_212 = arith.extui %sign3A_211 : i1 to i32
      %sign3A_213 = arith.subi %sign3A_209, %sign3A_212 : i32
      %ne3A = arith.cmpi ne, %sign3A_206, %sign3A_213 : i32
      %rem3A = arith.remsi %scan3A_199, %jit3A : i32
      %ne3A_214 = arith.constant 0 : i32
      %ne3A_215 = arith.cmpi ne, %rem3A, %ne3A_214 : i32
      %and3A = arith.andi %ne3A, %ne3A_215 : i1
      %sub3A = arith.constant 1 : i32
      %sub3A_216 = arith.subi %div3A, %sub3A : i32
      %select_n3A = arith.select %and3A, %sub3A_216, %div3A : i32
      %jit3A_217 = arith.constant 4 : i32
      %eq3A = arith.constant 0 : i32
      %eq3A_218 = arith.cmpi eq, %jit3A_217, %eq3A : i32
      %jit3A_219 = arith.constant 1 : i32
      %select_n3A_220 = arith.select %eq3A_218, %jit3A_219, %jit3A_217 : i32
      %rem3A_221 = arith.remsi %scan3A_199, %select_n3A_220 : i32
      %ne3A_222 = arith.constant 0 : i32
      %ne3A_223 = arith.cmpi ne, %rem3A_221, %ne3A_222 : i32
      %lt3A = arith.constant 0 : i32
      %lt3A_224 = arith.cmpi slt, %rem3A_221, %lt3A : i32
      %lt3A_225 = arith.constant 0 : i32
      %lt3A_226 = arith.cmpi slt, %select_n3A_220, %lt3A_225 : i32
      %ne3A_227 = arith.xori %lt3A_224, %lt3A_226 : i1
      %and3A_228 = arith.andi %ne3A_227, %ne3A_223 : i1
      %add3A_229 = arith.addi %rem3A_221, %select_n3A_220 : i32
      %select_n3A_230 = arith.select %and3A_228, %add3A_229, %rem3A_221 : i32
      %mul3A_231 = arith.constant 16 : i32
      %mul3A_232 = arith.muli %select_n3A_230, %mul3A_231 : i32
      %swap3A = arith.index_cast %select_n3A : i32 to index
      %swap3A_233 = arith.index_cast %mul3A_232 : i32 to index
      %swap3A_234 = tpu.vector_load %arg19[%swap3A, %swap3A_233] {strides = array<i32>} : memref<80x64xf32, #tpu.memory_space<vmem>>, vector<16xf32>,
      tpu.vector_store %arg19[%swap3A, %swap3A_233], %broadcast_in_dim3A_141 {strides = array<i32>} : memref<80x64xf32, #tpu.memory_space<vmem>>, vector<16xf32>,
      %scan3A_235 = arith.constant 0 : i32
      scf.yield %scan3A_235 : i32
    }
    %scan3A_148 = arith.constant 320 : i32
    "tpu.region"() ({
      %run_scoped3A_199 = tpu.sem_alloc : memref<!tpu.dma_semaphore, #tpu.memory_space<semaphore_mem>>
      %dma_start3A = arith.constant 0 : i32
      %dma_start3A_200 = arith.constant 0 : i32
      %dma_start3A_201 = tpu.memref_slice %arg19[%dma_start3A, %dma_start3A_200] : memref<80x64xf32, #tpu.memory_space<vmem>> -> memref<80x64xf32, #tpu.memory_space<vmem>>
      %dma_start3A_202 = arith.constant 0 : i32
      %dma_start3A_203 = tpu.memref_slice %arg22[%mul3A_2, %dma_start3A_202] : memref<10112x64xf32, #tpu.memory_space<vmem_shared>> -> memref<80x64xf32, #tpu.memory_space<vmem_shared>>
      %dma_start3A_204 = arith.constant 0 : i32
      %dma_start3A_205 = tpu.memref_slice %arg22[%mul3A_2, %dma_start3A_204] : memref<10112x64xf32, #tpu.memory_space<vmem_shared>> -> memref<80x64xf32, #tpu.memory_space<vmem_shared>>
      %dma_start3A_206 = arith.constant 0 : i32
      %dma_start3A_207 = arith.constant 0 : i32
      %dma_start3A_208 = tpu.memref_slice %arg19[%dma_start3A_206, %dma_start3A_207] : memref<80x64xf32, #tpu.memory_space<vmem>> -> memref<80x64xf32, #tpu.memory_space<vmem>>
      tpu.enqueue_dma source(%dma_start3A_208 : memref<80x64xf32, #tpu.memory_space<vmem>>) target(%dma_start3A_205 : memref<80x64xf32, #tpu.memory_space<vmem_shared>>) target_semaphore(%run_scoped3A_199 : memref<!tpu.dma_semaphore, #tpu.memory_space<semaphore_mem>>)
      %dma_wait3A = arith.constant 0 : i32
      %dma_wait3A_209 = arith.constant 0 : i32
      %dma_wait3A_210 = tpu.memref_slice %arg19[%dma_wait3A, %dma_wait3A_209] : memref<80x64xf32, #tpu.memory_space<vmem>> -> memref<80x64xf32, #tpu.memory_space<vmem>>
      %dma_wait3A_211 = arith.constant 0 : i32
      %dma_wait3A_212 = tpu.memref_slice %arg22[%mul3A_2, %dma_wait3A_211] : memref<10112x64xf32, #tpu.memory_space<vmem_shared>> -> memref<80x64xf32, #tpu.memory_space<vmem_shared>>
      %dma_wait3A_213 = arith.constant 0 : i32
      %dma_wait3A_214 = tpu.memref_slice %arg22[%mul3A_2, %dma_wait3A_213] : memref<10112x64xf32, #tpu.memory_space<vmem_shared>> -> memref<80x64xf32, #tpu.memory_space<vmem_shared>>
      %dma_wait3A_215 = arith.constant 0 : i32
      %dma_wait3A_216 = arith.constant 0 : i32
      %dma_wait3A_217 = tpu.memref_slice %arg19[%dma_wait3A_215, %dma_wait3A_216] : memref<80x64xf32, #tpu.memory_space<vmem>> -> memref<80x64xf32, #tpu.memory_space<vmem>>
      tpu.wait_dma2 semaphore(%run_scoped3A_199 : memref<!tpu.dma_semaphore, #tpu.memory_space<semaphore_mem>>) src(%dma_wait3A_217 : memref<80x64xf32, #tpu.memory_space<vmem>>) dst(%dma_wait3A_214 : memref<80x64xf32, #tpu.memory_space<vmem_shared>>)
      tpu.yield
    }) : () -> ()
    %add3A_149 = arith.constant 80 : i32
    %add3A_150 = arith.addi %mul3A_2, %add3A_149 : i32
    "tpu.region"() ({
      %run_scoped3A_199 = tpu.sem_alloc : memref<!tpu.dma_semaphore, #tpu.memory_space<semaphore_mem>>
      %dma_start3A = arith.constant 0 : i32
      %dma_start3A_200 = arith.constant 0 : i32
      %dma_start3A_201 = tpu.memref_slice %arg19[%dma_start3A, %dma_start3A_200] : memref<80x64xf32, #tpu.memory_space<vmem>> -> memref<80x64xf32, #tpu.memory_space<vmem>>
      %dma_start3A_202 = arith.constant 0 : i32
      %dma_start3A_203 = tpu.memref_slice %arg22[%add3A_150, %dma_start3A_202] : memref<10112x64xf32, #tpu.memory_space<vmem_shared>> -> memref<80x64xf32, #tpu.memory_space<vmem_shared>>
      %dma_start3A_204 = arith.constant 0 : i32
      %dma_start3A_205 = tpu.memref_slice %arg22[%add3A_150, %dma_start3A_204] : memref<10112x64xf32, #tpu.memory_space<vmem_shared>> -> memref<80x64xf32, #tpu.memory_space<vmem_shared>>
      %dma_start3A_206 = arith.constant 0 : i32
      %dma_start3A_207 = arith.constant 0 : i32
      %dma_start3A_208 = tpu.memref_slice %arg19[%dma_start3A_206, %dma_start3A_207] : memref<80x64xf32, #tpu.memory_space<vmem>> -> memref<80x64xf32, #tpu.memory_space<vmem>>
      tpu.enqueue_dma source(%dma_start3A_208 : memref<80x64xf32, #tpu.memory_space<vmem>>) target(%dma_start3A_205 : memref<80x64xf32, #tpu.memory_space<vmem_shared>>) target_semaphore(%run_scoped3A_199 : memref<!tpu.dma_semaphore, #tpu.memory_space<semaphore_mem>>)
      %dma_wait3A = arith.constant 0 : i32
      %dma_wait3A_209 = arith.constant 0 : i32
      %dma_wait3A_210 = tpu.memref_slice %arg19[%dma_wait3A, %dma_wait3A_209] : memref<80x64xf32, #tpu.memory_space<vmem>> -> memref<80x64xf32, #tpu.memory_space<vmem>>
      %dma_wait3A_211 = arith.constant 0 : i32
      %dma_wait3A_212 = tpu.memref_slice %arg22[%add3A_150, %dma_wait3A_211] : memref<10112x64xf32, #tpu.memory_space<vmem_shared>> -> memref<80x64xf32, #tpu.memory_space<vmem_shared>>
      %dma_wait3A_213 = arith.constant 0 : i32
      %dma_wait3A_214 = tpu.memref_slice %arg22[%add3A_150, %dma_wait3A_213] : memref<10112x64xf32, #tpu.memory_space<vmem_shared>> -> memref<80x64xf32, #tpu.memory_space<vmem_shared>>
      %dma_wait3A_215 = arith.constant 0 : i32
      %dma_wait3A_216 = arith.constant 0 : i32
      %dma_wait3A_217 = tpu.memref_slice %arg19[%dma_wait3A_215, %dma_wait3A_216] : memref<80x64xf32, #tpu.memory_space<vmem>> -> memref<80x64xf32, #tpu.memory_space<vmem>>
      tpu.wait_dma2 semaphore(%run_scoped3A_199 : memref<!tpu.dma_semaphore, #tpu.memory_space<semaphore_mem>>) src(%dma_wait3A_217 : memref<80x64xf32, #tpu.memory_space<vmem>>) dst(%dma_wait3A_214 : memref<80x64xf32, #tpu.memory_space<vmem_shared>>)
      tpu.yield
    }) : () -> ()
    %add3A_151 = arith.constant 80 : i32
    %add3A_152 = arith.addi %add3A_150, %add3A_151 : i32
    "tpu.region"() ({
      %run_scoped3A_199 = tpu.sem_alloc : memref<!tpu.dma_semaphore, #tpu.memory_space<semaphore_mem>>
      %dma_start3A = arith.constant 0 : i32
      %dma_start3A_200 = arith.constant 0 : i32
      %dma_start3A_201 = tpu.memref_slice %arg19[%dma_start3A, %dma_start3A_200] : memref<80x64xf32, #tpu.memory_space<vmem>> -> memref<80x64xf32, #tpu.memory_space<vmem>>
      %dma_start3A_202 = arith.constant 0 : i32
      %dma_start3A_203 = tpu.memref_slice %arg22[%add3A_152, %dma_start3A_202] : memref<10112x64xf32, #tpu.memory_space<vmem_shared>> -> memref<80x64xf32, #tpu.memory_space<vmem_shared>>
      %dma_start3A_204 = arith.constant 0 : i32
      %dma_start3A_205 = tpu.memref_slice %arg22[%add3A_152, %dma_start3A_204] : memref<10112x64xf32, #tpu.memory_space<vmem_shared>> -> memref<80x64xf32, #tpu.memory_space<vmem_shared>>
      %dma_start3A_206 = arith.constant 0 : i32
      %dma_start3A_207 = arith.constant 0 : i32
      %dma_start3A_208 = tpu.memref_slice %arg19[%dma_start3A_206, %dma_start3A_207] : memref<80x64xf32, #tpu.memory_space<vmem>> -> memref<80x64xf32, #tpu.memory_space<vmem>>
      tpu.enqueue_dma source(%dma_start3A_208 : memref<80x64xf32, #tpu.memory_space<vmem>>) target(%dma_start3A_205 : memref<80x64xf32, #tpu.memory_space<vmem_shared>>) target_semaphore(%run_scoped3A_199 : memref<!tpu.dma_semaphore, #tpu.memory_space<semaphore_mem>>)
      %dma_wait3A = arith.constant 0 : i32
      %dma_wait3A_209 = arith.constant 0 : i32
      %dma_wait3A_210 = tpu.memref_slice %arg19[%dma_wait3A, %dma_wait3A_209] : memref<80x64xf32, #tpu.memory_space<vmem>> -> memref<80x64xf32, #tpu.memory_space<vmem>>
      %dma_wait3A_211 = arith.constant 0 : i32
      %dma_wait3A_212 = tpu.memref_slice %arg22[%add3A_152, %dma_wait3A_211] : memref<10112x64xf32, #tpu.memory_space<vmem_shared>> -> memref<80x64xf32, #tpu.memory_space<vmem_shared>>
      %dma_wait3A_213 = arith.constant 0 : i32
      %dma_wait3A_214 = tpu.memref_slice %arg22[%add3A_152, %dma_wait3A_213] : memref<10112x64xf32, #tpu.memory_space<vmem_shared>> -> memref<80x64xf32, #tpu.memory_space<vmem_shared>>
      %dma_wait3A_215 = arith.constant 0 : i32
      %dma_wait3A_216 = arith.constant 0 : i32
      %dma_wait3A_217 = tpu.memref_slice %arg19[%dma_wait3A_215, %dma_wait3A_216] : memref<80x64xf32, #tpu.memory_space<vmem>> -> memref<80x64xf32, #tpu.memory_space<vmem>>
      tpu.wait_dma2 semaphore(%run_scoped3A_199 : memref<!tpu.dma_semaphore, #tpu.memory_space<semaphore_mem>>) src(%dma_wait3A_217 : memref<80x64xf32, #tpu.memory_space<vmem>>) dst(%dma_wait3A_214 : memref<80x64xf32, #tpu.memory_space<vmem_shared>>)
      tpu.yield
    }) : () -> ()
    %add3A_153 = arith.constant 80 : i32
    %add3A_154 = arith.addi %add3A_152, %add3A_153 : i32
    "tpu.region"() ({
      %run_scoped3A_199 = tpu.sem_alloc : memref<!tpu.dma_semaphore, #tpu.memory_space<semaphore_mem>>
      %dma_start3A = arith.constant 0 : i32
      %dma_start3A_200 = arith.constant 0 : i32
      %dma_start3A_201 = tpu.memref_slice %arg19[%dma_start3A, %dma_start3A_200] : memref<80x64xf32, #tpu.memory_space<vmem>> -> memref<80x64xf32, #tpu.memory_space<vmem>>
      %dma_start3A_202 = arith.constant 0 : i32
      %dma_start3A_203 = tpu.memref_slice %arg22[%add3A_154, %dma_start3A_202] : memref<10112x64xf32, #tpu.memory_space<vmem_shared>> -> memref<80x64xf32, #tpu.memory_space<vmem_shared>>
      %dma_start3A_204 = arith.constant 0 : i32
      %dma_start3A_205 = tpu.memref_slice %arg22[%add3A_154, %dma_start3A_204] : memref<10112x64xf32, #tpu.memory_space<vmem_shared>> -> memref<80x64xf32, #tpu.memory_space<vmem_shared>>
      %dma_start3A_206 = arith.constant 0 : i32
      %dma_start3A_207 = arith.constant 0 : i32
      %dma_start3A_208 = tpu.memref_slice %arg19[%dma_start3A_206, %dma_start3A_207] : memref<80x64xf32, #tpu.memory_space<vmem>> -> memref<80x64xf32, #tpu.memory_space<vmem>>
      tpu.enqueue_dma source(%dma_start3A_208 : memref<80x64xf32, #tpu.memory_space<vmem>>) target(%dma_start3A_205 : memref<80x64xf32, #tpu.memory_space<vmem_shared>>) target_semaphore(%run_scoped3A_199 : memref<!tpu.dma_semaphore, #tpu.memory_space<semaphore_mem>>)
      %dma_wait3A = arith.constant 0 : i32
      %dma_wait3A_209 = arith.constant 0 : i32
      %dma_wait3A_210 = tpu.memref_slice %arg19[%dma_wait3A, %dma_wait3A_209] : memref<80x64xf32, #tpu.memory_space<vmem>> -> memref<80x64xf32, #tpu.memory_space<vmem>>
      %dma_wait3A_211 = arith.constant 0 : i32
      %dma_wait3A_212 = tpu.memref_slice %arg22[%add3A_154, %dma_wait3A_211] : memref<10112x64xf32, #tpu.memory_space<vmem_shared>> -> memref<80x64xf32, #tpu.memory_space<vmem_shared>>
      %dma_wait3A_213 = arith.constant 0 : i32
      %dma_wait3A_214 = tpu.memref_slice %arg22[%add3A_154, %dma_wait3A_213] : memref<10112x64xf32, #tpu.memory_space<vmem_shared>> -> memref<80x64xf32, #tpu.memory_space<vmem_shared>>
      %dma_wait3A_215 = arith.constant 0 : i32
      %dma_wait3A_216 = arith.constant 0 : i32
      %dma_wait3A_217 = tpu.memref_slice %arg19[%dma_wait3A_215, %dma_wait3A_216] : memref<80x64xf32, #tpu.memory_space<vmem>> -> memref<80x64xf32, #tpu.memory_space<vmem>>
      tpu.wait_dma2 semaphore(%run_scoped3A_199 : memref<!tpu.dma_semaphore, #tpu.memory_space<semaphore_mem>>) src(%dma_wait3A_217 : memref<80x64xf32, #tpu.memory_space<vmem>>) dst(%dma_wait3A_214 : memref<80x64xf32, #tpu.memory_space<vmem_shared>>)
      tpu.yield
    }) : () -> ()
    %add3A_155 = arith.constant 80 : i32
    %add3A_156 = arith.addi %add3A_154, %add3A_155 : i32
    "tpu.region"() ({
      %run_scoped3A_199 = tpu.sem_alloc : memref<!tpu.dma_semaphore, #tpu.memory_space<semaphore_mem>>
      %dma_start3A = arith.constant 0 : i32
      %dma_start3A_200 = arith.constant 0 : i32
      %dma_start3A_201 = tpu.memref_slice %arg19[%dma_start3A, %dma_start3A_200] : memref<80x64xf32, #tpu.memory_space<vmem>> -> memref<80x64xf32, #tpu.memory_space<vmem>>
      %dma_start3A_202 = arith.constant 0 : i32
      %dma_start3A_203 = tpu.memref_slice %arg22[%add3A_156, %dma_start3A_202] : memref<10112x64xf32, #tpu.memory_space<vmem_shared>> -> memref<80x64xf32, #tpu.memory_space<vmem_shared>>
      %dma_start3A_204 = arith.constant 0 : i32
      %dma_start3A_205 = tpu.memref_slice %arg22[%add3A_156, %dma_start3A_204] : memref<10112x64xf32, #tpu.memory_space<vmem_shared>> -> memref<80x64xf32, #tpu.memory_space<vmem_shared>>
      %dma_start3A_206 = arith.constant 0 : i32
      %dma_start3A_207 = arith.constant 0 : i32
      %dma_start3A_208 = tpu.memref_slice %arg19[%dma_start3A_206, %dma_start3A_207] : memref<80x64xf32, #tpu.memory_space<vmem>> -> memref<80x64xf32, #tpu.memory_space<vmem>>
      tpu.enqueue_dma source(%dma_start3A_208 : memref<80x64xf32, #tpu.memory_space<vmem>>) target(%dma_start3A_205 : memref<80x64xf32, #tpu.memory_space<vmem_shared>>) target_semaphore(%run_scoped3A_199 : memref<!tpu.dma_semaphore, #tpu.memory_space<semaphore_mem>>)
      %dma_wait3A = arith.constant 0 : i32
      %dma_wait3A_209 = arith.constant 0 : i32
      %dma_wait3A_210 = tpu.memref_slice %arg19[%dma_wait3A, %dma_wait3A_209] : memref<80x64xf32, #tpu.memory_space<vmem>> -> memref<80x64xf32, #tpu.memory_space<vmem>>
      %dma_wait3A_211 = arith.constant 0 : i32
      %dma_wait3A_212 = tpu.memref_slice %arg22[%add3A_156, %dma_wait3A_211] : memref<10112x64xf32, #tpu.memory_space<vmem_shared>> -> memref<80x64xf32, #tpu.memory_space<vmem_shared>>
      %dma_wait3A_213 = arith.constant 0 : i32
      %dma_wait3A_214 = tpu.memref_slice %arg22[%add3A_156, %dma_wait3A_213] : memref<10112x64xf32, #tpu.memory_space<vmem_shared>> -> memref<80x64xf32, #tpu.memory_space<vmem_shared>>
      %dma_wait3A_215 = arith.constant 0 : i32
      %dma_wait3A_216 = arith.constant 0 : i32
      %dma_wait3A_217 = tpu.memref_slice %arg19[%dma_wait3A_215, %dma_wait3A_216] : memref<80x64xf32, #tpu.memory_space<vmem>> -> memref<80x64xf32, #tpu.memory_space<vmem>>
      tpu.wait_dma2 semaphore(%run_scoped3A_199 : memref<!tpu.dma_semaphore, #tpu.memory_space<semaphore_mem>>) src(%dma_wait3A_217 : memref<80x64xf32, #tpu.memory_space<vmem>>) dst(%dma_wait3A_214 : memref<80x64xf32, #tpu.memory_space<vmem_shared>>)
      tpu.yield
    }) : () -> ()
    %add3A_157 = arith.constant 80 : i32
    %add3A_158 = arith.addi %add3A_156, %add3A_157 : i32
    "tpu.region"() ({
      %run_scoped3A_199 = tpu.sem_alloc : memref<!tpu.dma_semaphore, #tpu.memory_space<semaphore_mem>>
      %dma_start3A = arith.constant 0 : i32
      %dma_start3A_200 = arith.constant 0 : i32
      %dma_start3A_201 = tpu.memref_slice %arg19[%dma_start3A, %dma_start3A_200] : memref<80x64xf32, #tpu.memory_space<vmem>> -> memref<80x64xf32, #tpu.memory_space<vmem>>
      %dma_start3A_202 = arith.constant 0 : i32
      %dma_start3A_203 = tpu.memref_slice %arg22[%add3A_158, %dma_start3A_202] : memref<10112x64xf32, #tpu.memory_space<vmem_shared>> -> memref<80x64xf32, #tpu.memory_space<vmem_shared>>
      %dma_start3A_204 = arith.constant 0 : i32
      %dma_start3A_205 = tpu.memref_slice %arg22[%add3A_158, %dma_start3A_204] : memref<10112x64xf32, #tpu.memory_space<vmem_shared>> -> memref<80x64xf32, #tpu.memory_space<vmem_shared>>
      %dma_start3A_206 = arith.constant 0 : i32
      %dma_start3A_207 = arith.constant 0 : i32
      %dma_start3A_208 = tpu.memref_slice %arg19[%dma_start3A_206, %dma_start3A_207] : memref<80x64xf32, #tpu.memory_space<vmem>> -> memref<80x64xf32, #tpu.memory_space<vmem>>
      tpu.enqueue_dma source(%dma_start3A_208 : memref<80x64xf32, #tpu.memory_space<vmem>>) target(%dma_start3A_205 : memref<80x64xf32, #tpu.memory_space<vmem_shared>>) target_semaphore(%run_scoped3A_199 : memref<!tpu.dma_semaphore, #tpu.memory_space<semaphore_mem>>)
      %dma_wait3A = arith.constant 0 : i32
      %dma_wait3A_209 = arith.constant 0 : i32
      %dma_wait3A_210 = tpu.memref_slice %arg19[%dma_wait3A, %dma_wait3A_209] : memref<80x64xf32, #tpu.memory_space<vmem>> -> memref<80x64xf32, #tpu.memory_space<vmem>>
      %dma_wait3A_211 = arith.constant 0 : i32
      %dma_wait3A_212 = tpu.memref_slice %arg22[%add3A_158, %dma_wait3A_211] : memref<10112x64xf32, #tpu.memory_space<vmem_shared>> -> memref<80x64xf32, #tpu.memory_space<vmem_shared>>
      %dma_wait3A_213 = arith.constant 0 : i32
      %dma_wait3A_214 = tpu.memref_slice %arg22[%add3A_158, %dma_wait3A_213] : memref<10112x64xf32, #tpu.memory_space<vmem_shared>> -> memref<80x64xf32, #tpu.memory_space<vmem_shared>>
      %dma_wait3A_215 = arith.constant 0 : i32
      %dma_wait3A_216 = arith.constant 0 : i32
      %dma_wait3A_217 = tpu.memref_slice %arg19[%dma_wait3A_215, %dma_wait3A_216] : memref<80x64xf32, #tpu.memory_space<vmem>> -> memref<80x64xf32, #tpu.memory_space<vmem>>
      tpu.wait_dma2 semaphore(%run_scoped3A_199 : memref<!tpu.dma_semaphore, #tpu.memory_space<semaphore_mem>>) src(%dma_wait3A_217 : memref<80x64xf32, #tpu.memory_space<vmem>>) dst(%dma_wait3A_214 : memref<80x64xf32, #tpu.memory_space<vmem_shared>>)
      tpu.yield
    }) : () -> ()
    %add3A_159 = arith.constant 80 : i32
    %add3A_160 = arith.addi %add3A_158, %add3A_159 : i32
    "tpu.region"() ({
      %run_scoped3A_199 = tpu.sem_alloc : memref<!tpu.dma_semaphore, #tpu.memory_space<semaphore_mem>>
      %dma_start3A = arith.constant 0 : i32
      %dma_start3A_200 = arith.constant 0 : i32
      %dma_start3A_201 = tpu.memref_slice %arg19[%dma_start3A, %dma_start3A_200] : memref<80x64xf32, #tpu.memory_space<vmem>> -> memref<80x64xf32, #tpu.memory_space<vmem>>
      %dma_start3A_202 = arith.constant 0 : i32
      %dma_start3A_203 = tpu.memref_slice %arg22[%add3A_160, %dma_start3A_202] : memref<10112x64xf32, #tpu.memory_space<vmem_shared>> -> memref<80x64xf32, #tpu.memory_space<vmem_shared>>
      %dma_start3A_204 = arith.constant 0 : i32
      %dma_start3A_205 = tpu.memref_slice %arg22[%add3A_160, %dma_start3A_204] : memref<10112x64xf32, #tpu.memory_space<vmem_shared>> -> memref<80x64xf32, #tpu.memory_space<vmem_shared>>
      %dma_start3A_206 = arith.constant 0 : i32
      %dma_start3A_207 = arith.constant 0 : i32
      %dma_start3A_208 = tpu.memref_slice %arg19[%dma_start3A_206, %dma_start3A_207] : memref<80x64xf32, #tpu.memory_space<vmem>> -> memref<80x64xf32, #tpu.memory_space<vmem>>
      tpu.enqueue_dma source(%dma_start3A_208 : memref<80x64xf32, #tpu.memory_space<vmem>>) target(%dma_start3A_205 : memref<80x64xf32, #tpu.memory_space<vmem_shared>>) target_semaphore(%run_scoped3A_199 : memref<!tpu.dma_semaphore, #tpu.memory_space<semaphore_mem>>)
      %dma_wait3A = arith.constant 0 : i32
      %dma_wait3A_209 = arith.constant 0 : i32
      %dma_wait3A_210 = tpu.memref_slice %arg19[%dma_wait3A, %dma_wait3A_209] : memref<80x64xf32, #tpu.memory_space<vmem>> -> memref<80x64xf32, #tpu.memory_space<vmem>>
      %dma_wait3A_211 = arith.constant 0 : i32
      %dma_wait3A_212 = tpu.memref_slice %arg22[%add3A_160, %dma_wait3A_211] : memref<10112x64xf32, #tpu.memory_space<vmem_shared>> -> memref<80x64xf32, #tpu.memory_space<vmem_shared>>
      %dma_wait3A_213 = arith.constant 0 : i32
      %dma_wait3A_214 = tpu.memref_slice %arg22[%add3A_160, %dma_wait3A_213] : memref<10112x64xf32, #tpu.memory_space<vmem_shared>> -> memref<80x64xf32, #tpu.memory_space<vmem_shared>>
      %dma_wait3A_215 = arith.constant 0 : i32
      %dma_wait3A_216 = arith.constant 0 : i32
      %dma_wait3A_217 = tpu.memref_slice %arg19[%dma_wait3A_215, %dma_wait3A_216] : memref<80x64xf32, #tpu.memory_space<vmem>> -> memref<80x64xf32, #tpu.memory_space<vmem>>
      tpu.wait_dma2 semaphore(%run_scoped3A_199 : memref<!tpu.dma_semaphore, #tpu.memory_space<semaphore_mem>>) src(%dma_wait3A_217 : memref<80x64xf32, #tpu.memory_space<vmem>>) dst(%dma_wait3A_214 : memref<80x64xf32, #tpu.memory_space<vmem_shared>>)
      tpu.yield
    }) : () -> ()
    %add3A_161 = arith.constant 80 : i32
    %add3A_162 = arith.addi %add3A_160, %add3A_161 : i32
    "tpu.region"() ({
      %run_scoped3A_199 = tpu.sem_alloc : memref<!tpu.dma_semaphore, #tpu.memory_space<semaphore_mem>>
      %dma_start3A = arith.constant 0 : i32
      %dma_start3A_200 = arith.constant 0 : i32
      %dma_start3A_201 = tpu.memref_slice %arg19[%dma_start3A, %dma_start3A_200] : memref<80x64xf32, #tpu.memory_space<vmem>> -> memref<72x64xf32, #tpu.memory_space<vmem>>
      %dma_start3A_202 = arith.constant 0 : i32
      %dma_start3A_203 = tpu.memref_slice %arg22[%add3A_162, %dma_start3A_202] : memref<10112x64xf32, #tpu.memory_space<vmem_shared>> -> memref<72x64xf32, #tpu.memory_space<vmem_shared>>
      %dma_start3A_204 = arith.constant 0 : i32
      %dma_start3A_205 = tpu.memref_slice %arg22[%add3A_162, %dma_start3A_204] : memref<10112x64xf32, #tpu.memory_space<vmem_shared>> -> memref<72x64xf32, #tpu.memory_space<vmem_shared>>
      %dma_start3A_206 = arith.constant 0 : i32
      %dma_start3A_207 = arith.constant 0 : i32
      %dma_start3A_208 = tpu.memref_slice %arg19[%dma_start3A_206, %dma_start3A_207] : memref<80x64xf32, #tpu.memory_space<vmem>> -> memref<72x64xf32, #tpu.memory_space<vmem>>
      tpu.enqueue_dma source(%dma_start3A_208 : memref<72x64xf32, #tpu.memory_space<vmem>>) target(%dma_start3A_205 : memref<72x64xf32, #tpu.memory_space<vmem_shared>>) target_semaphore(%run_scoped3A_199 : memref<!tpu.dma_semaphore, #tpu.memory_space<semaphore_mem>>)
      %dma_wait3A = arith.constant 0 : i32
      %dma_wait3A_209 = arith.constant 0 : i32
      %dma_wait3A_210 = tpu.memref_slice %arg19[%dma_wait3A, %dma_wait3A_209] : memref<80x64xf32, #tpu.memory_space<vmem>> -> memref<72x64xf32, #tpu.memory_space<vmem>>
      %dma_wait3A_211 = arith.constant 0 : i32
      %dma_wait3A_212 = tpu.memref_slice %arg22[%add3A_162, %dma_wait3A_211] : memref<10112x64xf32, #tpu.memory_space<vmem_shared>> -> memref<72x64xf32, #tpu.memory_space<vmem_shared>>
      %dma_wait3A_213 = arith.constant 0 : i32
      %dma_wait3A_214 = tpu.memref_slice %arg22[%add3A_162, %dma_wait3A_213] : memref<10112x64xf32, #tpu.memory_space<vmem_shared>> -> memref<72x64xf32, #tpu.memory_space<vmem_shared>>
      %dma_wait3A_215 = arith.constant 0 : i32
      %dma_wait3A_216 = arith.constant 0 : i32
      %dma_wait3A_217 = tpu.memref_slice %arg19[%dma_wait3A_215, %dma_wait3A_216] : memref<80x64xf32, #tpu.memory_space<vmem>> -> memref<72x64xf32, #tpu.memory_space<vmem>>
      tpu.wait_dma2 semaphore(%run_scoped3A_199 : memref<!tpu.dma_semaphore, #tpu.memory_space<semaphore_mem>>) src(%dma_wait3A_217 : memref<72x64xf32, #tpu.memory_space<vmem>>) dst(%dma_wait3A_214 : memref<72x64xf32, #tpu.memory_space<vmem_shared>>)
      tpu.yield
    }) : () -> ()
    %add3A_163 = arith.constant 72 : i32
    %add3A_164 = arith.addi %add3A_162, %add3A_163 : i32
    %barrier3A_165 = arith.constant 0 : index
    tpu.barrier barrier_id(%barrier3A_165)
    %scan3A_166 = arith.constant 0 : i32
    %scan3A_167 = arith.constant 0 : i32
    %scan3A_168 = arith.constant 81 : i32
    %scan3A_169 = arith.addi %scan3A_167, %scan3A_168 : i32
    %scan3A_170 = arith.constant 1 : i32
    %scan3A_171 = scf.for %scan3A_199 = %scan3A_167 to %scan3A_169 step %scan3A_170 iter_args(%scan3A_200 = %scan3A_166) -> (i32)  : i32 {
      %dma_start3A = arith.constant 0 : i32
      %dma_start3A_201 = tpu.memref_slice %arg11[%scan3A_199, %dma_start3A] : memref<81x128xi32, #tpu.memory_space<vmem>> -> memref<1x128xi32, #tpu.memory_space<vmem>>
      %dma_start3A_202 = tpu.memref_squeeze %dma_start3A_201 : memref<1x128xi32, #tpu.memory_space<vmem>> -> memref<128xi32, #tpu.memory_space<vmem>>
      %dma_start3A_203 = arith.constant 0 : i32
      %dma_start3A_204 = arith.constant 0 : i32
      %dma_start3A_205 = tpu.memref_slice %arg3[%dma_start3A_203, %dma_start3A_204] : memref<10000x64xf32, #tpu.memory_space<hbm>> -> memref<10000x64xf32, #tpu.memory_space<hbm>>
      tpu.enqueue_indirect_dma source(%dma_start3A_205 : memref<10000x64xf32, #tpu.memory_space<hbm>>) target(%arg18 : memref<128x64xf32, #tpu.memory_space<vmem>>) offsets(%dma_start3A_202 : memref<128xi32, #tpu.memory_space<vmem>>) semaphore(%arg23 : memref<!tpu.dma_semaphore, #tpu.memory_space<semaphore_mem>>)
      %dma_wait3A = arith.constant 0 : i32
      %dma_wait3A_206 = tpu.memref_slice %arg11[%scan3A_199, %dma_wait3A] : memref<81x128xi32, #tpu.memory_space<vmem>> -> memref<1x128xi32, #tpu.memory_space<vmem>>
      %dma_wait3A_207 = tpu.memref_squeeze %dma_wait3A_206 : memref<1x128xi32, #tpu.memory_space<vmem>> -> memref<128xi32, #tpu.memory_space<vmem>>
      %dma_wait3A_208 = arith.constant 0 : i32
      %dma_wait3A_209 = arith.constant 0 : i32
      %dma_wait3A_210 = tpu.memref_slice %arg3[%dma_wait3A_208, %dma_wait3A_209] : memref<10000x64xf32, #tpu.memory_space<hbm>> -> memref<10000x64xf32, #tpu.memory_space<hbm>>
      tpu.wait_indirect_dma semaphore(%arg23 : memref<!tpu.dma_semaphore, #tpu.memory_space<semaphore_mem>>) src(%dma_wait3A_210 : memref<10000x64xf32, #tpu.memory_space<hbm>>) dst(%arg18 : memref<128x64xf32, #tpu.memory_space<vmem>>)
      %scan3A_211 = arith.constant 0 : i32
      %scan3A_212 = arith.constant 0 : i32
      %scan3A_213 = arith.constant 128 : i32
      %scan3A_214 = arith.addi %scan3A_212, %scan3A_213 : i32
      %scan3A_215 = arith.constant 1 : i32
      %scan3A_216 = scf.for %scan3A_219 = %scan3A_212 to %scan3A_214 step %scan3A_215 iter_args(%scan3A_220 = %scan3A_211) -> (i32)  : i32 {
        %broadcast_in_dim3A_221 = vector.broadcast %scan3A_199 : i32 to vector<16xi32>
        %broadcast_in_dim3A_222 = vector.broadcast %scan3A_219 : i32 to vector<16xi32>
        %gather3A = tpu.vector_load_idx %arg14[%broadcast_in_dim3A_221, %broadcast_in_dim3A_222] : memref<81x128xf32, #tpu.memory_space<vmem>>[vector<16xi32>, vector<16xi32>], vector<16xf32>,
        %get3A = arith.index_cast %scan3A_219 : i32 to index
        %get3A_223 = arith.constant 0 : index
        %get3A_224 = tpu.vector_load %arg18[%get3A, %get3A_223] {strides = array<i32>} : memref<128x64xf32, #tpu.memory_space<vmem>>, vector<16xf32>,
        %mul3A_225 = arith.mulf %get3A_224, %gather3A : vector<16xf32>
        %swap3A = arith.index_cast %scan3A_219 : i32 to index
        %swap3A_226 = arith.constant 0 : index
        %swap3A_227 = tpu.vector_load %arg18[%swap3A, %swap3A_226] {strides = array<i32>} : memref<128x64xf32, #tpu.memory_space<vmem>>, vector<16xf32>,
        tpu.vector_store %arg18[%swap3A, %swap3A_226], %mul3A_225 {strides = array<i32>} : memref<128x64xf32, #tpu.memory_space<vmem>>, vector<16xf32>,
        %get3A_228 = arith.index_cast %scan3A_219 : i32 to index
        %get3A_229 = arith.constant 16 : index
        %get3A_230 = tpu.vector_load %arg18[%get3A_228, %get3A_229] {strides = array<i32>} : memref<128x64xf32, #tpu.memory_space<vmem>>, vector<16xf32>,
        %mul3A_231 = arith.mulf %get3A_230, %gather3A : vector<16xf32>
        %swap3A_232 = arith.index_cast %scan3A_219 : i32 to index
        %swap3A_233 = arith.constant 16 : index
        %swap3A_234 = tpu.vector_load %arg18[%swap3A_232, %swap3A_233] {strides = array<i32>} : memref<128x64xf32, #tpu.memory_space<vmem>>, vector<16xf32>,
        tpu.vector_store %arg18[%swap3A_232, %swap3A_233], %mul3A_231 {strides = array<i32>} : memref<128x64xf32, #tpu.memory_space<vmem>>, vector<16xf32>,
        %get3A_235 = arith.index_cast %scan3A_219 : i32 to index
        %get3A_236 = arith.constant 32 : index
        %get3A_237 = tpu.vector_load %arg18[%get3A_235, %get3A_236] {strides = array<i32>} : memref<128x64xf32, #tpu.memory_space<vmem>>, vector<16xf32>,
        %mul3A_238 = arith.mulf %get3A_237, %gather3A : vector<16xf32>
        %swap3A_239 = arith.index_cast %scan3A_219 : i32 to index
        %swap3A_240 = arith.constant 32 : index
        %swap3A_241 = tpu.vector_load %arg18[%swap3A_239, %swap3A_240] {strides = array<i32>} : memref<128x64xf32, #tpu.memory_space<vmem>>, vector<16xf32>,
        tpu.vector_store %arg18[%swap3A_239, %swap3A_240], %mul3A_238 {strides = array<i32>} : memref<128x64xf32, #tpu.memory_space<vmem>>, vector<16xf32>,
        %get3A_242 = arith.index_cast %scan3A_219 : i32 to index
        %get3A_243 = arith.constant 48 : index
        %get3A_244 = tpu.vector_load %arg18[%get3A_242, %get3A_243] {strides = array<i32>} : memref<128x64xf32, #tpu.memory_space<vmem>>, vector<16xf32>,
        %mul3A_245 = arith.mulf %get3A_244, %gather3A : vector<16xf32>
        %swap3A_246 = arith.index_cast %scan3A_219 : i32 to index
        %swap3A_247 = arith.constant 48 : index
        %swap3A_248 = tpu.vector_load %arg18[%swap3A_246, %swap3A_247] {strides = array<i32>} : memref<128x64xf32, #tpu.memory_space<vmem>>, vector<16xf32>,
        tpu.vector_store %arg18[%swap3A_246, %swap3A_247], %mul3A_245 {strides = array<i32>} : memref<128x64xf32, #tpu.memory_space<vmem>>, vector<16xf32>,
        %scan3A_249 = arith.constant 0 : i32
        scf.yield %scan3A_249 : i32
      }
      %scan3A_217 = arith.constant 128 : i32
      "tpu.region"() ({
        %run_scoped3A_219 = tpu.sem_alloc : memref<!tpu.dma_semaphore, #tpu.memory_space<semaphore_mem>>
        %dma_start3A_220 = arith.constant 0 : i32
        %dma_start3A_221 = tpu.memref_slice %arg12[%scan3A_199, %dma_start3A_220] : memref<81x128xi32, #tpu.memory_space<vmem>> -> memref<1x128xi32, #tpu.memory_space<vmem>>
        %dma_start3A_222 = tpu.memref_squeeze %dma_start3A_221 : memref<1x128xi32, #tpu.memory_space<vmem>> -> memref<128xi32, #tpu.memory_space<vmem>>
        %dma_start3A_223 = arith.constant 0 : i32
        %dma_start3A_224 = arith.constant 0 : i32
        %dma_start3A_225 = tpu.memref_slice %arg22[%dma_start3A_223, %dma_start3A_224] : memref<10112x64xf32, #tpu.memory_space<vmem_shared>> -> memref<10112x64xf32, #tpu.memory_space<vmem_shared>>
        tpu.enqueue_indirect_dma source(%arg18 : memref<128x64xf32, #tpu.memory_space<vmem>>) target(%dma_start3A_225 : memref<10112x64xf32, #tpu.memory_space<vmem_shared>>) offsets(%dma_start3A_222 : memref<128xi32, #tpu.memory_space<vmem>>) semaphore(%run_scoped3A_219 : memref<!tpu.dma_semaphore, #tpu.memory_space<semaphore_mem>>) {add = true}
        %dma_wait3A_226 = arith.constant 0 : i32
        %dma_wait3A_227 = tpu.memref_slice %arg12[%scan3A_199, %dma_wait3A_226] : memref<81x128xi32, #tpu.memory_space<vmem>> -> memref<1x128xi32, #tpu.memory_space<vmem>>
        %dma_wait3A_228 = tpu.memref_squeeze %dma_wait3A_227 : memref<1x128xi32, #tpu.memory_space<vmem>> -> memref<128xi32, #tpu.memory_space<vmem>>
        %dma_wait3A_229 = arith.constant 0 : i32
        %dma_wait3A_230 = arith.constant 0 : i32
        %dma_wait3A_231 = tpu.memref_slice %arg22[%dma_wait3A_229, %dma_wait3A_230] : memref<10112x64xf32, #tpu.memory_space<vmem_shared>> -> memref<10112x64xf32, #tpu.memory_space<vmem_shared>>
        tpu.wait_indirect_dma semaphore(%run_scoped3A_219 : memref<!tpu.dma_semaphore, #tpu.memory_space<semaphore_mem>>) src(%arg18 : memref<128x64xf32, #tpu.memory_space<vmem>>) dst(%dma_wait3A_231 : memref<10112x64xf32, #tpu.memory_space<vmem_shared>>)
        tpu.yield
      }) : () -> ()
      %scan3A_218 = arith.constant 0 : i32
      scf.yield %scan3A_218 : i32
    }
    %scan3A_172 = arith.constant 81 : i32
    %barrier3A_173 = arith.constant 0 : index
    tpu.barrier barrier_id(%barrier3A_173)
    "tpu.region"() ({
      %run_scoped3A_199 = tpu.sem_alloc : memref<!tpu.dma_semaphore, #tpu.memory_space<semaphore_mem>>
      %dma_start3A = arith.constant 0 : i32
      %dma_start3A_200 = arith.constant 0 : i32
      %dma_start3A_201 = tpu.memref_slice %arg19[%dma_start3A, %dma_start3A_200] : memref<80x64xf32, #tpu.memory_space<vmem>> -> memref<80x64xf32, #tpu.memory_space<vmem>>
      %dma_start3A_202 = arith.constant 0 : i32
      %dma_start3A_203 = tpu.memref_slice %arg22[%mul3A_2, %dma_start3A_202] : memref<10112x64xf32, #tpu.memory_space<vmem_shared>> -> memref<80x64xf32, #tpu.memory_space<vmem_shared>>
      %dma_start3A_204 = arith.constant 0 : i32
      %dma_start3A_205 = arith.constant 0 : i32
      %dma_start3A_206 = tpu.memref_slice %arg19[%dma_start3A_204, %dma_start3A_205] : memref<80x64xf32, #tpu.memory_space<vmem>> -> memref<80x64xf32, #tpu.memory_space<vmem>>
      %dma_start3A_207 = arith.constant 0 : i32
      %dma_start3A_208 = tpu.memref_slice %arg22[%mul3A_2, %dma_start3A_207] : memref<10112x64xf32, #tpu.memory_space<vmem_shared>> -> memref<80x64xf32, #tpu.memory_space<vmem_shared>>
      tpu.enqueue_dma source(%dma_start3A_208 : memref<80x64xf32, #tpu.memory_space<vmem_shared>>) target(%dma_start3A_206 : memref<80x64xf32, #tpu.memory_space<vmem>>) target_semaphore(%run_scoped3A_199 : memref<!tpu.dma_semaphore, #tpu.memory_space<semaphore_mem>>)
      %dma_wait3A = arith.constant 0 : i32
      %dma_wait3A_209 = arith.constant 0 : i32
      %dma_wait3A_210 = tpu.memref_slice %arg19[%dma_wait3A, %dma_wait3A_209] : memref<80x64xf32, #tpu.memory_space<vmem>> -> memref<80x64xf32, #tpu.memory_space<vmem>>
      %dma_wait3A_211 = arith.constant 0 : i32
      %dma_wait3A_212 = tpu.memref_slice %arg22[%mul3A_2, %dma_wait3A_211] : memref<10112x64xf32, #tpu.memory_space<vmem_shared>> -> memref<80x64xf32, #tpu.memory_space<vmem_shared>>
      %dma_wait3A_213 = arith.constant 0 : i32
      %dma_wait3A_214 = arith.constant 0 : i32
      %dma_wait3A_215 = tpu.memref_slice %arg19[%dma_wait3A_213, %dma_wait3A_214] : memref<80x64xf32, #tpu.memory_space<vmem>> -> memref<80x64xf32, #tpu.memory_space<vmem>>
      %dma_wait3A_216 = arith.constant 0 : i32
      %dma_wait3A_217 = tpu.memref_slice %arg22[%mul3A_2, %dma_wait3A_216] : memref<10112x64xf32, #tpu.memory_space<vmem_shared>> -> memref<80x64xf32, #tpu.memory_space<vmem_shared>>
      tpu.wait_dma2 semaphore(%run_scoped3A_199 : memref<!tpu.dma_semaphore, #tpu.memory_space<semaphore_mem>>) src(%dma_wait3A_217 : memref<80x64xf32, #tpu.memory_space<vmem_shared>>) dst(%dma_wait3A_215 : memref<80x64xf32, #tpu.memory_space<vmem>>)
      tpu.yield
    }) : () -> ()
    %run_scoped3A_174 = arith.constant 1 : i32
    "tpu.region"() ({
      %run_scoped3A_199 = tpu.sem_alloc : memref<!tpu.dma_semaphore, #tpu.memory_space<semaphore_mem>>
      %dma_start3A = arith.constant 0 : i32
      %dma_start3A_200 = arith.constant 0 : i32
      %dma_start3A_201 = tpu.memref_slice %arg19[%dma_start3A, %dma_start3A_200] : memref<80x64xf32, #tpu.memory_space<vmem>> -> memref<80x64xf32, #tpu.memory_space<vmem>>
      %dma_start3A_202 = arith.constant 0 : i32
      %dma_start3A_203 = arith.constant 0 : i32
      %dma_start3A_204 = tpu.memref_slice %arg9[%run_scoped3A_174, %arg0, %dma_start3A_202, %dma_start3A_203] : memref<2x2x10112x64xf32, #tpu.memory_space<hbm>> -> memref<1x1x10112x64xf32, #tpu.memory_space<hbm>>
      %dma_start3A_205 = tpu.memref_squeeze %dma_start3A_204 : memref<1x1x10112x64xf32, #tpu.memory_space<hbm>> -> memref<10112x64xf32, #tpu.memory_space<hbm>>
      %dma_start3A_206 = arith.constant 0 : i32
      %dma_start3A_207 = tpu.memref_slice %dma_start3A_205[%mul3A_2, %dma_start3A_206] : memref<10112x64xf32, #tpu.memory_space<hbm>> -> memref<80x64xf32, #tpu.memory_space<hbm>>
      %dma_start3A_208 = arith.constant 0 : i32
      %dma_start3A_209 = arith.constant 0 : i32
      %dma_start3A_210 = tpu.memref_slice %arg9[%run_scoped3A_174, %arg0, %dma_start3A_208, %dma_start3A_209] : memref<2x2x10112x64xf32, #tpu.memory_space<hbm>> -> memref<1x1x10112x64xf32, #tpu.memory_space<hbm>>
      %dma_start3A_211 = tpu.memref_squeeze %dma_start3A_210 : memref<1x1x10112x64xf32, #tpu.memory_space<hbm>> -> memref<10112x64xf32, #tpu.memory_space<hbm>>
      %dma_start3A_212 = arith.constant 0 : i32
      %dma_start3A_213 = tpu.memref_slice %dma_start3A_211[%mul3A_2, %dma_start3A_212] : memref<10112x64xf32, #tpu.memory_space<hbm>> -> memref<80x64xf32, #tpu.memory_space<hbm>>
      %dma_start3A_214 = arith.constant 0 : i32
      %dma_start3A_215 = arith.constant 0 : i32
      %dma_start3A_216 = tpu.memref_slice %arg19[%dma_start3A_214, %dma_start3A_215] : memref<80x64xf32, #tpu.memory_space<vmem>> -> memref<80x64xf32, #tpu.memory_space<vmem>>
      tpu.enqueue_dma source(%dma_start3A_216 : memref<80x64xf32, #tpu.memory_space<vmem>>) target(%dma_start3A_213 : memref<80x64xf32, #tpu.memory_space<hbm>>) target_semaphore(%run_scoped3A_199 : memref<!tpu.dma_semaphore, #tpu.memory_space<semaphore_mem>>)
      %dma_wait3A = arith.constant 0 : i32
      %dma_wait3A_217 = arith.constant 0 : i32
      %dma_wait3A_218 = tpu.memref_slice %arg19[%dma_wait3A, %dma_wait3A_217] : memref<80x64xf32, #tpu.memory_space<vmem>> -> memref<80x64xf32, #tpu.memory_space<vmem>>
      %dma_wait3A_219 = arith.constant 0 : i32
      %dma_wait3A_220 = arith.constant 0 : i32
      %dma_wait3A_221 = tpu.memref_slice %arg9[%run_scoped3A_174, %arg0, %dma_wait3A_219, %dma_wait3A_220] : memref<2x2x10112x64xf32, #tpu.memory_space<hbm>> -> memref<1x1x10112x64xf32, #tpu.memory_space<hbm>>
      %dma_wait3A_222 = tpu.memref_squeeze %dma_wait3A_221 : memref<1x1x10112x64xf32, #tpu.memory_space<hbm>> -> memref<10112x64xf32, #tpu.memory_space<hbm>>
      %dma_wait3A_223 = arith.constant 0 : i32
      %dma_wait3A_224 = tpu.memref_slice %dma_wait3A_222[%mul3A_2, %dma_wait3A_223] : memref<10112x64xf32, #tpu.memory_space<hbm>> -> memref<80x64xf32, #tpu.memory_space<hbm>>
      %dma_wait3A_225 = arith.constant 0 : i32
      %dma_wait3A_226 = arith.constant 0 : i32
      %dma_wait3A_227 = tpu.memref_slice %arg9[%run_scoped3A_174, %arg0, %dma_wait3A_225, %dma_wait3A_226] : memref<2x2x10112x64xf32, #tpu.memory_space<hbm>> -> memref<1x1x10112x64xf32, #tpu.memory_space<hbm>>
      %dma_wait3A_228 = tpu.memref_squeeze %dma_wait3A_227 : memref<1x1x10112x64xf32, #tpu.memory_space<hbm>> -> memref<10112x64xf32, #tpu.memory_space<hbm>>
      %dma_wait3A_229 = arith.constant 0 : i32
      %dma_wait3A_230 = tpu.memref_slice %dma_wait3A_228[%mul3A_2, %dma_wait3A_229] : memref<10112x64xf32, #tpu.memory_space<hbm>> -> memref<80x64xf32, #tpu.memory_space<hbm>>
      %dma_wait3A_231 = arith.constant 0 : i32
      %dma_wait3A_232 = arith.constant 0 : i32
      %dma_wait3A_233 = tpu.memref_slice %arg19[%dma_wait3A_231, %dma_wait3A_232] : memref<80x64xf32, #tpu.memory_space<vmem>> -> memref<80x64xf32, #tpu.memory_space<vmem>>
      tpu.wait_dma2 semaphore(%run_scoped3A_199 : memref<!tpu.dma_semaphore, #tpu.memory_space<semaphore_mem>>) src(%dma_wait3A_233 : memref<80x64xf32, #tpu.memory_space<vmem>>) dst(%dma_wait3A_230 : memref<80x64xf32, #tpu.memory_space<hbm>>)
      tpu.yield
    }) : () -> ()
    %add3A_175 = arith.constant 80 : i32
    %add3A_176 = arith.addi %mul3A_2, %add3A_175 : i32
    "tpu.region"() ({
      %run_scoped3A_199 = tpu.sem_alloc : memref<!tpu.dma_semaphore, #tpu.memory_space<semaphore_mem>>
      %dma_start3A = arith.constant 0 : i32
      %dma_start3A_200 = arith.constant 0 : i32
      %dma_start3A_201 = tpu.memref_slice %arg19[%dma_start3A, %dma_start3A_200] : memref<80x64xf32, #tpu.memory_space<vmem>> -> memref<80x64xf32, #tpu.memory_space<vmem>>
      %dma_start3A_202 = arith.constant 0 : i32
      %dma_start3A_203 = tpu.memref_slice %arg22[%add3A_176, %dma_start3A_202] : memref<10112x64xf32, #tpu.memory_space<vmem_shared>> -> memref<80x64xf32, #tpu.memory_space<vmem_shared>>
      %dma_start3A_204 = arith.constant 0 : i32
      %dma_start3A_205 = arith.constant 0 : i32
      %dma_start3A_206 = tpu.memref_slice %arg19[%dma_start3A_204, %dma_start3A_205] : memref<80x64xf32, #tpu.memory_space<vmem>> -> memref<80x64xf32, #tpu.memory_space<vmem>>
      %dma_start3A_207 = arith.constant 0 : i32
      %dma_start3A_208 = tpu.memref_slice %arg22[%add3A_176, %dma_start3A_207] : memref<10112x64xf32, #tpu.memory_space<vmem_shared>> -> memref<80x64xf32, #tpu.memory_space<vmem_shared>>
      tpu.enqueue_dma source(%dma_start3A_208 : memref<80x64xf32, #tpu.memory_space<vmem_shared>>) target(%dma_start3A_206 : memref<80x64xf32, #tpu.memory_space<vmem>>) target_semaphore(%run_scoped3A_199 : memref<!tpu.dma_semaphore, #tpu.memory_space<semaphore_mem>>)
      %dma_wait3A = arith.constant 0 : i32
      %dma_wait3A_209 = arith.constant 0 : i32
      %dma_wait3A_210 = tpu.memref_slice %arg19[%dma_wait3A, %dma_wait3A_209] : memref<80x64xf32, #tpu.memory_space<vmem>> -> memref<80x64xf32, #tpu.memory_space<vmem>>
      %dma_wait3A_211 = arith.constant 0 : i32
      %dma_wait3A_212 = tpu.memref_slice %arg22[%add3A_176, %dma_wait3A_211] : memref<10112x64xf32, #tpu.memory_space<vmem_shared>> -> memref<80x64xf32, #tpu.memory_space<vmem_shared>>
      %dma_wait3A_213 = arith.constant 0 : i32
      %dma_wait3A_214 = arith.constant 0 : i32
      %dma_wait3A_215 = tpu.memref_slice %arg19[%dma_wait3A_213, %dma_wait3A_214] : memref<80x64xf32, #tpu.memory_space<vmem>> -> memref<80x64xf32, #tpu.memory_space<vmem>>
      %dma_wait3A_216 = arith.constant 0 : i32
      %dma_wait3A_217 = tpu.memref_slice %arg22[%add3A_176, %dma_wait3A_216] : memref<10112x64xf32, #tpu.memory_space<vmem_shared>> -> memref<80x64xf32, #tpu.memory_space<vmem_shared>>
      tpu.wait_dma2 semaphore(%run_scoped3A_199 : memref<!tpu.dma_semaphore, #tpu.memory_space<semaphore_mem>>) src(%dma_wait3A_217 : memref<80x64xf32, #tpu.memory_space<vmem_shared>>) dst(%dma_wait3A_215 : memref<80x64xf32, #tpu.memory_space<vmem>>)
      tpu.yield
    }) : () -> ()
    %run_scoped3A_177 = arith.constant 1 : i32
    "tpu.region"() ({
      %run_scoped3A_199 = tpu.sem_alloc : memref<!tpu.dma_semaphore, #tpu.memory_space<semaphore_mem>>
      %dma_start3A = arith.constant 0 : i32
      %dma_start3A_200 = arith.constant 0 : i32
      %dma_start3A_201 = tpu.memref_slice %arg19[%dma_start3A, %dma_start3A_200] : memref<80x64xf32, #tpu.memory_space<vmem>> -> memref<80x64xf32, #tpu.memory_space<vmem>>
      %dma_start3A_202 = arith.constant 0 : i32
      %dma_start3A_203 = arith.constant 0 : i32
      %dma_start3A_204 = tpu.memref_slice %arg9[%run_scoped3A_177, %arg0, %dma_start3A_202, %dma_start3A_203] : memref<2x2x10112x64xf32, #tpu.memory_space<hbm>> -> memref<1x1x10112x64xf32, #tpu.memory_space<hbm>>
      %dma_start3A_205 = tpu.memref_squeeze %dma_start3A_204 : memref<1x1x10112x64xf32, #tpu.memory_space<hbm>> -> memref<10112x64xf32, #tpu.memory_space<hbm>>
      %dma_start3A_206 = arith.constant 0 : i32
      %dma_start3A_207 = tpu.memref_slice %dma_start3A_205[%add3A_176, %dma_start3A_206] : memref<10112x64xf32, #tpu.memory_space<hbm>> -> memref<80x64xf32, #tpu.memory_space<hbm>>
      %dma_start3A_208 = arith.constant 0 : i32
      %dma_start3A_209 = arith.constant 0 : i32
      %dma_start3A_210 = tpu.memref_slice %arg9[%run_scoped3A_177, %arg0, %dma_start3A_208, %dma_start3A_209] : memref<2x2x10112x64xf32, #tpu.memory_space<hbm>> -> memref<1x1x10112x64xf32, #tpu.memory_space<hbm>>
      %dma_start3A_211 = tpu.memref_squeeze %dma_start3A_210 : memref<1x1x10112x64xf32, #tpu.memory_space<hbm>> -> memref<10112x64xf32, #tpu.memory_space<hbm>>
      %dma_start3A_212 = arith.constant 0 : i32
      %dma_start3A_213 = tpu.memref_slice %dma_start3A_211[%add3A_176, %dma_start3A_212] : memref<10112x64xf32, #tpu.memory_space<hbm>> -> memref<80x64xf32, #tpu.memory_space<hbm>>
      %dma_start3A_214 = arith.constant 0 : i32
      %dma_start3A_215 = arith.constant 0 : i32
      %dma_start3A_216 = tpu.memref_slice %arg19[%dma_start3A_214, %dma_start3A_215] : memref<80x64xf32, #tpu.memory_space<vmem>> -> memref<80x64xf32, #tpu.memory_space<vmem>>
      tpu.enqueue_dma source(%dma_start3A_216 : memref<80x64xf32, #tpu.memory_space<vmem>>) target(%dma_start3A_213 : memref<80x64xf32, #tpu.memory_space<hbm>>) target_semaphore(%run_scoped3A_199 : memref<!tpu.dma_semaphore, #tpu.memory_space<semaphore_mem>>)
      %dma_wait3A = arith.constant 0 : i32
      %dma_wait3A_217 = arith.constant 0 : i32
      %dma_wait3A_218 = tpu.memref_slice %arg19[%dma_wait3A, %dma_wait3A_217] : memref<80x64xf32, #tpu.memory_space<vmem>> -> memref<80x64xf32, #tpu.memory_space<vmem>>
      %dma_wait3A_219 = arith.constant 0 : i32
      %dma_wait3A_220 = arith.constant 0 : i32
      %dma_wait3A_221 = tpu.memref_slice %arg9[%run_scoped3A_177, %arg0, %dma_wait3A_219, %dma_wait3A_220] : memref<2x2x10112x64xf32, #tpu.memory_space<hbm>> -> memref<1x1x10112x64xf32, #tpu.memory_space<hbm>>
      %dma_wait3A_222 = tpu.memref_squeeze %dma_wait3A_221 : memref<1x1x10112x64xf32, #tpu.memory_space<hbm>> -> memref<10112x64xf32, #tpu.memory_space<hbm>>
      %dma_wait3A_223 = arith.constant 0 : i32
      %dma_wait3A_224 = tpu.memref_slice %dma_wait3A_222[%add3A_176, %dma_wait3A_223] : memref<10112x64xf32, #tpu.memory_space<hbm>> -> memref<80x64xf32, #tpu.memory_space<hbm>>
      %dma_wait3A_225 = arith.constant 0 : i32
      %dma_wait3A_226 = arith.constant 0 : i32
      %dma_wait3A_227 = tpu.memref_slice %arg9[%run_scoped3A_177, %arg0, %dma_wait3A_225, %dma_wait3A_226] : memref<2x2x10112x64xf32, #tpu.memory_space<hbm>> -> memref<1x1x10112x64xf32, #tpu.memory_space<hbm>>
      %dma_wait3A_228 = tpu.memref_squeeze %dma_wait3A_227 : memref<1x1x10112x64xf32, #tpu.memory_space<hbm>> -> memref<10112x64xf32, #tpu.memory_space<hbm>>
      %dma_wait3A_229 = arith.constant 0 : i32
      %dma_wait3A_230 = tpu.memref_slice %dma_wait3A_228[%add3A_176, %dma_wait3A_229] : memref<10112x64xf32, #tpu.memory_space<hbm>> -> memref<80x64xf32, #tpu.memory_space<hbm>>
      %dma_wait3A_231 = arith.constant 0 : i32
      %dma_wait3A_232 = arith.constant 0 : i32
      %dma_wait3A_233 = tpu.memref_slice %arg19[%dma_wait3A_231, %dma_wait3A_232] : memref<80x64xf32, #tpu.memory_space<vmem>> -> memref<80x64xf32, #tpu.memory_space<vmem>>
      tpu.wait_dma2 semaphore(%run_scoped3A_199 : memref<!tpu.dma_semaphore, #tpu.memory_space<semaphore_mem>>) src(%dma_wait3A_233 : memref<80x64xf32, #tpu.memory_space<vmem>>) dst(%dma_wait3A_230 : memref<80x64xf32, #tpu.memory_space<hbm>>)
      tpu.yield
    }) : () -> ()
    %add3A_178 = arith.constant 80 : i32
    %add3A_179 = arith.addi %add3A_176, %add3A_178 : i32
    "tpu.region"() ({
      %run_scoped3A_199 = tpu.sem_alloc : memref<!tpu.dma_semaphore, #tpu.memory_space<semaphore_mem>>
      %dma_start3A = arith.constant 0 : i32
      %dma_start3A_200 = arith.constant 0 : i32
      %dma_start3A_201 = tpu.memref_slice %arg19[%dma_start3A, %dma_start3A_200] : memref<80x64xf32, #tpu.memory_space<vmem>> -> memref<80x64xf32, #tpu.memory_space<vmem>>
      %dma_start3A_202 = arith.constant 0 : i32
      %dma_start3A_203 = tpu.memref_slice %arg22[%add3A_179, %dma_start3A_202] : memref<10112x64xf32, #tpu.memory_space<vmem_shared>> -> memref<80x64xf32, #tpu.memory_space<vmem_shared>>
      %dma_start3A_204 = arith.constant 0 : i32
      %dma_start3A_205 = arith.constant 0 : i32
      %dma_start3A_206 = tpu.memref_slice %arg19[%dma_start3A_204, %dma_start3A_205] : memref<80x64xf32, #tpu.memory_space<vmem>> -> memref<80x64xf32, #tpu.memory_space<vmem>>
      %dma_start3A_207 = arith.constant 0 : i32
      %dma_start3A_208 = tpu.memref_slice %arg22[%add3A_179, %dma_start3A_207] : memref<10112x64xf32, #tpu.memory_space<vmem_shared>> -> memref<80x64xf32, #tpu.memory_space<vmem_shared>>
      tpu.enqueue_dma source(%dma_start3A_208 : memref<80x64xf32, #tpu.memory_space<vmem_shared>>) target(%dma_start3A_206 : memref<80x64xf32, #tpu.memory_space<vmem>>) target_semaphore(%run_scoped3A_199 : memref<!tpu.dma_semaphore, #tpu.memory_space<semaphore_mem>>)
      %dma_wait3A = arith.constant 0 : i32
      %dma_wait3A_209 = arith.constant 0 : i32
      %dma_wait3A_210 = tpu.memref_slice %arg19[%dma_wait3A, %dma_wait3A_209] : memref<80x64xf32, #tpu.memory_space<vmem>> -> memref<80x64xf32, #tpu.memory_space<vmem>>
      %dma_wait3A_211 = arith.constant 0 : i32
      %dma_wait3A_212 = tpu.memref_slice %arg22[%add3A_179, %dma_wait3A_211] : memref<10112x64xf32, #tpu.memory_space<vmem_shared>> -> memref<80x64xf32, #tpu.memory_space<vmem_shared>>
      %dma_wait3A_213 = arith.constant 0 : i32
      %dma_wait3A_214 = arith.constant 0 : i32
      %dma_wait3A_215 = tpu.memref_slice %arg19[%dma_wait3A_213, %dma_wait3A_214] : memref<80x64xf32, #tpu.memory_space<vmem>> -> memref<80x64xf32, #tpu.memory_space<vmem>>
      %dma_wait3A_216 = arith.constant 0 : i32
      %dma_wait3A_217 = tpu.memref_slice %arg22[%add3A_179, %dma_wait3A_216] : memref<10112x64xf32, #tpu.memory_space<vmem_shared>> -> memref<80x64xf32, #tpu.memory_space<vmem_shared>>
      tpu.wait_dma2 semaphore(%run_scoped3A_199 : memref<!tpu.dma_semaphore, #tpu.memory_space<semaphore_mem>>) src(%dma_wait3A_217 : memref<80x64xf32, #tpu.memory_space<vmem_shared>>) dst(%dma_wait3A_215 : memref<80x64xf32, #tpu.memory_space<vmem>>)
      tpu.yield
    }) : () -> ()
    %run_scoped3A_180 = arith.constant 1 : i32
    "tpu.region"() ({
      %run_scoped3A_199 = tpu.sem_alloc : memref<!tpu.dma_semaphore, #tpu.memory_space<semaphore_mem>>
      %dma_start3A = arith.constant 0 : i32
      %dma_start3A_200 = arith.constant 0 : i32
      %dma_start3A_201 = tpu.memref_slice %arg19[%dma_start3A, %dma_start3A_200] : memref<80x64xf32, #tpu.memory_space<vmem>> -> memref<80x64xf32, #tpu.memory_space<vmem>>
      %dma_start3A_202 = arith.constant 0 : i32
      %dma_start3A_203 = arith.constant 0 : i32
      %dma_start3A_204 = tpu.memref_slice %arg9[%run_scoped3A_180, %arg0, %dma_start3A_202, %dma_start3A_203] : memref<2x2x10112x64xf32, #tpu.memory_space<hbm>> -> memref<1x1x10112x64xf32, #tpu.memory_space<hbm>>
      %dma_start3A_205 = tpu.memref_squeeze %dma_start3A_204 : memref<1x1x10112x64xf32, #tpu.memory_space<hbm>> -> memref<10112x64xf32, #tpu.memory_space<hbm>>
      %dma_start3A_206 = arith.constant 0 : i32
      %dma_start3A_207 = tpu.memref_slice %dma_start3A_205[%add3A_179, %dma_start3A_206] : memref<10112x64xf32, #tpu.memory_space<hbm>> -> memref<80x64xf32, #tpu.memory_space<hbm>>
      %dma_start3A_208 = arith.constant 0 : i32
      %dma_start3A_209 = arith.constant 0 : i32
      %dma_start3A_210 = tpu.memref_slice %arg9[%run_scoped3A_180, %arg0, %dma_start3A_208, %dma_start3A_209] : memref<2x2x10112x64xf32, #tpu.memory_space<hbm>> -> memref<1x1x10112x64xf32, #tpu.memory_space<hbm>>
      %dma_start3A_211 = tpu.memref_squeeze %dma_start3A_210 : memref<1x1x10112x64xf32, #tpu.memory_space<hbm>> -> memref<10112x64xf32, #tpu.memory_space<hbm>>
      %dma_start3A_212 = arith.constant 0 : i32
      %dma_start3A_213 = tpu.memref_slice %dma_start3A_211[%add3A_179, %dma_start3A_212] : memref<10112x64xf32, #tpu.memory_space<hbm>> -> memref<80x64xf32, #tpu.memory_space<hbm>>
      %dma_start3A_214 = arith.constant 0 : i32
      %dma_start3A_215 = arith.constant 0 : i32
      %dma_start3A_216 = tpu.memref_slice %arg19[%dma_start3A_214, %dma_start3A_215] : memref<80x64xf32, #tpu.memory_space<vmem>> -> memref<80x64xf32, #tpu.memory_space<vmem>>
      tpu.enqueue_dma source(%dma_start3A_216 : memref<80x64xf32, #tpu.memory_space<vmem>>) target(%dma_start3A_213 : memref<80x64xf32, #tpu.memory_space<hbm>>) target_semaphore(%run_scoped3A_199 : memref<!tpu.dma_semaphore, #tpu.memory_space<semaphore_mem>>)
      %dma_wait3A = arith.constant 0 : i32
      %dma_wait3A_217 = arith.constant 0 : i32
      %dma_wait3A_218 = tpu.memref_slice %arg19[%dma_wait3A, %dma_wait3A_217] : memref<80x64xf32, #tpu.memory_space<vmem>> -> memref<80x64xf32, #tpu.memory_space<vmem>>
      %dma_wait3A_219 = arith.constant 0 : i32
      %dma_wait3A_220 = arith.constant 0 : i32
      %dma_wait3A_221 = tpu.memref_slice %arg9[%run_scoped3A_180, %arg0, %dma_wait3A_219, %dma_wait3A_220] : memref<2x2x10112x64xf32, #tpu.memory_space<hbm>> -> memref<1x1x10112x64xf32, #tpu.memory_space<hbm>>
      %dma_wait3A_222 = tpu.memref_squeeze %dma_wait3A_221 : memref<1x1x10112x64xf32, #tpu.memory_space<hbm>> -> memref<10112x64xf32, #tpu.memory_space<hbm>>
      %dma_wait3A_223 = arith.constant 0 : i32
      %dma_wait3A_224 = tpu.memref_slice %dma_wait3A_222[%add3A_179, %dma_wait3A_223] : memref<10112x64xf32, #tpu.memory_space<hbm>> -> memref<80x64xf32, #tpu.memory_space<hbm>>
      %dma_wait3A_225 = arith.constant 0 : i32
      %dma_wait3A_226 = arith.constant 0 : i32
      %dma_wait3A_227 = tpu.memref_slice %arg9[%run_scoped3A_180, %arg0, %dma_wait3A_225, %dma_wait3A_226] : memref<2x2x10112x64xf32, #tpu.memory_space<hbm>> -> memref<1x1x10112x64xf32, #tpu.memory_space<hbm>>
      %dma_wait3A_228 = tpu.memref_squeeze %dma_wait3A_227 : memref<1x1x10112x64xf32, #tpu.memory_space<hbm>> -> memref<10112x64xf32, #tpu.memory_space<hbm>>
      %dma_wait3A_229 = arith.constant 0 : i32
      %dma_wait3A_230 = tpu.memref_slice %dma_wait3A_228[%add3A_179, %dma_wait3A_229] : memref<10112x64xf32, #tpu.memory_space<hbm>> -> memref<80x64xf32, #tpu.memory_space<hbm>>
      %dma_wait3A_231 = arith.constant 0 : i32
      %dma_wait3A_232 = arith.constant 0 : i32
      %dma_wait3A_233 = tpu.memref_slice %arg19[%dma_wait3A_231, %dma_wait3A_232] : memref<80x64xf32, #tpu.memory_space<vmem>> -> memref<80x64xf32, #tpu.memory_space<vmem>>
      tpu.wait_dma2 semaphore(%run_scoped3A_199 : memref<!tpu.dma_semaphore, #tpu.memory_space<semaphore_mem>>) src(%dma_wait3A_233 : memref<80x64xf32, #tpu.memory_space<vmem>>) dst(%dma_wait3A_230 : memref<80x64xf32, #tpu.memory_space<hbm>>)
      tpu.yield
    }) : () -> ()
    %add3A_181 = arith.constant 80 : i32
    %add3A_182 = arith.addi %add3A_179, %add3A_181 : i32
    "tpu.region"() ({
      %run_scoped3A_199 = tpu.sem_alloc : memref<!tpu.dma_semaphore, #tpu.memory_space<semaphore_mem>>
      %dma_start3A = arith.constant 0 : i32
      %dma_start3A_200 = arith.constant 0 : i32
      %dma_start3A_201 = tpu.memref_slice %arg19[%dma_start3A, %dma_start3A_200] : memref<80x64xf32, #tpu.memory_space<vmem>> -> memref<80x64xf32, #tpu.memory_space<vmem>>
      %dma_start3A_202 = arith.constant 0 : i32
      %dma_start3A_203 = tpu.memref_slice %arg22[%add3A_182, %dma_start3A_202] : memref<10112x64xf32, #tpu.memory_space<vmem_shared>> -> memref<80x64xf32, #tpu.memory_space<vmem_shared>>
      %dma_start3A_204 = arith.constant 0 : i32
      %dma_start3A_205 = arith.constant 0 : i32
      %dma_start3A_206 = tpu.memref_slice %arg19[%dma_start3A_204, %dma_start3A_205] : memref<80x64xf32, #tpu.memory_space<vmem>> -> memref<80x64xf32, #tpu.memory_space<vmem>>
      %dma_start3A_207 = arith.constant 0 : i32
      %dma_start3A_208 = tpu.memref_slice %arg22[%add3A_182, %dma_start3A_207] : memref<10112x64xf32, #tpu.memory_space<vmem_shared>> -> memref<80x64xf32, #tpu.memory_space<vmem_shared>>
      tpu.enqueue_dma source(%dma_start3A_208 : memref<80x64xf32, #tpu.memory_space<vmem_shared>>) target(%dma_start3A_206 : memref<80x64xf32, #tpu.memory_space<vmem>>) target_semaphore(%run_scoped3A_199 : memref<!tpu.dma_semaphore, #tpu.memory_space<semaphore_mem>>)
      %dma_wait3A = arith.constant 0 : i32
      %dma_wait3A_209 = arith.constant 0 : i32
      %dma_wait3A_210 = tpu.memref_slice %arg19[%dma_wait3A, %dma_wait3A_209] : memref<80x64xf32, #tpu.memory_space<vmem>> -> memref<80x64xf32, #tpu.memory_space<vmem>>
      %dma_wait3A_211 = arith.constant 0 : i32
      %dma_wait3A_212 = tpu.memref_slice %arg22[%add3A_182, %dma_wait3A_211] : memref<10112x64xf32, #tpu.memory_space<vmem_shared>> -> memref<80x64xf32, #tpu.memory_space<vmem_shared>>
      %dma_wait3A_213 = arith.constant 0 : i32
      %dma_wait3A_214 = arith.constant 0 : i32
      %dma_wait3A_215 = tpu.memref_slice %arg19[%dma_wait3A_213, %dma_wait3A_214] : memref<80x64xf32, #tpu.memory_space<vmem>> -> memref<80x64xf32, #tpu.memory_space<vmem>>
      %dma_wait3A_216 = arith.constant 0 : i32
      %dma_wait3A_217 = tpu.memref_slice %arg22[%add3A_182, %dma_wait3A_216] : memref<10112x64xf32, #tpu.memory_space<vmem_shared>> -> memref<80x64xf32, #tpu.memory_space<vmem_shared>>
      tpu.wait_dma2 semaphore(%run_scoped3A_199 : memref<!tpu.dma_semaphore, #tpu.memory_space<semaphore_mem>>) src(%dma_wait3A_217 : memref<80x64xf32, #tpu.memory_space<vmem_shared>>) dst(%dma_wait3A_215 : memref<80x64xf32, #tpu.memory_space<vmem>>)
      tpu.yield
    }) : () -> ()
    %run_scoped3A_183 = arith.constant 1 : i32
    "tpu.region"() ({
      %run_scoped3A_199 = tpu.sem_alloc : memref<!tpu.dma_semaphore, #tpu.memory_space<semaphore_mem>>
      %dma_start3A = arith.constant 0 : i32
      %dma_start3A_200 = arith.constant 0 : i32
      %dma_start3A_201 = tpu.memref_slice %arg19[%dma_start3A, %dma_start3A_200] : memref<80x64xf32, #tpu.memory_space<vmem>> -> memref<80x64xf32, #tpu.memory_space<vmem>>
      %dma_start3A_202 = arith.constant 0 : i32
      %dma_start3A_203 = arith.constant 0 : i32
      %dma_start3A_204 = tpu.memref_slice %arg9[%run_scoped3A_183, %arg0, %dma_start3A_202, %dma_start3A_203] : memref<2x2x10112x64xf32, #tpu.memory_space<hbm>> -> memref<1x1x10112x64xf32, #tpu.memory_space<hbm>>
      %dma_start3A_205 = tpu.memref_squeeze %dma_start3A_204 : memref<1x1x10112x64xf32, #tpu.memory_space<hbm>> -> memref<10112x64xf32, #tpu.memory_space<hbm>>
      %dma_start3A_206 = arith.constant 0 : i32
      %dma_start3A_207 = tpu.memref_slice %dma_start3A_205[%add3A_182, %dma_start3A_206] : memref<10112x64xf32, #tpu.memory_space<hbm>> -> memref<80x64xf32, #tpu.memory_space<hbm>>
      %dma_start3A_208 = arith.constant 0 : i32
      %dma_start3A_209 = arith.constant 0 : i32
      %dma_start3A_210 = tpu.memref_slice %arg9[%run_scoped3A_183, %arg0, %dma_start3A_208, %dma_start3A_209] : memref<2x2x10112x64xf32, #tpu.memory_space<hbm>> -> memref<1x1x10112x64xf32, #tpu.memory_space<hbm>>
      %dma_start3A_211 = tpu.memref_squeeze %dma_start3A_210 : memref<1x1x10112x64xf32, #tpu.memory_space<hbm>> -> memref<10112x64xf32, #tpu.memory_space<hbm>>
      %dma_start3A_212 = arith.constant 0 : i32
      %dma_start3A_213 = tpu.memref_slice %dma_start3A_211[%add3A_182, %dma_start3A_212] : memref<10112x64xf32, #tpu.memory_space<hbm>> -> memref<80x64xf32, #tpu.memory_space<hbm>>
      %dma_start3A_214 = arith.constant 0 : i32
      %dma_start3A_215 = arith.constant 0 : i32
      %dma_start3A_216 = tpu.memref_slice %arg19[%dma_start3A_214, %dma_start3A_215] : memref<80x64xf32, #tpu.memory_space<vmem>> -> memref<80x64xf32, #tpu.memory_space<vmem>>
      tpu.enqueue_dma source(%dma_start3A_216 : memref<80x64xf32, #tpu.memory_space<vmem>>) target(%dma_start3A_213 : memref<80x64xf32, #tpu.memory_space<hbm>>) target_semaphore(%run_scoped3A_199 : memref<!tpu.dma_semaphore, #tpu.memory_space<semaphore_mem>>)
      %dma_wait3A = arith.constant 0 : i32
      %dma_wait3A_217 = arith.constant 0 : i32
      %dma_wait3A_218 = tpu.memref_slice %arg19[%dma_wait3A, %dma_wait3A_217] : memref<80x64xf32, #tpu.memory_space<vmem>> -> memref<80x64xf32, #tpu.memory_space<vmem>>
      %dma_wait3A_219 = arith.constant 0 : i32
      %dma_wait3A_220 = arith.constant 0 : i32
      %dma_wait3A_221 = tpu.memref_slice %arg9[%run_scoped3A_183, %arg0, %dma_wait3A_219, %dma_wait3A_220] : memref<2x2x10112x64xf32, #tpu.memory_space<hbm>> -> memref<1x1x10112x64xf32, #tpu.memory_space<hbm>>
      %dma_wait3A_222 = tpu.memref_squeeze %dma_wait3A_221 : memref<1x1x10112x64xf32, #tpu.memory_space<hbm>> -> memref<10112x64xf32, #tpu.memory_space<hbm>>
      %dma_wait3A_223 = arith.constant 0 : i32
      %dma_wait3A_224 = tpu.memref_slice %dma_wait3A_222[%add3A_182, %dma_wait3A_223] : memref<10112x64xf32, #tpu.memory_space<hbm>> -> memref<80x64xf32, #tpu.memory_space<hbm>>
      %dma_wait3A_225 = arith.constant 0 : i32
      %dma_wait3A_226 = arith.constant 0 : i32
      %dma_wait3A_227 = tpu.memref_slice %arg9[%run_scoped3A_183, %arg0, %dma_wait3A_225, %dma_wait3A_226] : memref<2x2x10112x64xf32, #tpu.memory_space<hbm>> -> memref<1x1x10112x64xf32, #tpu.memory_space<hbm>>
      %dma_wait3A_228 = tpu.memref_squeeze %dma_wait3A_227 : memref<1x1x10112x64xf32, #tpu.memory_space<hbm>> -> memref<10112x64xf32, #tpu.memory_space<hbm>>
      %dma_wait3A_229 = arith.constant 0 : i32
      %dma_wait3A_230 = tpu.memref_slice %dma_wait3A_228[%add3A_182, %dma_wait3A_229] : memref<10112x64xf32, #tpu.memory_space<hbm>> -> memref<80x64xf32, #tpu.memory_space<hbm>>
      %dma_wait3A_231 = arith.constant 0 : i32
      %dma_wait3A_232 = arith.constant 0 : i32
      %dma_wait3A_233 = tpu.memref_slice %arg19[%dma_wait3A_231, %dma_wait3A_232] : memref<80x64xf32, #tpu.memory_space<vmem>> -> memref<80x64xf32, #tpu.memory_space<vmem>>
      tpu.wait_dma2 semaphore(%run_scoped3A_199 : memref<!tpu.dma_semaphore, #tpu.memory_space<semaphore_mem>>) src(%dma_wait3A_233 : memref<80x64xf32, #tpu.memory_space<vmem>>) dst(%dma_wait3A_230 : memref<80x64xf32, #tpu.memory_space<hbm>>)
      tpu.yield
    }) : () -> ()
    %add3A_184 = arith.constant 80 : i32
    %add3A_185 = arith.addi %add3A_182, %add3A_184 : i32
    "tpu.region"() ({
      %run_scoped3A_199 = tpu.sem_alloc : memref<!tpu.dma_semaphore, #tpu.memory_space<semaphore_mem>>
      %dma_start3A = arith.constant 0 : i32
      %dma_start3A_200 = arith.constant 0 : i32
      %dma_start3A_201 = tpu.memref_slice %arg19[%dma_start3A, %dma_start3A_200] : memref<80x64xf32, #tpu.memory_space<vmem>> -> memref<80x64xf32, #tpu.memory_space<vmem>>
      %dma_start3A_202 = arith.constant 0 : i32
      %dma_start3A_203 = tpu.memref_slice %arg22[%add3A_185, %dma_start3A_202] : memref<10112x64xf32, #tpu.memory_space<vmem_shared>> -> memref<80x64xf32, #tpu.memory_space<vmem_shared>>
      %dma_start3A_204 = arith.constant 0 : i32
      %dma_start3A_205 = arith.constant 0 : i32
      %dma_start3A_206 = tpu.memref_slice %arg19[%dma_start3A_204, %dma_start3A_205] : memref<80x64xf32, #tpu.memory_space<vmem>> -> memref<80x64xf32, #tpu.memory_space<vmem>>
      %dma_start3A_207 = arith.constant 0 : i32
      %dma_start3A_208 = tpu.memref_slice %arg22[%add3A_185, %dma_start3A_207] : memref<10112x64xf32, #tpu.memory_space<vmem_shared>> -> memref<80x64xf32, #tpu.memory_space<vmem_shared>>
      tpu.enqueue_dma source(%dma_start3A_208 : memref<80x64xf32, #tpu.memory_space<vmem_shared>>) target(%dma_start3A_206 : memref<80x64xf32, #tpu.memory_space<vmem>>) target_semaphore(%run_scoped3A_199 : memref<!tpu.dma_semaphore, #tpu.memory_space<semaphore_mem>>)
      %dma_wait3A = arith.constant 0 : i32
      %dma_wait3A_209 = arith.constant 0 : i32
      %dma_wait3A_210 = tpu.memref_slice %arg19[%dma_wait3A, %dma_wait3A_209] : memref<80x64xf32, #tpu.memory_space<vmem>> -> memref<80x64xf32, #tpu.memory_space<vmem>>
      %dma_wait3A_211 = arith.constant 0 : i32
      %dma_wait3A_212 = tpu.memref_slice %arg22[%add3A_185, %dma_wait3A_211] : memref<10112x64xf32, #tpu.memory_space<vmem_shared>> -> memref<80x64xf32, #tpu.memory_space<vmem_shared>>
      %dma_wait3A_213 = arith.constant 0 : i32
      %dma_wait3A_214 = arith.constant 0 : i32
      %dma_wait3A_215 = tpu.memref_slice %arg19[%dma_wait3A_213, %dma_wait3A_214] : memref<80x64xf32, #tpu.memory_space<vmem>> -> memref<80x64xf32, #tpu.memory_space<vmem>>
      %dma_wait3A_216 = arith.constant 0 : i32
      %dma_wait3A_217 = tpu.memref_slice %arg22[%add3A_185, %dma_wait3A_216] : memref<10112x64xf32, #tpu.memory_space<vmem_shared>> -> memref<80x64xf32, #tpu.memory_space<vmem_shared>>
      tpu.wait_dma2 semaphore(%run_scoped3A_199 : memref<!tpu.dma_semaphore, #tpu.memory_space<semaphore_mem>>) src(%dma_wait3A_217 : memref<80x64xf32, #tpu.memory_space<vmem_shared>>) dst(%dma_wait3A_215 : memref<80x64xf32, #tpu.memory_space<vmem>>)
      tpu.yield
    }) : () -> ()
    %run_scoped3A_186 = arith.constant 1 : i32
    "tpu.region"() ({
      %run_scoped3A_199 = tpu.sem_alloc : memref<!tpu.dma_semaphore, #tpu.memory_space<semaphore_mem>>
      %dma_start3A = arith.constant 0 : i32
      %dma_start3A_200 = arith.constant 0 : i32
      %dma_start3A_201 = tpu.memref_slice %arg19[%dma_start3A, %dma_start3A_200] : memref<80x64xf32, #tpu.memory_space<vmem>> -> memref<80x64xf32, #tpu.memory_space<vmem>>
      %dma_start3A_202 = arith.constant 0 : i32
      %dma_start3A_203 = arith.constant 0 : i32
      %dma_start3A_204 = tpu.memref_slice %arg9[%run_scoped3A_186, %arg0, %dma_start3A_202, %dma_start3A_203] : memref<2x2x10112x64xf32, #tpu.memory_space<hbm>> -> memref<1x1x10112x64xf32, #tpu.memory_space<hbm>>
      %dma_start3A_205 = tpu.memref_squeeze %dma_start3A_204 : memref<1x1x10112x64xf32, #tpu.memory_space<hbm>> -> memref<10112x64xf32, #tpu.memory_space<hbm>>
      %dma_start3A_206 = arith.constant 0 : i32
      %dma_start3A_207 = tpu.memref_slice %dma_start3A_205[%add3A_185, %dma_start3A_206] : memref<10112x64xf32, #tpu.memory_space<hbm>> -> memref<80x64xf32, #tpu.memory_space<hbm>>
      %dma_start3A_208 = arith.constant 0 : i32
      %dma_start3A_209 = arith.constant 0 : i32
      %dma_start3A_210 = tpu.memref_slice %arg9[%run_scoped3A_186, %arg0, %dma_start3A_208, %dma_start3A_209] : memref<2x2x10112x64xf32, #tpu.memory_space<hbm>> -> memref<1x1x10112x64xf32, #tpu.memory_space<hbm>>
      %dma_start3A_211 = tpu.memref_squeeze %dma_start3A_210 : memref<1x1x10112x64xf32, #tpu.memory_space<hbm>> -> memref<10112x64xf32, #tpu.memory_space<hbm>>
      %dma_start3A_212 = arith.constant 0 : i32
      %dma_start3A_213 = tpu.memref_slice %dma_start3A_211[%add3A_185, %dma_start3A_212] : memref<10112x64xf32, #tpu.memory_space<hbm>> -> memref<80x64xf32, #tpu.memory_space<hbm>>
      %dma_start3A_214 = arith.constant 0 : i32
      %dma_start3A_215 = arith.constant 0 : i32
      %dma_start3A_216 = tpu.memref_slice %arg19[%dma_start3A_214, %dma_start3A_215] : memref<80x64xf32, #tpu.memory_space<vmem>> -> memref<80x64xf32, #tpu.memory_space<vmem>>
      tpu.enqueue_dma source(%dma_start3A_216 : memref<80x64xf32, #tpu.memory_space<vmem>>) target(%dma_start3A_213 : memref<80x64xf32, #tpu.memory_space<hbm>>) target_semaphore(%run_scoped3A_199 : memref<!tpu.dma_semaphore, #tpu.memory_space<semaphore_mem>>)
      %dma_wait3A = arith.constant 0 : i32
      %dma_wait3A_217 = arith.constant 0 : i32
      %dma_wait3A_218 = tpu.memref_slice %arg19[%dma_wait3A, %dma_wait3A_217] : memref<80x64xf32, #tpu.memory_space<vmem>> -> memref<80x64xf32, #tpu.memory_space<vmem>>
      %dma_wait3A_219 = arith.constant 0 : i32
      %dma_wait3A_220 = arith.constant 0 : i32
      %dma_wait3A_221 = tpu.memref_slice %arg9[%run_scoped3A_186, %arg0, %dma_wait3A_219, %dma_wait3A_220] : memref<2x2x10112x64xf32, #tpu.memory_space<hbm>> -> memref<1x1x10112x64xf32, #tpu.memory_space<hbm>>
      %dma_wait3A_222 = tpu.memref_squeeze %dma_wait3A_221 : memref<1x1x10112x64xf32, #tpu.memory_space<hbm>> -> memref<10112x64xf32, #tpu.memory_space<hbm>>
      %dma_wait3A_223 = arith.constant 0 : i32
      %dma_wait3A_224 = tpu.memref_slice %dma_wait3A_222[%add3A_185, %dma_wait3A_223] : memref<10112x64xf32, #tpu.memory_space<hbm>> -> memref<80x64xf32, #tpu.memory_space<hbm>>
      %dma_wait3A_225 = arith.constant 0 : i32
      %dma_wait3A_226 = arith.constant 0 : i32
      %dma_wait3A_227 = tpu.memref_slice %arg9[%run_scoped3A_186, %arg0, %dma_wait3A_225, %dma_wait3A_226] : memref<2x2x10112x64xf32, #tpu.memory_space<hbm>> -> memref<1x1x10112x64xf32, #tpu.memory_space<hbm>>
      %dma_wait3A_228 = tpu.memref_squeeze %dma_wait3A_227 : memref<1x1x10112x64xf32, #tpu.memory_space<hbm>> -> memref<10112x64xf32, #tpu.memory_space<hbm>>
      %dma_wait3A_229 = arith.constant 0 : i32
      %dma_wait3A_230 = tpu.memref_slice %dma_wait3A_228[%add3A_185, %dma_wait3A_229] : memref<10112x64xf32, #tpu.memory_space<hbm>> -> memref<80x64xf32, #tpu.memory_space<hbm>>
      %dma_wait3A_231 = arith.constant 0 : i32
      %dma_wait3A_232 = arith.constant 0 : i32
      %dma_wait3A_233 = tpu.memref_slice %arg19[%dma_wait3A_231, %dma_wait3A_232] : memref<80x64xf32, #tpu.memory_space<vmem>> -> memref<80x64xf32, #tpu.memory_space<vmem>>
      tpu.wait_dma2 semaphore(%run_scoped3A_199 : memref<!tpu.dma_semaphore, #tpu.memory_space<semaphore_mem>>) src(%dma_wait3A_233 : memref<80x64xf32, #tpu.memory_space<vmem>>) dst(%dma_wait3A_230 : memref<80x64xf32, #tpu.memory_space<hbm>>)
      tpu.yield
    }) : () -> ()
    %add3A_187 = arith.constant 80 : i32
    %add3A_188 = arith.addi %add3A_185, %add3A_187 : i32
    "tpu.region"() ({
      %run_scoped3A_199 = tpu.sem_alloc : memref<!tpu.dma_semaphore, #tpu.memory_space<semaphore_mem>>
      %dma_start3A = arith.constant 0 : i32
      %dma_start3A_200 = arith.constant 0 : i32
      %dma_start3A_201 = tpu.memref_slice %arg19[%dma_start3A, %dma_start3A_200] : memref<80x64xf32, #tpu.memory_space<vmem>> -> memref<80x64xf32, #tpu.memory_space<vmem>>
      %dma_start3A_202 = arith.constant 0 : i32
      %dma_start3A_203 = tpu.memref_slice %arg22[%add3A_188, %dma_start3A_202] : memref<10112x64xf32, #tpu.memory_space<vmem_shared>> -> memref<80x64xf32, #tpu.memory_space<vmem_shared>>
      %dma_start3A_204 = arith.constant 0 : i32
      %dma_start3A_205 = arith.constant 0 : i32
      %dma_start3A_206 = tpu.memref_slice %arg19[%dma_start3A_204, %dma_start3A_205] : memref<80x64xf32, #tpu.memory_space<vmem>> -> memref<80x64xf32, #tpu.memory_space<vmem>>
      %dma_start3A_207 = arith.constant 0 : i32
      %dma_start3A_208 = tpu.memref_slice %arg22[%add3A_188, %dma_start3A_207] : memref<10112x64xf32, #tpu.memory_space<vmem_shared>> -> memref<80x64xf32, #tpu.memory_space<vmem_shared>>
      tpu.enqueue_dma source(%dma_start3A_208 : memref<80x64xf32, #tpu.memory_space<vmem_shared>>) target(%dma_start3A_206 : memref<80x64xf32, #tpu.memory_space<vmem>>) target_semaphore(%run_scoped3A_199 : memref<!tpu.dma_semaphore, #tpu.memory_space<semaphore_mem>>)
      %dma_wait3A = arith.constant 0 : i32
      %dma_wait3A_209 = arith.constant 0 : i32
      %dma_wait3A_210 = tpu.memref_slice %arg19[%dma_wait3A, %dma_wait3A_209] : memref<80x64xf32, #tpu.memory_space<vmem>> -> memref<80x64xf32, #tpu.memory_space<vmem>>
      %dma_wait3A_211 = arith.constant 0 : i32
      %dma_wait3A_212 = tpu.memref_slice %arg22[%add3A_188, %dma_wait3A_211] : memref<10112x64xf32, #tpu.memory_space<vmem_shared>> -> memref<80x64xf32, #tpu.memory_space<vmem_shared>>
      %dma_wait3A_213 = arith.constant 0 : i32
      %dma_wait3A_214 = arith.constant 0 : i32
      %dma_wait3A_215 = tpu.memref_slice %arg19[%dma_wait3A_213, %dma_wait3A_214] : memref<80x64xf32, #tpu.memory_space<vmem>> -> memref<80x64xf32, #tpu.memory_space<vmem>>
      %dma_wait3A_216 = arith.constant 0 : i32
      %dma_wait3A_217 = tpu.memref_slice %arg22[%add3A_188, %dma_wait3A_216] : memref<10112x64xf32, #tpu.memory_space<vmem_shared>> -> memref<80x64xf32, #tpu.memory_space<vmem_shared>>
      tpu.wait_dma2 semaphore(%run_scoped3A_199 : memref<!tpu.dma_semaphore, #tpu.memory_space<semaphore_mem>>) src(%dma_wait3A_217 : memref<80x64xf32, #tpu.memory_space<vmem_shared>>) dst(%dma_wait3A_215 : memref<80x64xf32, #tpu.memory_space<vmem>>)
      tpu.yield
    }) : () -> ()
    %run_scoped3A_189 = arith.constant 1 : i32
    "tpu.region"() ({
      %run_scoped3A_199 = tpu.sem_alloc : memref<!tpu.dma_semaphore, #tpu.memory_space<semaphore_mem>>
      %dma_start3A = arith.constant 0 : i32
      %dma_start3A_200 = arith.constant 0 : i32
      %dma_start3A_201 = tpu.memref_slice %arg19[%dma_start3A, %dma_start3A_200] : memref<80x64xf32, #tpu.memory_space<vmem>> -> memref<80x64xf32, #tpu.memory_space<vmem>>
      %dma_start3A_202 = arith.constant 0 : i32
      %dma_start3A_203 = arith.constant 0 : i32
      %dma_start3A_204 = tpu.memref_slice %arg9[%run_scoped3A_189, %arg0, %dma_start3A_202, %dma_start3A_203] : memref<2x2x10112x64xf32, #tpu.memory_space<hbm>> -> memref<1x1x10112x64xf32, #tpu.memory_space<hbm>>
      %dma_start3A_205 = tpu.memref_squeeze %dma_start3A_204 : memref<1x1x10112x64xf32, #tpu.memory_space<hbm>> -> memref<10112x64xf32, #tpu.memory_space<hbm>>
      %dma_start3A_206 = arith.constant 0 : i32
      %dma_start3A_207 = tpu.memref_slice %dma_start3A_205[%add3A_188, %dma_start3A_206] : memref<10112x64xf32, #tpu.memory_space<hbm>> -> memref<80x64xf32, #tpu.memory_space<hbm>>
      %dma_start3A_208 = arith.constant 0 : i32
      %dma_start3A_209 = arith.constant 0 : i32
      %dma_start3A_210 = tpu.memref_slice %arg9[%run_scoped3A_189, %arg0, %dma_start3A_208, %dma_start3A_209] : memref<2x2x10112x64xf32, #tpu.memory_space<hbm>> -> memref<1x1x10112x64xf32, #tpu.memory_space<hbm>>
      %dma_start3A_211 = tpu.memref_squeeze %dma_start3A_210 : memref<1x1x10112x64xf32, #tpu.memory_space<hbm>> -> memref<10112x64xf32, #tpu.memory_space<hbm>>
      %dma_start3A_212 = arith.constant 0 : i32
      %dma_start3A_213 = tpu.memref_slice %dma_start3A_211[%add3A_188, %dma_start3A_212] : memref<10112x64xf32, #tpu.memory_space<hbm>> -> memref<80x64xf32, #tpu.memory_space<hbm>>
      %dma_start3A_214 = arith.constant 0 : i32
      %dma_start3A_215 = arith.constant 0 : i32
      %dma_start3A_216 = tpu.memref_slice %arg19[%dma_start3A_214, %dma_start3A_215] : memref<80x64xf32, #tpu.memory_space<vmem>> -> memref<80x64xf32, #tpu.memory_space<vmem>>
      tpu.enqueue_dma source(%dma_start3A_216 : memref<80x64xf32, #tpu.memory_space<vmem>>) target(%dma_start3A_213 : memref<80x64xf32, #tpu.memory_space<hbm>>) target_semaphore(%run_scoped3A_199 : memref<!tpu.dma_semaphore, #tpu.memory_space<semaphore_mem>>)
      %dma_wait3A = arith.constant 0 : i32
      %dma_wait3A_217 = arith.constant 0 : i32
      %dma_wait3A_218 = tpu.memref_slice %arg19[%dma_wait3A, %dma_wait3A_217] : memref<80x64xf32, #tpu.memory_space<vmem>> -> memref<80x64xf32, #tpu.memory_space<vmem>>
      %dma_wait3A_219 = arith.constant 0 : i32
      %dma_wait3A_220 = arith.constant 0 : i32
      %dma_wait3A_221 = tpu.memref_slice %arg9[%run_scoped3A_189, %arg0, %dma_wait3A_219, %dma_wait3A_220] : memref<2x2x10112x64xf32, #tpu.memory_space<hbm>> -> memref<1x1x10112x64xf32, #tpu.memory_space<hbm>>
      %dma_wait3A_222 = tpu.memref_squeeze %dma_wait3A_221 : memref<1x1x10112x64xf32, #tpu.memory_space<hbm>> -> memref<10112x64xf32, #tpu.memory_space<hbm>>
      %dma_wait3A_223 = arith.constant 0 : i32
      %dma_wait3A_224 = tpu.memref_slice %dma_wait3A_222[%add3A_188, %dma_wait3A_223] : memref<10112x64xf32, #tpu.memory_space<hbm>> -> memref<80x64xf32, #tpu.memory_space<hbm>>
      %dma_wait3A_225 = arith.constant 0 : i32
      %dma_wait3A_226 = arith.constant 0 : i32
      %dma_wait3A_227 = tpu.memref_slice %arg9[%run_scoped3A_189, %arg0, %dma_wait3A_225, %dma_wait3A_226] : memref<2x2x10112x64xf32, #tpu.memory_space<hbm>> -> memref<1x1x10112x64xf32, #tpu.memory_space<hbm>>
      %dma_wait3A_228 = tpu.memref_squeeze %dma_wait3A_227 : memref<1x1x10112x64xf32, #tpu.memory_space<hbm>> -> memref<10112x64xf32, #tpu.memory_space<hbm>>
      %dma_wait3A_229 = arith.constant 0 : i32
      %dma_wait3A_230 = tpu.memref_slice %dma_wait3A_228[%add3A_188, %dma_wait3A_229] : memref<10112x64xf32, #tpu.memory_space<hbm>> -> memref<80x64xf32, #tpu.memory_space<hbm>>
      %dma_wait3A_231 = arith.constant 0 : i32
      %dma_wait3A_232 = arith.constant 0 : i32
      %dma_wait3A_233 = tpu.memref_slice %arg19[%dma_wait3A_231, %dma_wait3A_232] : memref<80x64xf32, #tpu.memory_space<vmem>> -> memref<80x64xf32, #tpu.memory_space<vmem>>
      tpu.wait_dma2 semaphore(%run_scoped3A_199 : memref<!tpu.dma_semaphore, #tpu.memory_space<semaphore_mem>>) src(%dma_wait3A_233 : memref<80x64xf32, #tpu.memory_space<vmem>>) dst(%dma_wait3A_230 : memref<80x64xf32, #tpu.memory_space<hbm>>)
      tpu.yield
    }) : () -> ()
    %add3A_190 = arith.constant 80 : i32
    %add3A_191 = arith.addi %add3A_188, %add3A_190 : i32
    "tpu.region"() ({
      %run_scoped3A_199 = tpu.sem_alloc : memref<!tpu.dma_semaphore, #tpu.memory_space<semaphore_mem>>
      %dma_start3A = arith.constant 0 : i32
      %dma_start3A_200 = arith.constant 0 : i32
      %dma_start3A_201 = tpu.memref_slice %arg19[%dma_start3A, %dma_start3A_200] : memref<80x64xf32, #tpu.memory_space<vmem>> -> memref<80x64xf32, #tpu.memory_space<vmem>>
      %dma_start3A_202 = arith.constant 0 : i32
      %dma_start3A_203 = tpu.memref_slice %arg22[%add3A_191, %dma_start3A_202] : memref<10112x64xf32, #tpu.memory_space<vmem_shared>> -> memref<80x64xf32, #tpu.memory_space<vmem_shared>>
      %dma_start3A_204 = arith.constant 0 : i32
      %dma_start3A_205 = arith.constant 0 : i32
      %dma_start3A_206 = tpu.memref_slice %arg19[%dma_start3A_204, %dma_start3A_205] : memref<80x64xf32, #tpu.memory_space<vmem>> -> memref<80x64xf32, #tpu.memory_space<vmem>>
      %dma_start3A_207 = arith.constant 0 : i32
      %dma_start3A_208 = tpu.memref_slice %arg22[%add3A_191, %dma_start3A_207] : memref<10112x64xf32, #tpu.memory_space<vmem_shared>> -> memref<80x64xf32, #tpu.memory_space<vmem_shared>>
      tpu.enqueue_dma source(%dma_start3A_208 : memref<80x64xf32, #tpu.memory_space<vmem_shared>>) target(%dma_start3A_206 : memref<80x64xf32, #tpu.memory_space<vmem>>) target_semaphore(%run_scoped3A_199 : memref<!tpu.dma_semaphore, #tpu.memory_space<semaphore_mem>>)
      %dma_wait3A = arith.constant 0 : i32
      %dma_wait3A_209 = arith.constant 0 : i32
      %dma_wait3A_210 = tpu.memref_slice %arg19[%dma_wait3A, %dma_wait3A_209] : memref<80x64xf32, #tpu.memory_space<vmem>> -> memref<80x64xf32, #tpu.memory_space<vmem>>
      %dma_wait3A_211 = arith.constant 0 : i32
      %dma_wait3A_212 = tpu.memref_slice %arg22[%add3A_191, %dma_wait3A_211] : memref<10112x64xf32, #tpu.memory_space<vmem_shared>> -> memref<80x64xf32, #tpu.memory_space<vmem_shared>>
      %dma_wait3A_213 = arith.constant 0 : i32
      %dma_wait3A_214 = arith.constant 0 : i32
      %dma_wait3A_215 = tpu.memref_slice %arg19[%dma_wait3A_213, %dma_wait3A_214] : memref<80x64xf32, #tpu.memory_space<vmem>> -> memref<80x64xf32, #tpu.memory_space<vmem>>
      %dma_wait3A_216 = arith.constant 0 : i32
      %dma_wait3A_217 = tpu.memref_slice %arg22[%add3A_191, %dma_wait3A_216] : memref<10112x64xf32, #tpu.memory_space<vmem_shared>> -> memref<80x64xf32, #tpu.memory_space<vmem_shared>>
      tpu.wait_dma2 semaphore(%run_scoped3A_199 : memref<!tpu.dma_semaphore, #tpu.memory_space<semaphore_mem>>) src(%dma_wait3A_217 : memref<80x64xf32, #tpu.memory_space<vmem_shared>>) dst(%dma_wait3A_215 : memref<80x64xf32, #tpu.memory_space<vmem>>)
      tpu.yield
    }) : () -> ()
    %run_scoped3A_192 = arith.constant 1 : i32
    "tpu.region"() ({
      %run_scoped3A_199 = tpu.sem_alloc : memref<!tpu.dma_semaphore, #tpu.memory_space<semaphore_mem>>
      %dma_start3A = arith.constant 0 : i32
      %dma_start3A_200 = arith.constant 0 : i32
      %dma_start3A_201 = tpu.memref_slice %arg19[%dma_start3A, %dma_start3A_200] : memref<80x64xf32, #tpu.memory_space<vmem>> -> memref<80x64xf32, #tpu.memory_space<vmem>>
      %dma_start3A_202 = arith.constant 0 : i32
      %dma_start3A_203 = arith.constant 0 : i32
      %dma_start3A_204 = tpu.memref_slice %arg9[%run_scoped3A_192, %arg0, %dma_start3A_202, %dma_start3A_203] : memref<2x2x10112x64xf32, #tpu.memory_space<hbm>> -> memref<1x1x10112x64xf32, #tpu.memory_space<hbm>>
      %dma_start3A_205 = tpu.memref_squeeze %dma_start3A_204 : memref<1x1x10112x64xf32, #tpu.memory_space<hbm>> -> memref<10112x64xf32, #tpu.memory_space<hbm>>
      %dma_start3A_206 = arith.constant 0 : i32
      %dma_start3A_207 = tpu.memref_slice %dma_start3A_205[%add3A_191, %dma_start3A_206] : memref<10112x64xf32, #tpu.memory_space<hbm>> -> memref<80x64xf32, #tpu.memory_space<hbm>>
      %dma_start3A_208 = arith.constant 0 : i32
      %dma_start3A_209 = arith.constant 0 : i32
      %dma_start3A_210 = tpu.memref_slice %arg9[%run_scoped3A_192, %arg0, %dma_start3A_208, %dma_start3A_209] : memref<2x2x10112x64xf32, #tpu.memory_space<hbm>> -> memref<1x1x10112x64xf32, #tpu.memory_space<hbm>>
      %dma_start3A_211 = tpu.memref_squeeze %dma_start3A_210 : memref<1x1x10112x64xf32, #tpu.memory_space<hbm>> -> memref<10112x64xf32, #tpu.memory_space<hbm>>
      %dma_start3A_212 = arith.constant 0 : i32
      %dma_start3A_213 = tpu.memref_slice %dma_start3A_211[%add3A_191, %dma_start3A_212] : memref<10112x64xf32, #tpu.memory_space<hbm>> -> memref<80x64xf32, #tpu.memory_space<hbm>>
      %dma_start3A_214 = arith.constant 0 : i32
      %dma_start3A_215 = arith.constant 0 : i32
      %dma_start3A_216 = tpu.memref_slice %arg19[%dma_start3A_214, %dma_start3A_215] : memref<80x64xf32, #tpu.memory_space<vmem>> -> memref<80x64xf32, #tpu.memory_space<vmem>>
      tpu.enqueue_dma source(%dma_start3A_216 : memref<80x64xf32, #tpu.memory_space<vmem>>) target(%dma_start3A_213 : memref<80x64xf32, #tpu.memory_space<hbm>>) target_semaphore(%run_scoped3A_199 : memref<!tpu.dma_semaphore, #tpu.memory_space<semaphore_mem>>)
      %dma_wait3A = arith.constant 0 : i32
      %dma_wait3A_217 = arith.constant 0 : i32
      %dma_wait3A_218 = tpu.memref_slice %arg19[%dma_wait3A, %dma_wait3A_217] : memref<80x64xf32, #tpu.memory_space<vmem>> -> memref<80x64xf32, #tpu.memory_space<vmem>>
      %dma_wait3A_219 = arith.constant 0 : i32
      %dma_wait3A_220 = arith.constant 0 : i32
      %dma_wait3A_221 = tpu.memref_slice %arg9[%run_scoped3A_192, %arg0, %dma_wait3A_219, %dma_wait3A_220] : memref<2x2x10112x64xf32, #tpu.memory_space<hbm>> -> memref<1x1x10112x64xf32, #tpu.memory_space<hbm>>
      %dma_wait3A_222 = tpu.memref_squeeze %dma_wait3A_221 : memref<1x1x10112x64xf32, #tpu.memory_space<hbm>> -> memref<10112x64xf32, #tpu.memory_space<hbm>>
      %dma_wait3A_223 = arith.constant 0 : i32
      %dma_wait3A_224 = tpu.memref_slice %dma_wait3A_222[%add3A_191, %dma_wait3A_223] : memref<10112x64xf32, #tpu.memory_space<hbm>> -> memref<80x64xf32, #tpu.memory_space<hbm>>
      %dma_wait3A_225 = arith.constant 0 : i32
      %dma_wait3A_226 = arith.constant 0 : i32
      %dma_wait3A_227 = tpu.memref_slice %arg9[%run_scoped3A_192, %arg0, %dma_wait3A_225, %dma_wait3A_226] : memref<2x2x10112x64xf32, #tpu.memory_space<hbm>> -> memref<1x1x10112x64xf32, #tpu.memory_space<hbm>>
      %dma_wait3A_228 = tpu.memref_squeeze %dma_wait3A_227 : memref<1x1x10112x64xf32, #tpu.memory_space<hbm>> -> memref<10112x64xf32, #tpu.memory_space<hbm>>
      %dma_wait3A_229 = arith.constant 0 : i32
      %dma_wait3A_230 = tpu.memref_slice %dma_wait3A_228[%add3A_191, %dma_wait3A_229] : memref<10112x64xf32, #tpu.memory_space<hbm>> -> memref<80x64xf32, #tpu.memory_space<hbm>>
      %dma_wait3A_231 = arith.constant 0 : i32
      %dma_wait3A_232 = arith.constant 0 : i32
      %dma_wait3A_233 = tpu.memref_slice %arg19[%dma_wait3A_231, %dma_wait3A_232] : memref<80x64xf32, #tpu.memory_space<vmem>> -> memref<80x64xf32, #tpu.memory_space<vmem>>
      tpu.wait_dma2 semaphore(%run_scoped3A_199 : memref<!tpu.dma_semaphore, #tpu.memory_space<semaphore_mem>>) src(%dma_wait3A_233 : memref<80x64xf32, #tpu.memory_space<vmem>>) dst(%dma_wait3A_230 : memref<80x64xf32, #tpu.memory_space<hbm>>)
      tpu.yield
    }) : () -> ()
    %add3A_193 = arith.constant 80 : i32
    %add3A_194 = arith.addi %add3A_191, %add3A_193 : i32
    "tpu.region"() ({
      %run_scoped3A_199 = tpu.sem_alloc : memref<!tpu.dma_semaphore, #tpu.memory_space<semaphore_mem>>
      %dma_start3A = arith.constant 0 : i32
      %dma_start3A_200 = arith.constant 0 : i32
      %dma_start3A_201 = tpu.memref_slice %arg19[%dma_start3A, %dma_start3A_200] : memref<80x64xf32, #tpu.memory_space<vmem>> -> memref<72x64xf32, #tpu.memory_space<vmem>>
      %dma_start3A_202 = arith.constant 0 : i32
      %dma_start3A_203 = tpu.memref_slice %arg22[%add3A_194, %dma_start3A_202] : memref<10112x64xf32, #tpu.memory_space<vmem_shared>> -> memref<72x64xf32, #tpu.memory_space<vmem_shared>>
      %dma_start3A_204 = arith.constant 0 : i32
      %dma_start3A_205 = arith.constant 0 : i32
      %dma_start3A_206 = tpu.memref_slice %arg19[%dma_start3A_204, %dma_start3A_205] : memref<80x64xf32, #tpu.memory_space<vmem>> -> memref<72x64xf32, #tpu.memory_space<vmem>>
      %dma_start3A_207 = arith.constant 0 : i32
      %dma_start3A_208 = tpu.memref_slice %arg22[%add3A_194, %dma_start3A_207] : memref<10112x64xf32, #tpu.memory_space<vmem_shared>> -> memref<72x64xf32, #tpu.memory_space<vmem_shared>>
      tpu.enqueue_dma source(%dma_start3A_208 : memref<72x64xf32, #tpu.memory_space<vmem_shared>>) target(%dma_start3A_206 : memref<72x64xf32, #tpu.memory_space<vmem>>) target_semaphore(%run_scoped3A_199 : memref<!tpu.dma_semaphore, #tpu.memory_space<semaphore_mem>>)
      %dma_wait3A = arith.constant 0 : i32
      %dma_wait3A_209 = arith.constant 0 : i32
      %dma_wait3A_210 = tpu.memref_slice %arg19[%dma_wait3A, %dma_wait3A_209] : memref<80x64xf32, #tpu.memory_space<vmem>> -> memref<72x64xf32, #tpu.memory_space<vmem>>
      %dma_wait3A_211 = arith.constant 0 : i32
      %dma_wait3A_212 = tpu.memref_slice %arg22[%add3A_194, %dma_wait3A_211] : memref<10112x64xf32, #tpu.memory_space<vmem_shared>> -> memref<72x64xf32, #tpu.memory_space<vmem_shared>>
      %dma_wait3A_213 = arith.constant 0 : i32
      %dma_wait3A_214 = arith.constant 0 : i32
      %dma_wait3A_215 = tpu.memref_slice %arg19[%dma_wait3A_213, %dma_wait3A_214] : memref<80x64xf32, #tpu.memory_space<vmem>> -> memref<72x64xf32, #tpu.memory_space<vmem>>
      %dma_wait3A_216 = arith.constant 0 : i32
      %dma_wait3A_217 = tpu.memref_slice %arg22[%add3A_194, %dma_wait3A_216] : memref<10112x64xf32, #tpu.memory_space<vmem_shared>> -> memref<72x64xf32, #tpu.memory_space<vmem_shared>>
      tpu.wait_dma2 semaphore(%run_scoped3A_199 : memref<!tpu.dma_semaphore, #tpu.memory_space<semaphore_mem>>) src(%dma_wait3A_217 : memref<72x64xf32, #tpu.memory_space<vmem_shared>>) dst(%dma_wait3A_215 : memref<72x64xf32, #tpu.memory_space<vmem>>)
      tpu.yield
    }) : () -> ()
    %run_scoped3A_195 = arith.constant 1 : i32
    "tpu.region"() ({
      %run_scoped3A_199 = tpu.sem_alloc : memref<!tpu.dma_semaphore, #tpu.memory_space<semaphore_mem>>
      %dma_start3A = arith.constant 0 : i32
      %dma_start3A_200 = arith.constant 0 : i32
      %dma_start3A_201 = tpu.memref_slice %arg19[%dma_start3A, %dma_start3A_200] : memref<80x64xf32, #tpu.memory_space<vmem>> -> memref<72x64xf32, #tpu.memory_space<vmem>>
      %dma_start3A_202 = arith.constant 0 : i32
      %dma_start3A_203 = arith.constant 0 : i32
      %dma_start3A_204 = tpu.memref_slice %arg9[%run_scoped3A_195, %arg0, %dma_start3A_202, %dma_start3A_203] : memref<2x2x10112x64xf32, #tpu.memory_space<hbm>> -> memref<1x1x10112x64xf32, #tpu.memory_space<hbm>>
      %dma_start3A_205 = tpu.memref_squeeze %dma_start3A_204 : memref<1x1x10112x64xf32, #tpu.memory_space<hbm>> -> memref<10112x64xf32, #tpu.memory_space<hbm>>
      %dma_start3A_206 = arith.constant 0 : i32
      %dma_start3A_207 = tpu.memref_slice %dma_start3A_205[%add3A_194, %dma_start3A_206] : memref<10112x64xf32, #tpu.memory_space<hbm>> -> memref<72x64xf32, #tpu.memory_space<hbm>>
      %dma_start3A_208 = arith.constant 0 : i32
      %dma_start3A_209 = arith.constant 0 : i32
      %dma_start3A_210 = tpu.memref_slice %arg9[%run_scoped3A_195, %arg0, %dma_start3A_208, %dma_start3A_209] : memref<2x2x10112x64xf32, #tpu.memory_space<hbm>> -> memref<1x1x10112x64xf32, #tpu.memory_space<hbm>>
      %dma_start3A_211 = tpu.memref_squeeze %dma_start3A_210 : memref<1x1x10112x64xf32, #tpu.memory_space<hbm>> -> memref<10112x64xf32, #tpu.memory_space<hbm>>
      %dma_start3A_212 = arith.constant 0 : i32
      %dma_start3A_213 = tpu.memref_slice %dma_start3A_211[%add3A_194, %dma_start3A_212] : memref<10112x64xf32, #tpu.memory_space<hbm>> -> memref<72x64xf32, #tpu.memory_space<hbm>>
      %dma_start3A_214 = arith.constant 0 : i32
      %dma_start3A_215 = arith.constant 0 : i32
      %dma_start3A_216 = tpu.memref_slice %arg19[%dma_start3A_214, %dma_start3A_215] : memref<80x64xf32, #tpu.memory_space<vmem>> -> memref<72x64xf32, #tpu.memory_space<vmem>>
      tpu.enqueue_dma source(%dma_start3A_216 : memref<72x64xf32, #tpu.memory_space<vmem>>) target(%dma_start3A_213 : memref<72x64xf32, #tpu.memory_space<hbm>>) target_semaphore(%run_scoped3A_199 : memref<!tpu.dma_semaphore, #tpu.memory_space<semaphore_mem>>)
      %dma_wait3A = arith.constant 0 : i32
      %dma_wait3A_217 = arith.constant 0 : i32
      %dma_wait3A_218 = tpu.memref_slice %arg19[%dma_wait3A, %dma_wait3A_217] : memref<80x64xf32, #tpu.memory_space<vmem>> -> memref<72x64xf32, #tpu.memory_space<vmem>>
      %dma_wait3A_219 = arith.constant 0 : i32
      %dma_wait3A_220 = arith.constant 0 : i32
      %dma_wait3A_221 = tpu.memref_slice %arg9[%run_scoped3A_195, %arg0, %dma_wait3A_219, %dma_wait3A_220] : memref<2x2x10112x64xf32, #tpu.memory_space<hbm>> -> memref<1x1x10112x64xf32, #tpu.memory_space<hbm>>
      %dma_wait3A_222 = tpu.memref_squeeze %dma_wait3A_221 : memref<1x1x10112x64xf32, #tpu.memory_space<hbm>> -> memref<10112x64xf32, #tpu.memory_space<hbm>>
      %dma_wait3A_223 = arith.constant 0 : i32
      %dma_wait3A_224 = tpu.memref_slice %dma_wait3A_222[%add3A_194, %dma_wait3A_223] : memref<10112x64xf32, #tpu.memory_space<hbm>> -> memref<72x64xf32, #tpu.memory_space<hbm>>
      %dma_wait3A_225 = arith.constant 0 : i32
      %dma_wait3A_226 = arith.constant 0 : i32
      %dma_wait3A_227 = tpu.memref_slice %arg9[%run_scoped3A_195, %arg0, %dma_wait3A_225, %dma_wait3A_226] : memref<2x2x10112x64xf32, #tpu.memory_space<hbm>> -> memref<1x1x10112x64xf32, #tpu.memory_space<hbm>>
      %dma_wait3A_228 = tpu.memref_squeeze %dma_wait3A_227 : memref<1x1x10112x64xf32, #tpu.memory_space<hbm>> -> memref<10112x64xf32, #tpu.memory_space<hbm>>
      %dma_wait3A_229 = arith.constant 0 : i32
      %dma_wait3A_230 = tpu.memref_slice %dma_wait3A_228[%add3A_194, %dma_wait3A_229] : memref<10112x64xf32, #tpu.memory_space<hbm>> -> memref<72x64xf32, #tpu.memory_space<hbm>>
      %dma_wait3A_231 = arith.constant 0 : i32
      %dma_wait3A_232 = arith.constant 0 : i32
      %dma_wait3A_233 = tpu.memref_slice %arg19[%dma_wait3A_231, %dma_wait3A_232] : memref<80x64xf32, #tpu.memory_space<vmem>> -> memref<72x64xf32, #tpu.memory_space<vmem>>
      tpu.wait_dma2 semaphore(%run_scoped3A_199 : memref<!tpu.dma_semaphore, #tpu.memory_space<semaphore_mem>>) src(%dma_wait3A_233 : memref<72x64xf32, #tpu.memory_space<vmem>>) dst(%dma_wait3A_230 : memref<72x64xf32, #tpu.memory_space<hbm>>)
      tpu.yield
    }) : () -> ()
    %add3A_196 = arith.constant 72 : i32
    %add3A_197 = arith.addi %add3A_194, %add3A_196 : i32
    %barrier3A_198 = arith.constant 0 : index
    tpu.barrier barrier_id(%barrier3A_198)
    return
  }
}

module attributes {stable_mosaic.version = 14 : i64} {
  func.func @_mm_body(%arg0: i32, %arg1: memref<1000x128xf32, #tpu.memory_space<vmem>>, %arg2: memref<128x128xf32, #tpu.memory_space<vmem>>, %arg3: memref<1000x128xf32, #tpu.memory_space<vmem>>) attributes {dimension_semantics = [#tpu.dimension_semantics<arbitrary>], iteration_bounds = array<i64: 10>, scalar_prefetch = 0 : i64, scratch_operands = 0 : i64, tpu.core_type = #tpu.core_type<tc>, window_params = [{transform_indices = @transform_0, window_bounds = array<i64: 1000, 128>}, {pipeline_mode = #tpu.pipeline_mode<synchronous>, transform_indices = @transform_1, window_bounds = array<i64: 128, 128>}, {transform_indices = @transform_2, window_bounds = array<i64: 1000, 128>}]} {
    %get3A = arith.constant 0 : index
    %get3A_0 = arith.constant 0 : index
    %get3A_1 = vector.load %arg1[%get3A, %get3A_0] : memref<1000x128xf32, #tpu.memory_space<vmem>>, vector<1000x128xf32>
    %get3A_2 = arith.constant 0 : index
    %get3A_3 = arith.constant 0 : index
    %get3A_4 = vector.load %arg2[%get3A_2, %get3A_3] : memref<128x128xf32, #tpu.memory_space<vmem>>, vector<128x128xf32>
    %dot_general3A = arith.constant dense<0.000000e+00> : vector<1000x128xf32>
    %dot_general3A_5 = tpu.matmul %get3A_1, %get3A_4, %dot_general3A {dimension_numbers = #tpu.dot_dimension_numbers<[1], [0], [0], [1], [0, 0, 1, 1], [], []>, transpose_lhs_hint = false} : vector<1000x128xf32>, vector<128x128xf32>, vector<1000x128xf32> -> vector<1000x128xf32>
    %swap3A = arith.constant 0 : index
    %swap3A_6 = arith.constant 0 : index
    %swap3A_7 = vector.load %arg3[%swap3A, %swap3A_6] : memref<1000x128xf32, #tpu.memory_space<vmem>>, vector<1000x128xf32>
    tpu.vector_store %arg3[%swap3A, %swap3A_6], %dot_general3A_5 {strides = array<i32>} : memref<1000x128xf32, #tpu.memory_space<vmem>>, vector<1000x128xf32>,
    return
  }
  func.func @transform_0(%arg0: i32) -> (i32, i32) {
    %c0_i32 = arith.constant 0 : i32
    %c0_i32_0 = arith.constant 0 : i32
    return %arg0, %c0_i32 : i32, i32
  }
  func.func @transform_1(%arg0: i32) -> (i32, i32) {
    %c0_i32 = arith.constant 0 : i32
    %c0_i32_0 = arith.constant 0 : i32
    %c0_i32_1 = arith.constant 0 : i32
    return %c0_i32, %c0_i32_0 : i32, i32
  }
  func.func @transform_2(%arg0: i32) -> (i32, i32) {
    %c0_i32 = arith.constant 0 : i32
    %c0_i32_0 = arith.constant 0 : i32
    return %arg0, %c0_i32 : i32, i32
  }
}

module attributes {stable_mosaic.version = 14 : i64} {
  func.func @_mid_body(%arg0: i32, %arg1: memref<1000x64xf32, #tpu.memory_space<vmem>>, %arg2: memref<1000x64xf32, #tpu.memory_space<vmem>>, %arg3: memref<1000x64xf32, #tpu.memory_space<vmem>>, %arg4: memref<1000x64xf32, #tpu.memory_space<vmem>>, %arg5: memref<1x128xf32, #tpu.memory_space<vmem>>, %arg6: memref<128x64xf32, #tpu.memory_space<vmem>>, %arg7: memref<1000x128xf32, #tpu.memory_space<vmem>>, %arg8: memref<1000x64xf32, #tpu.memory_space<vmem>>) attributes {dimension_semantics = [#tpu.dimension_semantics<arbitrary>], iteration_bounds = array<i64: 10>, scalar_prefetch = 0 : i64, scratch_operands = 0 : i64, tpu.core_type = #tpu.core_type<tc>, window_params = [{transform_indices = @transform_0, window_bounds = array<i64: 1000, 64>}, {transform_indices = @transform_1, window_bounds = array<i64: 1000, 64>}, {transform_indices = @transform_2, window_bounds = array<i64: 1000, 64>}, {transform_indices = @transform_3, window_bounds = array<i64: 1000, 64>}, {pipeline_mode = #tpu.pipeline_mode<synchronous>, transform_indices = @transform_4, window_bounds = array<i64: 1, 128>}, {pipeline_mode = #tpu.pipeline_mode<synchronous>, transform_indices = @transform_5, window_bounds = array<i64: 128, 64>}, {transform_indices = @transform_6, window_bounds = array<i64: 1000, 128>}, {transform_indices = @transform_7, window_bounds = array<i64: 1000, 64>}]} {
    %get3A = arith.constant 0 : index
    %get3A_0 = arith.constant 0 : index
    %get3A_1 = vector.load %arg1[%get3A, %get3A_0] : memref<1000x64xf32, #tpu.memory_space<vmem>>, vector<1000x64xf32>
    %get3A_2 = arith.constant 0 : index
    %get3A_3 = arith.constant 0 : index
    %get3A_4 = vector.load %arg2[%get3A_2, %get3A_3] : memref<1000x64xf32, #tpu.memory_space<vmem>>, vector<1000x64xf32>
    %add3A = arith.addf %get3A_1, %get3A_4 : vector<1000x64xf32>
    %get3A_5 = arith.constant 0 : index
    %get3A_6 = arith.constant 0 : index
    %get3A_7 = vector.load %arg3[%get3A_5, %get3A_6] : memref<1000x64xf32, #tpu.memory_space<vmem>>, vector<1000x64xf32>
    %get3A_8 = arith.constant 0 : index
    %get3A_9 = arith.constant 0 : index
    %get3A_10 = vector.load %arg4[%get3A_8, %get3A_9] : memref<1000x64xf32, #tpu.memory_space<vmem>>, vector<1000x64xf32>
    %add3A_11 = arith.addf %get3A_7, %get3A_10 : vector<1000x64xf32>
    %concatenate3A = tpu.concatenate %add3A, %add3A_11 in 1 : vector<1000x64xf32>, vector<1000x64xf32> -> vector<1000x128xf32>
    %get3A_12 = arith.constant 0 : index
    %get3A_13 = arith.constant 0 : index
    %get3A_14 = vector.load %arg5[%get3A_12, %get3A_13] : memref<1x128xf32, #tpu.memory_space<vmem>>, vector<1x128xf32>
    %add3A_15 = vector.broadcast %get3A_14 : vector<1x128xf32> to vector<1000x128xf32>
    %add3A_16 = arith.addf %concatenate3A, %add3A_15 : vector<1000x128xf32>
    %swap3A = arith.constant 0 : index
    %swap3A_17 = arith.constant 0 : index
    %swap3A_18 = vector.load %arg7[%swap3A, %swap3A_17] : memref<1000x128xf32, #tpu.memory_space<vmem>>, vector<1000x128xf32>
    tpu.vector_store %arg7[%swap3A, %swap3A_17], %add3A_16 {strides = array<i32>} : memref<1000x128xf32, #tpu.memory_space<vmem>>, vector<1000x128xf32>,
    %max3A = arith.constant 0.000000e+00 : f32
    %max3A_19 = vector.broadcast %max3A : f32 to vector<1000x128xf32>
    %max3A_20 = arith.maximumf %add3A_16, %max3A_19 : vector<1000x128xf32>
    %get3A_21 = arith.constant 0 : index
    %get3A_22 = arith.constant 0 : index
    %get3A_23 = vector.load %arg6[%get3A_21, %get3A_22] : memref<128x64xf32, #tpu.memory_space<vmem>>, vector<128x64xf32>
    %dot_general3A = arith.constant dense<0.000000e+00> : vector<1000x64xf32>
    %dot_general3A_24 = tpu.matmul %max3A_20, %get3A_23, %dot_general3A {dimension_numbers = #tpu.dot_dimension_numbers<[1], [0], [0], [1], [0, 0, 1, 1], [], []>, transpose_lhs_hint = false} : vector<1000x128xf32>, vector<128x64xf32>, vector<1000x64xf32> -> vector<1000x64xf32>
    %swap3A_25 = arith.constant 0 : index
    %swap3A_26 = arith.constant 0 : index
    %swap3A_27 = vector.load %arg8[%swap3A_25, %swap3A_26] : memref<1000x64xf32, #tpu.memory_space<vmem>>, vector<1000x64xf32>
    tpu.vector_store %arg8[%swap3A_25, %swap3A_26], %dot_general3A_24 {strides = array<i32>} : memref<1000x64xf32, #tpu.memory_space<vmem>>, vector<1000x64xf32>,
    return
  }
  func.func @transform_0(%arg0: i32) -> (i32, i32) {
    %c0_i32 = arith.constant 0 : i32
    %c0_i32_0 = arith.constant 0 : i32
    return %arg0, %c0_i32 : i32, i32
  }
  func.func @transform_1(%arg0: i32) -> (i32, i32) {
    %c0_i32 = arith.constant 0 : i32
    %c0_i32_0 = arith.constant 0 : i32
    return %arg0, %c0_i32 : i32, i32
  }
  func.func @transform_2(%arg0: i32) -> (i32, i32) {
    %c0_i32 = arith.constant 0 : i32
    %c0_i32_0 = arith.constant 0 : i32
    return %arg0, %c0_i32 : i32, i32
  }
  func.func @transform_3(%arg0: i32) -> (i32, i32) {
    %c0_i32 = arith.constant 0 : i32
    %c0_i32_0 = arith.constant 0 : i32
    return %arg0, %c0_i32 : i32, i32
  }
  func.func @transform_4(%arg0: i32) -> (i32, i32) {
    %c0_i32 = arith.constant 0 : i32
    %c0_i32_0 = arith.constant 0 : i32
    %c0_i32_1 = arith.constant 0 : i32
    return %c0_i32, %c0_i32_0 : i32, i32
  }
  func.func @transform_5(%arg0: i32) -> (i32, i32) {
    %c0_i32 = arith.constant 0 : i32
    %c0_i32_0 = arith.constant 0 : i32
    %c0_i32_1 = arith.constant 0 : i32
    return %c0_i32, %c0_i32_0 : i32, i32
  }
  func.func @transform_6(%arg0: i32) -> (i32, i32) {
    %c0_i32 = arith.constant 0 : i32
    %c0_i32_0 = arith.constant 0 : i32
    return %arg0, %c0_i32 : i32, i32
  }
  func.func @transform_7(%arg0: i32) -> (i32, i32) {
    %c0_i32 = arith.constant 0 : i32
    %c0_i32_0 = arith.constant 0 : i32
    return %arg0, %c0_i32 : i32, i32
  }
}

module attributes {stable_mosaic.version = 14 : i64} {
  func.func @_out_body(%arg0: i32, %arg1: memref<1000x64xf32, #tpu.memory_space<vmem>>, %arg2: memref<1000x64xf32, #tpu.memory_space<vmem>>, %arg3: memref<1x64xf32, #tpu.memory_space<vmem>>, %arg4: memref<1000x64xf32, #tpu.memory_space<vmem>>) attributes {dimension_semantics = [#tpu.dimension_semantics<arbitrary>], iteration_bounds = array<i64: 10>, scalar_prefetch = 0 : i64, scratch_operands = 0 : i64, tpu.core_type = #tpu.core_type<tc>, window_params = [{transform_indices = @transform_0, window_bounds = array<i64: 1000, 64>}, {transform_indices = @transform_1, window_bounds = array<i64: 1000, 64>}, {pipeline_mode = #tpu.pipeline_mode<synchronous>, transform_indices = @transform_2, window_bounds = array<i64: 1, 64>}, {transform_indices = @transform_3, window_bounds = array<i64: 1000, 64>}]} {
    %get3A = arith.constant 0 : index
    %get3A_0 = arith.constant 0 : index
    %get3A_1 = vector.load %arg1[%get3A, %get3A_0] : memref<1000x64xf32, #tpu.memory_space<vmem>>, vector<1000x64xf32>
    %get3A_2 = arith.constant 0 : index
    %get3A_3 = arith.constant 0 : index
    %get3A_4 = vector.load %arg2[%get3A_2, %get3A_3] : memref<1000x64xf32, #tpu.memory_space<vmem>>, vector<1000x64xf32>
    %add3A = arith.addf %get3A_1, %get3A_4 : vector<1000x64xf32>
    %get3A_5 = arith.constant 0 : index
    %get3A_6 = arith.constant 0 : index
    %get3A_7 = vector.load %arg3[%get3A_5, %get3A_6] : memref<1x64xf32, #tpu.memory_space<vmem>>, vector<1x64xf32>
    %add3A_8 = vector.broadcast %get3A_7 : vector<1x64xf32> to vector<1000x64xf32>
    %add3A_9 = arith.addf %add3A, %add3A_8 : vector<1000x64xf32>
    %swap3A = arith.constant 0 : index
    %swap3A_10 = arith.constant 0 : index
    %swap3A_11 = vector.load %arg4[%swap3A, %swap3A_10] : memref<1000x64xf32, #tpu.memory_space<vmem>>, vector<1000x64xf32>
    tpu.vector_store %arg4[%swap3A, %swap3A_10], %add3A_9 {strides = array<i32>} : memref<1000x64xf32, #tpu.memory_space<vmem>>, vector<1000x64xf32>,
    return
  }
  func.func @transform_0(%arg0: i32) -> (i32, i32) {
    %c0_i32 = arith.constant 0 : i32
    %c0_i32_0 = arith.constant 0 : i32
    return %arg0, %c0_i32 : i32, i32
  }
  func.func @transform_1(%arg0: i32) -> (i32, i32) {
    %c0_i32 = arith.constant 0 : i32
    %c0_i32_0 = arith.constant 0 : i32
    return %arg0, %c0_i32 : i32, i32
  }
  func.func @transform_2(%arg0: i32) -> (i32, i32) {
    %c0_i32 = arith.constant 0 : i32
    %c0_i32_0 = arith.constant 0 : i32
    %c0_i32_1 = arith.constant 0 : i32
    return %c0_i32, %c0_i32_0 : i32, i32
  }
  func.func @transform_3(%arg0: i32) -> (i32, i32) {
    %c0_i32 = arith.constant 0 : i32
    %c0_i32_0 = arith.constant 0 : i32
    return %arg0, %c0_i32 : i32, i32
  }
}

</mosaic_0001>

<sc_bundles>
// kernel: gcn_sc_layer1.3.cloned.1.call-start
scs
__scs_entry_jumppad:
0x0: {  	(pc) =	sbr.rel $0x88, $3  }
0x1: {  	(tag) =	ssettag $0x0;
	lr =	simm.s32 $0x1  }
0x2: {  	[smem:$0x3F9A] =	sst lr;
	_ =	strace $0xD0000000  }
0x3: {  	_ = 	snop  }
0x4: {  	_ = 	snop  }
0x5: {  	_ = 	snop  }
0x6: {  	_ = 	snop  }
0x7: {  	_ = 	snop  }
__scs_overlays_trampoline_lowered:
0x8: {  	[smem:$0x3FA9] =	sst s0  }
0x9: {  	[smem:$0x3FAA] =	sst s1  }
0xa: {  	[smem:$0x3FAB] =	sst s2  }
0xb: {  	[smem:$0x3FAC] =	sst s3  }
0xc: {  	[smem:$0x3FAD] =	sst s4  }
0xd: {  	[smem:$0x3FAE] =	sst s5  }
0xe: {  	[smem:$0x3FAF] =	sst s6  }
0xf: {  	[smem:$0x3FB0] =	sst s7  }
0x10: {  	[smem:$0x3FB1] =	sst s8  }
0x11: {  	[smem:$0x3FB2] =	sst s9;
	s0 =	simm.s32 @!p0 $0x0  }
0x12: {  	s1 =	sld [smem:$0x3F98];
	s0 =	simm.s32 @p0 $0x1  }
0x13: {  	[smem:$0x3FB3] =	sst s0;
	s0 =	simm.s32 @!p1 $0x0  }
0x14: {  	s2 =	sld [smem:$0x3F97];
	s0 =	simm.s32 @p1 $0x1  }
0x15: {  	[smem:$0x3FB4] =	sst s0;
	s0 =	simm.s32 @!p2 $0x0  }
0x16: {  	s3 =	sld [smem:$0x3FDB];
	s0 =	simm.s32 @p2 $0x1  }
0x17: {  	s4 =	simm.s32 $0x1BF5;
	[smem:$0x3FB6] =	sst s0  }
0x18: {  	s0 =	sld [smem:$0x3F99];
	_ =	swait.ge [sflag:s4], $0x0  }
0x19: {  	s7 =	sld [smem:$0x3F9A]  }
0x1a: {  	s8 =	sadd.s32 $0xFFFFE003, lr  }
0x1b: {  	s9 =	sadd.s32 $0xFFFFFEF7, lr;
	s5 =	simm.s32 $0xFFFFFFFF;
	p2 =	slt.u32 s8, $0xFFFFF086  }
0x1c: {  	p1 =	slt.u32 s9, $0xF7A;
	s5 =	simm.s32 @!p2 $0x0  }
0x1d: {  	s5 =	simm.s32 @p1 $0x1;
	p0 =	seq.s32 s7, s2  }
0x1e: {  	s7 =	smul.u32 @!p0 $0xF7A, s2;
	p2 =	seq.s32 @!p0 s5, $0x0  }
0x1f: {  	s9 =	smul.u32 $0xF7A, s1;
	s8 =	simm.s32 @!p0 $0x1BF5;
	p2 =	por !p2, p0  }
0x20: {  	[sflag:s8] =	ssyncset.s32 @!p0 $0xFFFFF086;
	s6 =	sadd.s32 @!p0 s3, s7;
	s7 =	simm.s32 @!p0 $0x108  }
0x21: {  	s3 =	sadd.s32 s3, s9;
	s6 =	sadd.s32 @!p0 $0x88, s6;
	s7 =	simm.s32 @p2 $0x1082  }
0x22: {  	[simem:s7], [sflag:s8] =	dma.local @!p0 [hbm:s6], $0xF7A  }
0x23: {  	s9 =	sor.u32 $0xD0000000, s2;
	s6 =	simm.s32 $0x108;
	_ =	swait.ge @!p0 [sflag:s8], $0x0  }
0x24: {  	s3 =	sadd.s32 $0x88, s3;
	s6 =	simm.s32 @!p1 $0x1082;
	[sflag:s4] =	ssyncset.s32 $0xFFFFF086  }
0x25: {  	[simem:s6], [sflag:s4] =	dma.local [hbm:s3], $0xF7A  }
0x26: {  	[smem:$0x3F9A] =	sst s1;
	(tag) =	ssettag s2;
	_ =	strace s9  }
0x27: {  	s1 =	sld [smem:$0x3FAA]  }
0x28: {  	s2 =	sld [smem:$0x3FAB]  }
0x29: {  	s4 =	sld [smem:$0x3FAD]  }
0x2a: {  	p0 =	seq.s32 s5, $0x0;
	s5 =	sld [smem:$0x3FAE]  }
0x2b: {  	s6 =	sld [smem:$0x3FAF]  }
0x2c: {  	s7 =	sld [smem:$0x3FB0]  }
0x2d: {  	s3 =	simm.s32 $0x108;
	s8 =	sld [smem:$0x3FB1]  }
0x2e: {  	s3 =	simm.s32 @!p0 $0x1082;
	s9 =	sld [smem:$0x3FB2]  }
0x2f: {  	lr =	sadd.s32 s0, s3;
	s0 =	sld [smem:$0x3FA9]  }
0x30: {  	s3 =	sld [smem:$0x3FAC]  }
0x31: {  	[smem:$0x3FB5] =	sst s10  }
0x32: {  	s10 =	sld [smem:$0x3FB3];
	_ =	sdelay $0x3  }
0x33: {  	p0 =	seq.s32 s10, $0x1;
	s10 =	sld [smem:$0x3FB5];
	_ =	sdelay $0x3  }
0x34: {  	[smem:$0x3FB5] =	sst s10  }
0x35: {  	s10 =	sld [smem:$0x3FB4];
	_ =	sdelay $0x3  }
0x36: {  	p1 =	seq.s32 s10, $0x1;
	s10 =	sld [smem:$0x3FB5];
	_ =	sdelay $0x3  }
0x37: {  	[smem:$0x3FB5] =	sst s10  }
0x38: {  	s10 =	sld [smem:$0x3FB6]  }
0x39: {  	_ = 	snop;
	(pc) =	sbr.ind lr, $3  }
0x3a: {  	_ = 	snop  }
0x3b: {  	_ = 	snop  }
0x3c: {  	p2 =	seq.s32 s10, $0x1;
	s10 =	sld [smem:$0x3FB5]  }
0x3d: {  	_ =	shalt  }
0x3e: {  	_ =	shalt  }
0x3f: {  	_ =	shalt  }
0x40: {  	_ =	shalt  }
0x41: {  	_ =	shalt  }
0x42: {  	_ =	shalt  }
0x43: {  	_ =	shalt  }
0x44: {  	_ =	shalt  }
0x45: {  	_ =	shalt  }
0x46: {  	_ =	shalt  }
0x47: {  	_ =	shalt  }
0x48: {  	_ =	shalt  }
0x49: {  	_ =	shalt  }
0x4a: {  	_ =	shalt  }
0x4b: {  	_ =	shalt  }
0x4c: {  	_ =	shalt  }
0x4d: {  	_ =	shalt  }
0x4e: {  	_ =	shalt  }
0x4f: {  	_ =	shalt  }
0x50: {  	_ =	shalt  }
0x51: {  	_ =	shalt  }
0x52: {  	_ =	shalt  }
0x53: {  	_ =	shalt  }
0x54: {  	_ =	shalt  }
0x55: {  	_ =	shalt  }
0x56: {  	_ =	shalt  }
0x57: {  	_ =	shalt  }
0x58: {  	_ =	shalt  }
0x59: {  	_ =	shalt  }
0x5a: {  	_ =	shalt  }
0x5b: {  	_ =	shalt  }
0x5c: {  	_ =	shalt  }
0x5d: {  	_ =	shalt  }
0x5e: {  	_ =	shalt  }
0x5f: {  	_ =	shalt  }
0x60: {  	_ =	shalt  }
0x61: {  	_ =	shalt  }
0x62: {  	_ =	shalt  }
0x63: {  	_ =	shalt  }
0x64: {  	_ =	shalt  }
0x65: {  	_ =	shalt  }
0x66: {  	_ =	shalt  }
0x67: {  	_ =	shalt  }
0x68: {  	_ =	shalt  }
0x69: {  	_ =	shalt  }
0x6a: {  	_ =	shalt  }
0x6b: {  	_ =	shalt  }
0x6c: {  	_ =	shalt  }
0x6d: {  	_ =	shalt  }
0x6e: {  	_ =	shalt  }
0x6f: {  	_ =	shalt  }
0x70: {  	_ =	shalt  }
0x71: {  	_ =	shalt  }
0x72: {  	_ =	shalt  }
0x73: {  	_ =	shalt  }
0x74: {  	_ =	shalt  }
0x75: {  	_ =	shalt  }
0x76: {  	_ =	shalt  }
0x77: {  	_ =	shalt  }
0x78: {  	_ =	shalt  }
0x79: {  	_ =	shalt  }
0x7a: {  	_ =	shalt  }
0x7b: {  	_ =	shalt  }
0x7c: {  	_ =	shalt  }
0x7d: {  	_ =	shalt  }
0x7e: {  	_ =	shalt  }
0x7f: {  	_ =	shalt  }
0x80: {  	_ =	shalt  }
0x81: {  	_ =	shalt  }
0x82: {  	_ =	shalt  }
0x83: {  	_ =	shalt  }
0x84: {  	_ =	shalt  }
0x85: {  	_ =	shalt  }
0x86: {  	_ =	shalt  }
0x87: {  	_ =	shalt  }
.Lfunc_end0:
.L_simem_size_0:
called_computation_lowered:
.L_overlay_start_0:
0x88: {  	s2 =	sld [smem:$0x3FD9]  }
0x89: {  	s3 =	sld [smem:$0x3FFE];
	_ =	sdelay $0x1  }
0x8a: {  	s1 =	srdreg.scid  }
0x8b: {  	s0 =	sand.u32 $0x1, s1  }
0x8c: {  	s14 =	sshll.u32 s0, $0xA;
	s2 =	sadd.s32 s3, s2  }
0x8d: {  	s2 =	sadd.s32 s2, s14  }
0x8e: {  	[smem:$0x3FC1] =	sst s2  }
0x8f: {  	_ = 	snop  }
0x90: {  	s2 =	sld [smem:$0x3FD0];
	_ =	sdelay $0x2  }
0x91: {  	s15 =	simm.s32 $0xA;
	s4 =	simm.s32 $0x10  }
0x92: {  	[smem:s4], [sflag:s15] =	dma.local [hbm:s2], $0x1  }
0x93: {  	_ =	swait.eq [sflag:s15], $0x1  }
0x94: {  	[sflag:s15] =	ssyncset.done $0x0  }
0x95: {  	s16 =	sld [smem:$0x10];
	[sflag:s15] =	ssyncadd.s32 $0xFFFFFFFF  }
0x96: {  	s17 =	sld [smem:$0x11];
	(tm) =	ssettm $0x1  }
0x97: {  	s18 =	sld [smem:$0x3FFB];
	_ =	sdelay $0x3  }
0x98: {  	_ =	strace s18  }
0x99: {  	s4 =	sld [smem:$0x3FFC];
	_ =	sdelay $0x3  }
0x9a: {  	_ =	strace s4  }
0x9b: {  	s4 =	sld [smem:$0x3FFD];
	_ =	sdelay $0x3  }
0x9c: {  	_ =	strace s4  }
0x9d: {  	_ =	strace $0x8FFFFFFF  }
0x9e: {  	s19 =	sld [smem:$0x3FDB];
	_ =	sdelay $0x1  }
0x9f: {  	s5 =	simm.s32 $_scs_section_size  }
0xa0: {  	s6 =	simm.s32 $_size__tile_overlayer_lowered;
	s7 =	simm.s32 $_tile_overlayer_lowered  }
0xa1: {  	s22 =	simm.s32 $0x1BFF;
	s21 =	sshll.u32 s7, $0x1;
	s4 =	sadd.s32 s5, s19  }
0xa2: {  	s8 =	simm.s32 $0x0;
	s20 =	sshll.u32 s6, $0x1;
	s6 =	sadd.s32 s21, s4  }
0xa3: {  	[timem:s8], [sflag:s22] =	dma.local [hbm:s6], s20  }
0xa4: {  	_ =	swait.ge [sflag:s22], s20  }
0xa5: {  	s5 =	ssub.s32 $0x0, s20;
	[sflag:s22] =	ssyncset.done $0x0  }
0xa6: {  	[sflag:s22] =	ssyncadd.s32 s5;
	_ =	sdelay $0x1  }
0xa7: {  	s23 =	simm.s32 $0x1B8B  }
0xa8: {  	_ =	swait.ge [sflag:s23], $0x1  }
0xa9: {  	[sflag:s23] =	ssyncset.done $0x0  }
0xaa: {  	s25 =	simm.s32 $0x1B8E;
	s24 =	sld [smem:$0x3FFE];
	[sflag:s23] =	ssyncadd.s32 $0xFFFFFFFF  }
0xab: {  	s26 =	simm.s32 $execute0_lowered;
	[smem:$0x3FD2] =	sst s25  }
0xac: {  	s6 =	sshll.u32 s26, $0x1;
	_ =	strace $0x80000046;
	[dreg:$0x1] =	wrdreg $0xFFFFFFFF  }
0xad: {  	s28 =	simm.s32 $_size_execute0_lowered;
	s4 =	sadd.s32 s4, s6;
	[dreg:$0x0] =	wrdreg $0x0  }
0xae: {  	s6 =	sshll.u32 s28, $0x1;
	[dreg:$0x2] =	wrdreg s4  }
0xaf: {  	[dreg:$0x3] =	wrdreg s6  }
0xb0: {  	[dreg:$0x4] =	wrdreg $0xC0  }
0xb1: {  	_ =	task [dreg:s8], $0x5FFFF  }
0xb2: {  	[dreg:$0x1] =	wrdreg $0xFFFFFFFF  }
0xb3: {  	[dreg:$0x0] =	wrdreg $0x60  }
0xb4: {  	[dreg:$0x2] =	wrdreg s16  }
0xb5: {  	[dreg:$0x3] =	wrdreg s17  }
0xb6: {  	[dreg:$0x4] =	wrdreg s24  }
0xb7: {  	[dreg:$0x5] =	wrdreg $0x14DA00  }
0xb8: {  	[dreg:$0x6] =	wrdreg $0x9  }
0xb9: {  	_ =	task.clear_ibuf [dreg:s8], $0x7FFFF;
	_ =	strace $0x90000046  }
0xba: {  	s29 =	simm.s32 $0x9;
	_ =	strace $0x80000048  }
0xbb: {  	_ =	swait.ge [sflag:s29], $0x1  }
0xbc: {  	[sflag:s29] =	ssyncadd.s32 $0xFFFFFFFF  }
0xbd: {  	_ =	strace $0x90000048  }
0xbe: {  	_ =	sfence  }
0xbf: {  	s30 =	sld [smem:$0x0];
	_ =	sdelay $0x2  }
0xc0: {  	s31 =	sshll.u32 s1, $0xD;
	s1 =	sshrl.u32 s1, $0x2  }
0xc1: {  	s3 =	sand.u32 $0x4000, s31;
	s1 =	sadd.s32 s1, s30  }
0xc2: {  	s0 =	sor.u32 s3, s0;
	s1 =	sshll.u32 s1, $0x11  }
0xc3: {  	s0 =	sor.u32 s1, s0  }
0xc4: {  	s0 =	sadd.s32 $0x8F2B, s0  }
0xc5: {  	[sflag:s0] =	ssyncadd.remote.s32 $0x1  }
0xc6: {  	_ =	sfence.sel $0xFFFF  }
0xc7: {  	[dreg:$0x0] =	wrdreg $0xFFFFFFFF;
	(pc) =	sbr.abs _section_cstart, $3  }
0xc8: {  	[dreg:$0x1] =	wrdreg $0xFFFFFFFF  }
0xc9: {  	_ =	task.clear_ibuf [dreg:s8], $0x2FFFF;
	_ =	strace $0x9FFFFFFF  }
0xca: {  	(tm) =	ssettm $0x7FFFFFFF  }
0xcb: {  	_ =	shalt  }
tec
execute0_lowered:
.L_overlay_start_1:
0x0: {  	(tag) =	ssettag $0x1  }
0x1: {  	s1 =	rddreg [dreg:$0x0]  }
0x2: {  	s2 =	rddreg [dreg:$0x1]  }
0x3: {  	s0 =	rddreg [dreg:$0x2]  }
0x4: {  	s3 =	rddreg [dreg:$0x3];
	s4 =	simm.s32 $0x0  }
0x5: {  	s6 =	srdreg.scid;
	s16 =	stileid.u32;
	s28 =	simm.s32 $0x14C80  }
0x6: {  	s30 =	simm.s32 $0x14D80;
	[smem:$0x7FF] =	sst s4;
	s5 =	sadd.s32 $0x1C00, s0  }
0x7: {  	s7 =	sadd.s32 $0x16000, s0;
	s6 =	sand.u32 $0x1, s6;
	s11 =	smul.u32 $0x9E00, s16  }
0x8: {  	s8 =	sshll.u32 s16, $0x1;
	s9 =	sadd.s32 $0x1800, s0;
	s13 =	smul.u32 $0x5100, s16  }
0x9: {  	s10 =	sadd.s32 $0x1A00, s0;
	s16 =	smul.u32 $0xA20, s16;
	_ =	strace $0x80000047  }
0xa: {  	[dreg:$0x5] =	wrdreg s9;
	s19 =	smul.u32 $0x9E000, s6;
	s8 =	sor.u32 s6, s8  }
0xb: {  	[dreg:$0x6] =	wrdreg s10;
	s6 =	ssub.s32 $0x2, s6;
	s20 =	smul.u32 $0x510, s8  }
0xc: {  	s23 =	sshrl.u32 s6, $0x1;
	s8 =	sadd.s32 s11, s3;
	s24 =	sadd.s32 $0x1400, s11  }
0xd: {  	s14 =	sadd.s32 $0x2800, s11;
	s15 =	sadd.s32 $0x3C00, s11;
	s17 =	sadd.s32 $0x5000, s11  }
0xe: {  	s13 =	sshrl.u32 s13, $0x3;
	s21 =	sadd.s32 $0x7800, s11;
	s18 =	sadd.s32 s5, s16  }
0xf: {  	s16 =	sadd.s32 s7, s16;
	s10 =	sadd.s32 $0x8C00, s11;
	s22 =	sshrl.u32 s19, $0x3  }
0x10: {  	s9 =	ssub.s32 s6, s23;
	s19 =	sadd.s32 $0x6400, s11;
	[dreg:$0x7] =	wrdreg s18  }
0x11: {  	s13 =	sadd.s32 $0x510, s13;
	[dreg:$0x8] =	wrdreg s16;
	s11 =	sshrl.u32 s11, $0x3  }
0x12: {  	s18 =	sadd.s32 s24, s3;
	s16 =	sshrl.u32 s15, $0x3;
	s29 =	sadd.s32 s21, s3  }
0x13: {  	s23 =	sshrl.u32 s21, $0x3;
	s31 =	sadd.s32 s10, s3;
	[dreg:$0xf] =	wrdreg s11  }
0x14: {  	s12 =	sadd.s32 s22, s0;
	s0 =	sadd.s32 s20, s0;
	[dreg:$0x12] =	wrdreg s16  }
0x15: {  	s25 =	sadd.s32 s5, s13;
	s13 =	sadd.s32 s7, s13;
	[dreg:$0x15] =	wrdreg s23  }
0x16: {  	s5 =	sadd.s32 s5, s20;
	s26 =	sadd.s32 s7, s20;
	[dreg:$0x9] =	wrdreg s25  }
0x17: {  	s20 =	sadd.s32 s14, s3;
	s14 =	sshrl.u32 s14, $0x3;
	[dreg:$0xa] =	wrdreg s13  }
0x18: {  	s22 =	sadd.s32 s15, s3;
	s15 =	simm.s32 $0xC980;
	[dreg:$0xb] =	wrdreg s5  }
0x19: {  	s16 =	simm.s32 $0x80;
	s11 =	simm.s32 $0x7980;
	[dreg:$0xc] =	wrdreg s26  }
0x1a: {  	s7 =	sadd.s32 $0xBE00, s0;
	s0 =	sadd.s32 $0x6F200, s0;
	[dreg:$0x11] =	wrdreg s14  }
0x1b: {  	s13 =	sshrl.u32 s24, $0x3;
	s24 =	sadd.s32 s17, s3;
	[dreg:$0xd] =	wrdreg s7  }
0x1c: {  	s17 =	sshrl.u32 s17, $0x3;
	s26 =	sadd.s32 s19, s3;
	[dreg:$0xe] =	wrdreg s0  }
0x1d: {  	s19 =	sshrl.u32 s19, $0x3;
	s5 =	sadd.s32 $0x20200, s12;
	[dreg:$0x10] =	wrdreg s13  }
0x1e: {  	s6 =	sadd.s32 $0x47A00, s12;
	s25 =	smax.u32 s9, $0x1;
	[dreg:$0x13] =	wrdreg s17  }
0x1f: {  	s9 =	simm.s32 $0x13880;
	s12 =	simm.s32 $0xF100;
	[dreg:$0x14] =	wrdreg s19  }
0x20: {  	s14 =	simm.s32 $0x0;
	s0 =	sshrl.u32 s10, $0x3;
	[dreg:$0x16] =	wrdreg s25  }
0x21: {  	v0 =	vimm.f32 $0.0e+00;
	s10 =	simm.s32 $0x2;
	s7 =	simm.s32 $0x11880;
	s13 =	simm.s32 $0x1  }
.LBB2_1:
0x22: {  	s17 =	sand.u32 $0x7F00, s4  }
0x23: {  	s21 =	sand.u32 $0x30, s4;
	s17 =	sshrl.u32 s17, $0x2  }
0x24: {  	s19 =	simm.s32 $0x40;
	s23 =	sor.u32 s21, s17;
	s21 =	simm.s32 $0x0  }
.LBB2_2:
0x25: {  	p0 =	sne.s32 s19, $0x4FC0  }
0x26: {  	[tilespmem:s23+$0x13880] =	vst v0;
	s21 =	sadd.s32 $0x10, s21;
	s17 =	smov.u32 s19;
	s19 =	sadd.s32 $0x40, s19  }
.Ltmp0:
0x27: {  	(pc) =	sbr.rel @p0 .LBB2_2-.Ltmp0, $4  }
0x28: {  	_ = 	snop  }
0x29: {  	s17 =	sand.u32 $0x7F00, s17  }
0x2a: {  	s23 =	sand.u32 $0x30, s21;
	s17 =	sshrl.u32 s17, $0x2  }
0x2b: {  	s23 =	sor.u32 s23, s17;
	s17 =	simm.s32 $0x0  }
0x2c: {  	s19 =	sand.u32 $0xFF00, s17  }
0x2d: {  	s21 =	sand.u32 $0x30, s17;
	s25 =	sshrl.u32 s19, $0x2  }
0x2e: {  	[tilespmem:s23+$0x13880] =	vst v0;
	s19 =	simm.s32 $0x40;
	s21 =	sor.u32 s21, s25  }
.LBB2_4:
0x2f: {  	p0 =	sne.s32 s19, $0x9DC0  }
0x30: {  	[tilespmem:s21+$0xA200] =	vst v0;
	s17 =	sadd.s32 $0x10, s17;
	s21 =	smov.u32 s19;
	s19 =	sadd.s32 $0x40, s19  }
.Ltmp1:
0x31: {  	(pc) =	sbr.rel @p0 .LBB2_4-.Ltmp1, $4  }
0x32: {  	_ = 	snop  }
0x33: {  	s21 =	sand.u32 $0xFF00, s21  }
0x34: {  	s23 =	sand.u32 $0x30, s17;
	s21 =	sshrl.u32 s21, $0x2  }
0x35: {  	s21 =	sor.u32 s23, s21  }
0x36: {  	[tilespmem:s21+$0xA200] =	vst v0;
	s17 =	simm.s32 $0x40;
	s19 =	simm.s32 $0x0  }
.LBB2_6:
0x37: {  	p0 =	sne.s32 s17, $0x9DC0;
	[tilespmem:s19+$0xC980] =	vst v0;
	s19 =	smov.u32 s17;
	s17 =	sadd.s32 $0x40, s17  }
.Ltmp2:
0x38: {  	(pc) =	sbr.rel @p0 .LBB2_6-.Ltmp2, $2  }
0x39: {  	_ =	sdelay $0x2  }
0x3a: {  	s19 =	sshra.s32 s19, $0x2  }
0x3b: {  	[tilespmem:s19+$0xC980] =	vst v0  }
0x3c: {  	[spmem:s8] =	stream.linear.scatter [tilespmem:s9], [sflag:$0x2], $0x1400, $0x38;
	[tilespmem:$0x1EBA0] =	vst v63  }
0x3d: {  	_ =	swait.ge [sflag:s10], $0x1400  }
0x3e: {  	[sflag:s10] =	ssyncset.done $0x0  }
0x3f: {  	[sflag:s10] =	ssyncadd.s32 $0xFFFFEC00  }
0x40: {  	[spmem:s18] =	stream.linear.scatter [tilespmem:s9], [sflag:$0x2], $0x1400, $0x38;
	[tilespmem:$0x1EBA0] =	vst v63  }
0x41: {  	_ =	swait.ge [sflag:s10], $0x1400  }
0x42: {  	[sflag:s10] =	ssyncset.done $0x0  }
0x43: {  	[sflag:s10] =	ssyncadd.s32 $0xFFFFEC00  }
0x44: {  	[spmem:s20] =	stream.linear.scatter [tilespmem:s9], [sflag:$0x2], $0x1400, $0x38;
	[tilespmem:$0x1EBA0] =	vst v63  }
0x45: {  	_ =	swait.ge [sflag:s10], $0x1400  }
0x46: {  	[sflag:s10] =	ssyncset.done $0x0  }
0x47: {  	[sflag:s10] =	ssyncadd.s32 $0xFFFFEC00  }
0x48: {  	[spmem:s22] =	stream.linear.scatter [tilespmem:s9], [sflag:$0x2], $0x1400, $0x38;
	[tilespmem:$0x1EBA0] =	vst v63  }
0x49: {  	_ =	swait.ge [sflag:s10], $0x1400  }
0x4a: {  	[sflag:s10] =	ssyncset.done $0x0  }
0x4b: {  	[sflag:s10] =	ssyncadd.s32 $0xFFFFEC00  }
0x4c: {  	[spmem:s24] =	stream.linear.scatter [tilespmem:s9], [sflag:$0x2], $0x1400, $0x38;
	[tilespmem:$0x1EBA0] =	vst v63  }
0x4d: {  	_ =	swait.ge [sflag:s10], $0x1400  }
0x4e: {  	[sflag:s10] =	ssyncset.done $0x0  }
0x4f: {  	[sflag:s10] =	ssyncadd.s32 $0xFFFFEC00  }
0x50: {  	[spmem:s26] =	stream.linear.scatter [tilespmem:s9], [sflag:$0x2], $0x1400, $0x38;
	[tilespmem:$0x1EBA0] =	vst v63  }
0x51: {  	_ =	swait.ge [sflag:s10], $0x1400  }
0x52: {  	[sflag:s10] =	ssyncset.done $0x0  }
0x53: {  	[sflag:s10] =	ssyncadd.s32 $0xFFFFEC00  }
0x54: {  	[spmem:s29] =	stream.linear.scatter [tilespmem:s9], [sflag:$0x2], $0x1400, $0x38;
	[tilespmem:$0x1EBA0] =	vst v63  }
0x55: {  	_ =	swait.ge [sflag:s10], $0x1400  }
0x56: {  	[sflag:s10] =	ssyncset.done $0x0  }
0x57: {  	[sflag:s10] =	ssyncadd.s32 $0xFFFFEC00  }
0x58: {  	[spmem:s31] =	stream.linear.scatter [tilespmem:s9], [sflag:$0x2], $0x1200, $0x38;
	[tilespmem:$0x1EBA0] =	vst v63  }
0x59: {  	_ =	swait.ge [sflag:s10], $0x1200  }
0x5a: {  	[sflag:s10] =	ssyncset.done $0x0  }
0x5b: {  	s17 =	simm.s32 $0x0;
	s21 =	rddreg [dreg:$0x5];
	[sflag:s10] =	ssyncadd.s32 $0xFFFFEE00  }
0x5c: {  	[tilespmem:s28], [sflag:$0x2] =	stream.linear.gather [hbm4b:s21+s17], $0x100, $0x38;
	[tilespmem:$0x1EBA0] =	vst v63  }
0x5d: {  	_ =	swait.ge [sflag:s10], $0x100  }
0x5e: {  	[sflag:s10] =	ssyncset.done $0x0  }
0x5f: {  	s23 =	rddreg [dreg:$0x6];
	[sflag:s10] =	ssyncadd.s32 $0xFFFFFF00  }
0x60: {  	[tilespmem:s30], [sflag:$0x2] =	stream.linear.gather [hbm4b:s23+s17], $0x20, $0x38;
	[tilespmem:$0x1EBA0] =	vst v63  }
0x61: {  	_ =	swait.ge [sflag:s10], $0x20  }
0x62: {  	[sflag:s10] =	ssyncset.done $0x0  }
0x63: {  	[sflag:s10] =	ssyncadd.s32 $0xFFFFFFE0  }
0x64: {  	[bflag:$0x0] =	sbarrier.arrive $0xFFFF  }
0x65: {  	s21 =	simm.s32 $0x2880;
	s25 =	rddreg [dreg:$0x7]  }
0x66: {  	[tilespmem:s21], [sflag:$0x2] =	stream.linear.gather [hbm4b:s25+s17], $0x2880, $0x38;
	[tilespmem:$0x1EBA0] =	vst v63  }
0x67: {  	_ =	swait.ge [sflag:s10], $0x2880  }
0x68: {  	[sflag:s10] =	ssyncset.done $0x0  }
0x69: {  	s25 =	simm.s32 $0x5100;
	s23 =	rddreg [dreg:$0x8];
	[sflag:s10] =	ssyncadd.s32 $0xFFFFD780  }
0x6a: {  	[tilespmem:s25], [sflag:$0x2] =	stream.linear.gather [hbm4b:s23+s17], $0x2880, $0x38;
	[tilespmem:$0x1EBA0] =	vst v63  }
0x6b: {  	_ =	swait.ge [sflag:s10], $0x2880  }
0x6c: {  	[sflag:s10] =	ssyncset.done $0x0  }
0x6d: {  	s19 =	simm.s32 $0x0;
	s17 =	simm.s32 $0x40;
	[sflag:s10] =	ssyncadd.s32 $0xFFFFD780  }
.LBB2_8:
0x6e: {  	p0 =	sne.s32 s17, $0xA1C0;
	v1 =	vld [tilespmem:s19+$0x2880];
	_ =	sdelay $0x2  }
0x6f: {  	v2 =	vld [tilespmem:s19+$0x5100]  }
.Ltmp3:
0x70: {  	(pc) =	sbr.rel @p0 .LBB2_8-.Ltmp3, $2  }
0x71: {  	_ =	sdelay $0x2  }
0x72: {  	s19 =	sshra.s32 s17, $0x2;
	s17 =	sadd.s32 $0x40, s17;
	[tilespmem:v1+s15+$0x0] =	vst.idx.add.f32.msk $0xffff, v2  }
0x73: {  	v1 =	vld [tilespmem:s19+$0x2880];
	_ =	sdelay $0x2  }
0x74: {  	v2 =	vld [tilespmem:s19+$0x5100];
	_ =	sdelay $0x4  }
0x75: {  	s17 =	simm.s32 $0x0;
	s25 =	rddreg [dreg:$0x9];
	s21 =	simm.s32 $0x2880;
	[tilespmem:v1+s15+$0x0] =	vst.idx.add.f32.msk $0xffff, v2  }
0x76: {  	[tilespmem:s21], [sflag:$0x2] =	stream.linear.gather [hbm4b:s25+s17], $0x2880, $0x38;
	[tilespmem:$0x1EBA0] =	vst v63  }
0x77: {  	_ =	swait.ge [sflag:s10], $0x2880  }
0x78: {  	[sflag:s10] =	ssyncset.done $0x0  }
0x79: {  	s25 =	simm.s32 $0x5100;
	s23 =	rddreg [dreg:$0xa];
	[sflag:s10] =	ssyncadd.s32 $0xFFFFD780  }
0x7a: {  	[tilespmem:s25], [sflag:$0x2] =	stream.linear.gather [hbm4b:s23+s17], $0x2880, $0x38;
	[tilespmem:$0x1EBA0] =	vst v63  }
0x7b: {  	_ =	swait.ge [sflag:s10], $0x2880  }
0x7c: {  	[sflag:s10] =	ssyncset.done $0x0  }
0x7d: {  	s19 =	simm.s32 $0x40;
	s21 =	simm.s32 $0x0;
	[sflag:s10] =	ssyncadd.s32 $0xFFFFD780  }
.LBB2_10:
0x7e: {  	p0 =	sne.s32 s19, $0xA1C0;
	v1 =	vld [tilespmem:s21+$0x2880];
	_ =	sdelay $0x2  }
0x7f: {  	v2 =	vld [tilespmem:s21+$0x5100]  }
.Ltmp4:
0x80: {  	(pc) =	sbr.rel @p0 .LBB2_10-.Ltmp4, $2  }
0x81: {  	_ =	sdelay $0x2  }
0x82: {  	s21 =	sshra.s32 s19, $0x2;
	s19 =	sadd.s32 $0x40, s19;
	[tilespmem:v1+s15+$0x0] =	vst.idx.add.f32.msk $0xffff, v2  }
0x83: {  	v1 =	vld [tilespmem:s21+$0x2880];
	_ =	sdelay $0x2  }
0x84: {  	v2 =	vld [tilespmem:s21+$0x5100];
	_ =	sdelay $0x4  }
0x85: {  	s25 =	simm.s32 $0x0;
	[tilespmem:v1+s15+$0x0] =	vst.idx.add.f32.msk $0xffff, v2  }
0x86: {  	v1 =	vld [tilespmem:s25+$0xC980]  }
0x87: {  	s19 =	sand.u32 $0xFF00, s17  }
0x88: {  	s23 =	sand.u32 $0x30, s17;
	s19 =	sshrl.u32 s19, $0x2  }
0x89: {  	s17 =	simm.s32 $0x10;
	s21 =	sor.u32 s23, s19;
	s19 =	simm.s32 $0x40  }
.LBB2_12:
0x8a: {  	s23 =	sshra.s32 s19, $0x2  }
0x8b: {  	p0 =	sne.s32 s17, $0x2770;
	[tilespmem:s21+$0xA200] =	vst v1;
	s21 =	smov.u32 s17;
	s17 =	sadd.s32 $0x10, s17  }
.Ltmp5:
0x8c: {  	v1 =	vld [tilespmem:s23+$0xC980];
	(pc) =	sbr.rel @p0 .LBB2_12-.Ltmp5, $4  }
0x8d: {  	_ = 	snop  }
0x8e: {  	s23 =	sand.u32 $0xFF00, s19  }
0x8f: {  	s21 =	sand.u32 $0x30, s21;
	s23 =	sshrl.u32 s23, $0x2  }
0x90: {  	s19 =	sadd.s32 $0x40, s19;
	s21 =	sor.u32 s21, s23  }
0x91: {  	[tilespmem:s21+$0xA200] =	vst v1;
	s17 =	simm.s32 $0xA200  }
0x92: {  	[spmem:s3] =	stream.indirect.scatter.add.f32 [tilespmem:s17], [sflag:$0x2], $0x40, s28, s16, $0xb8;
	[tilespmem:$0x1EBA0] =	vst v63  }
0x93: {  	_ =	swait.ge [sflag:s10], $0x2000  }
0x94: {  	[sflag:s10] =	ssyncset.done $0x0  }
0x95: {  	s19 =	simm.s32 $0x1E;
	s25 =	simm.s32 $0xC200;
	[sflag:s10] =	ssyncadd.s32 $0xFFFFE000  }
0x96: {  	[spmem:s3] =	stream.indirect.scatter.add.f32 [tilespmem:s25], [sflag:$0x2], $0x40, s30, s19, $0xb8;
	[tilespmem:$0x1EBA0] =	vst v63  }
0x97: {  	_ =	swait.ge [sflag:s10], $0x780  }
0x98: {  	[sflag:s10] =	ssyncset.done $0x0  }
0x99: {  	[sflag:s10] =	ssyncadd.s32 $0xFFFFF880  }
0x9a: {  	s28 =	simm.s32 $0x0;
	[bflag:$0x0] =	sbarrier.arrive $0xFFFF  }
0x9b: {  	[tilespmem:s17], [sflag:$0x2] =	stream.linear.gather [spmem:s3], $0x2780, $0x38;
	[tilespmem:$0x1EBA0] =	vst v63  }
0x9c: {  	s30 =	sand.u32 $0xFF00, s28;
	_ =	swait.ge [sflag:s10], $0x2780  }
0x9d: {  	s19 =	sshrl.u32 s30, $0x2;
	s17 =	sand.u32 $0x30, s28;
	[sflag:s10] =	ssyncset.done $0x0  }
0x9e: {  	s17 =	sor.u32 s17, s19;
	[sflag:s10] =	ssyncadd.s32 $0xFFFFD880  }
0x9f: {  	v1 =	vld [tilespmem:s17+$0xA200];
	_ =	sdelay $0x4  }
0xa0: {  	v2 =	vshrl.u32 v1, $0x1;
	v1 =	vmul.f32 $5.000000000e-01, v1  }
0xa1: {  	v2 =	vsub.s32 $0x5F3759DF, v2  }
0xa2: {  	v3 =	vmul.f32 v2, v1;
	_ =	sdelay $0x1  }
0xa3: {  	v3 =	vmul.f32 v2, v3;
	_ =	sdelay $0x1  }
0xa4: {  	v3 =	vsub.f32 $1.500000000e+00, v3;
	_ =	sdelay $0x1  }
0xa5: {  	v2 =	vmul.f32 v2, v3;
	_ =	sdelay $0x1  }
0xa6: {  	v3 =	vmul.f32 v2, v1;
	_ =	sdelay $0x1  }
0xa7: {  	v3 =	vmul.f32 v3, v2;
	_ =	sdelay $0x1  }
0xa8: {  	v3 =	vsub.f32 $1.500000000e+00, v3;
	_ =	sdelay $0x1  }
0xa9: {  	v2 =	vmul.f32 v3, v2;
	_ =	sdelay $0x1  }
0xaa: {  	v1 =	vmul.f32 v2, v1;
	_ =	sdelay $0x1  }
0xab: {  	v1 =	vmul.f32 v1, v2;
	_ =	sdelay $0x1  }
0xac: {  	v1 =	vsub.f32 $1.500000000e+00, v1  }
0xad: {  	s21 =	simm.s32 $0x80;
	s17 =	simm.s32 $0x40  }
0xae: {  	s25 =	simm.s32 $0x0;
	s19 =	simm.s32 $0x10;
	s23 =	sand.u32 $0xFF00, s17;
	v1 =	vmul.f32 v1, v2  }
.LBB2_14:
0xaf: {  	p0 =	sne.s32 s21, $0x9DC0;
	s28 =	sand.u32 $0x30, s19;
	s23 =	sshrl.u32 s23, $0x2  }
0xb0: {  	s23 =	sor.u32 s28, s23;
	[tilespmem:s25+$0xF100] =	vst v1;
	s25 =	smov.u32 s17;
	s17 =	smov.u32 s21  }
0xb1: {  	v1 =	vld [tilespmem:s23+$0xA200];
	_ =	sdelay $0x4  }
0xb2: {  	v2 =	vshrl.u32 v1, $0x1;
	v1 =	vmul.f32 $5.000000000e-01, v1  }
0xb3: {  	v2 =	vsub.s32 $0x5F3759DF, v2  }
0xb4: {  	v3 =	vmul.f32 v2, v1;
	_ =	sdelay $0x1  }
0xb5: {  	v3 =	vmul.f32 v2, v3;
	_ =	sdelay $0x1  }
0xb6: {  	v3 =	vsub.f32 $1.500000000e+00, v3;
	_ =	sdelay $0x1  }
0xb7: {  	v2 =	vmul.f32 v2, v3;
	_ =	sdelay $0x1  }
0xb8: {  	v3 =	vmul.f32 v2, v1;
	_ =	sdelay $0x1  }
0xb9: {  	v3 =	vmul.f32 v3, v2;
	_ =	sdelay $0x1  }
0xba: {  	v3 =	vsub.f32 $1.500000000e+00, v3;
	_ =	sdelay $0x1  }
0xbb: {  	v2 =	vmul.f32 v3, v2;
	_ =	sdelay $0x1  }
0xbc: {  	v1 =	vmul.f32 v2, v1;
	_ =	sdelay $0x1  }
.Ltmp6:
0xbd: {  	v1 =	vmul.f32 v1, v2;
	(pc) =	sbr.rel @p0 .LBB2_14-.Ltmp6, $4  }
0xbe: {  	_ = 	snop  }
0xbf: {  	v1 =	vsub.f32 $1.500000000e+00, v1  }
0xc0: {  	s19 =	sadd.s32 $0x10, s19  }
0xc1: {  	s21 =	sadd.s32 $0x40, s21;
	s23 =	sand.u32 $0xFF00, s17;
	s25 =	sshra.s32 s25, $0x2;
	v1 =	vmul.f32 v1, v2  }
0xc2: {  	s19 =	sand.u32 $0x30, s19;
	s21 =	sshrl.u32 s23, $0x2  }
0xc3: {  	s19 =	sor.u32 s19, s21;
	[tilespmem:s25+$0xF100] =	vst v1  }
0xc4: {  	v1 =	vld [tilespmem:s19+$0xA200];
	_ =	sdelay $0x4  }
0xc5: {  	v2 =	vshrl.u32 v1, $0x1;
	v1 =	vmul.f32 $5.000000000e-01, v1  }
0xc6: {  	v2 =	vsub.s32 $0x5F3759DF, v2  }
0xc7: {  	v3 =	vmul.f32 v2, v1;
	_ =	sdelay $0x1  }
0xc8: {  	v3 =	vmul.f32 v2, v3;
	_ =	sdelay $0x1  }
0xc9: {  	v3 =	vsub.f32 $1.500000000e+00, v3;
	_ =	sdelay $0x1  }
0xca: {  	v2 =	vmul.f32 v2, v3;
	_ =	sdelay $0x1  }
0xcb: {  	v3 =	vmul.f32 v2, v1;
	_ =	sdelay $0x1  }
0xcc: {  	v3 =	vmul.f32 v3, v2;
	_ =	sdelay $0x1  }
0xcd: {  	v3 =	vsub.f32 $1.500000000e+00, v3;
	_ =	sdelay $0x1  }
0xce: {  	v2 =	vmul.f32 v3, v2;
	_ =	sdelay $0x1  }
0xcf: {  	v1 =	vmul.f32 v2, v1;
	_ =	sdelay $0x1  }
0xd0: {  	v1 =	vmul.f32 v1, v2;
	_ =	sdelay $0x1  }
0xd1: {  	v1 =	vsub.f32 $1.500000000e+00, v1;
	_ =	sdelay $0x1  }
0xd2: {  	v1 =	vmul.f32 v1, v2  }
0xd3: {  	s17 =	sshra.s32 s17, $0x2  }
0xd4: {  	s21 =	rddreg [dreg:$0xd];
	[tilespmem:s17+$0xF100] =	vst v1;
	s17 =	simm.s32 $0x0  }
0xd5: {  	[tilespmem:s17], [sflag:$0x2] =	stream.linear.gather [hbm4b:s21+s17], $0x2880, $0x38;
	[tilespmem:$0x1EBA0] =	vst v63  }
0xd6: {  	_ =	swait.ge [sflag:s10], $0x2880  }
0xd7: {  	[sflag:s10] =	ssyncset.done $0x0  }
0xd8: {  	s25 =	simm.s32 $0x2880;
	s23 =	rddreg [dreg:$0xb];
	[sflag:s10] =	ssyncadd.s32 $0xFFFFD780  }
0xd9: {  	[tilespmem:s25], [sflag:$0x2] =	stream.linear.gather [hbm4b:s23+s17], $0x2880, $0x38;
	[tilespmem:$0x1EBA0] =	vst v63  }
0xda: {  	_ =	swait.ge [sflag:s10], $0x2880  }
0xdb: {  	[sflag:s10] =	ssyncset.done $0x0  }
0xdc: {  	s30 =	simm.s32 $0x5100;
	s28 =	rddreg [dreg:$0xc];
	[sflag:s10] =	ssyncadd.s32 $0xFFFFD780  }
0xdd: {  	[tilespmem:s30], [sflag:$0x2] =	stream.linear.gather [hbm4b:s28+s17], $0x2880, $0x38;
	[tilespmem:$0x1EBA0] =	vst v63  }
0xde: {  	_ =	swait.ge [sflag:s10], $0x2880  }
0xdf: {  	[sflag:s10] =	ssyncset.done $0x0  }
0xe0: {  	s17 =	simm.s32 $0x0;
	[sflag:s10] =	ssyncadd.s32 $0xFFFFD780  }
0xe1: {  	v1 =	vld [tilespmem:s17+$0x0]  }
0xe2: {  	v3 =	vld [tilespmem:s17+$0x2880];
	_ =	sdelay $0x5  }
0xe3: {  	v2 =	vld [tilespmem:s17+$0x5100]  }
0xe4: {  	v1 =	vld.idx.msk [tilespmem:v1+s12+$0x0], $0xffff  }
0xe5: {  	s19 =	simm.s32 $0x10;
	s21 =	simm.s32 $0x80;
	v3 =	vld.idx.msk [tilespmem:v3+s12+$0x0], $0xffff  }
.LBB2_16:
0xe6: {  	p0 =	sne.s32 s21, $0xA1C0;
	v4 =	vld [tilespmem:s19+$0x0];
	_ =	sdelay $0x1  }
0xe7: {  	v5 =	vld [tilespmem:s19+$0x2880]  }
0xe8: {  	v1 =	vmul.f32 v1, v2;
	_ =	sdelay $0x1  }
0xe9: {  	v1 =	vmul.f32 v3, v1  }
.Ltmp7:
0xea: {  	(pc) =	sbr.rel @p0 .LBB2_16-.Ltmp7, $4  }
0xeb: {  	[tilespmem:s17+$0x7980] =	vst v1;
	s17 =	smov.u32 s19  }
0xec: {  	v1 =	vld.idx.msk [tilespmem:v4+s12+$0x0], $0xffff  }
0xed: {  	v2 =	vld [tilespmem:s17+$0x5100]  }
0xee: {  	s19 =	sshra.s32 s21, $0x2;
	s21 =	sadd.s32 $0x40, s21;
	v3 =	vld.idx.msk [tilespmem:v5+s12+$0x0], $0xffff  }
0xef: {  	v4 =	vld [tilespmem:s19+$0x0];
	_ =	sdelay $0x2  }
0xf0: {  	v5 =	vld [tilespmem:s19+$0x2880];
	v1 =	vmul.f32 v1, v2;
	_ =	sdelay $0x1  }
0xf1: {  	v1 =	vmul.f32 v3, v1;
	_ =	sdelay $0x1  }
0xf2: {  	[tilespmem:s17+$0x7980] =	vst v1  }
0xf3: {  	v1 =	vld.idx.msk [tilespmem:v4+s12+$0x0], $0xffff  }
0xf4: {  	v2 =	vld [tilespmem:s19+$0x5100];
	_ =	sdelay $0x1  }
0xf5: {  	v3 =	vld.idx.msk [tilespmem:v5+s12+$0x0], $0xffff;
	_ =	sdelay $0x2  }
0xf6: {  	v1 =	vmul.f32 v1, v2;
	_ =	sdelay $0x1  }
0xf7: {  	v1 =	vmul.f32 v3, v1;
	_ =	sdelay $0x1  }
0xf8: {  	s30 =	rddreg [dreg:$0xe];
	s17 =	simm.s32 $0x0;
	[tilespmem:s19+$0x7980] =	vst v1  }
0xf9: {  	[hbm4b:s30+s17] =	stream.linear.scatter [tilespmem:s11], [sflag:$0x2], $0x2880, $0x38;
	[tilespmem:$0x1EBA0] =	vst v63  }
0xfa: {  	_ =	swait.ge [sflag:s10], $0x2880  }
0xfb: {  	[sflag:s10] =	ssyncset.done $0x0  }
0xfc: {  	[sflag:s10] =	ssyncadd.s32 $0xFFFFD780  }
0xfd: {  	[spmem:s8] =	stream.linear.scatter [tilespmem:s9], [sflag:$0x2], $0x1400, $0x38;
	[tilespmem:$0x1EBA0] =	vst v63  }
0xfe: {  	_ =	swait.ge [sflag:s10], $0x1400  }
0xff: {  	[sflag:s10] =	ssyncset.done $0x0  }
0x100: {  	[sflag:s10] =	ssyncadd.s32 $0xFFFFEC00  }
0x101: {  	[spmem:s18] =	stream.linear.scatter [tilespmem:s9], [sflag:$0x2], $0x1400, $0x38;
	[tilespmem:$0x1EBA0] =	vst v63  }
0x102: {  	_ =	swait.ge [sflag:s10], $0x1400  }
0x103: {  	[sflag:s10] =	ssyncset.done $0x0  }
0x104: {  	[sflag:s10] =	ssyncadd.s32 $0xFFFFEC00  }
0x105: {  	[spmem:s20] =	stream.linear.scatter [tilespmem:s9], [sflag:$0x2], $0x1400, $0x38;
	[tilespmem:$0x1EBA0] =	vst v63  }
0x106: {  	_ =	swait.ge [sflag:s10], $0x1400  }
0x107: {  	[sflag:s10] =	ssyncset.done $0x0  }
0x108: {  	[sflag:s10] =	ssyncadd.s32 $0xFFFFEC00  }
0x109: {  	[spmem:s22] =	stream.linear.scatter [tilespmem:s9], [sflag:$0x2], $0x1400, $0x38;
	[tilespmem:$0x1EBA0] =	vst v63  }
0x10a: {  	_ =	swait.ge [sflag:s10], $0x1400  }
0x10b: {  	[sflag:s10] =	ssyncset.done $0x0  }
0x10c: {  	[sflag:s10] =	ssyncadd.s32 $0xFFFFEC00  }
0x10d: {  	[spmem:s24] =	stream.linear.scatter [tilespmem:s9], [sflag:$0x2], $0x1400, $0x38;
	[tilespmem:$0x1EBA0] =	vst v63  }
0x10e: {  	_ =	swait.ge [sflag:s10], $0x1400  }
0x10f: {  	[sflag:s10] =	ssyncset.done $0x0  }
0x110: {  	[sflag:s10] =	ssyncadd.s32 $0xFFFFEC00  }
0x111: {  	[spmem:s26] =	stream.linear.scatter [tilespmem:s9], [sflag:$0x2], $0x1400, $0x38;
	[tilespmem:$0x1EBA0] =	vst v63  }
0x112: {  	_ =	swait.ge [sflag:s10], $0x1400  }
0x113: {  	[sflag:s10] =	ssyncset.done $0x0  }
0x114: {  	[sflag:s10] =	ssyncadd.s32 $0xFFFFEC00  }
0x115: {  	[spmem:s29] =	stream.linear.scatter [tilespmem:s9], [sflag:$0x2], $0x1400, $0x38;
	[tilespmem:$0x1EBA0] =	vst v63  }
0x116: {  	_ =	swait.ge [sflag:s10], $0x1400  }
0x117: {  	[sflag:s10] =	ssyncset.done $0x0  }
0x118: {  	[sflag:s10] =	ssyncadd.s32 $0xFFFFEC00  }
0x119: {  	[spmem:s31] =	stream.linear.scatter [tilespmem:s9], [sflag:$0x2], $0x1200, $0x38;
	[tilespmem:$0x1EBA0] =	vst v63  }
0x11a: {  	_ =	swait.ge [sflag:s10], $0x1200  }
0x11b: {  	[sflag:s10] =	ssyncset.done $0x0  }
0x11c: {  	[sflag:s10] =	ssyncadd.s32 $0xFFFFEE00  }
0x11d: {  	s19 =	simm.s32 $0x0;
	[bflag:$0x0] =	sbarrier.arrive $0xFFFF  }
.LBB2_18:
0x11e: {  	s21 =	sshll.u32 s19, $0x7;
	v2 =	vmov s17  }
0x11f: {  	v1 =	vmov s21;
	v2 =	vand.u32 $0x7F, v2  }
0x120: {  	v2 =	vor.u32 v1, v2  }
0x121: {  	v2 =	vbroadcast v2, $0x0  }
0x122: {  	[tilespmem:s7], [sflag:$0x1] =	stream.indirect.gather [hbm4b:s1+s16], $0x40, s21, s16, $0xb8;
	[tilespmem:$0x1EBA0] =	vst v63  }
0x123: {  	_ =	swait.ge [sflag:s13], $0x2000  }
0x124: {  	[sflag:s13] =	ssyncset.done $0x0  }
0x125: {  	s23 =	simm.s32 $0x118A0;
	[sflag:s13] =	ssyncadd.s32 $0xFFFFE000  }
0x126: {  	v5 =	vld [tilespmem:s23+$0x10]  }
0x127: {  	v3 =	vld.idx.msk [tilespmem:v2+s11+$0x0], $0xffff;
	_ =	sdelay $0x1  }
0x128: {  	v4 =	vld [tilespmem:s23+$0xFFFFFFF0]  }
0x129: {  	s25 =	simm.s32 $0x1;
	v7 =	vld [tilespmem:s23+$0x0]  }
0x12a: {  	v2 =	vmov s25  }
0x12b: {  	v2 =	vand.u32 $0x7F, v2;
	v6 =	vmul.f32 v5, v3;
	v5 =	vld [tilespmem:s23+$0xFFFFFFE0]  }
0x12c: {  	v2 =	vor.u32 v1, v2  }
0x12d: {  	v2 =	vbroadcast v2, $0x0  }
0x12e: {  	s28 =	simm.s32 $0x2;
	s25 =	simm.s32 $0x118A0;
	v4 =	vmul.f32 v4, v3;
	v7 =	vmul.f32 v7, v3  }
.LBB2_19:
0x12f: {  	p0 =	sne.s32 s28, $0x7F  }
0x130: {  	v3 =	vmul.f32 v5, v3;
	[tilespmem:s23+$0x10] =	vst v6;
	s25 =	sadd.s32 $0x40, s25;
	s30 =	smov.u32 s28;
	s28 =	sadd.s32 $0x1, s28  }
0x131: {  	[tilespmem:s23+$0x0] =	vst v7  }
0x132: {  	[tilespmem:s23+$0xFFFFFFE0] =	vst v3  }
0x133: {  	v7 =	vld [tilespmem:s25+$0xFFFFFFF0];
	[tilespmem:s23+$0xFFFFFFF0] =	vst v4;
	s23 =	smov.u32 s25  }
0x134: {  	v3 =	vld.idx.msk [tilespmem:v2+s11+$0x0], $0xffff  }
0x135: {  	v4 =	vld [tilespmem:s25+$0x10]  }
0x136: {  	v8 =	vld [tilespmem:s25+$0x0]  }
.Ltmp8:
0x137: {  	v2 =	vmov s30;
	v5 =	vld [tilespmem:s25+$0xFFFFFFE0];
	(pc) =	sbr.rel @p0 .LBB2_19-.Ltmp8, $4  }
0x138: {  	v2 =	vand.u32 $0x7F, v2  }
0x139: {  	v2 =	vor.u32 v1, v2  }
0x13a: {  	v2 =	vbroadcast v2, $0x0;
	v6 =	vmul.f32 v4, v3  }
0x13b: {  	v4 =	vmul.f32 v7, v3;
	v7 =	vmul.f32 v8, v3  }
0x13c: {  	v1 =	vmul.f32 v5, v3;
	[tilespmem:s23+$0x10] =	vst v6  }
0x13d: {  	[tilespmem:s23+$0x0] =	vst v7  }
0x13e: {  	s25 =	sadd.s32 $0x40, s25;
	[tilespmem:s23+$0xFFFFFFE0] =	vst v1  }
0x13f: {  	v1 =	vld [tilespmem:s25+$0xFFFFFFF0];
	[tilespmem:s23+$0xFFFFFFF0] =	vst v4  }
0x140: {  	v2 =	vld.idx.msk [tilespmem:v2+s11+$0x0], $0xffff  }
0x141: {  	v3 =	vld [tilespmem:s25+$0x10]  }
0x142: {  	v4 =	vld [tilespmem:s25+$0x0]  }
0x143: {  	v63 =	vld [tilespmem:s25+$0xFFFFFFE0];
	_ =	sdelay $0x2  }
0x144: {  	v3 =	vmul.f32 v3, v2  }
0x145: {  	v4 =	vmul.f32 v4, v2  }
0x146: {  	v5 =	vmul.f32 v63, v2;
	[tilespmem:s25+$0x10] =	vst v3  }
0x147: {  	s19 =	sadd.s32 $0x1, s19;
	v1 =	vmul.f32 v1, v2;
	[tilespmem:s25+$0x0] =	vst v4  }
0x148: {  	p0 =	sne.s32 s19, $0x51;
	[tilespmem:s25+$0xFFFFFFE0] =	vst v5  }
.Ltmp9:
0x149: {  	s21 =	sadd.s32 $0x2880, s21;
	[tilespmem:s25+$0xFFFFFFF0] =	vst v1;
	(pc) =	sbr.rel @p0 .LBB2_18-.Ltmp9, $4  }
0x14a: {  	[spmem:s3] =	stream.indirect.scatter.add.f32 [tilespmem:s7], [sflag:$0x2], $0x40, s21, s16, $0xb8;
	[tilespmem:$0x1EBA0] =	vst v63  }
0x14b: {  	_ =	swait.ge [sflag:s10], $0x2000  }
0x14c: {  	[sflag:s10] =	ssyncset.done $0x0  }
0x14d: {  	[sflag:s10] =	ssyncadd.s32 $0xFFFFE000  }
0x14e: {  	[bflag:$0x0] =	sbarrier.arrive $0xFFFF  }
0x14f: {  	[tilespmem:s9], [sflag:$0x2] =	stream.linear.gather [spmem:s8], $0x1400, $0x38;
	[tilespmem:$0x1EBA0] =	vst v63  }
0x150: {  	_ =	swait.ge [sflag:s10], $0x1400  }
0x151: {  	[sflag:s10] =	ssyncset.done $0x0;
	s17 =	rddreg [dreg:$0xf]  }
0x152: {  	[sflag:s10] =	ssyncadd.s32 $0xFFFFEC00;
	s19 =	sadd.s32 s17, s5;
	s17 =	simm.s32 $0x0  }
0x153: {  	[hbm4b:s19+s17] =	stream.linear.scatter [tilespmem:s9], [sflag:$0x2], $0x1400, $0x38;
	[tilespmem:$0x1EBA0] =	vst v63  }
0x154: {  	_ =	swait.ge [sflag:s10], $0x1400  }
0x155: {  	[sflag:s10] =	ssyncset.done $0x0  }
0x156: {  	[sflag:s10] =	ssyncadd.s32 $0xFFFFEC00  }
0x157: {  	[tilespmem:s9], [sflag:$0x2] =	stream.linear.gather [spmem:s18], $0x1400, $0x38;
	[tilespmem:$0x1EBA0] =	vst v63  }
0x158: {  	_ =	swait.ge [sflag:s10], $0x1400  }
0x159: {  	[sflag:s10] =	ssyncset.done $0x0;
	s25 =	rddreg [dreg:$0x10]  }
0x15a: {  	[sflag:s10] =	ssyncadd.s32 $0xFFFFEC00;
	s19 =	sadd.s32 s25, s5  }
0x15b: {  	[hbm4b:s19+s17] =	stream.linear.scatter [tilespmem:s9], [sflag:$0x2], $0x1400, $0x38;
	[tilespmem:$0x1EBA0] =	vst v63  }
0x15c: {  	_ =	swait.ge [sflag:s10], $0x1400  }
0x15d: {  	[sflag:s10] =	ssyncset.done $0x0  }
0x15e: {  	[sflag:s10] =	ssyncadd.s32 $0xFFFFEC00  }
0x15f: {  	[tilespmem:s9], [sflag:$0x2] =	stream.linear.gather [spmem:s20], $0x1400, $0x38;
	[tilespmem:$0x1EBA0] =	vst v63  }
0x160: {  	_ =	swait.ge [sflag:s10], $0x1400  }
0x161: {  	[sflag:s10] =	ssyncset.done $0x0;
	s28 =	rddreg [dreg:$0x11]  }
0x162: {  	[sflag:s10] =	ssyncadd.s32 $0xFFFFEC00;
	s19 =	sadd.s32 s28, s5  }
0x163: {  	[hbm4b:s19+s17] =	stream.linear.scatter [tilespmem:s9], [sflag:$0x2], $0x1400, $0x38;
	[tilespmem:$0x1EBA0] =	vst v63  }
0x164: {  	_ =	swait.ge [sflag:s10], $0x1400  }
0x165: {  	[sflag:s10] =	ssyncset.done $0x0  }
0x166: {  	[sflag:s10] =	ssyncadd.s32 $0xFFFFEC00  }
0x167: {  	[tilespmem:s9], [sflag:$0x2] =	stream.linear.gather [spmem:s22], $0x1400, $0x38;
	[tilespmem:$0x1EBA0] =	vst v63  }
0x168: {  	_ =	swait.ge [sflag:s10], $0x1400  }
0x169: {  	[sflag:s10] =	ssyncset.done $0x0;
	s30 =	rddreg [dreg:$0x12]  }
0x16a: {  	[sflag:s10] =	ssyncadd.s32 $0xFFFFEC00;
	s19 =	sadd.s32 s30, s5  }
0x16b: {  	[hbm4b:s19+s17] =	stream.linear.scatter [tilespmem:s9], [sflag:$0x2], $0x1400, $0x38;
	[tilespmem:$0x1EBA0] =	vst v63  }
0x16c: {  	_ =	swait.ge [sflag:s10], $0x1400  }
0x16d: {  	[sflag:s10] =	ssyncset.done $0x0  }
0x16e: {  	[sflag:s10] =	ssyncadd.s32 $0xFFFFEC00  }
0x16f: {  	[tilespmem:s9], [sflag:$0x2] =	stream.linear.gather [spmem:s24], $0x1400, $0x38;
	[tilespmem:$0x1EBA0] =	vst v63  }
0x170: {  	_ =	swait.ge [sflag:s10], $0x1400  }
0x171: {  	[sflag:s10] =	ssyncset.done $0x0;
	s21 =	rddreg [dreg:$0x13]  }
0x172: {  	[sflag:s10] =	ssyncadd.s32 $0xFFFFEC00;
	s19 =	sadd.s32 s21, s5  }
0x173: {  	[hbm4b:s19+s17] =	stream.linear.scatter [tilespmem:s9], [sflag:$0x2], $0x1400, $0x38;
	[tilespmem:$0x1EBA0] =	vst v63  }
0x174: {  	_ =	swait.ge [sflag:s10], $0x1400  }
0x175: {  	[sflag:s10] =	ssyncset.done $0x0  }
0x176: {  	[sflag:s10] =	ssyncadd.s32 $0xFFFFEC00  }
0x177: {  	[tilespmem:s9], [sflag:$0x2] =	stream.linear.gather [spmem:s26], $0x1400, $0x38;
	[tilespmem:$0x1EBA0] =	vst v63  }
0x178: {  	_ =	swait.ge [sflag:s10], $0x1400  }
0x179: {  	[sflag:s10] =	ssyncset.done $0x0;
	s23 =	rddreg [dreg:$0x14]  }
0x17a: {  	[sflag:s10] =	ssyncadd.s32 $0xFFFFEC00;
	s19 =	sadd.s32 s23, s5  }
0x17b: {  	[hbm4b:s19+s17] =	stream.linear.scatter [tilespmem:s9], [sflag:$0x2], $0x1400, $0x38;
	[tilespmem:$0x1EBA0] =	vst v63  }
0x17c: {  	_ =	swait.ge [sflag:s10], $0x1400  }
0x17d: {  	[sflag:s10] =	ssyncset.done $0x0  }
0x17e: {  	[sflag:s10] =	ssyncadd.s32 $0xFFFFEC00  }
0x17f: {  	[tilespmem:s9], [sflag:$0x2] =	stream.linear.gather [spmem:s29], $0x1400, $0x38;
	[tilespmem:$0x1EBA0] =	vst v63  }
0x180: {  	_ =	swait.ge [sflag:s10], $0x1400  }
0x181: {  	[sflag:s10] =	ssyncset.done $0x0;
	s25 =	rddreg [dreg:$0x15]  }
0x182: {  	[sflag:s10] =	ssyncadd.s32 $0xFFFFEC00;
	s19 =	sadd.s32 s25, s5  }
0x183: {  	[hbm4b:s19+s17] =	stream.linear.scatter [tilespmem:s9], [sflag:$0x2], $0x1400, $0x38;
	[tilespmem:$0x1EBA0] =	vst v63  }
0x184: {  	_ =	swait.ge [sflag:s10], $0x1400  }
0x185: {  	[sflag:s10] =	ssyncset.done $0x0  }
0x186: {  	[sflag:s10] =	ssyncadd.s32 $0xFFFFEC00  }
0x187: {  	[tilespmem:s9], [sflag:$0x2] =	stream.linear.gather [spmem:s31], $0x1200, $0x38;
	[tilespmem:$0x1EBA0] =	vst v63  }
0x188: {  	_ =	swait.ge [sflag:s10], $0x1200  }
0x189: {  	[sflag:s10] =	ssyncset.done $0x0  }
0x18a: {  	s28 =	sadd.s32 s0, s5;
	[sflag:s10] =	ssyncadd.s32 $0xFFFFEE00  }
0x18b: {  	[hbm4b:s28+s17] =	stream.linear.scatter [tilespmem:s9], [sflag:$0x2], $0x1200, $0x38;
	[tilespmem:$0x1EBA0] =	vst v63  }
0x18c: {  	_ =	swait.ge [sflag:s10], $0x1200  }
0x18d: {  	s30 =	sand.u32 $0x7F00, s17;
	[sflag:s10] =	ssyncset.done $0x0  }
0x18e: {  	s21 =	sand.u32 $0x30, s17;
	s23 =	sshrl.u32 s30, $0x2;
	[sflag:s10] =	ssyncadd.s32 $0xFFFFEE00  }
0x18f: {  	s21 =	sor.u32 s21, s23;
	s19 =	simm.s32 $0x40;
	[bflag:$0x0] =	sbarrier.arrive $0xFFFF  }
.LBB2_22:
0x190: {  	p0 =	sne.s32 s19, $0x4FC0  }
0x191: {  	[tilespmem:s21+$0x13880] =	vst v0;
	s17 =	sadd.s32 $0x10, s17;
	s21 =	smov.u32 s19;
	s19 =	sadd.s32 $0x40, s19  }
.Ltmp10:
0x192: {  	(pc) =	sbr.rel @p0 .LBB2_22-.Ltmp10, $4  }
0x193: {  	_ = 	snop  }
0x194: {  	s21 =	sand.u32 $0x7F00, s21  }
0x195: {  	s23 =	sand.u32 $0x30, s17;
	s21 =	sshrl.u32 s21, $0x2  }
0x196: {  	s21 =	sor.u32 s23, s21  }
0x197: {  	[tilespmem:s21+$0x13880] =	vst v0  }
0x198: {  	[spmem:s8] =	stream.linear.scatter [tilespmem:s9], [sflag:$0x2], $0x1400, $0x38;
	[tilespmem:$0x1EBA0] =	vst v63  }
0x199: {  	_ =	swait.ge [sflag:s10], $0x1400  }
0x19a: {  	[sflag:s10] =	ssyncset.done $0x0  }
0x19b: {  	[sflag:s10] =	ssyncadd.s32 $0xFFFFEC00  }
0x19c: {  	[spmem:s18] =	stream.linear.scatter [tilespmem:s9], [sflag:$0x2], $0x1400, $0x38;
	[tilespmem:$0x1EBA0] =	vst v63  }
0x19d: {  	_ =	swait.ge [sflag:s10], $0x1400  }
0x19e: {  	[sflag:s10] =	ssyncset.done $0x0  }
0x19f: {  	[sflag:s10] =	ssyncadd.s32 $0xFFFFEC00  }
0x1a0: {  	[spmem:s20] =	stream.linear.scatter [tilespmem:s9], [sflag:$0x2], $0x1400, $0x38;
	[tilespmem:$0x1EBA0] =	vst v63  }
0x1a1: {  	_ =	swait.ge [sflag:s10], $0x1400  }
0x1a2: {  	[sflag:s10] =	ssyncset.done $0x0  }
0x1a3: {  	[sflag:s10] =	ssyncadd.s32 $0xFFFFEC00  }
0x1a4: {  	[spmem:s22] =	stream.linear.scatter [tilespmem:s9], [sflag:$0x2], $0x1400, $0x38;
	[tilespmem:$0x1EBA0] =	vst v63  }
0x1a5: {  	_ =	swait.ge [sflag:s10], $0x1400  }
0x1a6: {  	[sflag:s10] =	ssyncset.done $0x0  }
0x1a7: {  	[sflag:s10] =	ssyncadd.s32 $0xFFFFEC00  }
0x1a8: {  	[spmem:s24] =	stream.linear.scatter [tilespmem:s9], [sflag:$0x2], $0x1400, $0x38;
	[tilespmem:$0x1EBA0] =	vst v63  }
0x1a9: {  	_ =	swait.ge [sflag:s10], $0x1400  }
0x1aa: {  	[sflag:s10] =	ssyncset.done $0x0  }
0x1ab: {  	[sflag:s10] =	ssyncadd.s32 $0xFFFFEC00  }
0x1ac: {  	[spmem:s26] =	stream.linear.scatter [tilespmem:s9], [sflag:$0x2], $0x1400, $0x38;
	[tilespmem:$0x1EBA0] =	vst v63  }
0x1ad: {  	_ =	swait.ge [sflag:s10], $0x1400  }
0x1ae: {  	[sflag:s10] =	ssyncset.done $0x0  }
0x1af: {  	[sflag:s10] =	ssyncadd.s32 $0xFFFFEC00  }
0x1b0: {  	[spmem:s29] =	stream.linear.scatter [tilespmem:s9], [sflag:$0x2], $0x1400, $0x38;
	[tilespmem:$0x1EBA0] =	vst v63  }
0x1b1: {  	_ =	swait.ge [sflag:s10], $0x1400  }
0x1b2: {  	[sflag:s10] =	ssyncset.done $0x0  }
0x1b3: {  	[sflag:s10] =	ssyncadd.s32 $0xFFFFEC00  }
0x1b4: {  	[spmem:s31] =	stream.linear.scatter [tilespmem:s9], [sflag:$0x2], $0x1200, $0x38;
	[tilespmem:$0x1EBA0] =	vst v63  }
0x1b5: {  	_ =	swait.ge [sflag:s10], $0x1200  }
0x1b6: {  	[sflag:s10] =	ssyncset.done $0x0  }
0x1b7: {  	[sflag:s10] =	ssyncadd.s32 $0xFFFFEE00  }
0x1b8: {  	s17 =	simm.s32 $0x0;
	s19 =	simm.s32 $0x0;
	[bflag:$0x0] =	sbarrier.arrive $0xFFFF  }
.LBB2_24:
0x1b9: {  	s21 =	sshll.u32 s19, $0x7;
	v2 =	vmov s17  }
0x1ba: {  	v1 =	vmov s21;
	v2 =	vand.u32 $0x7F, v2  }
0x1bb: {  	v2 =	vor.u32 v1, v2  }
0x1bc: {  	v2 =	vbroadcast v2, $0x0  }
0x1bd: {  	[tilespmem:s7], [sflag:$0x1] =	stream.indirect.gather [hbm4b:s2+s16], $0x40, s21, s16, $0xb8;
	[tilespmem:$0x1EBA0] =	vst v63  }
0x1be: {  	_ =	swait.ge [sflag:s13], $0x2000  }
0x1bf: {  	[sflag:s13] =	ssyncset.done $0x0  }
0x1c0: {  	s23 =	simm.s32 $0x118A0;
	[sflag:s13] =	ssyncadd.s32 $0xFFFFE000  }
0x1c1: {  	v5 =	vld [tilespmem:s23+$0x10]  }
0x1c2: {  	v3 =	vld.idx.msk [tilespmem:v2+s11+$0x0], $0xffff;
	_ =	sdelay $0x1  }
0x1c3: {  	v4 =	vld [tilespmem:s23+$0xFFFFFFF0]  }
0x1c4: {  	s25 =	simm.s32 $0x1;
	v7 =	vld [tilespmem:s23+$0x0]  }
0x1c5: {  	v2 =	vmov s25  }
0x1c6: {  	v2 =	vand.u32 $0x7F, v2;
	v6 =	vmul.f32 v5, v3;
	v5 =	vld [tilespmem:s23+$0xFFFFFFE0]  }
0x1c7: {  	v2 =	vor.u32 v1, v2  }
0x1c8: {  	v2 =	vbroadcast v2, $0x0  }
0x1c9: {  	s28 =	simm.s32 $0x2;
	s25 =	simm.s32 $0x118A0;
	v4 =	vmul.f32 v4, v3;
	v7 =	vmul.f32 v7, v3  }
.LBB2_25:
0x1ca: {  	p0 =	sne.s32 s28, $0x7F  }
0x1cb: {  	v3 =	vmul.f32 v5, v3;
	[tilespmem:s23+$0x10] =	vst v6;
	s25 =	sadd.s32 $0x40, s25;
	s30 =	smov.u32 s28;
	s28 =	sadd.s32 $0x1, s28  }
0x1cc: {  	[tilespmem:s23+$0x0] =	vst v7  }
0x1cd: {  	[tilespmem:s23+$0xFFFFFFE0] =	vst v3  }
0x1ce: {  	v7 =	vld [tilespmem:s25+$0xFFFFFFF0];
	[tilespmem:s23+$0xFFFFFFF0] =	vst v4;
	s23 =	smov.u32 s25  }
0x1cf: {  	v3 =	vld.idx.msk [tilespmem:v2+s11+$0x0], $0xffff  }
0x1d0: {  	v4 =	vld [tilespmem:s25+$0x10]  }
0x1d1: {  	v8 =	vld [tilespmem:s25+$0x0]  }
.Ltmp11:
0x1d2: {  	v2 =	vmov s30;
	v5 =	vld [tilespmem:s25+$0xFFFFFFE0];
	(pc) =	sbr.rel @p0 .LBB2_25-.Ltmp11, $4  }
0x1d3: {  	v2 =	vand.u32 $0x7F, v2  }
0x1d4: {  	v2 =	vor.u32 v1, v2  }
0x1d5: {  	v2 =	vbroadcast v2, $0x0;
	v6 =	vmul.f32 v4, v3  }
0x1d6: {  	v4 =	vmul.f32 v7, v3;
	v7 =	vmul.f32 v8, v3  }
0x1d7: {  	v1 =	vmul.f32 v5, v3;
	[tilespmem:s23+$0x10] =	vst v6  }
0x1d8: {  	[tilespmem:s23+$0x0] =	vst v7  }
0x1d9: {  	s25 =	sadd.s32 $0x40, s25;
	[tilespmem:s23+$0xFFFFFFE0] =	vst v1  }
0x1da: {  	v1 =	vld [tilespmem:s25+$0xFFFFFFF0];
	[tilespmem:s23+$0xFFFFFFF0] =	vst v4  }
0x1db: {  	v2 =	vld.idx.msk [tilespmem:v2+s11+$0x0], $0xffff  }
0x1dc: {  	v3 =	vld [tilespmem:s25+$0x10]  }
0x1dd: {  	v4 =	vld [tilespmem:s25+$0x0]  }
0x1de: {  	v63 =	vld [tilespmem:s25+$0xFFFFFFE0];
	_ =	sdelay $0x2  }
0x1df: {  	v3 =	vmul.f32 v3, v2  }
0x1e0: {  	v4 =	vmul.f32 v4, v2  }
0x1e1: {  	v5 =	vmul.f32 v63, v2;
	[tilespmem:s25+$0x10] =	vst v3  }
0x1e2: {  	s19 =	sadd.s32 $0x1, s19;
	v1 =	vmul.f32 v1, v2;
	[tilespmem:s25+$0x0] =	vst v4  }
0x1e3: {  	p0 =	sne.s32 s19, $0x51;
	[tilespmem:s25+$0xFFFFFFE0] =	vst v5  }
.Ltmp12:
0x1e4: {  	s21 =	sadd.s32 $0x2880, s21;
	[tilespmem:s25+$0xFFFFFFF0] =	vst v1;
	(pc) =	sbr.rel @p0 .LBB2_24-.Ltmp12, $4  }
0x1e5: {  	[spmem:s3] =	stream.indirect.scatter.add.f32 [tilespmem:s7], [sflag:$0x2], $0x40, s21, s16, $0xb8;
	[tilespmem:$0x1EBA0] =	vst v63  }
0x1e6: {  	_ =	swait.ge [sflag:s10], $0x2000  }
0x1e7: {  	[sflag:s10] =	ssyncset.done $0x0  }
0x1e8: {  	[sflag:s10] =	ssyncadd.s32 $0xFFFFE000  }
0x1e9: {  	[bflag:$0x0] =	sbarrier.arrive $0xFFFF  }
0x1ea: {  	[tilespmem:s9], [sflag:$0x2] =	stream.linear.gather [spmem:s8], $0x1400, $0x38;
	[tilespmem:$0x1EBA0] =	vst v63  }
0x1eb: {  	_ =	swait.ge [sflag:s10], $0x1400  }
0x1ec: {  	[sflag:s10] =	ssyncset.done $0x0;
	s17 =	rddreg [dreg:$0xf]  }
0x1ed: {  	[sflag:s10] =	ssyncadd.s32 $0xFFFFEC00;
	s17 =	sadd.s32 s17, s6  }
0x1ee: {  	[hbm4b:s17+s4] =	stream.linear.scatter [tilespmem:s9], [sflag:$0x2], $0x1400, $0x38;
	[tilespmem:$0x1EBA0] =	vst v63  }
0x1ef: {  	_ =	swait.ge [sflag:s10], $0x1400  }
0x1f0: {  	[sflag:s10] =	ssyncset.done $0x0  }
0x1f1: {  	[sflag:s10] =	ssyncadd.s32 $0xFFFFEC00  }
0x1f2: {  	[tilespmem:s9], [sflag:$0x2] =	stream.linear.gather [spmem:s18], $0x1400, $0x38;
	[tilespmem:$0x1EBA0] =	vst v63  }
0x1f3: {  	_ =	swait.ge [sflag:s10], $0x1400  }
0x1f4: {  	[sflag:s10] =	ssyncset.done $0x0;
	s19 =	rddreg [dreg:$0x10]  }
0x1f5: {  	[sflag:s10] =	ssyncadd.s32 $0xFFFFEC00;
	s17 =	sadd.s32 s19, s6  }
0x1f6: {  	[hbm4b:s17+s4] =	stream.linear.scatter [tilespmem:s9], [sflag:$0x2], $0x1400, $0x38;
	[tilespmem:$0x1EBA0] =	vst v63  }
0x1f7: {  	_ =	swait.ge [sflag:s10], $0x1400  }
0x1f8: {  	[sflag:s10] =	ssyncset.done $0x0  }
0x1f9: {  	[sflag:s10] =	ssyncadd.s32 $0xFFFFEC00  }
0x1fa: {  	[tilespmem:s9], [sflag:$0x2] =	stream.linear.gather [spmem:s20], $0x1400, $0x38;
	[tilespmem:$0x1EBA0] =	vst v63  }
0x1fb: {  	_ =	swait.ge [sflag:s10], $0x1400  }
0x1fc: {  	[sflag:s10] =	ssyncset.done $0x0;
	s21 =	rddreg [dreg:$0x11]  }
0x1fd: {  	[sflag:s10] =	ssyncadd.s32 $0xFFFFEC00;
	s17 =	sadd.s32 s21, s6  }
0x1fe: {  	[hbm4b:s17+s4] =	stream.linear.scatter [tilespmem:s9], [sflag:$0x2], $0x1400, $0x38;
	[tilespmem:$0x1EBA0] =	vst v63  }
0x1ff: {  	_ =	swait.ge [sflag:s10], $0x1400  }
0x200: {  	[sflag:s10] =	ssyncset.done $0x0  }
0x201: {  	[sflag:s10] =	ssyncadd.s32 $0xFFFFEC00  }
0x202: {  	[tilespmem:s9], [sflag:$0x2] =	stream.linear.gather [spmem:s22], $0x1400, $0x38;
	[tilespmem:$0x1EBA0] =	vst v63  }
0x203: {  	_ =	swait.ge [sflag:s10], $0x1400  }
0x204: {  	[sflag:s10] =	ssyncset.done $0x0;
	s23 =	rddreg [dreg:$0x12]  }
0x205: {  	[sflag:s10] =	ssyncadd.s32 $0xFFFFEC00;
	s17 =	sadd.s32 s23, s6  }
0x206: {  	[hbm4b:s17+s4] =	stream.linear.scatter [tilespmem:s9], [sflag:$0x2], $0x1400, $0x38;
	[tilespmem:$0x1EBA0] =	vst v63  }
0x207: {  	_ =	swait.ge [sflag:s10], $0x1400  }
0x208: {  	[sflag:s10] =	ssyncset.done $0x0  }
0x209: {  	[sflag:s10] =	ssyncadd.s32 $0xFFFFEC00  }
0x20a: {  	[tilespmem:s9], [sflag:$0x2] =	stream.linear.gather [spmem:s24], $0x1400, $0x38;
	[tilespmem:$0x1EBA0] =	vst v63  }
0x20b: {  	_ =	swait.ge [sflag:s10], $0x1400  }
0x20c: {  	[sflag:s10] =	ssyncset.done $0x0;
	s25 =	rddreg [dreg:$0x13]  }
0x20d: {  	[sflag:s10] =	ssyncadd.s32 $0xFFFFEC00;
	s17 =	sadd.s32 s25, s6  }
0x20e: {  	[hbm4b:s17+s4] =	stream.linear.scatter [tilespmem:s9], [sflag:$0x2], $0x1400, $0x38;
	[tilespmem:$0x1EBA0] =	vst v63  }
0x20f: {  	_ =	swait.ge [sflag:s10], $0x1400  }
0x210: {  	[sflag:s10] =	ssyncset.done $0x0  }
0x211: {  	[sflag:s10] =	ssyncadd.s32 $0xFFFFEC00  }
0x212: {  	[tilespmem:s9], [sflag:$0x2] =	stream.linear.gather [spmem:s26], $0x1400, $0x38;
	[tilespmem:$0x1EBA0] =	vst v63  }
0x213: {  	_ =	swait.ge [sflag:s10], $0x1400  }
0x214: {  	[sflag:s10] =	ssyncset.done $0x0;
	s19 =	rddreg [dreg:$0x14]  }
0x215: {  	[sflag:s10] =	ssyncadd.s32 $0xFFFFEC00;
	s17 =	sadd.s32 s19, s6  }
0x216: {  	[hbm4b:s17+s4] =	stream.linear.scatter [tilespmem:s9], [sflag:$0x2], $0x1400, $0x38;
	[tilespmem:$0x1EBA0] =	vst v63  }
0x217: {  	_ =	swait.ge [sflag:s10], $0x1400  }
0x218: {  	[sflag:s10] =	ssyncset.done $0x0  }
0x219: {  	[sflag:s10] =	ssyncadd.s32 $0xFFFFEC00  }
0x21a: {  	[tilespmem:s9], [sflag:$0x2] =	stream.linear.gather [spmem:s29], $0x1400, $0x38;
	[tilespmem:$0x1EBA0] =	vst v63  }
0x21b: {  	_ =	swait.ge [sflag:s10], $0x1400  }
0x21c: {  	[sflag:s10] =	ssyncset.done $0x0;
	s21 =	rddreg [dreg:$0x15]  }
0x21d: {  	[sflag:s10] =	ssyncadd.s32 $0xFFFFEC00;
	s17 =	sadd.s32 s21, s6  }
0x21e: {  	[hbm4b:s17+s4] =	stream.linear.scatter [tilespmem:s9], [sflag:$0x2], $0x1400, $0x38;
	[tilespmem:$0x1EBA0] =	vst v63  }
0x21f: {  	_ =	swait.ge [sflag:s10], $0x1400  }
0x220: {  	[sflag:s10] =	ssyncset.done $0x0  }
0x221: {  	[sflag:s10] =	ssyncadd.s32 $0xFFFFEC00  }
0x222: {  	[tilespmem:s9], [sflag:$0x2] =	stream.linear.gather [spmem:s31], $0x1200, $0x38;
	[tilespmem:$0x1EBA0] =	vst v63  }
0x223: {  	_ =	swait.ge [sflag:s10], $0x1200  }
0x224: {  	[sflag:s10] =	ssyncset.done $0x0  }
0x225: {  	s23 =	sadd.s32 s0, s6;
	[sflag:s10] =	ssyncadd.s32 $0xFFFFEE00  }
0x226: {  	[hbm4b:s23+s4] =	stream.linear.scatter [tilespmem:s9], [sflag:$0x2], $0x1200, $0x38;
	[tilespmem:$0x1EBA0] =	vst v63  }
0x227: {  	_ =	swait.ge [sflag:s10], $0x1200  }
0x228: {  	s14 =	sadd.s32 $0x1, s14;
	s25 =	rddreg [dreg:$0x16]  }
0x229: {  	p0 =	sne.s32 s14, s25  }
.Ltmp13:
0x22a: {  	_ = 	snop;
	(pc) =	sbr.rel @p0 .LBB2_1-.Ltmp13, $4  }
0x22b: {  	[sflag:s10] =	ssyncset.done $0x0  }
0x22c: {  	[sflag:s10] =	ssyncadd.s32 $0xFFFFEE00  }
0x22d: {  	[bflag:$0x0] =	sbarrier.arrive $0xFFFF  }
0x22e: {  	s28 =	simm.s32 $0x14C80;
	s30 =	simm.s32 $0x14D80  }
0x22f: {  	_ =	sfence.sel $0x180000  }
0x230: {  	[bflag:$0x0] =	sbarrier.arrive $0xFFFF  }
0x231: {  	_ =	strace $0x90000047  }
0x232: {  	s0 =	stileid.u32;
	[bflag:$0x2] =	sbarrier.arrive $0xFFFF  }
0x233: {  	p0 =	sne.s32 s0, $0x0;
	s0 =	rddreg [dreg:$0x4]  }
0x234: {  	s0 =	sadd.s32 @!p0 $0x100000, s0  }
0x235: {  	[sflag:s0] =	ssyncadd.tile.s32 @!p0 $0x1;
	_ =	shalt  }
.Lfunc_end2:
_tile_overlayer_lowered:
.L_overlay_start_2:
0x236: {  	(tag) =	ssettag $0x2  }
0x237: {  	s0 =	rddreg [dreg:$0x0];
	s2 =	stileid.u32  }
0x238: {  	s1 =	rddreg [dreg:$0x1];
	p0 =	sne.s32 s2, $0x0  }
0x239: {  	s3 =	rddreg [dreg:$0x2];
	[bflag:$0x3] =	sbarrier.arrive $0xFFFF;
	s2 =	simm.s32 @!p0 $0x1C02  }
0x23a: {  	[timem:s3], [sflag:s2] =	dma.local @!p0 [hbm:s0], s1  }
0x23b: {  	s0 =	simm.s32 @!p0 $0x2  }
0x23c: {  	_ =	swait.ge @!p0 [sflag:s0], s1  }
0x23d: {  	s1 =	ssub.s32 @!p0 $0x0, s1;
	[sflag:s0] =	ssyncset.done @!p0 $0x0  }
0x23e: {  	[sflag:s0] =	ssyncadd.s32 @!p0 s1  }
0x23f: {  	[bflag:$0x3] =	sbarrier.arrive $0xFFFF  }
0x240: {  	_ =	shalt  }

// kernel: gcn_sc_layer2.3.cloned.1.call-start
scs
__scs_entry_jumppad:
0x0: {  	(pc) =	sbr.rel $0x88, $3  }
0x1: {  	(tag) =	ssettag $0x0;
	lr =	simm.s32 $0x1  }
0x2: {  	[smem:$0x3F9A] =	sst lr;
	_ =	strace $0xD0000000  }
0x3: {  	_ = 	snop  }
0x4: {  	_ = 	snop  }
0x5: {  	_ = 	snop  }
0x6: {  	_ = 	snop  }
0x7: {  	_ = 	snop  }
__scs_overlays_trampoline_lowered:
0x8: {  	[smem:$0x3FA9] =	sst s0  }
0x9: {  	[smem:$0x3FAA] =	sst s1  }
0xa: {  	[smem:$0x3FAB] =	sst s2  }
0xb: {  	[smem:$0x3FAC] =	sst s3  }
0xc: {  	[smem:$0x3FAD] =	sst s4  }
0xd: {  	[smem:$0x3FAE] =	sst s5  }
0xe: {  	[smem:$0x3FAF] =	sst s6  }
0xf: {  	[smem:$0x3FB0] =	sst s7  }
0x10: {  	[smem:$0x3FB1] =	sst s8  }
0x11: {  	[smem:$0x3FB2] =	sst s9;
	s0 =	simm.s32 @!p0 $0x0  }
0x12: {  	s1 =	sld [smem:$0x3F98];
	s0 =	simm.s32 @p0 $0x1  }
0x13: {  	[smem:$0x3FB3] =	sst s0;
	s0 =	simm.s32 @!p1 $0x0  }
0x14: {  	s2 =	sld [smem:$0x3F97];
	s0 =	simm.s32 @p1 $0x1  }
0x15: {  	[smem:$0x3FB4] =	sst s0;
	s0 =	simm.s32 @!p2 $0x0  }
0x16: {  	s3 =	sld [smem:$0x3FDB];
	s0 =	simm.s32 @p2 $0x1  }
0x17: {  	s4 =	simm.s32 $0x1BF5;
	[smem:$0x3FB6] =	sst s0  }
0x18: {  	s0 =	sld [smem:$0x3F99];
	_ =	swait.ge [sflag:s4], $0x0  }
0x19: {  	s7 =	sld [smem:$0x3F9A]  }
0x1a: {  	s8 =	sadd.s32 $0xFFFFE003, lr  }
0x1b: {  	s9 =	sadd.s32 $0xFFFFFEF7, lr;
	s5 =	simm.s32 $0xFFFFFFFF;
	p2 =	slt.u32 s8, $0xFFFFF086  }
0x1c: {  	p1 =	slt.u32 s9, $0xF7A;
	s5 =	simm.s32 @!p2 $0x0  }
0x1d: {  	s5 =	simm.s32 @p1 $0x1;
	p0 =	seq.s32 s7, s2  }
0x1e: {  	s7 =	smul.u32 @!p0 $0xF7A, s2;
	p2 =	seq.s32 @!p0 s5, $0x0  }
0x1f: {  	s9 =	smul.u32 $0xF7A, s1;
	s8 =	simm.s32 @!p0 $0x1BF5;
	p2 =	por !p2, p0  }
0x20: {  	[sflag:s8] =	ssyncset.s32 @!p0 $0xFFFFF086;
	s6 =	sadd.s32 @!p0 s3, s7;
	s7 =	simm.s32 @!p0 $0x108  }
0x21: {  	s3 =	sadd.s32 s3, s9;
	s6 =	sadd.s32 @!p0 $0x88, s6;
	s7 =	simm.s32 @p2 $0x1082  }
0x22: {  	[simem:s7], [sflag:s8] =	dma.local @!p0 [hbm:s6], $0xF7A  }
0x23: {  	s9 =	sor.u32 $0xD0000000, s2;
	s6 =	simm.s32 $0x108;
	_ =	swait.ge @!p0 [sflag:s8], $0x0  }
0x24: {  	s3 =	sadd.s32 $0x88, s3;
	s6 =	simm.s32 @!p1 $0x1082;
	[sflag:s4] =	ssyncset.s32 $0xFFFFF086  }
0x25: {  	[simem:s6], [sflag:s4] =	dma.local [hbm:s3], $0xF7A  }
0x26: {  	[smem:$0x3F9A] =	sst s1;
	(tag) =	ssettag s2;
	_ =	strace s9  }
0x27: {  	s1 =	sld [smem:$0x3FAA]  }
0x28: {  	s2 =	sld [smem:$0x3FAB]  }
0x29: {  	s4 =	sld [smem:$0x3FAD]  }
0x2a: {  	p0 =	seq.s32 s5, $0x0;
	s5 =	sld [smem:$0x3FAE]  }
0x2b: {  	s6 =	sld [smem:$0x3FAF]  }
0x2c: {  	s7 =	sld [smem:$0x3FB0]  }
0x2d: {  	s3 =	simm.s32 $0x108;
	s8 =	sld [smem:$0x3FB1]  }
0x2e: {  	s3 =	simm.s32 @!p0 $0x1082;
	s9 =	sld [smem:$0x3FB2]  }
0x2f: {  	lr =	sadd.s32 s0, s3;
	s0 =	sld [smem:$0x3FA9]  }
0x30: {  	s3 =	sld [smem:$0x3FAC]  }
0x31: {  	[smem:$0x3FB5] =	sst s10  }
0x32: {  	s10 =	sld [smem:$0x3FB3];
	_ =	sdelay $0x3  }
0x33: {  	p0 =	seq.s32 s10, $0x1;
	s10 =	sld [smem:$0x3FB5];
	_ =	sdelay $0x3  }
0x34: {  	[smem:$0x3FB5] =	sst s10  }
0x35: {  	s10 =	sld [smem:$0x3FB4];
	_ =	sdelay $0x3  }
0x36: {  	p1 =	seq.s32 s10, $0x1;
	s10 =	sld [smem:$0x3FB5];
	_ =	sdelay $0x3  }
0x37: {  	[smem:$0x3FB5] =	sst s10  }
0x38: {  	s10 =	sld [smem:$0x3FB6]  }
0x39: {  	_ = 	snop;
	(pc) =	sbr.ind lr, $3  }
0x3a: {  	_ = 	snop  }
0x3b: {  	_ = 	snop  }
0x3c: {  	p2 =	seq.s32 s10, $0x1;
	s10 =	sld [smem:$0x3FB5]  }
0x3d: {  	_ =	shalt  }
0x3e: {  	_ =	shalt  }
0x3f: {  	_ =	shalt  }
0x40: {  	_ =	shalt  }
0x41: {  	_ =	shalt  }
0x42: {  	_ =	shalt  }
0x43: {  	_ =	shalt  }
0x44: {  	_ =	shalt  }
0x45: {  	_ =	shalt  }
0x46: {  	_ =	shalt  }
0x47: {  	_ =	shalt  }
0x48: {  	_ =	shalt  }
0x49: {  	_ =	shalt  }
0x4a: {  	_ =	shalt  }
0x4b: {  	_ =	shalt  }
0x4c: {  	_ =	shalt  }
0x4d: {  	_ =	shalt  }
0x4e: {  	_ =	shalt  }
0x4f: {  	_ =	shalt  }
0x50: {  	_ =	shalt  }
0x51: {  	_ =	shalt  }
0x52: {  	_ =	shalt  }
0x53: {  	_ =	shalt  }
0x54: {  	_ =	shalt  }
0x55: {  	_ =	shalt  }
0x56: {  	_ =	shalt  }
0x57: {  	_ =	shalt  }
0x58: {  	_ =	shalt  }
0x59: {  	_ =	shalt  }
0x5a: {  	_ =	shalt  }
0x5b: {  	_ =	shalt  }
0x5c: {  	_ =	shalt  }
0x5d: {  	_ =	shalt  }
0x5e: {  	_ =	shalt  }
0x5f: {  	_ =	shalt  }
0x60: {  	_ =	shalt  }
0x61: {  	_ =	shalt  }
0x62: {  	_ =	shalt  }
0x63: {  	_ =	shalt  }
0x64: {  	_ =	shalt  }
0x65: {  	_ =	shalt  }
0x66: {  	_ =	shalt  }
0x67: {  	_ =	shalt  }
0x68: {  	_ =	shalt  }
0x69: {  	_ =	shalt  }
0x6a: {  	_ =	shalt  }
0x6b: {  	_ =	shalt  }
0x6c: {  	_ =	shalt  }
0x6d: {  	_ =	shalt  }
0x6e: {  	_ =	shalt  }
0x6f: {  	_ =	shalt  }
0x70: {  	_ =	shalt  }
0x71: {  	_ =	shalt  }
0x72: {  	_ =	shalt  }
0x73: {  	_ =	shalt  }
0x74: {  	_ =	shalt  }
0x75: {  	_ =	shalt  }
0x76: {  	_ =	shalt  }
0x77: {  	_ =	shalt  }
0x78: {  	_ =	shalt  }
0x79: {  	_ =	shalt  }
0x7a: {  	_ =	shalt  }
0x7b: {  	_ =	shalt  }
0x7c: {  	_ =	shalt  }
0x7d: {  	_ =	shalt  }
0x7e: {  	_ =	shalt  }
0x7f: {  	_ =	shalt  }
0x80: {  	_ =	shalt  }
0x81: {  	_ =	shalt  }
0x82: {  	_ =	shalt  }
0x83: {  	_ =	shalt  }
0x84: {  	_ =	shalt  }
0x85: {  	_ =	shalt  }
0x86: {  	_ =	shalt  }
0x87: {  	_ =	shalt  }
.Lfunc_end0:
.L_simem_size_0:
called_computation.1_lowered:
.L_overlay_start_0:
0x88: {  	s2 =	sld [smem:$0x3FD9]  }
0x89: {  	s3 =	sld [smem:$0x3FFE];
	_ =	sdelay $0x1  }
0x8a: {  	s1 =	srdreg.scid  }
0x8b: {  	s0 =	sand.u32 $0x1, s1  }
0x8c: {  	s14 =	sshll.u32 s0, $0xA;
	s2 =	sadd.s32 s3, s2  }
0x8d: {  	s2 =	sadd.s32 s2, s14  }
0x8e: {  	[smem:$0x3FC1] =	sst s2  }
0x8f: {  	_ = 	snop  }
0x90: {  	s2 =	sld [smem:$0x3FD0];
	_ =	sdelay $0x2  }
0x91: {  	s15 =	simm.s32 $0xA;
	s4 =	simm.s32 $0x10  }
0x92: {  	[smem:s4], [sflag:s15] =	dma.local [hbm:s2], $0x1  }
0x93: {  	_ =	swait.eq [sflag:s15], $0x1  }
0x94: {  	[sflag:s15] =	ssyncset.done $0x0  }
0x95: {  	[sflag:s15] =	ssyncadd.s32 $0xFFFFFFFF  }
0x96: {  	s16 =	sld [smem:$0x10];
	(tm) =	ssettm $0x1  }
0x97: {  	s17 =	sld [smem:$0x3FFB];
	_ =	sdelay $0x3  }
0x98: {  	_ =	strace s17  }
0x99: {  	s3 =	sld [smem:$0x3FFC];
	_ =	sdelay $0x3  }
0x9a: {  	_ =	strace s3  }
0x9b: {  	s3 =	sld [smem:$0x3FFD];
	_ =	sdelay $0x3  }
0x9c: {  	_ =	strace s3  }
0x9d: {  	_ =	strace $0x8FFFFFFF  }
0x9e: {  	s18 =	sld [smem:$0x3FDB];
	_ =	sdelay $0x1  }
0x9f: {  	s19 =	simm.s32 $_scs_section_size  }
0xa0: {  	s5 =	simm.s32 $_size__tile_overlayer_lowered;
	s6 =	simm.s32 $_tile_overlayer_lowered  }
0xa1: {  	s22 =	simm.s32 $0x1BFF;
	s21 =	sshll.u32 s6, $0x1;
	s3 =	sadd.s32 s19, s18  }
0xa2: {  	s7 =	simm.s32 $0x0;
	s20 =	sshll.u32 s5, $0x1;
	s5 =	sadd.s32 s21, s3  }
0xa3: {  	[timem:s7], [sflag:s22] =	dma.local [hbm:s5], s20  }
0xa4: {  	_ =	swait.ge [sflag:s22], s20  }
0xa5: {  	s4 =	ssub.s32 $0x0, s20;
	[sflag:s22] =	ssyncset.done $0x0  }
0xa6: {  	[sflag:s22] =	ssyncadd.s32 s4;
	_ =	sdelay $0x1  }
0xa7: {  	s23 =	simm.s32 $0x1B8B  }
0xa8: {  	_ =	swait.ge [sflag:s23], $0x1  }
0xa9: {  	[sflag:s23] =	ssyncset.done $0x0  }
0xaa: {  	s25 =	simm.s32 $0x1B8E;
	s24 =	sld [smem:$0x3FFE];
	[sflag:s23] =	ssyncadd.s32 $0xFFFFFFFF  }
0xab: {  	s26 =	simm.s32 $execute0_lowered;
	[smem:$0x3FD2] =	sst s25  }
0xac: {  	s5 =	sshll.u32 s26, $0x1;
	_ =	strace $0x80000049;
	[dreg:$0x1] =	wrdreg $0xFFFFFFFF  }
0xad: {  	s28 =	simm.s32 $_size_execute0_lowered;
	s3 =	sadd.s32 s3, s5;
	[dreg:$0x0] =	wrdreg $0x0  }
0xae: {  	s5 =	sshll.u32 s28, $0x1;
	[dreg:$0x2] =	wrdreg s3  }
0xaf: {  	[dreg:$0x3] =	wrdreg s5  }
0xb0: {  	[dreg:$0x4] =	wrdreg $0xC0  }
0xb1: {  	_ =	task [dreg:s7], $0x5FFFF  }
0xb2: {  	[dreg:$0x1] =	wrdreg $0xFFFFFFFF  }
0xb3: {  	[dreg:$0x0] =	wrdreg $0x60  }
0xb4: {  	[dreg:$0x2] =	wrdreg s16  }
0xb5: {  	[dreg:$0x3] =	wrdreg s24  }
0xb6: {  	[dreg:$0x4] =	wrdreg $0xAD800  }
0xb7: {  	[dreg:$0x5] =	wrdreg $0x9  }
0xb8: {  	_ =	task.clear_ibuf [dreg:s7], $0x6FFFF;
	_ =	strace $0x90000049  }
0xb9: {  	s29 =	simm.s32 $0x9;
	_ =	strace $0x8000004B  }
0xba: {  	_ =	swait.ge [sflag:s29], $0x1  }
0xbb: {  	[sflag:s29] =	ssyncadd.s32 $0xFFFFFFFF  }
0xbc: {  	_ =	strace $0x9000004B  }
0xbd: {  	_ =	sfence  }
0xbe: {  	s30 =	sld [smem:$0x0];
	_ =	sdelay $0x2  }
0xbf: {  	s31 =	sshll.u32 s1, $0xD;
	s1 =	sshrl.u32 s1, $0x2  }
0xc0: {  	s3 =	sand.u32 $0x4000, s31;
	s1 =	sadd.s32 s1, s30  }
0xc1: {  	s0 =	sor.u32 s3, s0;
	s1 =	sshll.u32 s1, $0x11  }
0xc2: {  	s0 =	sor.u32 s1, s0  }
0xc3: {  	s0 =	sadd.s32 $0x8F2B, s0  }
0xc4: {  	[sflag:s0] =	ssyncadd.remote.s32 $0x1  }
0xc5: {  	_ =	sfence.sel $0xFFFF  }
0xc6: {  	[dreg:$0x0] =	wrdreg $0xFFFFFFFF;
	(pc) =	sbr.abs _section_cstart, $3  }
0xc7: {  	[dreg:$0x1] =	wrdreg $0xFFFFFFFF  }
0xc8: {  	_ =	task.clear_ibuf [dreg:s7], $0x2FFFF;
	_ =	strace $0x9FFFFFFF  }
0xc9: {  	(tm) =	ssettm $0x7FFFFFFF  }
tec
execute0_lowered:
.L_overlay_start_1:
0x0: {  	(tag) =	ssettag $0x1  }
0x1: {  	s1 =	rddreg [dreg:$0x0]  }
0x2: {  	s0 =	srdreg.scid;
	s2 =	rddreg [dreg:$0x1]  }
0x3: {  	s7 =	stileid.u32;
	s3 =	rddreg [dreg:$0x2];
	s29 =	simm.s32 $0x5100  }
0x4: {  	s30 =	simm.s32 $0x80;
	s31 =	simm.s32 $0x7980;
	s28 =	simm.s32 $0x0  }
0x5: {  	s0 =	sand.u32 $0x1, s0;
	s4 =	sshll.u32 s7, $0x1;
	s13 =	smul.u32 $0x9E00, s7  }
0x6: {  	s5 =	sor.u32 s0, s4;
	s4 =	simm.s32 $0x0;
	s6 =	smul.u32 $0x13C00, s0  }
0x7: {  	s0 =	ssub.s32 $0x2, s0;
	s5 =	smul.u32 $0x510, s5;
	[smem:$0x7FF] =	sst s4  }
0x8: {  	s25 =	sshrl.u32 s0, $0x1;
	s15 =	sadd.s32 $0x1400, s13;
	s16 =	sadd.s32 $0x2800, s13  }
0x9: {  	s17 =	sadd.s32 $0x3C00, s13;
	s18 =	sadd.s32 $0x5000, s13;
	s19 =	sadd.s32 $0x6400, s13  }
0xa: {  	s20 =	sadd.s32 $0x7800, s13;
	s21 =	sadd.s32 $0x8C00, s13;
	_ =	strace $0x8000004A  }
0xb: {  	s0 =	ssub.s32 s0, s25;
	s7 =	sadd.s32 s16, s3;
	s8 =	sadd.s32 s17, s3  }
0xc: {  	s9 =	sadd.s32 s18, s3;
	s10 =	sadd.s32 s19, s3;
	s11 =	sadd.s32 s20, s3  }
0xd: {  	s12 =	sadd.s32 s21, s3;
	s16 =	sshrl.u32 s16, $0x3;
	s17 =	sshrl.u32 s17, $0x3  }
0xe: {  	s23 =	sshrl.u32 s20, $0x3;
	s24 =	sshrl.u32 s21, $0x3;
	s14 =	sadd.s32 s5, s2  }
0xf: {  	s2 =	sadd.s32 s6, s2;
	s5 =	sadd.s32 s13, s3;
	s0 =	smax.u32 s0, $0x1  }
0x10: {  	s6 =	sadd.s32 s15, s3;
	s22 =	sadd.s32 $0xBE00, s14;
	[dreg:$0x7] =	wrdreg s0  }
0x11: {  	s13 =	sshrl.u32 s13, $0x3;
	s26 =	sadd.s32 $0x1C00, s14;
	[dreg:$0x4] =	wrdreg s22  }
0x12: {  	s15 =	sshrl.u32 s15, $0x3;
	s14 =	sadd.s32 $0x6F200, s14;
	[dreg:$0x5] =	wrdreg s26  }
0x13: {  	s2 =	sadd.s32 $0x16000, s2;
	s0 =	simm.s32 $0x0;
	[dreg:$0x6] =	wrdreg s14  }
0x14: {  	s22 =	sshrl.u32 s18, $0x3;
	s18 =	sshrl.u32 s19, $0x3;
	s25 =	sadd.s32 s13, s2  }
0x15: {  	s26 =	sadd.s32 s15, s2;
	s19 =	sadd.s32 s16, s2;
	s20 =	sadd.s32 s17, s2  }
0x16: {  	s23 =	sadd.s32 s23, s2;
	s24 =	sadd.s32 s24, s2;
	[dreg:$0x8] =	wrdreg s25  }
0x17: {  	[dreg:$0x9] =	wrdreg s26;
	s21 =	sadd.s32 s22, s2;
	s22 =	sadd.s32 s18, s2  }
0x18: {  	v0 =	vimm.f32 $0.0e+00;
	s25 =	simm.s32 $0x9980;
	s26 =	simm.s32 $0x2;
	s2 =	simm.s32 $0x1  }
.LBB2_1:
0x19: {  	s13 =	sand.u32 $0x7F00, s4  }
0x1a: {  	s14 =	sand.u32 $0x30, s4;
	s15 =	sshrl.u32 s13, $0x2  }
0x1b: {  	s13 =	simm.s32 $0x40;
	s15 =	sor.u32 s14, s15;
	s14 =	simm.s32 $0x0  }
.LBB2_2:
0x1c: {  	p0 =	sne.s32 s13, $0x4FC0  }
0x1d: {  	[tilespmem:s15+$0x9980] =	vst v0;
	s14 =	sadd.s32 $0x10, s14;
	s15 =	smov.u32 s13;
	s13 =	sadd.s32 $0x40, s13  }
.Ltmp0:
0x1e: {  	(pc) =	sbr.rel @p0 .LBB2_2-.Ltmp0, $4  }
0x1f: {  	_ = 	snop  }
0x20: {  	s15 =	sand.u32 $0x7F00, s15  }
0x21: {  	s16 =	sand.u32 $0x30, s14;
	s15 =	sshrl.u32 s15, $0x2  }
0x22: {  	s15 =	sor.u32 s16, s15  }
0x23: {  	[tilespmem:s15+$0x9980] =	vst v0  }
0x24: {  	[spmem:s5] =	stream.linear.scatter [tilespmem:s25], [sflag:$0x2], $0x1400, $0x38;
	[tilespmem:$0x14B80] =	vst v63  }
0x25: {  	_ =	swait.ge [sflag:s26], $0x1400  }
0x26: {  	[sflag:s26] =	ssyncset.done $0x0  }
0x27: {  	[sflag:s26] =	ssyncadd.s32 $0xFFFFEC00  }
0x28: {  	[spmem:s6] =	stream.linear.scatter [tilespmem:s25], [sflag:$0x2], $0x1400, $0x38;
	[tilespmem:$0x14B80] =	vst v63  }
0x29: {  	_ =	swait.ge [sflag:s26], $0x1400  }
0x2a: {  	[sflag:s26] =	ssyncset.done $0x0  }
0x2b: {  	[sflag:s26] =	ssyncadd.s32 $0xFFFFEC00  }
0x2c: {  	[spmem:s7] =	stream.linear.scatter [tilespmem:s25], [sflag:$0x2], $0x1400, $0x38;
	[tilespmem:$0x14B80] =	vst v63  }
0x2d: {  	_ =	swait.ge [sflag:s26], $0x1400  }
0x2e: {  	[sflag:s26] =	ssyncset.done $0x0  }
0x2f: {  	[sflag:s26] =	ssyncadd.s32 $0xFFFFEC00  }
0x30: {  	[spmem:s8] =	stream.linear.scatter [tilespmem:s25], [sflag:$0x2], $0x1400, $0x38;
	[tilespmem:$0x14B80] =	vst v63  }
0x31: {  	_ =	swait.ge [sflag:s26], $0x1400  }
0x32: {  	[sflag:s26] =	ssyncset.done $0x0  }
0x33: {  	[sflag:s26] =	ssyncadd.s32 $0xFFFFEC00  }
0x34: {  	[spmem:s9] =	stream.linear.scatter [tilespmem:s25], [sflag:$0x2], $0x1400, $0x38;
	[tilespmem:$0x14B80] =	vst v63  }
0x35: {  	_ =	swait.ge [sflag:s26], $0x1400  }
0x36: {  	[sflag:s26] =	ssyncset.done $0x0  }
0x37: {  	[sflag:s26] =	ssyncadd.s32 $0xFFFFEC00  }
0x38: {  	[spmem:s10] =	stream.linear.scatter [tilespmem:s25], [sflag:$0x2], $0x1400, $0x38;
	[tilespmem:$0x14B80] =	vst v63  }
0x39: {  	_ =	swait.ge [sflag:s26], $0x1400  }
0x3a: {  	[sflag:s26] =	ssyncset.done $0x0  }
0x3b: {  	[sflag:s26] =	ssyncadd.s32 $0xFFFFEC00  }
0x3c: {  	[spmem:s11] =	stream.linear.scatter [tilespmem:s25], [sflag:$0x2], $0x1400, $0x38;
	[tilespmem:$0x14B80] =	vst v63  }
0x3d: {  	_ =	swait.ge [sflag:s26], $0x1400  }
0x3e: {  	[sflag:s26] =	ssyncset.done $0x0  }
0x3f: {  	[sflag:s26] =	ssyncadd.s32 $0xFFFFEC00  }
0x40: {  	[spmem:s12] =	stream.linear.scatter [tilespmem:s25], [sflag:$0x2], $0x1200, $0x38;
	[tilespmem:$0x14B80] =	vst v63  }
0x41: {  	_ =	swait.ge [sflag:s26], $0x1200  }
0x42: {  	[sflag:s26] =	ssyncset.done $0x0  }
0x43: {  	[sflag:s26] =	ssyncadd.s32 $0xFFFFEE00  }
0x44: {  	[bflag:$0x0] =	sbarrier.arrive $0xFFFF  }
0x45: {  	s13 =	rddreg [dreg:$0x4]  }
0x46: {  	[tilespmem:s28], [sflag:$0x2] =	stream.linear.gather [hbm4b:s13+s28], $0x2880, $0x38;
	[tilespmem:$0x14B80] =	vst v63  }
0x47: {  	_ =	swait.ge [sflag:s26], $0x2880  }
0x48: {  	[sflag:s26] =	ssyncset.done $0x0  }
0x49: {  	s14 =	simm.s32 $0x2880;
	s17 =	rddreg [dreg:$0x5];
	[sflag:s26] =	ssyncadd.s32 $0xFFFFD780  }
0x4a: {  	[tilespmem:s14], [sflag:$0x2] =	stream.linear.gather [hbm4b:s17+s28], $0x2880, $0x38;
	[tilespmem:$0x14B80] =	vst v63  }
0x4b: {  	_ =	swait.ge [sflag:s26], $0x2880  }
0x4c: {  	[sflag:s26] =	ssyncset.done $0x0  }
0x4d: {  	s18 =	rddreg [dreg:$0x6];
	[sflag:s26] =	ssyncadd.s32 $0xFFFFD780  }
0x4e: {  	[tilespmem:s29], [sflag:$0x2] =	stream.linear.gather [hbm4b:s18+s28], $0x2880, $0x38;
	[tilespmem:$0x14B80] =	vst v63  }
0x4f: {  	_ =	swait.ge [sflag:s26], $0x2880  }
0x50: {  	[sflag:s26] =	ssyncset.done $0x0  }
0x51: {  	s13 =	simm.s32 $0x0;
	[sflag:s26] =	ssyncadd.s32 $0xFFFFD780  }
.LBB2_4:
0x52: {  	s14 =	sshll.u32 s13, $0x7;
	v2 =	vmov s28  }
0x53: {  	v1 =	vmov s14;
	v2 =	vand.u32 $0x7F, v2  }
0x54: {  	v2 =	vor.u32 v1, v2  }
0x55: {  	v2 =	vbroadcast v2, $0x0  }
0x56: {  	[tilespmem:s31], [sflag:$0x1] =	stream.indirect.gather [hbm4b:s1+s30], $0x40, s14, s30, $0xb8;
	[tilespmem:$0x14B80] =	vst v63  }
0x57: {  	_ =	swait.ge [sflag:s2], $0x2000  }
0x58: {  	[sflag:s2] =	ssyncset.done $0x0  }
0x59: {  	s15 =	simm.s32 $0x79A0;
	[sflag:s2] =	ssyncadd.s32 $0xFFFFE000  }
0x5a: {  	v5 =	vld [tilespmem:s15+$0x10]  }
0x5b: {  	v3 =	vld.idx.msk [tilespmem:v2+s29+$0x0], $0xffff;
	_ =	sdelay $0x1  }
0x5c: {  	v4 =	vld [tilespmem:s15+$0xFFFFFFF0]  }
0x5d: {  	s16 =	simm.s32 $0x1;
	v7 =	vld [tilespmem:s15+$0x0]  }
0x5e: {  	v2 =	vmov s16  }
0x5f: {  	v2 =	vand.u32 $0x7F, v2;
	v6 =	vmul.f32 v5, v3;
	v5 =	vld [tilespmem:s15+$0xFFFFFFE0]  }
0x60: {  	v2 =	vor.u32 v1, v2  }
0x61: {  	v2 =	vbroadcast v2, $0x0  }
0x62: {  	s17 =	simm.s32 $0x2;
	s16 =	simm.s32 $0x79A0;
	v4 =	vmul.f32 v4, v3;
	v7 =	vmul.f32 v7, v3  }
.LBB2_5:
0x63: {  	p0 =	sne.s32 s17, $0x7F  }
0x64: {  	v3 =	vmul.f32 v5, v3;
	[tilespmem:s15+$0x10] =	vst v6;
	s16 =	sadd.s32 $0x40, s16;
	s18 =	smov.u32 s17;
	s17 =	sadd.s32 $0x1, s17  }
0x65: {  	[tilespmem:s15+$0x0] =	vst v7  }
0x66: {  	[tilespmem:s15+$0xFFFFFFE0] =	vst v3  }
0x67: {  	v7 =	vld [tilespmem:s16+$0xFFFFFFF0];
	[tilespmem:s15+$0xFFFFFFF0] =	vst v4;
	s15 =	smov.u32 s16  }
0x68: {  	v3 =	vld.idx.msk [tilespmem:v2+s29+$0x0], $0xffff  }
0x69: {  	v4 =	vld [tilespmem:s16+$0x10]  }
0x6a: {  	v8 =	vld [tilespmem:s16+$0x0]  }
.Ltmp1:
0x6b: {  	v2 =	vmov s18;
	v5 =	vld [tilespmem:s16+$0xFFFFFFE0];
	(pc) =	sbr.rel @p0 .LBB2_5-.Ltmp1, $4  }
0x6c: {  	v2 =	vand.u32 $0x7F, v2  }
0x6d: {  	v2 =	vor.u32 v1, v2  }
0x6e: {  	v2 =	vbroadcast v2, $0x0;
	v6 =	vmul.f32 v4, v3  }
0x6f: {  	v4 =	vmul.f32 v7, v3;
	v7 =	vmul.f32 v8, v3  }
0x70: {  	v1 =	vmul.f32 v5, v3;
	[tilespmem:s15+$0x10] =	vst v6  }
0x71: {  	[tilespmem:s15+$0x0] =	vst v7  }
0x72: {  	s16 =	sadd.s32 $0x40, s16;
	[tilespmem:s15+$0xFFFFFFE0] =	vst v1  }
0x73: {  	v1 =	vld [tilespmem:s16+$0xFFFFFFF0];
	[tilespmem:s15+$0xFFFFFFF0] =	vst v4  }
0x74: {  	v2 =	vld.idx.msk [tilespmem:v2+s29+$0x0], $0xffff  }
0x75: {  	v3 =	vld [tilespmem:s16+$0x10]  }
0x76: {  	v4 =	vld [tilespmem:s16+$0x0]  }
0x77: {  	v63 =	vld [tilespmem:s16+$0xFFFFFFE0];
	_ =	sdelay $0x2  }
0x78: {  	v3 =	vmul.f32 v3, v2  }
0x79: {  	v4 =	vmul.f32 v4, v2  }
0x7a: {  	v5 =	vmul.f32 v63, v2;
	[tilespmem:s16+$0x10] =	vst v3  }
0x7b: {  	s13 =	sadd.s32 $0x1, s13;
	v1 =	vmul.f32 v1, v2;
	[tilespmem:s16+$0x0] =	vst v4  }
0x7c: {  	p0 =	sne.s32 s13, $0x51;
	[tilespmem:s16+$0xFFFFFFE0] =	vst v5  }
.Ltmp2:
0x7d: {  	s14 =	sadd.s32 $0x2880, s14;
	[tilespmem:s16+$0xFFFFFFF0] =	vst v1;
	(pc) =	sbr.rel @p0 .LBB2_4-.Ltmp2, $4  }
0x7e: {  	[spmem:s3] =	stream.indirect.scatter.add.f32 [tilespmem:s31], [sflag:$0x2], $0x40, s14, s30, $0xb8;
	[tilespmem:$0x14B80] =	vst v63  }
0x7f: {  	_ =	swait.ge [sflag:s26], $0x2000  }
0x80: {  	[sflag:s26] =	ssyncset.done $0x0  }
0x81: {  	[sflag:s26] =	ssyncadd.s32 $0xFFFFE000  }
0x82: {  	[bflag:$0x0] =	sbarrier.arrive $0xFFFF  }
0x83: {  	[tilespmem:s25], [sflag:$0x2] =	stream.linear.gather [spmem:s5], $0x1400, $0x38;
	[tilespmem:$0x14B80] =	vst v63  }
0x84: {  	_ =	swait.ge [sflag:s26], $0x1400  }
0x85: {  	[sflag:s26] =	ssyncset.done $0x0  }
0x86: {  	s13 =	rddreg [dreg:$0x8];
	[sflag:s26] =	ssyncadd.s32 $0xFFFFEC00  }
0x87: {  	[hbm4b:s13+s4] =	stream.linear.scatter [tilespmem:s25], [sflag:$0x2], $0x1400, $0x38;
	[tilespmem:$0x14B80] =	vst v63  }
0x88: {  	_ =	swait.ge [sflag:s26], $0x1400  }
0x89: {  	[sflag:s26] =	ssyncset.done $0x0  }
0x8a: {  	[sflag:s26] =	ssyncadd.s32 $0xFFFFEC00  }
0x8b: {  	[tilespmem:s25], [sflag:$0x2] =	stream.linear.gather [spmem:s6], $0x1400, $0x38;
	[tilespmem:$0x14B80] =	vst v63  }
0x8c: {  	_ =	swait.ge [sflag:s26], $0x1400  }
0x8d: {  	[sflag:s26] =	ssyncset.done $0x0  }
0x8e: {  	s17 =	rddreg [dreg:$0x9];
	[sflag:s26] =	ssyncadd.s32 $0xFFFFEC00  }
0x8f: {  	[hbm4b:s17+s4] =	stream.linear.scatter [tilespmem:s25], [sflag:$0x2], $0x1400, $0x38;
	[tilespmem:$0x14B80] =	vst v63  }
0x90: {  	_ =	swait.ge [sflag:s26], $0x1400  }
0x91: {  	[sflag:s26] =	ssyncset.done $0x0  }
0x92: {  	[sflag:s26] =	ssyncadd.s32 $0xFFFFEC00  }
0x93: {  	[tilespmem:s25], [sflag:$0x2] =	stream.linear.gather [spmem:s7], $0x1400, $0x38;
	[tilespmem:$0x14B80] =	vst v63  }
0x94: {  	_ =	swait.ge [sflag:s26], $0x1400  }
0x95: {  	[sflag:s26] =	ssyncset.done $0x0  }
0x96: {  	[sflag:s26] =	ssyncadd.s32 $0xFFFFEC00  }
0x97: {  	[hbm4b:s19+s4] =	stream.linear.scatter [tilespmem:s25], [sflag:$0x2], $0x1400, $0x38;
	[tilespmem:$0x14B80] =	vst v63  }
0x98: {  	_ =	swait.ge [sflag:s26], $0x1400  }
0x99: {  	[sflag:s26] =	ssyncset.done $0x0  }
0x9a: {  	[sflag:s26] =	ssyncadd.s32 $0xFFFFEC00  }
0x9b: {  	[tilespmem:s25], [sflag:$0x2] =	stream.linear.gather [spmem:s8], $0x1400, $0x38;
	[tilespmem:$0x14B80] =	vst v63  }
0x9c: {  	_ =	swait.ge [sflag:s26], $0x1400  }
0x9d: {  	[sflag:s26] =	ssyncset.done $0x0  }
0x9e: {  	[sflag:s26] =	ssyncadd.s32 $0xFFFFEC00  }
0x9f: {  	[hbm4b:s20+s4] =	stream.linear.scatter [tilespmem:s25], [sflag:$0x2], $0x1400, $0x38;
	[tilespmem:$0x14B80] =	vst v63  }
0xa0: {  	_ =	swait.ge [sflag:s26], $0x1400  }
0xa1: {  	[sflag:s26] =	ssyncset.done $0x0  }
0xa2: {  	[sflag:s26] =	ssyncadd.s32 $0xFFFFEC00  }
0xa3: {  	[tilespmem:s25], [sflag:$0x2] =	stream.linear.gather [spmem:s9], $0x1400, $0x38;
	[tilespmem:$0x14B80] =	vst v63  }
0xa4: {  	_ =	swait.ge [sflag:s26], $0x1400  }
0xa5: {  	[sflag:s26] =	ssyncset.done $0x0  }
0xa6: {  	[sflag:s26] =	ssyncadd.s32 $0xFFFFEC00  }
0xa7: {  	[hbm4b:s21+s4] =	stream.linear.scatter [tilespmem:s25], [sflag:$0x2], $0x1400, $0x38;
	[tilespmem:$0x14B80] =	vst v63  }
0xa8: {  	_ =	swait.ge [sflag:s26], $0x1400  }
0xa9: {  	[sflag:s26] =	ssyncset.done $0x0  }
0xaa: {  	[sflag:s26] =	ssyncadd.s32 $0xFFFFEC00  }
0xab: {  	[tilespmem:s25], [sflag:$0x2] =	stream.linear.gather [spmem:s10], $0x1400, $0x38;
	[tilespmem:$0x14B80] =	vst v63  }
0xac: {  	_ =	swait.ge [sflag:s26], $0x1400  }
0xad: {  	[sflag:s26] =	ssyncset.done $0x0  }
0xae: {  	[sflag:s26] =	ssyncadd.s32 $0xFFFFEC00  }
0xaf: {  	[hbm4b:s22+s4] =	stream.linear.scatter [tilespmem:s25], [sflag:$0x2], $0x1400, $0x38;
	[tilespmem:$0x14B80] =	vst v63  }
0xb0: {  	_ =	swait.ge [sflag:s26], $0x1400  }
0xb1: {  	[sflag:s26] =	ssyncset.done $0x0  }
0xb2: {  	[sflag:s26] =	ssyncadd.s32 $0xFFFFEC00  }
0xb3: {  	[tilespmem:s25], [sflag:$0x2] =	stream.linear.gather [spmem:s11], $0x1400, $0x38;
	[tilespmem:$0x14B80] =	vst v63  }
0xb4: {  	_ =	swait.ge [sflag:s26], $0x1400  }
0xb5: {  	[sflag:s26] =	ssyncset.done $0x0  }
0xb6: {  	[sflag:s26] =	ssyncadd.s32 $0xFFFFEC00  }
0xb7: {  	[hbm4b:s23+s4] =	stream.linear.scatter [tilespmem:s25], [sflag:$0x2], $0x1400, $0x38;
	[tilespmem:$0x14B80] =	vst v63  }
0xb8: {  	_ =	swait.ge [sflag:s26], $0x1400  }
0xb9: {  	[sflag:s26] =	ssyncset.done $0x0  }
0xba: {  	[sflag:s26] =	ssyncadd.s32 $0xFFFFEC00  }
0xbb: {  	[tilespmem:s25], [sflag:$0x2] =	stream.linear.gather [spmem:s12], $0x1200, $0x38;
	[tilespmem:$0x14B80] =	vst v63  }
0xbc: {  	_ =	swait.ge [sflag:s26], $0x1200  }
0xbd: {  	[sflag:s26] =	ssyncset.done $0x0  }
0xbe: {  	[sflag:s26] =	ssyncadd.s32 $0xFFFFEE00  }
0xbf: {  	[hbm4b:s24+s4] =	stream.linear.scatter [tilespmem:s25], [sflag:$0x2], $0x1200, $0x38;
	[tilespmem:$0x14B80] =	vst v63  }
0xc0: {  	_ =	swait.ge [sflag:s26], $0x1200  }
0xc1: {  	s0 =	sadd.s32 $0x1, s0;
	s18 =	rddreg [dreg:$0x7]  }
0xc2: {  	p0 =	sne.s32 s0, s18  }
.Ltmp3:
0xc3: {  	_ = 	snop;
	(pc) =	sbr.rel @p0 .LBB2_1-.Ltmp3, $3  }
0xc4: {  	_ =	sdelay $0x1  }
0xc5: {  	[sflag:s26] =	ssyncset.done $0x0  }
0xc6: {  	[sflag:s26] =	ssyncadd.s32 $0xFFFFEE00  }
0xc7: {  	_ =	sfence.sel $0x180000  }
0xc8: {  	[bflag:$0x0] =	sbarrier.arrive $0xFFFF  }
0xc9: {  	_ =	strace $0x9000004A  }
0xca: {  	s0 =	stileid.u32;
	[bflag:$0x2] =	sbarrier.arrive $0xFFFF  }
0xcb: {  	p0 =	sne.s32 s0, $0x0;
	s0 =	rddreg [dreg:$0x3]  }
0xcc: {  	s0 =	sadd.s32 @!p0 $0x100000, s0  }
0xcd: {  	[sflag:s0] =	ssyncadd.tile.s32 @!p0 $0x1;
	_ =	shalt  }
.Lfunc_end2:
_tile_overlayer_lowered:
.L_overlay_start_2:
0xce: {  	(tag) =	ssettag $0x2  }
0xcf: {  	s0 =	rddreg [dreg:$0x0];
	s2 =	stileid.u32  }
0xd0: {  	s1 =	rddreg [dreg:$0x1];
	p0 =	sne.s32 s2, $0x0  }
0xd1: {  	s3 =	rddreg [dreg:$0x2];
	[bflag:$0x3] =	sbarrier.arrive $0xFFFF;
	s2 =	simm.s32 @!p0 $0x1C02  }
0xd2: {  	[timem:s3], [sflag:s2] =	dma.local @!p0 [hbm:s0], s1  }
0xd3: {  	s0 =	simm.s32 @!p0 $0x2  }
0xd4: {  	_ =	swait.ge @!p0 [sflag:s0], s1  }
0xd5: {  	s1 =	ssub.s32 @!p0 $0x0, s1;
	[sflag:s0] =	ssyncset.done @!p0 $0x0  }
0xd6: {  	[sflag:s0] =	ssyncadd.s32 @!p0 s1  }
0xd7: {  	[bflag:$0x3] =	sbarrier.arrive $0xFFFF  }
0xd8: {  	_ =	shalt  }

</sc_bundles>
